<compile_context>
chip_gen: v7x
topology: tpu7x:2x2x1
jax: 0.10.2.dev20260603
libtpu: 0.0.44.dev20260713+nightly
codegen_flags: <defaults>
</compile_context>

<pallas_src>
import functools

import jax
import jax.numpy as jnp
from jax import lax
from jax.experimental import pallas as pl
from jax.experimental.pallas import tpu as pltpu
from jax.experimental.pallas import tpu_sc as plsc

N = 10000
NP = 10240
E = 320000
D = 128
H1 = 32
H2 = 64
G = 64
CH = 128
NCHT = E // CH
PCH = NCHT // 32
XTRA = NCHT - 32 * PCH
RPT = NP // 16
NBUF = 13
BLK = 5120
NBLK = NP // BLK

_F32 = jnp.float32
_BF16 = jnp.bfloat16
_HIGH = lax.Precision.HIGHEST


def _dot_bf16(a, b):
    return jnp.dot(a.astype(_BF16), b.astype(_BF16),
                   preferred_element_type=_F32)


def _mesh():
    return plsc.VectorSubcoreMesh(core_axis_name="c", subcore_axis_name="s",
                                  num_cores=2, num_subcores=16)


_SC_PARAMS = pltpu.CompilerParams(use_tc_tiling_on_sc=False)



@functools.cache
def _make_deg_sc():
    @functools.partial(
        pl.kernel,
        mesh=_mesh(),
        out_type=jax.ShapeDtypeStruct((2, NP), _F32),
        compiler_params=_SC_PARAMS,
        scratch_types=[
            pltpu.VMEM((PCH + 1, CH), jnp.int32),
            pltpu.VMEM((RPT,), _F32),
            pltpu.VMEM((CH,), _F32),
            pltpu.VMEM_SHARED((NP,), _F32),
            pltpu.SemaphoreType.DMA,
        ],
    )
    def _deg_sc(edge_hbm, out_hbm, dstb, zbuf, ones, acc, sem):
        c = lax.axis_index("c")
        s = lax.axis_index("s")
        wid = s * 2 + c
        idx_cp = pltpu.async_copy(edge_hbm.at[1, pl.ds(wid * PCH, PCH), :],
                                  dstb.at[pl.ds(0, PCH)], sem)
        z16 = jnp.zeros((16,), _F32)
        o16 = jnp.full((16,), 1.0, _F32)

        @pl.loop(0, RPT, step=16)
        def _(i):
            zbuf[pl.ds(i, 16)] = z16

        @pl.loop(0, CH, step=16)
        def _(i):
            ones[pl.ds(i, 16)] = o16

        pltpu.sync_copy(zbuf, acc.at[pl.ds(s * RPT, RPT)])
        idx_cp.wait()

        @pl.when(wid < XTRA)
        def _():
            pltpu.sync_copy(edge_hbm.at[1, pl.ds(32 * PCH + wid, 1), :],
                            dstb.at[pl.ds(PCH, 1)])

        plsc.subcore_barrier()

        @pl.loop(0, PCH)
        def _(j):
            pltpu.sync_copy(ones, acc.at[dstb.at[j]], add=True)

        @pl.when(wid < XTRA)
        def _():
            pltpu.sync_copy(ones, acc.at[dstb.at[PCH]], add=True)

        plsc.subcore_barrier()
        pltpu.sync_copy(acc.at[pl.ds(s * RPT, RPT)], zbuf)
        pltpu.sync_copy(zbuf, out_hbm.at[c, pl.ds(s * RPT, RPT)])

    return _deg_sc


@functools.cache
def _make_msg_sc(F):
    @functools.partial(
        pl.kernel,
        mesh=_mesh(),
        out_type=jax.ShapeDtypeStruct((2, NP, F), _F32),
        compiler_params=_SC_PARAMS,
        scratch_types=(
            [pltpu.VMEM((PCH + 1, CH), jnp.int32),
             pltpu.VMEM((PCH + 1, CH), jnp.int32)]
            + [pltpu.VMEM((CH, F), _F32) for _ in range(NBUF)]
            + [pltpu.SemaphoreType.DMA for _ in range(2 * NBUF)]
            + [pltpu.VMEM_SHARED((NP, F), _F32)]
        ),
    )
    def _msg(edge_hbm, tab_hbm, out_hbm, srcb, dstb, *rest):
        gbs = rest[:NBUF]
        gsems = rest[NBUF:2 * NBUF]
        ssems = rest[2 * NBUF:3 * NBUF]
        acc = rest[3 * NBUF]
        c = lax.axis_index("c")
        s = lax.axis_index("s")
        wid = s * 2 + c
        cp_s = pltpu.async_copy(edge_hbm.at[0, pl.ds(wid * PCH, PCH), :],
                                srcb.at[pl.ds(0, PCH)], gsems[0])
        cp_d = pltpu.async_copy(edge_hbm.at[1, pl.ds(wid * PCH, PCH), :],
                                dstb.at[pl.ds(0, PCH)], gsems[1])
        z16 = jnp.zeros((16,), _F32)

        @pl.loop(0, CH)
        def _(i):
            for jj in range(0, F, 16):
                gbs[0][i, pl.ds(jj, 16)] = z16

        @pl.loop(0, RPT, step=CH)
        def _(r):
            pltpu.sync_copy(gbs[0], acc.at[pl.ds(s * RPT + r, CH), :])

        cp_s.wait()
        cp_d.wait()

        @pl.when(wid < XTRA)
        def _():
            pltpu.sync_copy(edge_hbm.at[0, pl.ds(32 * PCH + wid, 1), :],
                            srcb.at[pl.ds(PCH, 1)])
            pltpu.sync_copy(edge_hbm.at[1, pl.ds(32 * PCH + wid, 1), :],
                            dstb.at[pl.ds(PCH, 1)])

        plsc.subcore_barrier()

        @pl.loop(0, PCH, step=NBUF)
        def _(j):
            hs = [pltpu.async_copy(tab_hbm.at[srcb.at[j + k]], gbs[k],
                                   gsems[k]) for k in range(NBUF)]
            ss = []
            for k in range(NBUF):
                hs[k].wait()
                ss.append(pltpu.async_copy(gbs[k], acc.at[dstb.at[j + k]],
                                           ssems[k], add=True))
            for k in range(NBUF):
                ss[k].wait()

        @pl.when(wid < XTRA)
        def _():
            pltpu.sync_copy(tab_hbm.at[srcb.at[PCH]], gbs[0])
            pltpu.sync_copy(gbs[0], acc.at[dstb.at[PCH]], add=True)

        plsc.subcore_barrier()

        @pl.loop(0, RPT, step=CH)
        def _(r):
            pltpu.sync_copy(acc.at[pl.ds(s * RPT + r, CH), :], gbs[0])
            pltpu.sync_copy(gbs[0], out_hbm.at[c, pl.ds(s * RPT + r, CH), :])

    return _msg



def _dinv_col(d_ref):
    deg = d_ref[0:1, :] + d_ref[1:2, :] + 1.0
    dinv = lax.rsqrt(jnp.maximum(deg, 1e-12))
    return jnp.transpose(dinv, (1, 0))


def _tc1_body(x_ref, w_ref, d_ref, out_ref):
    dinv = _dinv_col(d_ref)
    h = _dot_bf16(x_ref[...], w_ref[...])
    out_ref[...] = h * dinv


def _tc1(x_pad, W1, degp):
    return pl.pallas_call(
        _tc1_body,
        grid=(NBLK,),
        in_specs=[
            pl.BlockSpec((BLK, D), lambda i: (i, 0)),
            pl.BlockSpec((D, H1), lambda i: (0, 0)),
            pl.BlockSpec((2, BLK), lambda i: (0, i)),
        ],
        out_specs=pl.BlockSpec((BLK, H1), lambda i: (i, 0)),
        out_shape=jax.ShapeDtypeStruct((NP, H1), _F32),
    )(x_pad, W1, degp)


def _norm_relu(a0_ref, a1_ref, hp_ref, d_ref, g_ref, be_ref, b_ref):
    dinv = _dinv_col(d_ref)
    sfeat = (a0_ref[0] + a1_ref[0] + hp_ref[...]) * dinv + b_ref[...]
    mu = jnp.mean(sfeat, axis=1, keepdims=True)
    var = jnp.mean((sfeat - mu) ** 2, axis=1, keepdims=True)
    y = (sfeat - mu) * lax.rsqrt(var + 1e-5) * g_ref[...] + be_ref[...]
    return jnp.maximum(y, 0.0), dinv


def _tc2_body(a0_ref, a1_ref, hp_ref, d_ref, g_ref, be_ref, b_ref,
              out_ref):
    y, dinv = _norm_relu(a0_ref, a1_ref, hp_ref, d_ref, g_ref, be_ref, b_ref)
    y16 = y.astype(_BF16).astype(_F32)
    out_ref[...] = y16 * dinv


def _tc2(accp1, hp1, degp, g1, be1, b1):
    return pl.pallas_call(
        _tc2_body,
        grid=(NBLK,),
        in_specs=[
            pl.BlockSpec((1, BLK, H1), lambda i: (0, i, 0)),
            pl.BlockSpec((1, BLK, H1), lambda i: (1, i, 0)),
            pl.BlockSpec((BLK, H1), lambda i: (i, 0)),
            pl.BlockSpec((2, BLK), lambda i: (0, i)),
            pl.BlockSpec((1, H1), lambda i: (0, 0)),
            pl.BlockSpec((1, H1), lambda i: (0, 0)),
            pl.BlockSpec((1, H1), lambda i: (0, 0)),
        ],
        out_specs=pl.BlockSpec((BLK, H1), lambda i: (i, 0)),
        out_shape=jax.ShapeDtypeStruct((NP, H1), _F32),
    )(accp1, accp1, hp1, degp, g1, be1, b1)


def _tc3_body(a0_ref, a1_ref, hp_ref, d_ref, w2_ref, g_ref, be_ref,
              b_ref, bt_ref, wc1_ref, bc1_ref, wc2t_ref, bc2_ref, out_ref,
              sums_ref, cnts_ref):
    i = pl.program_id(0)
    dinv = _dinv_col(d_ref)
    agg = (a0_ref[0] + a1_ref[0] + hp_ref[...]) * dinv
    w2b = w2_ref[...].astype(_BF16).astype(_F32)
    sfeat = jnp.dot(agg, w2b, preferred_element_type=_F32,
                    precision=_HIGH) + b_ref[...]
    mu = jnp.mean(sfeat, axis=1, keepdims=True)
    var = jnp.mean((sfeat - mu) ** 2, axis=1, keepdims=True)
    y = (sfeat - mu) * lax.rsqrt(var + 1e-5) * g_ref[...] + be_ref[...]
    y = jnp.maximum(y, 0.0)
    bb = bt_ref[0]
    gid = lax.broadcasted_iota(jnp.int32, (G, BLK), 0)
    oh = (gid == bb).astype(_F32)
    psum = jnp.dot(oh, y, preferred_element_type=_F32, precision=_HIGH)
    pcnt = jnp.sum(oh, axis=1, keepdims=True)

    @pl.when(i == 0)
    def _():
        sums_ref[...] = psum
        cnts_ref[...] = pcnt

    @pl.when(i > 0)
    def _():
        sums_ref[...] += psum
        cnts_ref[...] += pcnt

    @pl.when(i == NBLK - 1)
    def _():
        pooled = sums_ref[...] / jnp.maximum(cnts_ref[...], 1.0)
        z = _dot_bf16(pooled, wc1_ref[...]) + bc1_ref[...]
        z = jnp.maximum(z, 0.0)
        zb = z.astype(_BF16).astype(_F32)
        wb = wc2t_ref[...].astype(_BF16).astype(_F32)
        out_ref[...] = (jnp.sum(zb * wb, axis=1, keepdims=True)
                        + bc2_ref[...])


def _tc3(accp2, hp2, degp, W2, g2, be2, b2, batch3, Wc1, bc1, Wc2t, bc2):
    return pl.pallas_call(
        _tc3_body,
        grid=(NBLK,),
        in_specs=[
            pl.BlockSpec((1, BLK, H1), lambda i: (0, i, 0)),
            pl.BlockSpec((1, BLK, H1), lambda i: (1, i, 0)),
            pl.BlockSpec((BLK, H1), lambda i: (i, 0)),
            pl.BlockSpec((2, BLK), lambda i: (0, i)),
            pl.BlockSpec((H1, H2), lambda i: (0, 0)),
            pl.BlockSpec((1, H2), lambda i: (0, 0)),
            pl.BlockSpec((1, H2), lambda i: (0, 0)),
            pl.BlockSpec((1, H2), lambda i: (0, 0)),
            pl.BlockSpec((1, 1, BLK), lambda i: (i, 0, 0)),
            pl.BlockSpec((H2, 32), lambda i: (0, 0)),
            pl.BlockSpec((1, 32), lambda i: (0, 0)),
            pl.BlockSpec((1, 32), lambda i: (0, 0)),
            pl.BlockSpec((1, 1), lambda i: (0, 0)),
        ],
        out_specs=pl.BlockSpec((G, 1), lambda i: (0, 0)),
        out_shape=jax.ShapeDtypeStruct((G, 1), _F32),
        scratch_shapes=[
            pltpu.VMEM((G, H2), _F32),
            pltpu.VMEM((G, 1), _F32),
        ],
    )(accp2, accp2, hp2, degp, W2, g2, be2, b2, batch3, Wc1, bc1,
      Wc2t, bc2)



def kernel(x, edge_index, batch, W1, b1, g1, be1, W2, b2, g2, be2,
           Wc1, bc1, Wc2, bc2):
    edge3 = edge_index.reshape(2, NCHT, CH)
    x_pad = jnp.pad(x, ((0, NP - N), (0, 0)))
    batch3 = jnp.pad(batch, (0, NP - N),
                     constant_values=G).reshape(NBLK, 1, BLK)

    degp = _make_deg_sc()(edge3)
    hp1 = _tc1(x_pad, W1, degp)
    accp1 = _make_msg_sc(H1)(edge3, hp1)
    hp2 = _tc2(accp1, hp1, degp, g1.reshape(1, H1), be1.reshape(1, H1),
               b1.reshape(1, H1))
    accp2 = _make_msg_sc(H1)(edge3, hp2)
    return _tc3(accp2, hp2, degp, W2, g2.reshape(1, H2), be2.reshape(1, H2),
                b2.reshape(1, H2), batch3, Wc1, bc1.reshape(1, 32),
                Wc2.reshape(1, 32), bc2.reshape(1, 1))

# --- scband reference (transcript-rebuilt; emitter-appended) ---
"""Pipeline reference for scband-simple-gnn-53094385713629 (READ-ONLY COPY).

The authoritative reference and input builder live on the scoring server;
editing this copy changes nothing except your own understanding.
"""

import jax, jax.numpy as jnp
import numpy as np

N = 10000
E = 320000
D = 128
H1 = 32
H2 = 64
G = 64


def setup_inputs(seed: int = 0) -> dict:
    key = jax.random.key(seed)
    ks = jax.random.split(key, 16)
    x = jax.random.normal(ks[0], (N, D), dtype=jnp.float32)
    edge_index = jax.random.randint(ks[1], (2, E), 0, N, dtype=jnp.int32)
    batch = jnp.sort(jax.random.randint(ks[2], (N,), 0, G, dtype=jnp.int32))
    W1 = jax.random.normal(ks[3], (D, H1), dtype=jnp.float32) * (1.0 / np.sqrt(D))
    b1 = jnp.zeros((H1,), dtype=jnp.float32)
    g1 = jnp.ones((H1,), dtype=jnp.float32)
    be1 = jnp.zeros((H1,), dtype=jnp.float32)
    W2 = jax.random.normal(ks[4], (H1, H2), dtype=jnp.float32) * (1.0 / np.sqrt(H1))
    b2 = jnp.zeros((H2,), dtype=jnp.float32)
    g2 = jnp.ones((H2,), dtype=jnp.float32)
    be2 = jnp.zeros((H2,), dtype=jnp.float32)
    Wc1 = jax.random.normal(ks[5], (H2, 32), dtype=jnp.float32) * (1.0 / np.sqrt(H2))
    bc1 = jnp.zeros((32,), dtype=jnp.float32)
    Wc2 = jax.random.normal(ks[6], (32, 1), dtype=jnp.float32) * (1.0 / np.sqrt(32))
    bc2 = jnp.zeros((1,), dtype=jnp.float32)
    return {"x": x, "edge_index": edge_index, "batch": batch,
            "W1": W1, "b1": b1, "g1": g1, "be1": be1,
            "W2": W2, "b2": b2, "g2": g2, "be2": be2,
            "Wc1": Wc1, "bc1": bc1, "Wc2": Wc2, "bc2": bc2}


def _gcn_conv(x, edge_index, W, b):
    n = x.shape[0]
    loop = jnp.arange(n, dtype=edge_index.dtype)
    src = jnp.concatenate([edge_index[0], loop])
    dst = jnp.concatenate([edge_index[1], loop])
    deg = jnp.zeros((n,), dtype=x.dtype).at[dst].add(1.0)
    dinv = jax.lax.rsqrt(jnp.maximum(deg, 1e-12))
    norm = dinv[src] * dinv[dst]
    h = x @ W
    msg = h[src] * norm[:, None]
    out = jnp.zeros((n, h.shape[1]), dtype=x.dtype).at[dst].add(msg)
    return out + b


def _layer_norm(x, g, b, eps=1e-5):
    mu = jnp.mean(x, axis=-1, keepdims=True)
    var = jnp.mean((x - mu) ** 2, axis=-1, keepdims=True)
    return (x - mu) * jax.lax.rsqrt(var + eps) * g + b


def reference(x, edge_index, batch, W1, b1, g1, be1, W2, b2, g2, be2, Wc1, bc1, Wc2, bc2):
    h = _gcn_conv(x, edge_index, W1, b1)
    h = _layer_norm(h, g1, be1)
    h = jax.nn.relu(h)
    h = _gcn_conv(h, edge_index, W2, b2)
    h = _layer_norm(h, g2, be2)
    h = jax.nn.relu(h)
    # global mean pool over graphs
    sums = jax.ops.segment_sum(h, batch, num_segments=G)
    counts = jax.ops.segment_sum(jnp.ones((h.shape[0],), dtype=h.dtype), batch, num_segments=G)
    pooled = sums / jnp.maximum(counts, 1.0)[:, None]
    z = jax.nn.relu(pooled @ Wc1 + bc1)
    out = z @ Wc2 + bc2
    return out

if __name__ == "__main__":
    import jax
    _d = setup_inputs()
    print(jax.jit(kernel)(*tuple(_d.values())))

</pallas_src>

<mosaic_0001>
#map = affine_map<(d0, d1) -> (0, 0, 0)>
#map1 = affine_map<(d0, d1) -> (0, 0)>
module attributes {stable_mosaic.version = 14 : i64} {
  func.func @_deg_sc(%arg0: i32, %arg1: i32, %arg2: memref<2x2500x128xi32, #tpu.memory_space<hbm>>, %arg3: memref<2x10240xf32, #tpu.memory_space<hbm>>, %arg4: memref<79x128xi32, #tpu.memory_space<vmem>>, %arg5: memref<640xf32, #tpu.memory_space<vmem>>, %arg6: memref<128xf32, #tpu.memory_space<vmem>>, %arg7: memref<10240xf32, #tpu.memory_space<vmem_shared>>, %arg8: memref<!tpu.dma_semaphore, #tpu.memory_space<semaphore_mem>>) attributes {dimension_semantics = [#tpu.dimension_semantics<core_parallel>, #tpu.dimension_semantics<subcore_parallel>], iteration_bounds = array<i64: 2, 16>, scalar_prefetch = 0 : i64, scratch_operands = 5 : i64, tpu.core_type = #tpu.core_type<sc_vector_subcore>, window_params = [{transform_indices = #map}, {transform_indices = #map1}]} {
    %mul3A = arith.constant 2 : i32
    %mul3A_0 = arith.muli %arg1, %mul3A : i32
    %add3A = arith.addi %mul3A_0, %arg0 : i32
    %mul3A_1 = arith.constant 78 : i32
    %mul3A_2 = arith.muli %add3A, %mul3A_1 : i32
    %dma_start3A = arith.constant 1 : i32
    %dma_start3A_3 = arith.constant 0 : i32
    %dma_start3A_4 = arith.constant 0 : i32
    %dma_start3A_5 = tpu.memref_slice %arg4[%dma_start3A_3, %dma_start3A_4] : memref<79x128xi32, #tpu.memory_space<vmem>> -> memref<78x128xi32, #tpu.memory_space<vmem>>
    %dma_start3A_6 = arith.constant 0 : i32
    %dma_start3A_7 = tpu.memref_slice %arg2[%dma_start3A, %mul3A_2, %dma_start3A_6] : memref<2x2500x128xi32, #tpu.memory_space<hbm>> -> memref<1x78x128xi32, #tpu.memory_space<hbm>>
    %dma_start3A_8 = tpu.memref_squeeze %dma_start3A_7 : memref<1x78x128xi32, #tpu.memory_space<hbm>> -> memref<78x128xi32, #tpu.memory_space<hbm>>
    %dma_start3A_9 = arith.constant 0 : i32
    %dma_start3A_10 = arith.constant 0 : i32
    %dma_start3A_11 = tpu.memref_slice %arg4[%dma_start3A_9, %dma_start3A_10] : memref<79x128xi32, #tpu.memory_space<vmem>> -> memref<78x128xi32, #tpu.memory_space<vmem>>
    %dma_start3A_12 = arith.constant 0 : i32
    %dma_start3A_13 = tpu.memref_slice %arg2[%dma_start3A, %mul3A_2, %dma_start3A_12] : memref<2x2500x128xi32, #tpu.memory_space<hbm>> -> memref<1x78x128xi32, #tpu.memory_space<hbm>>
    %dma_start3A_14 = tpu.memref_squeeze %dma_start3A_13 : memref<1x78x128xi32, #tpu.memory_space<hbm>> -> memref<78x128xi32, #tpu.memory_space<hbm>>
    tpu.enqueue_dma source(%dma_start3A_14 : memref<78x128xi32, #tpu.memory_space<hbm>>) target(%dma_start3A_11 : memref<78x128xi32, #tpu.memory_space<vmem>>) target_semaphore(%arg8 : memref<!tpu.dma_semaphore, #tpu.memory_space<semaphore_mem>>)
    %broadcast_in_dim3A = arith.constant 0.000000e+00 : f32
    %broadcast_in_dim3A_15 = vector.broadcast %broadcast_in_dim3A : f32 to vector<16xf32>
    %broadcast_in_dim3A_16 = arith.constant 1.000000e+00 : f32
    %broadcast_in_dim3A_17 = vector.broadcast %broadcast_in_dim3A_16 : f32 to vector<16xf32>
    %scan3A = arith.constant 0 : i32
    %scan3A_18 = arith.constant 40 : i32
    %scan3A_19 = arith.addi %scan3A, %scan3A_18 : i32
    %scan3A_20 = arith.constant 1 : i32
    scf.for %scan3A_58 = %scan3A to %scan3A_19 step %scan3A_20  : i32 {
      %mul3A_59 = arith.constant 16 : i32
      %mul3A_60 = arith.muli %scan3A_58, %mul3A_59 : i32
      %add3A_61 = arith.constant 0 : i32
      %add3A_62 = arith.addi %add3A_61, %mul3A_60 : i32
      %swap3A = arith.index_cast %add3A_62 : i32 to index
      %swap3A_63 = tpu.vector_load %arg5[%swap3A] {strides = array<i32>} : memref<640xf32, #tpu.memory_space<vmem>>, vector<16xf32>,
      %swap3A_64 = vector.shape_cast %swap3A_63 : vector<16xf32> to vector<16xf32>
      %swap3A_65 = vector.shape_cast %broadcast_in_dim3A_15 : vector<16xf32> to vector<16xf32>
      tpu.vector_store %arg5[%swap3A], %swap3A_65 {strides = array<i32>} : memref<640xf32, #tpu.memory_space<vmem>>, vector<16xf32>,
    }
    %scan3A_21 = arith.constant 40 : i32
    %scan3A_22 = arith.constant 0 : i32
    %scan3A_23 = arith.constant 8 : i32
    %scan3A_24 = arith.addi %scan3A_22, %scan3A_23 : i32
    %scan3A_25 = arith.constant 1 : i32
    scf.for %scan3A_58 = %scan3A_22 to %scan3A_24 step %scan3A_25  : i32 {
      %mul3A_59 = arith.constant 16 : i32
      %mul3A_60 = arith.muli %scan3A_58, %mul3A_59 : i32
      %add3A_61 = arith.constant 0 : i32
      %add3A_62 = arith.addi %add3A_61, %mul3A_60 : i32
      %swap3A = arith.index_cast %add3A_62 : i32 to index
      %swap3A_63 = tpu.vector_load %arg6[%swap3A] {strides = array<i32>} : memref<128xf32, #tpu.memory_space<vmem>>, vector<16xf32>,
      %swap3A_64 = vector.shape_cast %swap3A_63 : vector<16xf32> to vector<16xf32>
      %swap3A_65 = vector.shape_cast %broadcast_in_dim3A_17 : vector<16xf32> to vector<16xf32>
      tpu.vector_store %arg6[%swap3A], %swap3A_65 {strides = array<i32>} : memref<128xf32, #tpu.memory_space<vmem>>, vector<16xf32>,
    }
    %scan3A_26 = arith.constant 8 : i32
    %mul3A_27 = arith.constant 640 : i32
    %mul3A_28 = arith.muli %arg1, %mul3A_27 : i32
    "tpu.region"() ({
      %run_scoped3A = tpu.sem_alloc : memref<!tpu.dma_semaphore, #tpu.memory_space<semaphore_mem>>
      %dma_start3A_58 = tpu.memref_slice %arg7[%mul3A_28] : memref<10240xf32, #tpu.memory_space<vmem_shared>> -> memref<640xf32, #tpu.memory_space<vmem_shared>>
      %dma_start3A_59 = tpu.memref_slice %arg7[%mul3A_28] : memref<10240xf32, #tpu.memory_space<vmem_shared>> -> memref<640xf32, #tpu.memory_space<vmem_shared>>
      tpu.enqueue_dma source(%arg5 : memref<640xf32, #tpu.memory_space<vmem>>) target(%dma_start3A_59 : memref<640xf32, #tpu.memory_space<vmem_shared>>) target_semaphore(%run_scoped3A : memref<!tpu.dma_semaphore, #tpu.memory_space<semaphore_mem>>)
      %dma_wait3A_60 = tpu.memref_slice %arg7[%mul3A_28] : memref<10240xf32, #tpu.memory_space<vmem_shared>> -> memref<640xf32, #tpu.memory_space<vmem_shared>>
      %dma_wait3A_61 = tpu.memref_slice %arg7[%mul3A_28] : memref<10240xf32, #tpu.memory_space<vmem_shared>> -> memref<640xf32, #tpu.memory_space<vmem_shared>>
      tpu.wait_dma2 semaphore(%run_scoped3A : memref<!tpu.dma_semaphore, #tpu.memory_space<semaphore_mem>>) src(%arg5 : memref<640xf32, #tpu.memory_space<vmem>>) dst(%dma_wait3A_61 : memref<640xf32, #tpu.memory_space<vmem_shared>>)
      tpu.yield
    }) : () -> ()
    %dma_wait3A = arith.constant 1 : i32
    %dma_wait3A_29 = arith.constant 0 : i32
    %dma_wait3A_30 = arith.constant 0 : i32
    %dma_wait3A_31 = tpu.memref_slice %arg4[%dma_wait3A_29, %dma_wait3A_30] : memref<79x128xi32, #tpu.memory_space<vmem>> -> memref<78x128xi32, #tpu.memory_space<vmem>>
    %dma_wait3A_32 = arith.constant 0 : i32
    %dma_wait3A_33 = tpu.memref_slice %arg2[%dma_wait3A, %mul3A_2, %dma_wait3A_32] : memref<2x2500x128xi32, #tpu.memory_space<hbm>> -> memref<1x78x128xi32, #tpu.memory_space<hbm>>
    %dma_wait3A_34 = tpu.memref_squeeze %dma_wait3A_33 : memref<1x78x128xi32, #tpu.memory_space<hbm>> -> memref<78x128xi32, #tpu.memory_space<hbm>>
    %dma_wait3A_35 = arith.constant 0 : i32
    %dma_wait3A_36 = arith.constant 0 : i32
    %dma_wait3A_37 = tpu.memref_slice %arg4[%dma_wait3A_35, %dma_wait3A_36] : memref<79x128xi32, #tpu.memory_space<vmem>> -> memref<78x128xi32, #tpu.memory_space<vmem>>
    %dma_wait3A_38 = arith.constant 0 : i32
    %dma_wait3A_39 = tpu.memref_slice %arg2[%dma_wait3A, %mul3A_2, %dma_wait3A_38] : memref<2x2500x128xi32, #tpu.memory_space<hbm>> -> memref<1x78x128xi32, #tpu.memory_space<hbm>>
    %dma_wait3A_40 = tpu.memref_squeeze %dma_wait3A_39 : memref<1x78x128xi32, #tpu.memory_space<hbm>> -> memref<78x128xi32, #tpu.memory_space<hbm>>
    tpu.wait_dma2 semaphore(%arg8 : memref<!tpu.dma_semaphore, #tpu.memory_space<semaphore_mem>>) src(%dma_wait3A_40 : memref<78x128xi32, #tpu.memory_space<hbm>>) dst(%dma_wait3A_37 : memref<78x128xi32, #tpu.memory_space<vmem>>)
    %lt3A = arith.constant 4 : i32
    %lt3A_41 = arith.cmpi slt, %add3A, %lt3A : i32
    %convert_element_type3A = arith.extui %lt3A_41 : i1 to i32
    %cond3A = arith.constant 0 : i32
    %cond3A_42 = arith.cmpi ne, %convert_element_type3A, %cond3A : i32
    scf.if %cond3A_42 {
      %add3A_58 = arith.constant 2496 : i32
      %add3A_59 = arith.addi %add3A_58, %add3A : i32
      %run_scoped3A = arith.constant 1 : i32
      "tpu.region"() ({
        %run_scoped3A_60 = tpu.sem_alloc : memref<!tpu.dma_semaphore, #tpu.memory_space<semaphore_mem>>
        %dma_start3A_61 = arith.constant 78 : i32
        %dma_start3A_62 = arith.constant 0 : i32
        %dma_start3A_63 = tpu.memref_slice %arg4[%dma_start3A_61, %dma_start3A_62] : memref<79x128xi32, #tpu.memory_space<vmem>> -> memref<1x128xi32, #tpu.memory_space<vmem>>
        %dma_start3A_64 = arith.constant 0 : i32
        %dma_start3A_65 = tpu.memref_slice %arg2[%run_scoped3A, %add3A_59, %dma_start3A_64] : memref<2x2500x128xi32, #tpu.memory_space<hbm>> -> memref<1x1x128xi32, #tpu.memory_space<hbm>>
        %dma_start3A_66 = tpu.memref_squeeze %dma_start3A_65 : memref<1x1x128xi32, #tpu.memory_space<hbm>> -> memref<1x128xi32, #tpu.memory_space<hbm>>
        %dma_start3A_67 = arith.constant 78 : i32
        %dma_start3A_68 = arith.constant 0 : i32
        %dma_start3A_69 = tpu.memref_slice %arg4[%dma_start3A_67, %dma_start3A_68] : memref<79x128xi32, #tpu.memory_space<vmem>> -> memref<1x128xi32, #tpu.memory_space<vmem>>
        %dma_start3A_70 = arith.constant 0 : i32
        %dma_start3A_71 = tpu.memref_slice %arg2[%run_scoped3A, %add3A_59, %dma_start3A_70] : memref<2x2500x128xi32, #tpu.memory_space<hbm>> -> memref<1x1x128xi32, #tpu.memory_space<hbm>>
        %dma_start3A_72 = tpu.memref_squeeze %dma_start3A_71 : memref<1x1x128xi32, #tpu.memory_space<hbm>> -> memref<1x128xi32, #tpu.memory_space<hbm>>
        tpu.enqueue_dma source(%dma_start3A_72 : memref<1x128xi32, #tpu.memory_space<hbm>>) target(%dma_start3A_69 : memref<1x128xi32, #tpu.memory_space<vmem>>) target_semaphore(%run_scoped3A_60 : memref<!tpu.dma_semaphore, #tpu.memory_space<semaphore_mem>>)
        %dma_wait3A_73 = arith.constant 78 : i32
        %dma_wait3A_74 = arith.constant 0 : i32
        %dma_wait3A_75 = tpu.memref_slice %arg4[%dma_wait3A_73, %dma_wait3A_74] : memref<79x128xi32, #tpu.memory_space<vmem>> -> memref<1x128xi32, #tpu.memory_space<vmem>>
        %dma_wait3A_76 = arith.constant 0 : i32
        %dma_wait3A_77 = tpu.memref_slice %arg2[%run_scoped3A, %add3A_59, %dma_wait3A_76] : memref<2x2500x128xi32, #tpu.memory_space<hbm>> -> memref<1x1x128xi32, #tpu.memory_space<hbm>>
        %dma_wait3A_78 = tpu.memref_squeeze %dma_wait3A_77 : memref<1x1x128xi32, #tpu.memory_space<hbm>> -> memref<1x128xi32, #tpu.memory_space<hbm>>
        %dma_wait3A_79 = arith.constant 78 : i32
        %dma_wait3A_80 = arith.constant 0 : i32
        %dma_wait3A_81 = tpu.memref_slice %arg4[%dma_wait3A_79, %dma_wait3A_80] : memref<79x128xi32, #tpu.memory_space<vmem>> -> memref<1x128xi32, #tpu.memory_space<vmem>>
        %dma_wait3A_82 = arith.constant 0 : i32
        %dma_wait3A_83 = tpu.memref_slice %arg2[%run_scoped3A, %add3A_59, %dma_wait3A_82] : memref<2x2500x128xi32, #tpu.memory_space<hbm>> -> memref<1x1x128xi32, #tpu.memory_space<hbm>>
        %dma_wait3A_84 = tpu.memref_squeeze %dma_wait3A_83 : memref<1x1x128xi32, #tpu.memory_space<hbm>> -> memref<1x128xi32, #tpu.memory_space<hbm>>
        tpu.wait_dma2 semaphore(%run_scoped3A_60 : memref<!tpu.dma_semaphore, #tpu.memory_space<semaphore_mem>>) src(%dma_wait3A_84 : memref<1x128xi32, #tpu.memory_space<hbm>>) dst(%dma_wait3A_81 : memref<1x128xi32, #tpu.memory_space<vmem>>)
        tpu.yield
      }) : () -> ()
    } else {
    }
    %barrier3A = arith.constant 0 : index
    tpu.barrier barrier_id(%barrier3A)
    %scan3A_43 = arith.constant 0 : i32
    %scan3A_44 = arith.constant 78 : i32
    %scan3A_45 = arith.addi %scan3A_43, %scan3A_44 : i32
    %scan3A_46 = arith.constant 1 : i32
    scf.for %scan3A_58 = %scan3A_43 to %scan3A_45 step %scan3A_46  : i32 {
      %mul3A_59 = arith.constant 1 : i32
      %mul3A_60 = arith.muli %scan3A_58, %mul3A_59 : i32
      %add3A_61 = arith.constant 0 : i32
      %add3A_62 = arith.addi %add3A_61, %mul3A_60 : i32
      "tpu.region"() ({
        %run_scoped3A = tpu.sem_alloc : memref<!tpu.dma_semaphore, #tpu.memory_space<semaphore_mem>>
        %dma_start3A_63 = arith.constant 0 : i32
        %dma_start3A_64 = tpu.memref_slice %arg4[%add3A_62, %dma_start3A_63] : memref<79x128xi32, #tpu.memory_space<vmem>> -> memref<1x128xi32, #tpu.memory_space<vmem>>
        %dma_start3A_65 = tpu.memref_squeeze %dma_start3A_64 : memref<1x128xi32, #tpu.memory_space<vmem>> -> memref<128xi32, #tpu.memory_space<vmem>>
        %dma_start3A_66 = arith.constant 0 : i32
        %dma_start3A_67 = tpu.memref_slice %arg7[%dma_start3A_66] : memref<10240xf32, #tpu.memory_space<vmem_shared>> -> memref<10240xf32, #tpu.memory_space<vmem_shared>>
        tpu.enqueue_indirect_dma source(%arg6 : memref<128xf32, #tpu.memory_space<vmem>>) target(%dma_start3A_67 : memref<10240xf32, #tpu.memory_space<vmem_shared>>) offsets(%dma_start3A_65 : memref<128xi32, #tpu.memory_space<vmem>>) semaphore(%run_scoped3A : memref<!tpu.dma_semaphore, #tpu.memory_space<semaphore_mem>>) {add = true}
        %dma_wait3A_68 = arith.constant 0 : i32
        %dma_wait3A_69 = tpu.memref_slice %arg4[%add3A_62, %dma_wait3A_68] : memref<79x128xi32, #tpu.memory_space<vmem>> -> memref<1x128xi32, #tpu.memory_space<vmem>>
        %dma_wait3A_70 = tpu.memref_squeeze %dma_wait3A_69 : memref<1x128xi32, #tpu.memory_space<vmem>> -> memref<128xi32, #tpu.memory_space<vmem>>
        %dma_wait3A_71 = arith.constant 0 : i32
        %dma_wait3A_72 = tpu.memref_slice %arg7[%dma_wait3A_71] : memref<10240xf32, #tpu.memory_space<vmem_shared>> -> memref<10240xf32, #tpu.memory_space<vmem_shared>>
        tpu.wait_indirect_dma semaphore(%run_scoped3A : memref<!tpu.dma_semaphore, #tpu.memory_space<semaphore_mem>>) src(%arg6 : memref<128xf32, #tpu.memory_space<vmem>>) dst(%dma_wait3A_72 : memref<10240xf32, #tpu.memory_space<vmem_shared>>)
        tpu.yield
      }) : () -> ()
    }
    %scan3A_47 = arith.constant 78 : i32
    %lt3A_48 = arith.constant 4 : i32
    %lt3A_49 = arith.cmpi slt, %add3A, %lt3A_48 : i32
    %convert_element_type3A_50 = arith.extui %lt3A_49 : i1 to i32
    %cond3A_51 = arith.constant 0 : i32
    %cond3A_52 = arith.cmpi ne, %convert_element_type3A_50, %cond3A_51 : i32
    scf.if %cond3A_52 {
      %run_scoped3A = arith.constant 78 : i32
      "tpu.region"() ({
        %run_scoped3A_58 = tpu.sem_alloc : memref<!tpu.dma_semaphore, #tpu.memory_space<semaphore_mem>>
        %dma_start3A_59 = arith.constant 0 : i32
        %dma_start3A_60 = tpu.memref_slice %arg4[%run_scoped3A, %dma_start3A_59] : memref<79x128xi32, #tpu.memory_space<vmem>> -> memref<1x128xi32, #tpu.memory_space<vmem>>
        %dma_start3A_61 = tpu.memref_squeeze %dma_start3A_60 : memref<1x128xi32, #tpu.memory_space<vmem>> -> memref<128xi32, #tpu.memory_space<vmem>>
        %dma_start3A_62 = arith.constant 0 : i32
        %dma_start3A_63 = tpu.memref_slice %arg7[%dma_start3A_62] : memref<10240xf32, #tpu.memory_space<vmem_shared>> -> memref<10240xf32, #tpu.memory_space<vmem_shared>>
        tpu.enqueue_indirect_dma source(%arg6 : memref<128xf32, #tpu.memory_space<vmem>>) target(%dma_start3A_63 : memref<10240xf32, #tpu.memory_space<vmem_shared>>) offsets(%dma_start3A_61 : memref<128xi32, #tpu.memory_space<vmem>>) semaphore(%run_scoped3A_58 : memref<!tpu.dma_semaphore, #tpu.memory_space<semaphore_mem>>) {add = true}
        %dma_wait3A_64 = arith.constant 0 : i32
        %dma_wait3A_65 = tpu.memref_slice %arg4[%run_scoped3A, %dma_wait3A_64] : memref<79x128xi32, #tpu.memory_space<vmem>> -> memref<1x128xi32, #tpu.memory_space<vmem>>
        %dma_wait3A_66 = tpu.memref_squeeze %dma_wait3A_65 : memref<1x128xi32, #tpu.memory_space<vmem>> -> memref<128xi32, #tpu.memory_space<vmem>>
        %dma_wait3A_67 = arith.constant 0 : i32
        %dma_wait3A_68 = tpu.memref_slice %arg7[%dma_wait3A_67] : memref<10240xf32, #tpu.memory_space<vmem_shared>> -> memref<10240xf32, #tpu.memory_space<vmem_shared>>
        tpu.wait_indirect_dma semaphore(%run_scoped3A_58 : memref<!tpu.dma_semaphore, #tpu.memory_space<semaphore_mem>>) src(%arg6 : memref<128xf32, #tpu.memory_space<vmem>>) dst(%dma_wait3A_68 : memref<10240xf32, #tpu.memory_space<vmem_shared>>)
        tpu.yield
      }) : () -> ()
    } else {
    }
    %barrier3A_53 = arith.constant 0 : index
    tpu.barrier barrier_id(%barrier3A_53)
    %mul3A_54 = arith.constant 640 : i32
    %mul3A_55 = arith.muli %arg1, %mul3A_54 : i32
    "tpu.region"() ({
      %run_scoped3A = tpu.sem_alloc : memref<!tpu.dma_semaphore, #tpu.memory_space<semaphore_mem>>
      %dma_start3A_58 = tpu.memref_slice %arg7[%mul3A_55] : memref<10240xf32, #tpu.memory_space<vmem_shared>> -> memref<640xf32, #tpu.memory_space<vmem_shared>>
      %dma_start3A_59 = tpu.memref_slice %arg7[%mul3A_55] : memref<10240xf32, #tpu.memory_space<vmem_shared>> -> memref<640xf32, #tpu.memory_space<vmem_shared>>
      tpu.enqueue_dma source(%dma_start3A_59 : memref<640xf32, #tpu.memory_space<vmem_shared>>) target(%arg5 : memref<640xf32, #tpu.memory_space<vmem>>) target_semaphore(%run_scoped3A : memref<!tpu.dma_semaphore, #tpu.memory_space<semaphore_mem>>)
      %dma_wait3A_60 = tpu.memref_slice %arg7[%mul3A_55] : memref<10240xf32, #tpu.memory_space<vmem_shared>> -> memref<640xf32, #tpu.memory_space<vmem_shared>>
      %dma_wait3A_61 = tpu.memref_slice %arg7[%mul3A_55] : memref<10240xf32, #tpu.memory_space<vmem_shared>> -> memref<640xf32, #tpu.memory_space<vmem_shared>>
      tpu.wait_dma2 semaphore(%run_scoped3A : memref<!tpu.dma_semaphore, #tpu.memory_space<semaphore_mem>>) src(%dma_wait3A_61 : memref<640xf32, #tpu.memory_space<vmem_shared>>) dst(%arg5 : memref<640xf32, #tpu.memory_space<vmem>>)
      tpu.yield
    }) : () -> ()
    %mul3A_56 = arith.constant 640 : i32
    %mul3A_57 = arith.muli %arg1, %mul3A_56 : i32
    "tpu.region"() ({
      %run_scoped3A = tpu.sem_alloc : memref<!tpu.dma_semaphore, #tpu.memory_space<semaphore_mem>>
      %dma_start3A_58 = tpu.memref_slice %arg3[%arg0, %mul3A_57] : memref<2x10240xf32, #tpu.memory_space<hbm>> -> memref<1x640xf32, #tpu.memory_space<hbm>>
      %dma_start3A_59 = tpu.memref_squeeze %dma_start3A_58 : memref<1x640xf32, #tpu.memory_space<hbm>> -> memref<640xf32, #tpu.memory_space<hbm>>
      %dma_start3A_60 = tpu.memref_slice %arg3[%arg0, %mul3A_57] : memref<2x10240xf32, #tpu.memory_space<hbm>> -> memref<1x640xf32, #tpu.memory_space<hbm>>
      %dma_start3A_61 = tpu.memref_squeeze %dma_start3A_60 : memref<1x640xf32, #tpu.memory_space<hbm>> -> memref<640xf32, #tpu.memory_space<hbm>>
      tpu.enqueue_dma source(%arg5 : memref<640xf32, #tpu.memory_space<vmem>>) target(%dma_start3A_61 : memref<640xf32, #tpu.memory_space<hbm>>) target_semaphore(%run_scoped3A : memref<!tpu.dma_semaphore, #tpu.memory_space<semaphore_mem>>)
      %dma_wait3A_62 = tpu.memref_slice %arg3[%arg0, %mul3A_57] : memref<2x10240xf32, #tpu.memory_space<hbm>> -> memref<1x640xf32, #tpu.memory_space<hbm>>
      %dma_wait3A_63 = tpu.memref_squeeze %dma_wait3A_62 : memref<1x640xf32, #tpu.memory_space<hbm>> -> memref<640xf32, #tpu.memory_space<hbm>>
      %dma_wait3A_64 = tpu.memref_slice %arg3[%arg0, %mul3A_57] : memref<2x10240xf32, #tpu.memory_space<hbm>> -> memref<1x640xf32, #tpu.memory_space<hbm>>
      %dma_wait3A_65 = tpu.memref_squeeze %dma_wait3A_64 : memref<1x640xf32, #tpu.memory_space<hbm>> -> memref<640xf32, #tpu.memory_space<hbm>>
      tpu.wait_dma2 semaphore(%run_scoped3A : memref<!tpu.dma_semaphore, #tpu.memory_space<semaphore_mem>>) src(%arg5 : memref<640xf32, #tpu.memory_space<vmem>>) dst(%dma_wait3A_65 : memref<640xf32, #tpu.memory_space<hbm>>)
      tpu.yield
    }) : () -> ()
    return
  }
}

#map = affine_map<(d0, d1) -> (0, 0, 0)>
#map1 = affine_map<(d0, d1) -> (0, 0)>
module attributes {stable_mosaic.version = 14 : i64} {
  func.func @_msg(%arg0: i32, %arg1: i32, %arg2: memref<2x2500x128xi32, #tpu.memory_space<hbm>>, %arg3: memref<10240x32xf32, #tpu.memory_space<hbm>>, %arg4: memref<2x10240x32xf32, #tpu.memory_space<hbm>>, %arg5: memref<79x128xi32, #tpu.memory_space<vmem>>, %arg6: memref<79x128xi32, #tpu.memory_space<vmem>>, %arg7: memref<128x32xf32, #tpu.memory_space<vmem>>, %arg8: memref<128x32xf32, #tpu.memory_space<vmem>>, %arg9: memref<128x32xf32, #tpu.memory_space<vmem>>, %arg10: memref<128x32xf32, #tpu.memory_space<vmem>>, %arg11: memref<128x32xf32, #tpu.memory_space<vmem>>, %arg12: memref<128x32xf32, #tpu.memory_space<vmem>>, %arg13: memref<128x32xf32, #tpu.memory_space<vmem>>, %arg14: memref<128x32xf32, #tpu.memory_space<vmem>>, %arg15: memref<128x32xf32, #tpu.memory_space<vmem>>, %arg16: memref<128x32xf32, #tpu.memory_space<vmem>>, %arg17: memref<128x32xf32, #tpu.memory_space<vmem>>, %arg18: memref<128x32xf32, #tpu.memory_space<vmem>>, %arg19: memref<128x32xf32, #tpu.memory_space<vmem>>, %arg20: memref<!tpu.dma_semaphore, #tpu.memory_space<semaphore_mem>>, %arg21: memref<!tpu.dma_semaphore, #tpu.memory_space<semaphore_mem>>, %arg22: memref<!tpu.dma_semaphore, #tpu.memory_space<semaphore_mem>>, %arg23: memref<!tpu.dma_semaphore, #tpu.memory_space<semaphore_mem>>, %arg24: memref<!tpu.dma_semaphore, #tpu.memory_space<semaphore_mem>>, %arg25: memref<!tpu.dma_semaphore, #tpu.memory_space<semaphore_mem>>, %arg26: memref<!tpu.dma_semaphore, #tpu.memory_space<semaphore_mem>>, %arg27: memref<!tpu.dma_semaphore, #tpu.memory_space<semaphore_mem>>, %arg28: memref<!tpu.dma_semaphore, #tpu.memory_space<semaphore_mem>>, %arg29: memref<!tpu.dma_semaphore, #tpu.memory_space<semaphore_mem>>, %arg30: memref<!tpu.dma_semaphore, #tpu.memory_space<semaphore_mem>>, %arg31: memref<!tpu.dma_semaphore, #tpu.memory_space<semaphore_mem>>, %arg32: memref<!tpu.dma_semaphore, #tpu.memory_space<semaphore_mem>>, %arg33: memref<!tpu.dma_semaphore, #tpu.memory_space<semaphore_mem>>, %arg34: memref<!tpu.dma_semaphore, #tpu.memory_space<semaphore_mem>>, %arg35: memref<!tpu.dma_semaphore, #tpu.memory_space<semaphore_mem>>, %arg36: memref<!tpu.dma_semaphore, #tpu.memory_space<semaphore_mem>>, %arg37: memref<!tpu.dma_semaphore, #tpu.memory_space<semaphore_mem>>, %arg38: memref<!tpu.dma_semaphore, #tpu.memory_space<semaphore_mem>>, %arg39: memref<!tpu.dma_semaphore, #tpu.memory_space<semaphore_mem>>, %arg40: memref<!tpu.dma_semaphore, #tpu.memory_space<semaphore_mem>>, %arg41: memref<!tpu.dma_semaphore, #tpu.memory_space<semaphore_mem>>, %arg42: memref<!tpu.dma_semaphore, #tpu.memory_space<semaphore_mem>>, %arg43: memref<!tpu.dma_semaphore, #tpu.memory_space<semaphore_mem>>, %arg44: memref<!tpu.dma_semaphore, #tpu.memory_space<semaphore_mem>>, %arg45: memref<!tpu.dma_semaphore, #tpu.memory_space<semaphore_mem>>, %arg46: memref<10240x32xf32, #tpu.memory_space<vmem_shared>>) attributes {dimension_semantics = [#tpu.dimension_semantics<core_parallel>, #tpu.dimension_semantics<subcore_parallel>], iteration_bounds = array<i64: 2, 16>, scalar_prefetch = 0 : i64, scratch_operands = 42 : i64, tpu.core_type = #tpu.core_type<sc_vector_subcore>, window_params = [{transform_indices = #map}, {transform_indices = #map1}, {transform_indices = #map}]} {
    %mul3A = arith.constant 2 : i32
    %mul3A_0 = arith.muli %arg1, %mul3A : i32
    %add3A = arith.addi %mul3A_0, %arg0 : i32
    %mul3A_1 = arith.constant 78 : i32
    %mul3A_2 = arith.muli %add3A, %mul3A_1 : i32
    %dma_start3A = arith.constant 0 : i32
    %dma_start3A_3 = arith.constant 0 : i32
    %dma_start3A_4 = arith.constant 0 : i32
    %dma_start3A_5 = tpu.memref_slice %arg5[%dma_start3A_3, %dma_start3A_4] : memref<79x128xi32, #tpu.memory_space<vmem>> -> memref<78x128xi32, #tpu.memory_space<vmem>>
    %dma_start3A_6 = arith.constant 0 : i32
    %dma_start3A_7 = tpu.memref_slice %arg2[%dma_start3A, %mul3A_2, %dma_start3A_6] : memref<2x2500x128xi32, #tpu.memory_space<hbm>> -> memref<1x78x128xi32, #tpu.memory_space<hbm>>
    %dma_start3A_8 = tpu.memref_squeeze %dma_start3A_7 : memref<1x78x128xi32, #tpu.memory_space<hbm>> -> memref<78x128xi32, #tpu.memory_space<hbm>>
    %dma_start3A_9 = arith.constant 0 : i32
    %dma_start3A_10 = arith.constant 0 : i32
    %dma_start3A_11 = tpu.memref_slice %arg5[%dma_start3A_9, %dma_start3A_10] : memref<79x128xi32, #tpu.memory_space<vmem>> -> memref<78x128xi32, #tpu.memory_space<vmem>>
    %dma_start3A_12 = arith.constant 0 : i32
    %dma_start3A_13 = tpu.memref_slice %arg2[%dma_start3A, %mul3A_2, %dma_start3A_12] : memref<2x2500x128xi32, #tpu.memory_space<hbm>> -> memref<1x78x128xi32, #tpu.memory_space<hbm>>
    %dma_start3A_14 = tpu.memref_squeeze %dma_start3A_13 : memref<1x78x128xi32, #tpu.memory_space<hbm>> -> memref<78x128xi32, #tpu.memory_space<hbm>>
    tpu.enqueue_dma source(%dma_start3A_14 : memref<78x128xi32, #tpu.memory_space<hbm>>) target(%dma_start3A_11 : memref<78x128xi32, #tpu.memory_space<vmem>>) target_semaphore(%arg20 : memref<!tpu.dma_semaphore, #tpu.memory_space<semaphore_mem>>)
    %mul3A_15 = arith.constant 78 : i32
    %mul3A_16 = arith.muli %add3A, %mul3A_15 : i32
    %dma_start3A_17 = arith.constant 1 : i32
    %dma_start3A_18 = arith.constant 0 : i32
    %dma_start3A_19 = arith.constant 0 : i32
    %dma_start3A_20 = tpu.memref_slice %arg6[%dma_start3A_18, %dma_start3A_19] : memref<79x128xi32, #tpu.memory_space<vmem>> -> memref<78x128xi32, #tpu.memory_space<vmem>>
    %dma_start3A_21 = arith.constant 0 : i32
    %dma_start3A_22 = tpu.memref_slice %arg2[%dma_start3A_17, %mul3A_16, %dma_start3A_21] : memref<2x2500x128xi32, #tpu.memory_space<hbm>> -> memref<1x78x128xi32, #tpu.memory_space<hbm>>
    %dma_start3A_23 = tpu.memref_squeeze %dma_start3A_22 : memref<1x78x128xi32, #tpu.memory_space<hbm>> -> memref<78x128xi32, #tpu.memory_space<hbm>>
    %dma_start3A_24 = arith.constant 0 : i32
    %dma_start3A_25 = arith.constant 0 : i32
    %dma_start3A_26 = tpu.memref_slice %arg6[%dma_start3A_24, %dma_start3A_25] : memref<79x128xi32, #tpu.memory_space<vmem>> -> memref<78x128xi32, #tpu.memory_space<vmem>>
    %dma_start3A_27 = arith.constant 0 : i32
    %dma_start3A_28 = tpu.memref_slice %arg2[%dma_start3A_17, %mul3A_16, %dma_start3A_27] : memref<2x2500x128xi32, #tpu.memory_space<hbm>> -> memref<1x78x128xi32, #tpu.memory_space<hbm>>
    %dma_start3A_29 = tpu.memref_squeeze %dma_start3A_28 : memref<1x78x128xi32, #tpu.memory_space<hbm>> -> memref<78x128xi32, #tpu.memory_space<hbm>>
    tpu.enqueue_dma source(%dma_start3A_29 : memref<78x128xi32, #tpu.memory_space<hbm>>) target(%dma_start3A_26 : memref<78x128xi32, #tpu.memory_space<vmem>>) target_semaphore(%arg21 : memref<!tpu.dma_semaphore, #tpu.memory_space<semaphore_mem>>)
    %broadcast_in_dim3A = arith.constant 0.000000e+00 : f32
    %broadcast_in_dim3A_30 = vector.broadcast %broadcast_in_dim3A : f32 to vector<16xf32>
    %scan3A = arith.constant 0 : i32
    %scan3A_31 = arith.constant 128 : i32
    %scan3A_32 = arith.addi %scan3A, %scan3A_31 : i32
    %scan3A_33 = arith.constant 1 : i32
    scf.for %scan3A_83 = %scan3A to %scan3A_32 step %scan3A_33  : i32 {
      %mul3A_84 = arith.constant 1 : i32
      %mul3A_85 = arith.muli %scan3A_83, %mul3A_84 : i32
      %add3A_86 = arith.constant 0 : i32
      %add3A_87 = arith.addi %add3A_86, %mul3A_85 : i32
      %swap3A = arith.index_cast %add3A_87 : i32 to index
      %swap3A_88 = arith.constant 0 : index
      %swap3A_89 = tpu.vector_load %arg7[%swap3A, %swap3A_88] {strides = array<i32>} : memref<128x32xf32, #tpu.memory_space<vmem>>, vector<1x16xf32>,
      %swap3A_90 = vector.shape_cast %swap3A_89 : vector<1x16xf32> to vector<16xf32>
      %swap3A_91 = vector.shape_cast %broadcast_in_dim3A_30 : vector<16xf32> to vector<1x16xf32>
      tpu.vector_store %arg7[%swap3A, %swap3A_88], %swap3A_91 {strides = array<i32>} : memref<128x32xf32, #tpu.memory_space<vmem>>, vector<1x16xf32>,
      %swap3A_92 = arith.index_cast %add3A_87 : i32 to index
      %swap3A_93 = arith.constant 16 : index
      %swap3A_94 = tpu.vector_load %arg7[%swap3A_92, %swap3A_93] {strides = array<i32>} : memref<128x32xf32, #tpu.memory_space<vmem>>, vector<1x16xf32>,
      %swap3A_95 = vector.shape_cast %swap3A_94 : vector<1x16xf32> to vector<16xf32>
      %swap3A_96 = vector.shape_cast %broadcast_in_dim3A_30 : vector<16xf32> to vector<1x16xf32>
      tpu.vector_store %arg7[%swap3A_92, %swap3A_93], %swap3A_96 {strides = array<i32>} : memref<128x32xf32, #tpu.memory_space<vmem>>, vector<1x16xf32>,
    }
    %scan3A_34 = arith.constant 128 : i32
    %scan3A_35 = arith.constant 0 : i32
    %scan3A_36 = arith.constant 5 : i32
    %scan3A_37 = arith.addi %scan3A_35, %scan3A_36 : i32
    %scan3A_38 = arith.constant 1 : i32
    scf.for %scan3A_83 = %scan3A_35 to %scan3A_37 step %scan3A_38  : i32 {
      %mul3A_84 = arith.constant 128 : i32
      %mul3A_85 = arith.muli %scan3A_83, %mul3A_84 : i32
      %add3A_86 = arith.constant 0 : i32
      %add3A_87 = arith.addi %add3A_86, %mul3A_85 : i32
      %mul3A_88 = arith.constant 640 : i32
      %mul3A_89 = arith.muli %arg1, %mul3A_88 : i32
      %add3A_90 = arith.addi %mul3A_89, %add3A_87 : i32
      "tpu.region"() ({
        %run_scoped3A = tpu.sem_alloc : memref<!tpu.dma_semaphore, #tpu.memory_space<semaphore_mem>>
        %dma_start3A_91 = arith.constant 0 : i32
        %dma_start3A_92 = tpu.memref_slice %arg46[%add3A_90, %dma_start3A_91] : memref<10240x32xf32, #tpu.memory_space<vmem_shared>> -> memref<128x32xf32, #tpu.memory_space<vmem_shared>>
        %dma_start3A_93 = arith.constant 0 : i32
        %dma_start3A_94 = tpu.memref_slice %arg46[%add3A_90, %dma_start3A_93] : memref<10240x32xf32, #tpu.memory_space<vmem_shared>> -> memref<128x32xf32, #tpu.memory_space<vmem_shared>>
        tpu.enqueue_dma source(%arg7 : memref<128x32xf32, #tpu.memory_space<vmem>>) target(%dma_start3A_94 : memref<128x32xf32, #tpu.memory_space<vmem_shared>>) target_semaphore(%run_scoped3A : memref<!tpu.dma_semaphore, #tpu.memory_space<semaphore_mem>>)
        %dma_wait3A_95 = arith.constant 0 : i32
        %dma_wait3A_96 = tpu.memref_slice %arg46[%add3A_90, %dma_wait3A_95] : memref<10240x32xf32, #tpu.memory_space<vmem_shared>> -> memref<128x32xf32, #tpu.memory_space<vmem_shared>>
        %dma_wait3A_97 = arith.constant 0 : i32
        %dma_wait3A_98 = tpu.memref_slice %arg46[%add3A_90, %dma_wait3A_97] : memref<10240x32xf32, #tpu.memory_space<vmem_shared>> -> memref<128x32xf32, #tpu.memory_space<vmem_shared>>
        tpu.wait_dma2 semaphore(%run_scoped3A : memref<!tpu.dma_semaphore, #tpu.memory_space<semaphore_mem>>) src(%arg7 : memref<128x32xf32, #tpu.memory_space<vmem>>) dst(%dma_wait3A_98 : memref<128x32xf32, #tpu.memory_space<vmem_shared>>)
        tpu.yield
      }) : () -> ()
    }
    %scan3A_39 = arith.constant 5 : i32
    %dma_wait3A = arith.constant 0 : i32
    %dma_wait3A_40 = arith.constant 0 : i32
    %dma_wait3A_41 = arith.constant 0 : i32
    %dma_wait3A_42 = tpu.memref_slice %arg5[%dma_wait3A_40, %dma_wait3A_41] : memref<79x128xi32, #tpu.memory_space<vmem>> -> memref<78x128xi32, #tpu.memory_space<vmem>>
    %dma_wait3A_43 = arith.constant 0 : i32
    %dma_wait3A_44 = tpu.memref_slice %arg2[%dma_wait3A, %mul3A_2, %dma_wait3A_43] : memref<2x2500x128xi32, #tpu.memory_space<hbm>> -> memref<1x78x128xi32, #tpu.memory_space<hbm>>
    %dma_wait3A_45 = tpu.memref_squeeze %dma_wait3A_44 : memref<1x78x128xi32, #tpu.memory_space<hbm>> -> memref<78x128xi32, #tpu.memory_space<hbm>>
    %dma_wait3A_46 = arith.constant 0 : i32
    %dma_wait3A_47 = arith.constant 0 : i32
    %dma_wait3A_48 = tpu.memref_slice %arg5[%dma_wait3A_46, %dma_wait3A_47] : memref<79x128xi32, #tpu.memory_space<vmem>> -> memref<78x128xi32, #tpu.memory_space<vmem>>
    %dma_wait3A_49 = arith.constant 0 : i32
    %dma_wait3A_50 = tpu.memref_slice %arg2[%dma_wait3A, %mul3A_2, %dma_wait3A_49] : memref<2x2500x128xi32, #tpu.memory_space<hbm>> -> memref<1x78x128xi32, #tpu.memory_space<hbm>>
    %dma_wait3A_51 = tpu.memref_squeeze %dma_wait3A_50 : memref<1x78x128xi32, #tpu.memory_space<hbm>> -> memref<78x128xi32, #tpu.memory_space<hbm>>
    tpu.wait_dma2 semaphore(%arg20 : memref<!tpu.dma_semaphore, #tpu.memory_space<semaphore_mem>>) src(%dma_wait3A_51 : memref<78x128xi32, #tpu.memory_space<hbm>>) dst(%dma_wait3A_48 : memref<78x128xi32, #tpu.memory_space<vmem>>)
    %dma_wait3A_52 = arith.constant 1 : i32
    %dma_wait3A_53 = arith.constant 0 : i32
    %dma_wait3A_54 = arith.constant 0 : i32
    %dma_wait3A_55 = tpu.memref_slice %arg6[%dma_wait3A_53, %dma_wait3A_54] : memref<79x128xi32, #tpu.memory_space<vmem>> -> memref<78x128xi32, #tpu.memory_space<vmem>>
    %dma_wait3A_56 = arith.constant 0 : i32
    %dma_wait3A_57 = tpu.memref_slice %arg2[%dma_wait3A_52, %mul3A_16, %dma_wait3A_56] : memref<2x2500x128xi32, #tpu.memory_space<hbm>> -> memref<1x78x128xi32, #tpu.memory_space<hbm>>
    %dma_wait3A_58 = tpu.memref_squeeze %dma_wait3A_57 : memref<1x78x128xi32, #tpu.memory_space<hbm>> -> memref<78x128xi32, #tpu.memory_space<hbm>>
    %dma_wait3A_59 = arith.constant 0 : i32
    %dma_wait3A_60 = arith.constant 0 : i32
    %dma_wait3A_61 = tpu.memref_slice %arg6[%dma_wait3A_59, %dma_wait3A_60] : memref<79x128xi32, #tpu.memory_space<vmem>> -> memref<78x128xi32, #tpu.memory_space<vmem>>
    %dma_wait3A_62 = arith.constant 0 : i32
    %dma_wait3A_63 = tpu.memref_slice %arg2[%dma_wait3A_52, %mul3A_16, %dma_wait3A_62] : memref<2x2500x128xi32, #tpu.memory_space<hbm>> -> memref<1x78x128xi32, #tpu.memory_space<hbm>>
    %dma_wait3A_64 = tpu.memref_squeeze %dma_wait3A_63 : memref<1x78x128xi32, #tpu.memory_space<hbm>> -> memref<78x128xi32, #tpu.memory_space<hbm>>
    tpu.wait_dma2 semaphore(%arg21 : memref<!tpu.dma_semaphore, #tpu.memory_space<semaphore_mem>>) src(%dma_wait3A_64 : memref<78x128xi32, #tpu.memory_space<hbm>>) dst(%dma_wait3A_61 : memref<78x128xi32, #tpu.memory_space<vmem>>)
    %lt3A = arith.constant 4 : i32
    %lt3A_65 = arith.cmpi slt, %add3A, %lt3A : i32
    %convert_element_type3A = arith.extui %lt3A_65 : i1 to i32
    %cond3A = arith.constant 0 : i32
    %cond3A_66 = arith.cmpi ne, %convert_element_type3A, %cond3A : i32
    scf.if %cond3A_66 {
      %add3A_83 = arith.constant 2496 : i32
      %add3A_84 = arith.addi %add3A_83, %add3A : i32
      %run_scoped3A = arith.constant 0 : i32
      "tpu.region"() ({
        %run_scoped3A_88 = tpu.sem_alloc : memref<!tpu.dma_semaphore, #tpu.memory_space<semaphore_mem>>
        %dma_start3A_89 = arith.constant 78 : i32
        %dma_start3A_90 = arith.constant 0 : i32
        %dma_start3A_91 = tpu.memref_slice %arg5[%dma_start3A_89, %dma_start3A_90] : memref<79x128xi32, #tpu.memory_space<vmem>> -> memref<1x128xi32, #tpu.memory_space<vmem>>
        %dma_start3A_92 = arith.constant 0 : i32
        %dma_start3A_93 = tpu.memref_slice %arg2[%run_scoped3A, %add3A_84, %dma_start3A_92] : memref<2x2500x128xi32, #tpu.memory_space<hbm>> -> memref<1x1x128xi32, #tpu.memory_space<hbm>>
        %dma_start3A_94 = tpu.memref_squeeze %dma_start3A_93 : memref<1x1x128xi32, #tpu.memory_space<hbm>> -> memref<1x128xi32, #tpu.memory_space<hbm>>
        %dma_start3A_95 = arith.constant 78 : i32
        %dma_start3A_96 = arith.constant 0 : i32
        %dma_start3A_97 = tpu.memref_slice %arg5[%dma_start3A_95, %dma_start3A_96] : memref<79x128xi32, #tpu.memory_space<vmem>> -> memref<1x128xi32, #tpu.memory_space<vmem>>
        %dma_start3A_98 = arith.constant 0 : i32
        %dma_start3A_99 = tpu.memref_slice %arg2[%run_scoped3A, %add3A_84, %dma_start3A_98] : memref<2x2500x128xi32, #tpu.memory_space<hbm>> -> memref<1x1x128xi32, #tpu.memory_space<hbm>>
        %dma_start3A_100 = tpu.memref_squeeze %dma_start3A_99 : memref<1x1x128xi32, #tpu.memory_space<hbm>> -> memref<1x128xi32, #tpu.memory_space<hbm>>
        tpu.enqueue_dma source(%dma_start3A_100 : memref<1x128xi32, #tpu.memory_space<hbm>>) target(%dma_start3A_97 : memref<1x128xi32, #tpu.memory_space<vmem>>) target_semaphore(%run_scoped3A_88 : memref<!tpu.dma_semaphore, #tpu.memory_space<semaphore_mem>>)
        %dma_wait3A_101 = arith.constant 78 : i32
        %dma_wait3A_102 = arith.constant 0 : i32
        %dma_wait3A_103 = tpu.memref_slice %arg5[%dma_wait3A_101, %dma_wait3A_102] : memref<79x128xi32, #tpu.memory_space<vmem>> -> memref<1x128xi32, #tpu.memory_space<vmem>>
        %dma_wait3A_104 = arith.constant 0 : i32
        %dma_wait3A_105 = tpu.memref_slice %arg2[%run_scoped3A, %add3A_84, %dma_wait3A_104] : memref<2x2500x128xi32, #tpu.memory_space<hbm>> -> memref<1x1x128xi32, #tpu.memory_space<hbm>>
        %dma_wait3A_106 = tpu.memref_squeeze %dma_wait3A_105 : memref<1x1x128xi32, #tpu.memory_space<hbm>> -> memref<1x128xi32, #tpu.memory_space<hbm>>
        %dma_wait3A_107 = arith.constant 78 : i32
        %dma_wait3A_108 = arith.constant 0 : i32
        %dma_wait3A_109 = tpu.memref_slice %arg5[%dma_wait3A_107, %dma_wait3A_108] : memref<79x128xi32, #tpu.memory_space<vmem>> -> memref<1x128xi32, #tpu.memory_space<vmem>>
        %dma_wait3A_110 = arith.constant 0 : i32
        %dma_wait3A_111 = tpu.memref_slice %arg2[%run_scoped3A, %add3A_84, %dma_wait3A_110] : memref<2x2500x128xi32, #tpu.memory_space<hbm>> -> memref<1x1x128xi32, #tpu.memory_space<hbm>>
        %dma_wait3A_112 = tpu.memref_squeeze %dma_wait3A_111 : memref<1x1x128xi32, #tpu.memory_space<hbm>> -> memref<1x128xi32, #tpu.memory_space<hbm>>
        tpu.wait_dma2 semaphore(%run_scoped3A_88 : memref<!tpu.dma_semaphore, #tpu.memory_space<semaphore_mem>>) src(%dma_wait3A_112 : memref<1x128xi32, #tpu.memory_space<hbm>>) dst(%dma_wait3A_109 : memref<1x128xi32, #tpu.memory_space<vmem>>)
        tpu.yield
      }) : () -> ()
      %add3A_85 = arith.constant 2496 : i32
      %add3A_86 = arith.addi %add3A_85, %add3A : i32
      %run_scoped3A_87 = arith.constant 1 : i32
      "tpu.region"() ({
        %run_scoped3A_88 = tpu.sem_alloc : memref<!tpu.dma_semaphore, #tpu.memory_space<semaphore_mem>>
        %dma_start3A_89 = arith.constant 78 : i32
        %dma_start3A_90 = arith.constant 0 : i32
        %dma_start3A_91 = tpu.memref_slice %arg6[%dma_start3A_89, %dma_start3A_90] : memref<79x128xi32, #tpu.memory_space<vmem>> -> memref<1x128xi32, #tpu.memory_space<vmem>>
        %dma_start3A_92 = arith.constant 0 : i32
        %dma_start3A_93 = tpu.memref_slice %arg2[%run_scoped3A_87, %add3A_86, %dma_start3A_92] : memref<2x2500x128xi32, #tpu.memory_space<hbm>> -> memref<1x1x128xi32, #tpu.memory_space<hbm>>
        %dma_start3A_94 = tpu.memref_squeeze %dma_start3A_93 : memref<1x1x128xi32, #tpu.memory_space<hbm>> -> memref<1x128xi32, #tpu.memory_space<hbm>>
        %dma_start3A_95 = arith.constant 78 : i32
        %dma_start3A_96 = arith.constant 0 : i32
        %dma_start3A_97 = tpu.memref_slice %arg6[%dma_start3A_95, %dma_start3A_96] : memref<79x128xi32, #tpu.memory_space<vmem>> -> memref<1x128xi32, #tpu.memory_space<vmem>>
        %dma_start3A_98 = arith.constant 0 : i32
        %dma_start3A_99 = tpu.memref_slice %arg2[%run_scoped3A_87, %add3A_86, %dma_start3A_98] : memref<2x2500x128xi32, #tpu.memory_space<hbm>> -> memref<1x1x128xi32, #tpu.memory_space<hbm>>
        %dma_start3A_100 = tpu.memref_squeeze %dma_start3A_99 : memref<1x1x128xi32, #tpu.memory_space<hbm>> -> memref<1x128xi32, #tpu.memory_space<hbm>>
        tpu.enqueue_dma source(%dma_start3A_100 : memref<1x128xi32, #tpu.memory_space<hbm>>) target(%dma_start3A_97 : memref<1x128xi32, #tpu.memory_space<vmem>>) target_semaphore(%run_scoped3A_88 : memref<!tpu.dma_semaphore, #tpu.memory_space<semaphore_mem>>)
        %dma_wait3A_101 = arith.constant 78 : i32
        %dma_wait3A_102 = arith.constant 0 : i32
        %dma_wait3A_103 = tpu.memref_slice %arg6[%dma_wait3A_101, %dma_wait3A_102] : memref<79x128xi32, #tpu.memory_space<vmem>> -> memref<1x128xi32, #tpu.memory_space<vmem>>
        %dma_wait3A_104 = arith.constant 0 : i32
        %dma_wait3A_105 = tpu.memref_slice %arg2[%run_scoped3A_87, %add3A_86, %dma_wait3A_104] : memref<2x2500x128xi32, #tpu.memory_space<hbm>> -> memref<1x1x128xi32, #tpu.memory_space<hbm>>
        %dma_wait3A_106 = tpu.memref_squeeze %dma_wait3A_105 : memref<1x1x128xi32, #tpu.memory_space<hbm>> -> memref<1x128xi32, #tpu.memory_space<hbm>>
        %dma_wait3A_107 = arith.constant 78 : i32
        %dma_wait3A_108 = arith.constant 0 : i32
        %dma_wait3A_109 = tpu.memref_slice %arg6[%dma_wait3A_107, %dma_wait3A_108] : memref<79x128xi32, #tpu.memory_space<vmem>> -> memref<1x128xi32, #tpu.memory_space<vmem>>
        %dma_wait3A_110 = arith.constant 0 : i32
        %dma_wait3A_111 = tpu.memref_slice %arg2[%run_scoped3A_87, %add3A_86, %dma_wait3A_110] : memref<2x2500x128xi32, #tpu.memory_space<hbm>> -> memref<1x1x128xi32, #tpu.memory_space<hbm>>
        %dma_wait3A_112 = tpu.memref_squeeze %dma_wait3A_111 : memref<1x1x128xi32, #tpu.memory_space<hbm>> -> memref<1x128xi32, #tpu.memory_space<hbm>>
        tpu.wait_dma2 semaphore(%run_scoped3A_88 : memref<!tpu.dma_semaphore, #tpu.memory_space<semaphore_mem>>) src(%dma_wait3A_112 : memref<1x128xi32, #tpu.memory_space<hbm>>) dst(%dma_wait3A_109 : memref<1x128xi32, #tpu.memory_space<vmem>>)
        tpu.yield
      }) : () -> ()
    } else {
    }
    %barrier3A = arith.constant 0 : index
    tpu.barrier barrier_id(%barrier3A)
    %scan3A_67 = arith.constant 0 : i32
    %scan3A_68 = arith.constant 6 : i32
    %scan3A_69 = arith.addi %scan3A_67, %scan3A_68 : i32
    %scan3A_70 = arith.constant 1 : i32
    scf.for %scan3A_83 = %scan3A_67 to %scan3A_69 step %scan3A_70  : i32 {
      %mul3A_84 = arith.constant 13 : i32
      %mul3A_85 = arith.muli %scan3A_83, %mul3A_84 : i32
      %add3A_86 = arith.constant 0 : i32
      %add3A_87 = arith.addi %add3A_86, %mul3A_85 : i32
      %add3A_88 = arith.constant 0 : i32
      %add3A_89 = arith.addi %add3A_87, %add3A_88 : i32
      %dma_start3A_90 = arith.constant 0 : i32
      %dma_start3A_91 = tpu.memref_slice %arg5[%add3A_89, %dma_start3A_90] : memref<79x128xi32, #tpu.memory_space<vmem>> -> memref<1x128xi32, #tpu.memory_space<vmem>>
      %dma_start3A_92 = tpu.memref_squeeze %dma_start3A_91 : memref<1x128xi32, #tpu.memory_space<vmem>> -> memref<128xi32, #tpu.memory_space<vmem>>
      %dma_start3A_93 = arith.constant 0 : i32
      %dma_start3A_94 = arith.constant 0 : i32
      %dma_start3A_95 = tpu.memref_slice %arg3[%dma_start3A_93, %dma_start3A_94] : memref<10240x32xf32, #tpu.memory_space<hbm>> -> memref<10240x32xf32, #tpu.memory_space<hbm>>
      tpu.enqueue_indirect_dma source(%dma_start3A_95 : memref<10240x32xf32, #tpu.memory_space<hbm>>) target(%arg7 : memref<128x32xf32, #tpu.memory_space<vmem>>) offsets(%dma_start3A_92 : memref<128xi32, #tpu.memory_space<vmem>>) semaphore(%arg20 : memref<!tpu.dma_semaphore, #tpu.memory_space<semaphore_mem>>)
      %add3A_96 = arith.constant 1 : i32
      %add3A_97 = arith.addi %add3A_87, %add3A_96 : i32
      %dma_start3A_98 = arith.constant 0 : i32
      %dma_start3A_99 = tpu.memref_slice %arg5[%add3A_97, %dma_start3A_98] : memref<79x128xi32, #tpu.memory_space<vmem>> -> memref<1x128xi32, #tpu.memory_space<vmem>>
      %dma_start3A_100 = tpu.memref_squeeze %dma_start3A_99 : memref<1x128xi32, #tpu.memory_space<vmem>> -> memref<128xi32, #tpu.memory_space<vmem>>
      %dma_start3A_101 = arith.constant 0 : i32
      %dma_start3A_102 = arith.constant 0 : i32
      %dma_start3A_103 = tpu.memref_slice %arg3[%dma_start3A_101, %dma_start3A_102] : memref<10240x32xf32, #tpu.memory_space<hbm>> -> memref<10240x32xf32, #tpu.memory_space<hbm>>
      tpu.enqueue_indirect_dma source(%dma_start3A_103 : memref<10240x32xf32, #tpu.memory_space<hbm>>) target(%arg8 : memref<128x32xf32, #tpu.memory_space<vmem>>) offsets(%dma_start3A_100 : memref<128xi32, #tpu.memory_space<vmem>>) semaphore(%arg21 : memref<!tpu.dma_semaphore, #tpu.memory_space<semaphore_mem>>)
      %add3A_104 = arith.constant 2 : i32
      %add3A_105 = arith.addi %add3A_87, %add3A_104 : i32
      %dma_start3A_106 = arith.constant 0 : i32
      %dma_start3A_107 = tpu.memref_slice %arg5[%add3A_105, %dma_start3A_106] : memref<79x128xi32, #tpu.memory_space<vmem>> -> memref<1x128xi32, #tpu.memory_space<vmem>>
      %dma_start3A_108 = tpu.memref_squeeze %dma_start3A_107 : memref<1x128xi32, #tpu.memory_space<vmem>> -> memref<128xi32, #tpu.memory_space<vmem>>
      %dma_start3A_109 = arith.constant 0 : i32
      %dma_start3A_110 = arith.constant 0 : i32
      %dma_start3A_111 = tpu.memref_slice %arg3[%dma_start3A_109, %dma_start3A_110] : memref<10240x32xf32, #tpu.memory_space<hbm>> -> memref<10240x32xf32, #tpu.memory_space<hbm>>
      tpu.enqueue_indirect_dma source(%dma_start3A_111 : memref<10240x32xf32, #tpu.memory_space<hbm>>) target(%arg9 : memref<128x32xf32, #tpu.memory_space<vmem>>) offsets(%dma_start3A_108 : memref<128xi32, #tpu.memory_space<vmem>>) semaphore(%arg22 : memref<!tpu.dma_semaphore, #tpu.memory_space<semaphore_mem>>)
      %add3A_112 = arith.constant 3 : i32
      %add3A_113 = arith.addi %add3A_87, %add3A_112 : i32
      %dma_start3A_114 = arith.constant 0 : i32
      %dma_start3A_115 = tpu.memref_slice %arg5[%add3A_113, %dma_start3A_114] : memref<79x128xi32, #tpu.memory_space<vmem>> -> memref<1x128xi32, #tpu.memory_space<vmem>>
      %dma_start3A_116 = tpu.memref_squeeze %dma_start3A_115 : memref<1x128xi32, #tpu.memory_space<vmem>> -> memref<128xi32, #tpu.memory_space<vmem>>
      %dma_start3A_117 = arith.constant 0 : i32
      %dma_start3A_118 = arith.constant 0 : i32
      %dma_start3A_119 = tpu.memref_slice %arg3[%dma_start3A_117, %dma_start3A_118] : memref<10240x32xf32, #tpu.memory_space<hbm>> -> memref<10240x32xf32, #tpu.memory_space<hbm>>
      tpu.enqueue_indirect_dma source(%dma_start3A_119 : memref<10240x32xf32, #tpu.memory_space<hbm>>) target(%arg10 : memref<128x32xf32, #tpu.memory_space<vmem>>) offsets(%dma_start3A_116 : memref<128xi32, #tpu.memory_space<vmem>>) semaphore(%arg23 : memref<!tpu.dma_semaphore, #tpu.memory_space<semaphore_mem>>)
      %add3A_120 = arith.constant 4 : i32
      %add3A_121 = arith.addi %add3A_87, %add3A_120 : i32
      %dma_start3A_122 = arith.constant 0 : i32
      %dma_start3A_123 = tpu.memref_slice %arg5[%add3A_121, %dma_start3A_122] : memref<79x128xi32, #tpu.memory_space<vmem>> -> memref<1x128xi32, #tpu.memory_space<vmem>>
      %dma_start3A_124 = tpu.memref_squeeze %dma_start3A_123 : memref<1x128xi32, #tpu.memory_space<vmem>> -> memref<128xi32, #tpu.memory_space<vmem>>
      %dma_start3A_125 = arith.constant 0 : i32
      %dma_start3A_126 = arith.constant 0 : i32
      %dma_start3A_127 = tpu.memref_slice %arg3[%dma_start3A_125, %dma_start3A_126] : memref<10240x32xf32, #tpu.memory_space<hbm>> -> memref<10240x32xf32, #tpu.memory_space<hbm>>
      tpu.enqueue_indirect_dma source(%dma_start3A_127 : memref<10240x32xf32, #tpu.memory_space<hbm>>) target(%arg11 : memref<128x32xf32, #tpu.memory_space<vmem>>) offsets(%dma_start3A_124 : memref<128xi32, #tpu.memory_space<vmem>>) semaphore(%arg24 : memref<!tpu.dma_semaphore, #tpu.memory_space<semaphore_mem>>)
      %add3A_128 = arith.constant 5 : i32
      %add3A_129 = arith.addi %add3A_87, %add3A_128 : i32
      %dma_start3A_130 = arith.constant 0 : i32
      %dma_start3A_131 = tpu.memref_slice %arg5[%add3A_129, %dma_start3A_130] : memref<79x128xi32, #tpu.memory_space<vmem>> -> memref<1x128xi32, #tpu.memory_space<vmem>>
      %dma_start3A_132 = tpu.memref_squeeze %dma_start3A_131 : memref<1x128xi32, #tpu.memory_space<vmem>> -> memref<128xi32, #tpu.memory_space<vmem>>
      %dma_start3A_133 = arith.constant 0 : i32
      %dma_start3A_134 = arith.constant 0 : i32
      %dma_start3A_135 = tpu.memref_slice %arg3[%dma_start3A_133, %dma_start3A_134] : memref<10240x32xf32, #tpu.memory_space<hbm>> -> memref<10240x32xf32, #tpu.memory_space<hbm>>
      tpu.enqueue_indirect_dma source(%dma_start3A_135 : memref<10240x32xf32, #tpu.memory_space<hbm>>) target(%arg12 : memref<128x32xf32, #tpu.memory_space<vmem>>) offsets(%dma_start3A_132 : memref<128xi32, #tpu.memory_space<vmem>>) semaphore(%arg25 : memref<!tpu.dma_semaphore, #tpu.memory_space<semaphore_mem>>)
      %add3A_136 = arith.constant 6 : i32
      %add3A_137 = arith.addi %add3A_87, %add3A_136 : i32
      %dma_start3A_138 = arith.constant 0 : i32
      %dma_start3A_139 = tpu.memref_slice %arg5[%add3A_137, %dma_start3A_138] : memref<79x128xi32, #tpu.memory_space<vmem>> -> memref<1x128xi32, #tpu.memory_space<vmem>>
      %dma_start3A_140 = tpu.memref_squeeze %dma_start3A_139 : memref<1x128xi32, #tpu.memory_space<vmem>> -> memref<128xi32, #tpu.memory_space<vmem>>
      %dma_start3A_141 = arith.constant 0 : i32
      %dma_start3A_142 = arith.constant 0 : i32
      %dma_start3A_143 = tpu.memref_slice %arg3[%dma_start3A_141, %dma_start3A_142] : memref<10240x32xf32, #tpu.memory_space<hbm>> -> memref<10240x32xf32, #tpu.memory_space<hbm>>
      tpu.enqueue_indirect_dma source(%dma_start3A_143 : memref<10240x32xf32, #tpu.memory_space<hbm>>) target(%arg13 : memref<128x32xf32, #tpu.memory_space<vmem>>) offsets(%dma_start3A_140 : memref<128xi32, #tpu.memory_space<vmem>>) semaphore(%arg26 : memref<!tpu.dma_semaphore, #tpu.memory_space<semaphore_mem>>)
      %add3A_144 = arith.constant 7 : i32
      %add3A_145 = arith.addi %add3A_87, %add3A_144 : i32
      %dma_start3A_146 = arith.constant 0 : i32
      %dma_start3A_147 = tpu.memref_slice %arg5[%add3A_145, %dma_start3A_146] : memref<79x128xi32, #tpu.memory_space<vmem>> -> memref<1x128xi32, #tpu.memory_space<vmem>>
      %dma_start3A_148 = tpu.memref_squeeze %dma_start3A_147 : memref<1x128xi32, #tpu.memory_space<vmem>> -> memref<128xi32, #tpu.memory_space<vmem>>
      %dma_start3A_149 = arith.constant 0 : i32
      %dma_start3A_150 = arith.constant 0 : i32
      %dma_start3A_151 = tpu.memref_slice %arg3[%dma_start3A_149, %dma_start3A_150] : memref<10240x32xf32, #tpu.memory_space<hbm>> -> memref<10240x32xf32, #tpu.memory_space<hbm>>
      tpu.enqueue_indirect_dma source(%dma_start3A_151 : memref<10240x32xf32, #tpu.memory_space<hbm>>) target(%arg14 : memref<128x32xf32, #tpu.memory_space<vmem>>) offsets(%dma_start3A_148 : memref<128xi32, #tpu.memory_space<vmem>>) semaphore(%arg27 : memref<!tpu.dma_semaphore, #tpu.memory_space<semaphore_mem>>)
      %add3A_152 = arith.constant 8 : i32
      %add3A_153 = arith.addi %add3A_87, %add3A_152 : i32
      %dma_start3A_154 = arith.constant 0 : i32
      %dma_start3A_155 = tpu.memref_slice %arg5[%add3A_153, %dma_start3A_154] : memref<79x128xi32, #tpu.memory_space<vmem>> -> memref<1x128xi32, #tpu.memory_space<vmem>>
      %dma_start3A_156 = tpu.memref_squeeze %dma_start3A_155 : memref<1x128xi32, #tpu.memory_space<vmem>> -> memref<128xi32, #tpu.memory_space<vmem>>
      %dma_start3A_157 = arith.constant 0 : i32
      %dma_start3A_158 = arith.constant 0 : i32
      %dma_start3A_159 = tpu.memref_slice %arg3[%dma_start3A_157, %dma_start3A_158] : memref<10240x32xf32, #tpu.memory_space<hbm>> -> memref<10240x32xf32, #tpu.memory_space<hbm>>
      tpu.enqueue_indirect_dma source(%dma_start3A_159 : memref<10240x32xf32, #tpu.memory_space<hbm>>) target(%arg15 : memref<128x32xf32, #tpu.memory_space<vmem>>) offsets(%dma_start3A_156 : memref<128xi32, #tpu.memory_space<vmem>>) semaphore(%arg28 : memref<!tpu.dma_semaphore, #tpu.memory_space<semaphore_mem>>)
      %add3A_160 = arith.constant 9 : i32
      %add3A_161 = arith.addi %add3A_87, %add3A_160 : i32
      %dma_start3A_162 = arith.constant 0 : i32
      %dma_start3A_163 = tpu.memref_slice %arg5[%add3A_161, %dma_start3A_162] : memref<79x128xi32, #tpu.memory_space<vmem>> -> memref<1x128xi32, #tpu.memory_space<vmem>>
      %dma_start3A_164 = tpu.memref_squeeze %dma_start3A_163 : memref<1x128xi32, #tpu.memory_space<vmem>> -> memref<128xi32, #tpu.memory_space<vmem>>
      %dma_start3A_165 = arith.constant 0 : i32
      %dma_start3A_166 = arith.constant 0 : i32
      %dma_start3A_167 = tpu.memref_slice %arg3[%dma_start3A_165, %dma_start3A_166] : memref<10240x32xf32, #tpu.memory_space<hbm>> -> memref<10240x32xf32, #tpu.memory_space<hbm>>
      tpu.enqueue_indirect_dma source(%dma_start3A_167 : memref<10240x32xf32, #tpu.memory_space<hbm>>) target(%arg16 : memref<128x32xf32, #tpu.memory_space<vmem>>) offsets(%dma_start3A_164 : memref<128xi32, #tpu.memory_space<vmem>>) semaphore(%arg29 : memref<!tpu.dma_semaphore, #tpu.memory_space<semaphore_mem>>)
      %add3A_168 = arith.constant 10 : i32
      %add3A_169 = arith.addi %add3A_87, %add3A_168 : i32
      %dma_start3A_170 = arith.constant 0 : i32
      %dma_start3A_171 = tpu.memref_slice %arg5[%add3A_169, %dma_start3A_170] : memref<79x128xi32, #tpu.memory_space<vmem>> -> memref<1x128xi32, #tpu.memory_space<vmem>>
      %dma_start3A_172 = tpu.memref_squeeze %dma_start3A_171 : memref<1x128xi32, #tpu.memory_space<vmem>> -> memref<128xi32, #tpu.memory_space<vmem>>
      %dma_start3A_173 = arith.constant 0 : i32
      %dma_start3A_174 = arith.constant 0 : i32
      %dma_start3A_175 = tpu.memref_slice %arg3[%dma_start3A_173, %dma_start3A_174] : memref<10240x32xf32, #tpu.memory_space<hbm>> -> memref<10240x32xf32, #tpu.memory_space<hbm>>
      tpu.enqueue_indirect_dma source(%dma_start3A_175 : memref<10240x32xf32, #tpu.memory_space<hbm>>) target(%arg17 : memref<128x32xf32, #tpu.memory_space<vmem>>) offsets(%dma_start3A_172 : memref<128xi32, #tpu.memory_space<vmem>>) semaphore(%arg30 : memref<!tpu.dma_semaphore, #tpu.memory_space<semaphore_mem>>)
      %add3A_176 = arith.constant 11 : i32
      %add3A_177 = arith.addi %add3A_87, %add3A_176 : i32
      %dma_start3A_178 = arith.constant 0 : i32
      %dma_start3A_179 = tpu.memref_slice %arg5[%add3A_177, %dma_start3A_178] : memref<79x128xi32, #tpu.memory_space<vmem>> -> memref<1x128xi32, #tpu.memory_space<vmem>>
      %dma_start3A_180 = tpu.memref_squeeze %dma_start3A_179 : memref<1x128xi32, #tpu.memory_space<vmem>> -> memref<128xi32, #tpu.memory_space<vmem>>
      %dma_start3A_181 = arith.constant 0 : i32
      %dma_start3A_182 = arith.constant 0 : i32
      %dma_start3A_183 = tpu.memref_slice %arg3[%dma_start3A_181, %dma_start3A_182] : memref<10240x32xf32, #tpu.memory_space<hbm>> -> memref<10240x32xf32, #tpu.memory_space<hbm>>
      tpu.enqueue_indirect_dma source(%dma_start3A_183 : memref<10240x32xf32, #tpu.memory_space<hbm>>) target(%arg18 : memref<128x32xf32, #tpu.memory_space<vmem>>) offsets(%dma_start3A_180 : memref<128xi32, #tpu.memory_space<vmem>>) semaphore(%arg31 : memref<!tpu.dma_semaphore, #tpu.memory_space<semaphore_mem>>)
      %add3A_184 = arith.constant 12 : i32
      %add3A_185 = arith.addi %add3A_87, %add3A_184 : i32
      %dma_start3A_186 = arith.constant 0 : i32
      %dma_start3A_187 = tpu.memref_slice %arg5[%add3A_185, %dma_start3A_186] : memref<79x128xi32, #tpu.memory_space<vmem>> -> memref<1x128xi32, #tpu.memory_space<vmem>>
      %dma_start3A_188 = tpu.memref_squeeze %dma_start3A_187 : memref<1x128xi32, #tpu.memory_space<vmem>> -> memref<128xi32, #tpu.memory_space<vmem>>
      %dma_start3A_189 = arith.constant 0 : i32
      %dma_start3A_190 = arith.constant 0 : i32
      %dma_start3A_191 = tpu.memref_slice %arg3[%dma_start3A_189, %dma_start3A_190] : memref<10240x32xf32, #tpu.memory_space<hbm>> -> memref<10240x32xf32, #tpu.memory_space<hbm>>
      tpu.enqueue_indirect_dma source(%dma_start3A_191 : memref<10240x32xf32, #tpu.memory_space<hbm>>) target(%arg19 : memref<128x32xf32, #tpu.memory_space<vmem>>) offsets(%dma_start3A_188 : memref<128xi32, #tpu.memory_space<vmem>>) semaphore(%arg32 : memref<!tpu.dma_semaphore, #tpu.memory_space<semaphore_mem>>)
      %dma_wait3A_192 = arith.constant 0 : i32
      %dma_wait3A_193 = tpu.memref_slice %arg5[%add3A_89, %dma_wait3A_192] : memref<79x128xi32, #tpu.memory_space<vmem>> -> memref<1x128xi32, #tpu.memory_space<vmem>>
      %dma_wait3A_194 = tpu.memref_squeeze %dma_wait3A_193 : memref<1x128xi32, #tpu.memory_space<vmem>> -> memref<128xi32, #tpu.memory_space<vmem>>
      %dma_wait3A_195 = arith.constant 0 : i32
      %dma_wait3A_196 = arith.constant 0 : i32
      %dma_wait3A_197 = tpu.memref_slice %arg3[%dma_wait3A_195, %dma_wait3A_196] : memref<10240x32xf32, #tpu.memory_space<hbm>> -> memref<10240x32xf32, #tpu.memory_space<hbm>>
      tpu.wait_indirect_dma semaphore(%arg20 : memref<!tpu.dma_semaphore, #tpu.memory_space<semaphore_mem>>) src(%dma_wait3A_197 : memref<10240x32xf32, #tpu.memory_space<hbm>>) dst(%arg7 : memref<128x32xf32, #tpu.memory_space<vmem>>)
      %add3A_198 = arith.constant 0 : i32
      %add3A_199 = arith.addi %add3A_87, %add3A_198 : i32
      %dma_start3A_200 = arith.constant 0 : i32
      %dma_start3A_201 = tpu.memref_slice %arg6[%add3A_199, %dma_start3A_200] : memref<79x128xi32, #tpu.memory_space<vmem>> -> memref<1x128xi32, #tpu.memory_space<vmem>>
      %dma_start3A_202 = tpu.memref_squeeze %dma_start3A_201 : memref<1x128xi32, #tpu.memory_space<vmem>> -> memref<128xi32, #tpu.memory_space<vmem>>
      %dma_start3A_203 = arith.constant 0 : i32
      %dma_start3A_204 = arith.constant 0 : i32
      %dma_start3A_205 = tpu.memref_slice %arg46[%dma_start3A_203, %dma_start3A_204] : memref<10240x32xf32, #tpu.memory_space<vmem_shared>> -> memref<10240x32xf32, #tpu.memory_space<vmem_shared>>
      tpu.enqueue_indirect_dma source(%arg7 : memref<128x32xf32, #tpu.memory_space<vmem>>) target(%dma_start3A_205 : memref<10240x32xf32, #tpu.memory_space<vmem_shared>>) offsets(%dma_start3A_202 : memref<128xi32, #tpu.memory_space<vmem>>) semaphore(%arg33 : memref<!tpu.dma_semaphore, #tpu.memory_space<semaphore_mem>>) {add = true}
      %dma_wait3A_206 = arith.constant 0 : i32
      %dma_wait3A_207 = tpu.memref_slice %arg5[%add3A_97, %dma_wait3A_206] : memref<79x128xi32, #tpu.memory_space<vmem>> -> memref<1x128xi32, #tpu.memory_space<vmem>>
      %dma_wait3A_208 = tpu.memref_squeeze %dma_wait3A_207 : memref<1x128xi32, #tpu.memory_space<vmem>> -> memref<128xi32, #tpu.memory_space<vmem>>
      %dma_wait3A_209 = arith.constant 0 : i32
      %dma_wait3A_210 = arith.constant 0 : i32
      %dma_wait3A_211 = tpu.memref_slice %arg3[%dma_wait3A_209, %dma_wait3A_210] : memref<10240x32xf32, #tpu.memory_space<hbm>> -> memref<10240x32xf32, #tpu.memory_space<hbm>>
      tpu.wait_indirect_dma semaphore(%arg21 : memref<!tpu.dma_semaphore, #tpu.memory_space<semaphore_mem>>) src(%dma_wait3A_211 : memref<10240x32xf32, #tpu.memory_space<hbm>>) dst(%arg8 : memref<128x32xf32, #tpu.memory_space<vmem>>)
      %add3A_212 = arith.constant 1 : i32
      %add3A_213 = arith.addi %add3A_87, %add3A_212 : i32
      %dma_start3A_214 = arith.constant 0 : i32
      %dma_start3A_215 = tpu.memref_slice %arg6[%add3A_213, %dma_start3A_214] : memref<79x128xi32, #tpu.memory_space<vmem>> -> memref<1x128xi32, #tpu.memory_space<vmem>>
      %dma_start3A_216 = tpu.memref_squeeze %dma_start3A_215 : memref<1x128xi32, #tpu.memory_space<vmem>> -> memref<128xi32, #tpu.memory_space<vmem>>
      %dma_start3A_217 = arith.constant 0 : i32
      %dma_start3A_218 = arith.constant 0 : i32
      %dma_start3A_219 = tpu.memref_slice %arg46[%dma_start3A_217, %dma_start3A_218] : memref<10240x32xf32, #tpu.memory_space<vmem_shared>> -> memref<10240x32xf32, #tpu.memory_space<vmem_shared>>
      tpu.enqueue_indirect_dma source(%arg8 : memref<128x32xf32, #tpu.memory_space<vmem>>) target(%dma_start3A_219 : memref<10240x32xf32, #tpu.memory_space<vmem_shared>>) offsets(%dma_start3A_216 : memref<128xi32, #tpu.memory_space<vmem>>) semaphore(%arg34 : memref<!tpu.dma_semaphore, #tpu.memory_space<semaphore_mem>>) {add = true}
      %dma_wait3A_220 = arith.constant 0 : i32
      %dma_wait3A_221 = tpu.memref_slice %arg5[%add3A_105, %dma_wait3A_220] : memref<79x128xi32, #tpu.memory_space<vmem>> -> memref<1x128xi32, #tpu.memory_space<vmem>>
      %dma_wait3A_222 = tpu.memref_squeeze %dma_wait3A_221 : memref<1x128xi32, #tpu.memory_space<vmem>> -> memref<128xi32, #tpu.memory_space<vmem>>
      %dma_wait3A_223 = arith.constant 0 : i32
      %dma_wait3A_224 = arith.constant 0 : i32
      %dma_wait3A_225 = tpu.memref_slice %arg3[%dma_wait3A_223, %dma_wait3A_224] : memref<10240x32xf32, #tpu.memory_space<hbm>> -> memref<10240x32xf32, #tpu.memory_space<hbm>>
      tpu.wait_indirect_dma semaphore(%arg22 : memref<!tpu.dma_semaphore, #tpu.memory_space<semaphore_mem>>) src(%dma_wait3A_225 : memref<10240x32xf32, #tpu.memory_space<hbm>>) dst(%arg9 : memref<128x32xf32, #tpu.memory_space<vmem>>)
      %add3A_226 = arith.constant 2 : i32
      %add3A_227 = arith.addi %add3A_87, %add3A_226 : i32
      %dma_start3A_228 = arith.constant 0 : i32
      %dma_start3A_229 = tpu.memref_slice %arg6[%add3A_227, %dma_start3A_228] : memref<79x128xi32, #tpu.memory_space<vmem>> -> memref<1x128xi32, #tpu.memory_space<vmem>>
      %dma_start3A_230 = tpu.memref_squeeze %dma_start3A_229 : memref<1x128xi32, #tpu.memory_space<vmem>> -> memref<128xi32, #tpu.memory_space<vmem>>
      %dma_start3A_231 = arith.constant 0 : i32
      %dma_start3A_232 = arith.constant 0 : i32
      %dma_start3A_233 = tpu.memref_slice %arg46[%dma_start3A_231, %dma_start3A_232] : memref<10240x32xf32, #tpu.memory_space<vmem_shared>> -> memref<10240x32xf32, #tpu.memory_space<vmem_shared>>
      tpu.enqueue_indirect_dma source(%arg9 : memref<128x32xf32, #tpu.memory_space<vmem>>) target(%dma_start3A_233 : memref<10240x32xf32, #tpu.memory_space<vmem_shared>>) offsets(%dma_start3A_230 : memref<128xi32, #tpu.memory_space<vmem>>) semaphore(%arg35 : memref<!tpu.dma_semaphore, #tpu.memory_space<semaphore_mem>>) {add = true}
      %dma_wait3A_234 = arith.constant 0 : i32
      %dma_wait3A_235 = tpu.memref_slice %arg5[%add3A_113, %dma_wait3A_234] : memref<79x128xi32, #tpu.memory_space<vmem>> -> memref<1x128xi32, #tpu.memory_space<vmem>>
      %dma_wait3A_236 = tpu.memref_squeeze %dma_wait3A_235 : memref<1x128xi32, #tpu.memory_space<vmem>> -> memref<128xi32, #tpu.memory_space<vmem>>
      %dma_wait3A_237 = arith.constant 0 : i32
      %dma_wait3A_238 = arith.constant 0 : i32
      %dma_wait3A_239 = tpu.memref_slice %arg3[%dma_wait3A_237, %dma_wait3A_238] : memref<10240x32xf32, #tpu.memory_space<hbm>> -> memref<10240x32xf32, #tpu.memory_space<hbm>>
      tpu.wait_indirect_dma semaphore(%arg23 : memref<!tpu.dma_semaphore, #tpu.memory_space<semaphore_mem>>) src(%dma_wait3A_239 : memref<10240x32xf32, #tpu.memory_space<hbm>>) dst(%arg10 : memref<128x32xf32, #tpu.memory_space<vmem>>)
      %add3A_240 = arith.constant 3 : i32
      %add3A_241 = arith.addi %add3A_87, %add3A_240 : i32
      %dma_start3A_242 = arith.constant 0 : i32
      %dma_start3A_243 = tpu.memref_slice %arg6[%add3A_241, %dma_start3A_242] : memref<79x128xi32, #tpu.memory_space<vmem>> -> memref<1x128xi32, #tpu.memory_space<vmem>>
      %dma_start3A_244 = tpu.memref_squeeze %dma_start3A_243 : memref<1x128xi32, #tpu.memory_space<vmem>> -> memref<128xi32, #tpu.memory_space<vmem>>
      %dma_start3A_245 = arith.constant 0 : i32
      %dma_start3A_246 = arith.constant 0 : i32
      %dma_start3A_247 = tpu.memref_slice %arg46[%dma_start3A_245, %dma_start3A_246] : memref<10240x32xf32, #tpu.memory_space<vmem_shared>> -> memref<10240x32xf32, #tpu.memory_space<vmem_shared>>
      tpu.enqueue_indirect_dma source(%arg10 : memref<128x32xf32, #tpu.memory_space<vmem>>) target(%dma_start3A_247 : memref<10240x32xf32, #tpu.memory_space<vmem_shared>>) offsets(%dma_start3A_244 : memref<128xi32, #tpu.memory_space<vmem>>) semaphore(%arg36 : memref<!tpu.dma_semaphore, #tpu.memory_space<semaphore_mem>>) {add = true}
      %dma_wait3A_248 = arith.constant 0 : i32
      %dma_wait3A_249 = tpu.memref_slice %arg5[%add3A_121, %dma_wait3A_248] : memref<79x128xi32, #tpu.memory_space<vmem>> -> memref<1x128xi32, #tpu.memory_space<vmem>>
      %dma_wait3A_250 = tpu.memref_squeeze %dma_wait3A_249 : memref<1x128xi32, #tpu.memory_space<vmem>> -> memref<128xi32, #tpu.memory_space<vmem>>
      %dma_wait3A_251 = arith.constant 0 : i32
      %dma_wait3A_252 = arith.constant 0 : i32
      %dma_wait3A_253 = tpu.memref_slice %arg3[%dma_wait3A_251, %dma_wait3A_252] : memref<10240x32xf32, #tpu.memory_space<hbm>> -> memref<10240x32xf32, #tpu.memory_space<hbm>>
      tpu.wait_indirect_dma semaphore(%arg24 : memref<!tpu.dma_semaphore, #tpu.memory_space<semaphore_mem>>) src(%dma_wait3A_253 : memref<10240x32xf32, #tpu.memory_space<hbm>>) dst(%arg11 : memref<128x32xf32, #tpu.memory_space<vmem>>)
      %add3A_254 = arith.constant 4 : i32
      %add3A_255 = arith.addi %add3A_87, %add3A_254 : i32
      %dma_start3A_256 = arith.constant 0 : i32
      %dma_start3A_257 = tpu.memref_slice %arg6[%add3A_255, %dma_start3A_256] : memref<79x128xi32, #tpu.memory_space<vmem>> -> memref<1x128xi32, #tpu.memory_space<vmem>>
      %dma_start3A_258 = tpu.memref_squeeze %dma_start3A_257 : memref<1x128xi32, #tpu.memory_space<vmem>> -> memref<128xi32, #tpu.memory_space<vmem>>
      %dma_start3A_259 = arith.constant 0 : i32
      %dma_start3A_260 = arith.constant 0 : i32
      %dma_start3A_261 = tpu.memref_slice %arg46[%dma_start3A_259, %dma_start3A_260] : memref<10240x32xf32, #tpu.memory_space<vmem_shared>> -> memref<10240x32xf32, #tpu.memory_space<vmem_shared>>
      tpu.enqueue_indirect_dma source(%arg11 : memref<128x32xf32, #tpu.memory_space<vmem>>) target(%dma_start3A_261 : memref<10240x32xf32, #tpu.memory_space<vmem_shared>>) offsets(%dma_start3A_258 : memref<128xi32, #tpu.memory_space<vmem>>) semaphore(%arg37 : memref<!tpu.dma_semaphore, #tpu.memory_space<semaphore_mem>>) {add = true}
      %dma_wait3A_262 = arith.constant 0 : i32
      %dma_wait3A_263 = tpu.memref_slice %arg5[%add3A_129, %dma_wait3A_262] : memref<79x128xi32, #tpu.memory_space<vmem>> -> memref<1x128xi32, #tpu.memory_space<vmem>>
      %dma_wait3A_264 = tpu.memref_squeeze %dma_wait3A_263 : memref<1x128xi32, #tpu.memory_space<vmem>> -> memref<128xi32, #tpu.memory_space<vmem>>
      %dma_wait3A_265 = arith.constant 0 : i32
      %dma_wait3A_266 = arith.constant 0 : i32
      %dma_wait3A_267 = tpu.memref_slice %arg3[%dma_wait3A_265, %dma_wait3A_266] : memref<10240x32xf32, #tpu.memory_space<hbm>> -> memref<10240x32xf32, #tpu.memory_space<hbm>>
      tpu.wait_indirect_dma semaphore(%arg25 : memref<!tpu.dma_semaphore, #tpu.memory_space<semaphore_mem>>) src(%dma_wait3A_267 : memref<10240x32xf32, #tpu.memory_space<hbm>>) dst(%arg12 : memref<128x32xf32, #tpu.memory_space<vmem>>)
      %add3A_268 = arith.constant 5 : i32
      %add3A_269 = arith.addi %add3A_87, %add3A_268 : i32
      %dma_start3A_270 = arith.constant 0 : i32
      %dma_start3A_271 = tpu.memref_slice %arg6[%add3A_269, %dma_start3A_270] : memref<79x128xi32, #tpu.memory_space<vmem>> -> memref<1x128xi32, #tpu.memory_space<vmem>>
      %dma_start3A_272 = tpu.memref_squeeze %dma_start3A_271 : memref<1x128xi32, #tpu.memory_space<vmem>> -> memref<128xi32, #tpu.memory_space<vmem>>
      %dma_start3A_273 = arith.constant 0 : i32
      %dma_start3A_274 = arith.constant 0 : i32
      %dma_start3A_275 = tpu.memref_slice %arg46[%dma_start3A_273, %dma_start3A_274] : memref<10240x32xf32, #tpu.memory_space<vmem_shared>> -> memref<10240x32xf32, #tpu.memory_space<vmem_shared>>
      tpu.enqueue_indirect_dma source(%arg12 : memref<128x32xf32, #tpu.memory_space<vmem>>) target(%dma_start3A_275 : memref<10240x32xf32, #tpu.memory_space<vmem_shared>>) offsets(%dma_start3A_272 : memref<128xi32, #tpu.memory_space<vmem>>) semaphore(%arg38 : memref<!tpu.dma_semaphore, #tpu.memory_space<semaphore_mem>>) {add = true}
      %dma_wait3A_276 = arith.constant 0 : i32
      %dma_wait3A_277 = tpu.memref_slice %arg5[%add3A_137, %dma_wait3A_276] : memref<79x128xi32, #tpu.memory_space<vmem>> -> memref<1x128xi32, #tpu.memory_space<vmem>>
      %dma_wait3A_278 = tpu.memref_squeeze %dma_wait3A_277 : memref<1x128xi32, #tpu.memory_space<vmem>> -> memref<128xi32, #tpu.memory_space<vmem>>
      %dma_wait3A_279 = arith.constant 0 : i32
      %dma_wait3A_280 = arith.constant 0 : i32
      %dma_wait3A_281 = tpu.memref_slice %arg3[%dma_wait3A_279, %dma_wait3A_280] : memref<10240x32xf32, #tpu.memory_space<hbm>> -> memref<10240x32xf32, #tpu.memory_space<hbm>>
      tpu.wait_indirect_dma semaphore(%arg26 : memref<!tpu.dma_semaphore, #tpu.memory_space<semaphore_mem>>) src(%dma_wait3A_281 : memref<10240x32xf32, #tpu.memory_space<hbm>>) dst(%arg13 : memref<128x32xf32, #tpu.memory_space<vmem>>)
      %add3A_282 = arith.constant 6 : i32
      %add3A_283 = arith.addi %add3A_87, %add3A_282 : i32
      %dma_start3A_284 = arith.constant 0 : i32
      %dma_start3A_285 = tpu.memref_slice %arg6[%add3A_283, %dma_start3A_284] : memref<79x128xi32, #tpu.memory_space<vmem>> -> memref<1x128xi32, #tpu.memory_space<vmem>>
      %dma_start3A_286 = tpu.memref_squeeze %dma_start3A_285 : memref<1x128xi32, #tpu.memory_space<vmem>> -> memref<128xi32, #tpu.memory_space<vmem>>
      %dma_start3A_287 = arith.constant 0 : i32
      %dma_start3A_288 = arith.constant 0 : i32
      %dma_start3A_289 = tpu.memref_slice %arg46[%dma_start3A_287, %dma_start3A_288] : memref<10240x32xf32, #tpu.memory_space<vmem_shared>> -> memref<10240x32xf32, #tpu.memory_space<vmem_shared>>
      tpu.enqueue_indirect_dma source(%arg13 : memref<128x32xf32, #tpu.memory_space<vmem>>) target(%dma_start3A_289 : memref<10240x32xf32, #tpu.memory_space<vmem_shared>>) offsets(%dma_start3A_286 : memref<128xi32, #tpu.memory_space<vmem>>) semaphore(%arg39 : memref<!tpu.dma_semaphore, #tpu.memory_space<semaphore_mem>>) {add = true}
      %dma_wait3A_290 = arith.constant 0 : i32
      %dma_wait3A_291 = tpu.memref_slice %arg5[%add3A_145, %dma_wait3A_290] : memref<79x128xi32, #tpu.memory_space<vmem>> -> memref<1x128xi32, #tpu.memory_space<vmem>>
      %dma_wait3A_292 = tpu.memref_squeeze %dma_wait3A_291 : memref<1x128xi32, #tpu.memory_space<vmem>> -> memref<128xi32, #tpu.memory_space<vmem>>
      %dma_wait3A_293 = arith.constant 0 : i32
      %dma_wait3A_294 = arith.constant 0 : i32
      %dma_wait3A_295 = tpu.memref_slice %arg3[%dma_wait3A_293, %dma_wait3A_294] : memref<10240x32xf32, #tpu.memory_space<hbm>> -> memref<10240x32xf32, #tpu.memory_space<hbm>>
      tpu.wait_indirect_dma semaphore(%arg27 : memref<!tpu.dma_semaphore, #tpu.memory_space<semaphore_mem>>) src(%dma_wait3A_295 : memref<10240x32xf32, #tpu.memory_space<hbm>>) dst(%arg14 : memref<128x32xf32, #tpu.memory_space<vmem>>)
      %add3A_296 = arith.constant 7 : i32
      %add3A_297 = arith.addi %add3A_87, %add3A_296 : i32
      %dma_start3A_298 = arith.constant 0 : i32
      %dma_start3A_299 = tpu.memref_slice %arg6[%add3A_297, %dma_start3A_298] : memref<79x128xi32, #tpu.memory_space<vmem>> -> memref<1x128xi32, #tpu.memory_space<vmem>>
      %dma_start3A_300 = tpu.memref_squeeze %dma_start3A_299 : memref<1x128xi32, #tpu.memory_space<vmem>> -> memref<128xi32, #tpu.memory_space<vmem>>
      %dma_start3A_301 = arith.constant 0 : i32
      %dma_start3A_302 = arith.constant 0 : i32
      %dma_start3A_303 = tpu.memref_slice %arg46[%dma_start3A_301, %dma_start3A_302] : memref<10240x32xf32, #tpu.memory_space<vmem_shared>> -> memref<10240x32xf32, #tpu.memory_space<vmem_shared>>
      tpu.enqueue_indirect_dma source(%arg14 : memref<128x32xf32, #tpu.memory_space<vmem>>) target(%dma_start3A_303 : memref<10240x32xf32, #tpu.memory_space<vmem_shared>>) offsets(%dma_start3A_300 : memref<128xi32, #tpu.memory_space<vmem>>) semaphore(%arg40 : memref<!tpu.dma_semaphore, #tpu.memory_space<semaphore_mem>>) {add = true}
      %dma_wait3A_304 = arith.constant 0 : i32
      %dma_wait3A_305 = tpu.memref_slice %arg5[%add3A_153, %dma_wait3A_304] : memref<79x128xi32, #tpu.memory_space<vmem>> -> memref<1x128xi32, #tpu.memory_space<vmem>>
      %dma_wait3A_306 = tpu.memref_squeeze %dma_wait3A_305 : memref<1x128xi32, #tpu.memory_space<vmem>> -> memref<128xi32, #tpu.memory_space<vmem>>
      %dma_wait3A_307 = arith.constant 0 : i32
      %dma_wait3A_308 = arith.constant 0 : i32
      %dma_wait3A_309 = tpu.memref_slice %arg3[%dma_wait3A_307, %dma_wait3A_308] : memref<10240x32xf32, #tpu.memory_space<hbm>> -> memref<10240x32xf32, #tpu.memory_space<hbm>>
      tpu.wait_indirect_dma semaphore(%arg28 : memref<!tpu.dma_semaphore, #tpu.memory_space<semaphore_mem>>) src(%dma_wait3A_309 : memref<10240x32xf32, #tpu.memory_space<hbm>>) dst(%arg15 : memref<128x32xf32, #tpu.memory_space<vmem>>)
      %add3A_310 = arith.constant 8 : i32
      %add3A_311 = arith.addi %add3A_87, %add3A_310 : i32
      %dma_start3A_312 = arith.constant 0 : i32
      %dma_start3A_313 = tpu.memref_slice %arg6[%add3A_311, %dma_start3A_312] : memref<79x128xi32, #tpu.memory_space<vmem>> -> memref<1x128xi32, #tpu.memory_space<vmem>>
      %dma_start3A_314 = tpu.memref_squeeze %dma_start3A_313 : memref<1x128xi32, #tpu.memory_space<vmem>> -> memref<128xi32, #tpu.memory_space<vmem>>
      %dma_start3A_315 = arith.constant 0 : i32
      %dma_start3A_316 = arith.constant 0 : i32
      %dma_start3A_317 = tpu.memref_slice %arg46[%dma_start3A_315, %dma_start3A_316] : memref<10240x32xf32, #tpu.memory_space<vmem_shared>> -> memref<10240x32xf32, #tpu.memory_space<vmem_shared>>
      tpu.enqueue_indirect_dma source(%arg15 : memref<128x32xf32, #tpu.memory_space<vmem>>) target(%dma_start3A_317 : memref<10240x32xf32, #tpu.memory_space<vmem_shared>>) offsets(%dma_start3A_314 : memref<128xi32, #tpu.memory_space<vmem>>) semaphore(%arg41 : memref<!tpu.dma_semaphore, #tpu.memory_space<semaphore_mem>>) {add = true}
      %dma_wait3A_318 = arith.constant 0 : i32
      %dma_wait3A_319 = tpu.memref_slice %arg5[%add3A_161, %dma_wait3A_318] : memref<79x128xi32, #tpu.memory_space<vmem>> -> memref<1x128xi32, #tpu.memory_space<vmem>>
      %dma_wait3A_320 = tpu.memref_squeeze %dma_wait3A_319 : memref<1x128xi32, #tpu.memory_space<vmem>> -> memref<128xi32, #tpu.memory_space<vmem>>
      %dma_wait3A_321 = arith.constant 0 : i32
      %dma_wait3A_322 = arith.constant 0 : i32
      %dma_wait3A_323 = tpu.memref_slice %arg3[%dma_wait3A_321, %dma_wait3A_322] : memref<10240x32xf32, #tpu.memory_space<hbm>> -> memref<10240x32xf32, #tpu.memory_space<hbm>>
      tpu.wait_indirect_dma semaphore(%arg29 : memref<!tpu.dma_semaphore, #tpu.memory_space<semaphore_mem>>) src(%dma_wait3A_323 : memref<10240x32xf32, #tpu.memory_space<hbm>>) dst(%arg16 : memref<128x32xf32, #tpu.memory_space<vmem>>)
      %add3A_324 = arith.constant 9 : i32
      %add3A_325 = arith.addi %add3A_87, %add3A_324 : i32
      %dma_start3A_326 = arith.constant 0 : i32
      %dma_start3A_327 = tpu.memref_slice %arg6[%add3A_325, %dma_start3A_326] : memref<79x128xi32, #tpu.memory_space<vmem>> -> memref<1x128xi32, #tpu.memory_space<vmem>>
      %dma_start3A_328 = tpu.memref_squeeze %dma_start3A_327 : memref<1x128xi32, #tpu.memory_space<vmem>> -> memref<128xi32, #tpu.memory_space<vmem>>
      %dma_start3A_329 = arith.constant 0 : i32
      %dma_start3A_330 = arith.constant 0 : i32
      %dma_start3A_331 = tpu.memref_slice %arg46[%dma_start3A_329, %dma_start3A_330] : memref<10240x32xf32, #tpu.memory_space<vmem_shared>> -> memref<10240x32xf32, #tpu.memory_space<vmem_shared>>
      tpu.enqueue_indirect_dma source(%arg16 : memref<128x32xf32, #tpu.memory_space<vmem>>) target(%dma_start3A_331 : memref<10240x32xf32, #tpu.memory_space<vmem_shared>>) offsets(%dma_start3A_328 : memref<128xi32, #tpu.memory_space<vmem>>) semaphore(%arg42 : memref<!tpu.dma_semaphore, #tpu.memory_space<semaphore_mem>>) {add = true}
      %dma_wait3A_332 = arith.constant 0 : i32
      %dma_wait3A_333 = tpu.memref_slice %arg5[%add3A_169, %dma_wait3A_332] : memref<79x128xi32, #tpu.memory_space<vmem>> -> memref<1x128xi32, #tpu.memory_space<vmem>>
      %dma_wait3A_334 = tpu.memref_squeeze %dma_wait3A_333 : memref<1x128xi32, #tpu.memory_space<vmem>> -> memref<128xi32, #tpu.memory_space<vmem>>
      %dma_wait3A_335 = arith.constant 0 : i32
      %dma_wait3A_336 = arith.constant 0 : i32
      %dma_wait3A_337 = tpu.memref_slice %arg3[%dma_wait3A_335, %dma_wait3A_336] : memref<10240x32xf32, #tpu.memory_space<hbm>> -> memref<10240x32xf32, #tpu.memory_space<hbm>>
      tpu.wait_indirect_dma semaphore(%arg30 : memref<!tpu.dma_semaphore, #tpu.memory_space<semaphore_mem>>) src(%dma_wait3A_337 : memref<10240x32xf32, #tpu.memory_space<hbm>>) dst(%arg17 : memref<128x32xf32, #tpu.memory_space<vmem>>)
      %add3A_338 = arith.constant 10 : i32
      %add3A_339 = arith.addi %add3A_87, %add3A_338 : i32
      %dma_start3A_340 = arith.constant 0 : i32
      %dma_start3A_341 = tpu.memref_slice %arg6[%add3A_339, %dma_start3A_340] : memref<79x128xi32, #tpu.memory_space<vmem>> -> memref<1x128xi32, #tpu.memory_space<vmem>>
      %dma_start3A_342 = tpu.memref_squeeze %dma_start3A_341 : memref<1x128xi32, #tpu.memory_space<vmem>> -> memref<128xi32, #tpu.memory_space<vmem>>
      %dma_start3A_343 = arith.constant 0 : i32
      %dma_start3A_344 = arith.constant 0 : i32
      %dma_start3A_345 = tpu.memref_slice %arg46[%dma_start3A_343, %dma_start3A_344] : memref<10240x32xf32, #tpu.memory_space<vmem_shared>> -> memref<10240x32xf32, #tpu.memory_space<vmem_shared>>
      tpu.enqueue_indirect_dma source(%arg17 : memref<128x32xf32, #tpu.memory_space<vmem>>) target(%dma_start3A_345 : memref<10240x32xf32, #tpu.memory_space<vmem_shared>>) offsets(%dma_start3A_342 : memref<128xi32, #tpu.memory_space<vmem>>) semaphore(%arg43 : memref<!tpu.dma_semaphore, #tpu.memory_space<semaphore_mem>>) {add = true}
      %dma_wait3A_346 = arith.constant 0 : i32
      %dma_wait3A_347 = tpu.memref_slice %arg5[%add3A_177, %dma_wait3A_346] : memref<79x128xi32, #tpu.memory_space<vmem>> -> memref<1x128xi32, #tpu.memory_space<vmem>>
      %dma_wait3A_348 = tpu.memref_squeeze %dma_wait3A_347 : memref<1x128xi32, #tpu.memory_space<vmem>> -> memref<128xi32, #tpu.memory_space<vmem>>
      %dma_wait3A_349 = arith.constant 0 : i32
      %dma_wait3A_350 = arith.constant 0 : i32
      %dma_wait3A_351 = tpu.memref_slice %arg3[%dma_wait3A_349, %dma_wait3A_350] : memref<10240x32xf32, #tpu.memory_space<hbm>> -> memref<10240x32xf32, #tpu.memory_space<hbm>>
      tpu.wait_indirect_dma semaphore(%arg31 : memref<!tpu.dma_semaphore, #tpu.memory_space<semaphore_mem>>) src(%dma_wait3A_351 : memref<10240x32xf32, #tpu.memory_space<hbm>>) dst(%arg18 : memref<128x32xf32, #tpu.memory_space<vmem>>)
      %add3A_352 = arith.constant 11 : i32
      %add3A_353 = arith.addi %add3A_87, %add3A_352 : i32
      %dma_start3A_354 = arith.constant 0 : i32
      %dma_start3A_355 = tpu.memref_slice %arg6[%add3A_353, %dma_start3A_354] : memref<79x128xi32, #tpu.memory_space<vmem>> -> memref<1x128xi32, #tpu.memory_space<vmem>>
      %dma_start3A_356 = tpu.memref_squeeze %dma_start3A_355 : memref<1x128xi32, #tpu.memory_space<vmem>> -> memref<128xi32, #tpu.memory_space<vmem>>
      %dma_start3A_357 = arith.constant 0 : i32
      %dma_start3A_358 = arith.constant 0 : i32
      %dma_start3A_359 = tpu.memref_slice %arg46[%dma_start3A_357, %dma_start3A_358] : memref<10240x32xf32, #tpu.memory_space<vmem_shared>> -> memref<10240x32xf32, #tpu.memory_space<vmem_shared>>
      tpu.enqueue_indirect_dma source(%arg18 : memref<128x32xf32, #tpu.memory_space<vmem>>) target(%dma_start3A_359 : memref<10240x32xf32, #tpu.memory_space<vmem_shared>>) offsets(%dma_start3A_356 : memref<128xi32, #tpu.memory_space<vmem>>) semaphore(%arg44 : memref<!tpu.dma_semaphore, #tpu.memory_space<semaphore_mem>>) {add = true}
      %dma_wait3A_360 = arith.constant 0 : i32
      %dma_wait3A_361 = tpu.memref_slice %arg5[%add3A_185, %dma_wait3A_360] : memref<79x128xi32, #tpu.memory_space<vmem>> -> memref<1x128xi32, #tpu.memory_space<vmem>>
      %dma_wait3A_362 = tpu.memref_squeeze %dma_wait3A_361 : memref<1x128xi32, #tpu.memory_space<vmem>> -> memref<128xi32, #tpu.memory_space<vmem>>
      %dma_wait3A_363 = arith.constant 0 : i32
      %dma_wait3A_364 = arith.constant 0 : i32
      %dma_wait3A_365 = tpu.memref_slice %arg3[%dma_wait3A_363, %dma_wait3A_364] : memref<10240x32xf32, #tpu.memory_space<hbm>> -> memref<10240x32xf32, #tpu.memory_space<hbm>>
      tpu.wait_indirect_dma semaphore(%arg32 : memref<!tpu.dma_semaphore, #tpu.memory_space<semaphore_mem>>) src(%dma_wait3A_365 : memref<10240x32xf32, #tpu.memory_space<hbm>>) dst(%arg19 : memref<128x32xf32, #tpu.memory_space<vmem>>)
      %add3A_366 = arith.constant 12 : i32
      %add3A_367 = arith.addi %add3A_87, %add3A_366 : i32
      %dma_start3A_368 = arith.constant 0 : i32
      %dma_start3A_369 = tpu.memref_slice %arg6[%add3A_367, %dma_start3A_368] : memref<79x128xi32, #tpu.memory_space<vmem>> -> memref<1x128xi32, #tpu.memory_space<vmem>>
      %dma_start3A_370 = tpu.memref_squeeze %dma_start3A_369 : memref<1x128xi32, #tpu.memory_space<vmem>> -> memref<128xi32, #tpu.memory_space<vmem>>
      %dma_start3A_371 = arith.constant 0 : i32
      %dma_start3A_372 = arith.constant 0 : i32
      %dma_start3A_373 = tpu.memref_slice %arg46[%dma_start3A_371, %dma_start3A_372] : memref<10240x32xf32, #tpu.memory_space<vmem_shared>> -> memref<10240x32xf32, #tpu.memory_space<vmem_shared>>
      tpu.enqueue_indirect_dma source(%arg19 : memref<128x32xf32, #tpu.memory_space<vmem>>) target(%dma_start3A_373 : memref<10240x32xf32, #tpu.memory_space<vmem_shared>>) offsets(%dma_start3A_370 : memref<128xi32, #tpu.memory_space<vmem>>) semaphore(%arg45 : memref<!tpu.dma_semaphore, #tpu.memory_space<semaphore_mem>>) {add = true}
      %dma_wait3A_374 = arith.constant 0 : i32
      %dma_wait3A_375 = tpu.memref_slice %arg6[%add3A_199, %dma_wait3A_374] : memref<79x128xi32, #tpu.memory_space<vmem>> -> memref<1x128xi32, #tpu.memory_space<vmem>>
      %dma_wait3A_376 = tpu.memref_squeeze %dma_wait3A_375 : memref<1x128xi32, #tpu.memory_space<vmem>> -> memref<128xi32, #tpu.memory_space<vmem>>
      %dma_wait3A_377 = arith.constant 0 : i32
      %dma_wait3A_378 = arith.constant 0 : i32
      %dma_wait3A_379 = tpu.memref_slice %arg46[%dma_wait3A_377, %dma_wait3A_378] : memref<10240x32xf32, #tpu.memory_space<vmem_shared>> -> memref<10240x32xf32, #tpu.memory_space<vmem_shared>>
      tpu.wait_indirect_dma semaphore(%arg33 : memref<!tpu.dma_semaphore, #tpu.memory_space<semaphore_mem>>) src(%arg7 : memref<128x32xf32, #tpu.memory_space<vmem>>) dst(%dma_wait3A_379 : memref<10240x32xf32, #tpu.memory_space<vmem_shared>>)
      %dma_wait3A_380 = arith.constant 0 : i32
      %dma_wait3A_381 = tpu.memref_slice %arg6[%add3A_213, %dma_wait3A_380] : memref<79x128xi32, #tpu.memory_space<vmem>> -> memref<1x128xi32, #tpu.memory_space<vmem>>
      %dma_wait3A_382 = tpu.memref_squeeze %dma_wait3A_381 : memref<1x128xi32, #tpu.memory_space<vmem>> -> memref<128xi32, #tpu.memory_space<vmem>>
      %dma_wait3A_383 = arith.constant 0 : i32
      %dma_wait3A_384 = arith.constant 0 : i32
      %dma_wait3A_385 = tpu.memref_slice %arg46[%dma_wait3A_383, %dma_wait3A_384] : memref<10240x32xf32, #tpu.memory_space<vmem_shared>> -> memref<10240x32xf32, #tpu.memory_space<vmem_shared>>
      tpu.wait_indirect_dma semaphore(%arg34 : memref<!tpu.dma_semaphore, #tpu.memory_space<semaphore_mem>>) src(%arg8 : memref<128x32xf32, #tpu.memory_space<vmem>>) dst(%dma_wait3A_385 : memref<10240x32xf32, #tpu.memory_space<vmem_shared>>)
      %dma_wait3A_386 = arith.constant 0 : i32
      %dma_wait3A_387 = tpu.memref_slice %arg6[%add3A_227, %dma_wait3A_386] : memref<79x128xi32, #tpu.memory_space<vmem>> -> memref<1x128xi32, #tpu.memory_space<vmem>>
      %dma_wait3A_388 = tpu.memref_squeeze %dma_wait3A_387 : memref<1x128xi32, #tpu.memory_space<vmem>> -> memref<128xi32, #tpu.memory_space<vmem>>
      %dma_wait3A_389 = arith.constant 0 : i32
      %dma_wait3A_390 = arith.constant 0 : i32
      %dma_wait3A_391 = tpu.memref_slice %arg46[%dma_wait3A_389, %dma_wait3A_390] : memref<10240x32xf32, #tpu.memory_space<vmem_shared>> -> memref<10240x32xf32, #tpu.memory_space<vmem_shared>>
      tpu.wait_indirect_dma semaphore(%arg35 : memref<!tpu.dma_semaphore, #tpu.memory_space<semaphore_mem>>) src(%arg9 : memref<128x32xf32, #tpu.memory_space<vmem>>) dst(%dma_wait3A_391 : memref<10240x32xf32, #tpu.memory_space<vmem_shared>>)
      %dma_wait3A_392 = arith.constant 0 : i32
      %dma_wait3A_393 = tpu.memref_slice %arg6[%add3A_241, %dma_wait3A_392] : memref<79x128xi32, #tpu.memory_space<vmem>> -> memref<1x128xi32, #tpu.memory_space<vmem>>
      %dma_wait3A_394 = tpu.memref_squeeze %dma_wait3A_393 : memref<1x128xi32, #tpu.memory_space<vmem>> -> memref<128xi32, #tpu.memory_space<vmem>>
      %dma_wait3A_395 = arith.constant 0 : i32
      %dma_wait3A_396 = arith.constant 0 : i32
      %dma_wait3A_397 = tpu.memref_slice %arg46[%dma_wait3A_395, %dma_wait3A_396] : memref<10240x32xf32, #tpu.memory_space<vmem_shared>> -> memref<10240x32xf32, #tpu.memory_space<vmem_shared>>
      tpu.wait_indirect_dma semaphore(%arg36 : memref<!tpu.dma_semaphore, #tpu.memory_space<semaphore_mem>>) src(%arg10 : memref<128x32xf32, #tpu.memory_space<vmem>>) dst(%dma_wait3A_397 : memref<10240x32xf32, #tpu.memory_space<vmem_shared>>)
      %dma_wait3A_398 = arith.constant 0 : i32
      %dma_wait3A_399 = tpu.memref_slice %arg6[%add3A_255, %dma_wait3A_398] : memref<79x128xi32, #tpu.memory_space<vmem>> -> memref<1x128xi32, #tpu.memory_space<vmem>>
      %dma_wait3A_400 = tpu.memref_squeeze %dma_wait3A_399 : memref<1x128xi32, #tpu.memory_space<vmem>> -> memref<128xi32, #tpu.memory_space<vmem>>
      %dma_wait3A_401 = arith.constant 0 : i32
      %dma_wait3A_402 = arith.constant 0 : i32
      %dma_wait3A_403 = tpu.memref_slice %arg46[%dma_wait3A_401, %dma_wait3A_402] : memref<10240x32xf32, #tpu.memory_space<vmem_shared>> -> memref<10240x32xf32, #tpu.memory_space<vmem_shared>>
      tpu.wait_indirect_dma semaphore(%arg37 : memref<!tpu.dma_semaphore, #tpu.memory_space<semaphore_mem>>) src(%arg11 : memref<128x32xf32, #tpu.memory_space<vmem>>) dst(%dma_wait3A_403 : memref<10240x32xf32, #tpu.memory_space<vmem_shared>>)
      %dma_wait3A_404 = arith.constant 0 : i32
      %dma_wait3A_405 = tpu.memref_slice %arg6[%add3A_269, %dma_wait3A_404] : memref<79x128xi32, #tpu.memory_space<vmem>> -> memref<1x128xi32, #tpu.memory_space<vmem>>
      %dma_wait3A_406 = tpu.memref_squeeze %dma_wait3A_405 : memref<1x128xi32, #tpu.memory_space<vmem>> -> memref<128xi32, #tpu.memory_space<vmem>>
      %dma_wait3A_407 = arith.constant 0 : i32
      %dma_wait3A_408 = arith.constant 0 : i32
      %dma_wait3A_409 = tpu.memref_slice %arg46[%dma_wait3A_407, %dma_wait3A_408] : memref<10240x32xf32, #tpu.memory_space<vmem_shared>> -> memref<10240x32xf32, #tpu.memory_space<vmem_shared>>
      tpu.wait_indirect_dma semaphore(%arg38 : memref<!tpu.dma_semaphore, #tpu.memory_space<semaphore_mem>>) src(%arg12 : memref<128x32xf32, #tpu.memory_space<vmem>>) dst(%dma_wait3A_409 : memref<10240x32xf32, #tpu.memory_space<vmem_shared>>)
      %dma_wait3A_410 = arith.constant 0 : i32
      %dma_wait3A_411 = tpu.memref_slice %arg6[%add3A_283, %dma_wait3A_410] : memref<79x128xi32, #tpu.memory_space<vmem>> -> memref<1x128xi32, #tpu.memory_space<vmem>>
      %dma_wait3A_412 = tpu.memref_squeeze %dma_wait3A_411 : memref<1x128xi32, #tpu.memory_space<vmem>> -> memref<128xi32, #tpu.memory_space<vmem>>
      %dma_wait3A_413 = arith.constant 0 : i32
      %dma_wait3A_414 = arith.constant 0 : i32
      %dma_wait3A_415 = tpu.memref_slice %arg46[%dma_wait3A_413, %dma_wait3A_414] : memref<10240x32xf32, #tpu.memory_space<vmem_shared>> -> memref<10240x32xf32, #tpu.memory_space<vmem_shared>>
      tpu.wait_indirect_dma semaphore(%arg39 : memref<!tpu.dma_semaphore, #tpu.memory_space<semaphore_mem>>) src(%arg13 : memref<128x32xf32, #tpu.memory_space<vmem>>) dst(%dma_wait3A_415 : memref<10240x32xf32, #tpu.memory_space<vmem_shared>>)
      %dma_wait3A_416 = arith.constant 0 : i32
      %dma_wait3A_417 = tpu.memref_slice %arg6[%add3A_297, %dma_wait3A_416] : memref<79x128xi32, #tpu.memory_space<vmem>> -> memref<1x128xi32, #tpu.memory_space<vmem>>
      %dma_wait3A_418 = tpu.memref_squeeze %dma_wait3A_417 : memref<1x128xi32, #tpu.memory_space<vmem>> -> memref<128xi32, #tpu.memory_space<vmem>>
      %dma_wait3A_419 = arith.constant 0 : i32
      %dma_wait3A_420 = arith.constant 0 : i32
      %dma_wait3A_421 = tpu.memref_slice %arg46[%dma_wait3A_419, %dma_wait3A_420] : memref<10240x32xf32, #tpu.memory_space<vmem_shared>> -> memref<10240x32xf32, #tpu.memory_space<vmem_shared>>
      tpu.wait_indirect_dma semaphore(%arg40 : memref<!tpu.dma_semaphore, #tpu.memory_space<semaphore_mem>>) src(%arg14 : memref<128x32xf32, #tpu.memory_space<vmem>>) dst(%dma_wait3A_421 : memref<10240x32xf32, #tpu.memory_space<vmem_shared>>)
      %dma_wait3A_422 = arith.constant 0 : i32
      %dma_wait3A_423 = tpu.memref_slice %arg6[%add3A_311, %dma_wait3A_422] : memref<79x128xi32, #tpu.memory_space<vmem>> -> memref<1x128xi32, #tpu.memory_space<vmem>>
      %dma_wait3A_424 = tpu.memref_squeeze %dma_wait3A_423 : memref<1x128xi32, #tpu.memory_space<vmem>> -> memref<128xi32, #tpu.memory_space<vmem>>
      %dma_wait3A_425 = arith.constant 0 : i32
      %dma_wait3A_426 = arith.constant 0 : i32
      %dma_wait3A_427 = tpu.memref_slice %arg46[%dma_wait3A_425, %dma_wait3A_426] : memref<10240x32xf32, #tpu.memory_space<vmem_shared>> -> memref<10240x32xf32, #tpu.memory_space<vmem_shared>>
      tpu.wait_indirect_dma semaphore(%arg41 : memref<!tpu.dma_semaphore, #tpu.memory_space<semaphore_mem>>) src(%arg15 : memref<128x32xf32, #tpu.memory_space<vmem>>) dst(%dma_wait3A_427 : memref<10240x32xf32, #tpu.memory_space<vmem_shared>>)
      %dma_wait3A_428 = arith.constant 0 : i32
      %dma_wait3A_429 = tpu.memref_slice %arg6[%add3A_325, %dma_wait3A_428] : memref<79x128xi32, #tpu.memory_space<vmem>> -> memref<1x128xi32, #tpu.memory_space<vmem>>
      %dma_wait3A_430 = tpu.memref_squeeze %dma_wait3A_429 : memref<1x128xi32, #tpu.memory_space<vmem>> -> memref<128xi32, #tpu.memory_space<vmem>>
      %dma_wait3A_431 = arith.constant 0 : i32
      %dma_wait3A_432 = arith.constant 0 : i32
      %dma_wait3A_433 = tpu.memref_slice %arg46[%dma_wait3A_431, %dma_wait3A_432] : memref<10240x32xf32, #tpu.memory_space<vmem_shared>> -> memref<10240x32xf32, #tpu.memory_space<vmem_shared>>
      tpu.wait_indirect_dma semaphore(%arg42 : memref<!tpu.dma_semaphore, #tpu.memory_space<semaphore_mem>>) src(%arg16 : memref<128x32xf32, #tpu.memory_space<vmem>>) dst(%dma_wait3A_433 : memref<10240x32xf32, #tpu.memory_space<vmem_shared>>)
      %dma_wait3A_434 = arith.constant 0 : i32
      %dma_wait3A_435 = tpu.memref_slice %arg6[%add3A_339, %dma_wait3A_434] : memref<79x128xi32, #tpu.memory_space<vmem>> -> memref<1x128xi32, #tpu.memory_space<vmem>>
      %dma_wait3A_436 = tpu.memref_squeeze %dma_wait3A_435 : memref<1x128xi32, #tpu.memory_space<vmem>> -> memref<128xi32, #tpu.memory_space<vmem>>
      %dma_wait3A_437 = arith.constant 0 : i32
      %dma_wait3A_438 = arith.constant 0 : i32
      %dma_wait3A_439 = tpu.memref_slice %arg46[%dma_wait3A_437, %dma_wait3A_438] : memref<10240x32xf32, #tpu.memory_space<vmem_shared>> -> memref<10240x32xf32, #tpu.memory_space<vmem_shared>>
      tpu.wait_indirect_dma semaphore(%arg43 : memref<!tpu.dma_semaphore, #tpu.memory_space<semaphore_mem>>) src(%arg17 : memref<128x32xf32, #tpu.memory_space<vmem>>) dst(%dma_wait3A_439 : memref<10240x32xf32, #tpu.memory_space<vmem_shared>>)
      %dma_wait3A_440 = arith.constant 0 : i32
      %dma_wait3A_441 = tpu.memref_slice %arg6[%add3A_353, %dma_wait3A_440] : memref<79x128xi32, #tpu.memory_space<vmem>> -> memref<1x128xi32, #tpu.memory_space<vmem>>
      %dma_wait3A_442 = tpu.memref_squeeze %dma_wait3A_441 : memref<1x128xi32, #tpu.memory_space<vmem>> -> memref<128xi32, #tpu.memory_space<vmem>>
      %dma_wait3A_443 = arith.constant 0 : i32
      %dma_wait3A_444 = arith.constant 0 : i32
      %dma_wait3A_445 = tpu.memref_slice %arg46[%dma_wait3A_443, %dma_wait3A_444] : memref<10240x32xf32, #tpu.memory_space<vmem_shared>> -> memref<10240x32xf32, #tpu.memory_space<vmem_shared>>
      tpu.wait_indirect_dma semaphore(%arg44 : memref<!tpu.dma_semaphore, #tpu.memory_space<semaphore_mem>>) src(%arg18 : memref<128x32xf32, #tpu.memory_space<vmem>>) dst(%dma_wait3A_445 : memref<10240x32xf32, #tpu.memory_space<vmem_shared>>)
      %dma_wait3A_446 = arith.constant 0 : i32
      %dma_wait3A_447 = tpu.memref_slice %arg6[%add3A_367, %dma_wait3A_446] : memref<79x128xi32, #tpu.memory_space<vmem>> -> memref<1x128xi32, #tpu.memory_space<vmem>>
      %dma_wait3A_448 = tpu.memref_squeeze %dma_wait3A_447 : memref<1x128xi32, #tpu.memory_space<vmem>> -> memref<128xi32, #tpu.memory_space<vmem>>
      %dma_wait3A_449 = arith.constant 0 : i32
      %dma_wait3A_450 = arith.constant 0 : i32
      %dma_wait3A_451 = tpu.memref_slice %arg46[%dma_wait3A_449, %dma_wait3A_450] : memref<10240x32xf32, #tpu.memory_space<vmem_shared>> -> memref<10240x32xf32, #tpu.memory_space<vmem_shared>>
      tpu.wait_indirect_dma semaphore(%arg45 : memref<!tpu.dma_semaphore, #tpu.memory_space<semaphore_mem>>) src(%arg19 : memref<128x32xf32, #tpu.memory_space<vmem>>) dst(%dma_wait3A_451 : memref<10240x32xf32, #tpu.memory_space<vmem_shared>>)
    }
    %scan3A_71 = arith.constant 6 : i32
    %lt3A_72 = arith.constant 4 : i32
    %lt3A_73 = arith.cmpi slt, %add3A, %lt3A_72 : i32
    %convert_element_type3A_74 = arith.extui %lt3A_73 : i1 to i32
    %cond3A_75 = arith.constant 0 : i32
    %cond3A_76 = arith.cmpi ne, %convert_element_type3A_74, %cond3A_75 : i32
    scf.if %cond3A_76 {
      %run_scoped3A = arith.constant 78 : i32
      "tpu.region"() ({
        %run_scoped3A_84 = tpu.sem_alloc : memref<!tpu.dma_semaphore, #tpu.memory_space<semaphore_mem>>
        %dma_start3A_85 = arith.constant 0 : i32
        %dma_start3A_86 = tpu.memref_slice %arg5[%run_scoped3A, %dma_start3A_85] : memref<79x128xi32, #tpu.memory_space<vmem>> -> memref<1x128xi32, #tpu.memory_space<vmem>>
        %dma_start3A_87 = tpu.memref_squeeze %dma_start3A_86 : memref<1x128xi32, #tpu.memory_space<vmem>> -> memref<128xi32, #tpu.memory_space<vmem>>
        %dma_start3A_88 = arith.constant 0 : i32
        %dma_start3A_89 = arith.constant 0 : i32
        %dma_start3A_90 = tpu.memref_slice %arg3[%dma_start3A_88, %dma_start3A_89] : memref<10240x32xf32, #tpu.memory_space<hbm>> -> memref<10240x32xf32, #tpu.memory_space<hbm>>
        tpu.enqueue_indirect_dma source(%dma_start3A_90 : memref<10240x32xf32, #tpu.memory_space<hbm>>) target(%arg7 : memref<128x32xf32, #tpu.memory_space<vmem>>) offsets(%dma_start3A_87 : memref<128xi32, #tpu.memory_space<vmem>>) semaphore(%run_scoped3A_84 : memref<!tpu.dma_semaphore, #tpu.memory_space<semaphore_mem>>)
        %dma_wait3A_91 = arith.constant 0 : i32
        %dma_wait3A_92 = tpu.memref_slice %arg5[%run_scoped3A, %dma_wait3A_91] : memref<79x128xi32, #tpu.memory_space<vmem>> -> memref<1x128xi32, #tpu.memory_space<vmem>>
        %dma_wait3A_93 = tpu.memref_squeeze %dma_wait3A_92 : memref<1x128xi32, #tpu.memory_space<vmem>> -> memref<128xi32, #tpu.memory_space<vmem>>
        %dma_wait3A_94 = arith.constant 0 : i32
        %dma_wait3A_95 = arith.constant 0 : i32
        %dma_wait3A_96 = tpu.memref_slice %arg3[%dma_wait3A_94, %dma_wait3A_95] : memref<10240x32xf32, #tpu.memory_space<hbm>> -> memref<10240x32xf32, #tpu.memory_space<hbm>>
        tpu.wait_indirect_dma semaphore(%run_scoped3A_84 : memref<!tpu.dma_semaphore, #tpu.memory_space<semaphore_mem>>) src(%dma_wait3A_96 : memref<10240x32xf32, #tpu.memory_space<hbm>>) dst(%arg7 : memref<128x32xf32, #tpu.memory_space<vmem>>)
        tpu.yield
      }) : () -> ()
      %run_scoped3A_83 = arith.constant 78 : i32
      "tpu.region"() ({
        %run_scoped3A_84 = tpu.sem_alloc : memref<!tpu.dma_semaphore, #tpu.memory_space<semaphore_mem>>
        %dma_start3A_85 = arith.constant 0 : i32
        %dma_start3A_86 = tpu.memref_slice %arg6[%run_scoped3A_83, %dma_start3A_85] : memref<79x128xi32, #tpu.memory_space<vmem>> -> memref<1x128xi32, #tpu.memory_space<vmem>>
        %dma_start3A_87 = tpu.memref_squeeze %dma_start3A_86 : memref<1x128xi32, #tpu.memory_space<vmem>> -> memref<128xi32, #tpu.memory_space<vmem>>
        %dma_start3A_88 = arith.constant 0 : i32
        %dma_start3A_89 = arith.constant 0 : i32
        %dma_start3A_90 = tpu.memref_slice %arg46[%dma_start3A_88, %dma_start3A_89] : memref<10240x32xf32, #tpu.memory_space<vmem_shared>> -> memref<10240x32xf32, #tpu.memory_space<vmem_shared>>
        tpu.enqueue_indirect_dma source(%arg7 : memref<128x32xf32, #tpu.memory_space<vmem>>) target(%dma_start3A_90 : memref<10240x32xf32, #tpu.memory_space<vmem_shared>>) offsets(%dma_start3A_87 : memref<128xi32, #tpu.memory_space<vmem>>) semaphore(%run_scoped3A_84 : memref<!tpu.dma_semaphore, #tpu.memory_space<semaphore_mem>>) {add = true}
        %dma_wait3A_91 = arith.constant 0 : i32
        %dma_wait3A_92 = tpu.memref_slice %arg6[%run_scoped3A_83, %dma_wait3A_91] : memref<79x128xi32, #tpu.memory_space<vmem>> -> memref<1x128xi32, #tpu.memory_space<vmem>>
        %dma_wait3A_93 = tpu.memref_squeeze %dma_wait3A_92 : memref<1x128xi32, #tpu.memory_space<vmem>> -> memref<128xi32, #tpu.memory_space<vmem>>
        %dma_wait3A_94 = arith.constant 0 : i32
        %dma_wait3A_95 = arith.constant 0 : i32
        %dma_wait3A_96 = tpu.memref_slice %arg46[%dma_wait3A_94, %dma_wait3A_95] : memref<10240x32xf32, #tpu.memory_space<vmem_shared>> -> memref<10240x32xf32, #tpu.memory_space<vmem_shared>>
        tpu.wait_indirect_dma semaphore(%run_scoped3A_84 : memref<!tpu.dma_semaphore, #tpu.memory_space<semaphore_mem>>) src(%arg7 : memref<128x32xf32, #tpu.memory_space<vmem>>) dst(%dma_wait3A_96 : memref<10240x32xf32, #tpu.memory_space<vmem_shared>>)
        tpu.yield
      }) : () -> ()
    } else {
    }
    %barrier3A_77 = arith.constant 0 : index
    tpu.barrier barrier_id(%barrier3A_77)
    %scan3A_78 = arith.constant 0 : i32
    %scan3A_79 = arith.constant 5 : i32
    %scan3A_80 = arith.addi %scan3A_78, %scan3A_79 : i32
    %scan3A_81 = arith.constant 1 : i32
    scf.for %scan3A_83 = %scan3A_78 to %scan3A_80 step %scan3A_81  : i32 {
      %mul3A_84 = arith.constant 128 : i32
      %mul3A_85 = arith.muli %scan3A_83, %mul3A_84 : i32
      %add3A_86 = arith.constant 0 : i32
      %add3A_87 = arith.addi %add3A_86, %mul3A_85 : i32
      %mul3A_88 = arith.constant 640 : i32
      %mul3A_89 = arith.muli %arg1, %mul3A_88 : i32
      %add3A_90 = arith.addi %mul3A_89, %add3A_87 : i32
      "tpu.region"() ({
        %run_scoped3A = tpu.sem_alloc : memref<!tpu.dma_semaphore, #tpu.memory_space<semaphore_mem>>
        %dma_start3A_94 = arith.constant 0 : i32
        %dma_start3A_95 = tpu.memref_slice %arg46[%add3A_90, %dma_start3A_94] : memref<10240x32xf32, #tpu.memory_space<vmem_shared>> -> memref<128x32xf32, #tpu.memory_space<vmem_shared>>
        %dma_start3A_96 = arith.constant 0 : i32
        %dma_start3A_97 = tpu.memref_slice %arg46[%add3A_90, %dma_start3A_96] : memref<10240x32xf32, #tpu.memory_space<vmem_shared>> -> memref<128x32xf32, #tpu.memory_space<vmem_shared>>
        tpu.enqueue_dma source(%dma_start3A_97 : memref<128x32xf32, #tpu.memory_space<vmem_shared>>) target(%arg7 : memref<128x32xf32, #tpu.memory_space<vmem>>) target_semaphore(%run_scoped3A : memref<!tpu.dma_semaphore, #tpu.memory_space<semaphore_mem>>)
        %dma_wait3A_98 = arith.constant 0 : i32
        %dma_wait3A_99 = tpu.memref_slice %arg46[%add3A_90, %dma_wait3A_98] : memref<10240x32xf32, #tpu.memory_space<vmem_shared>> -> memref<128x32xf32, #tpu.memory_space<vmem_shared>>
        %dma_wait3A_100 = arith.constant 0 : i32
        %dma_wait3A_101 = tpu.memref_slice %arg46[%add3A_90, %dma_wait3A_100] : memref<10240x32xf32, #tpu.memory_space<vmem_shared>> -> memref<128x32xf32, #tpu.memory_space<vmem_shared>>
        tpu.wait_dma2 semaphore(%run_scoped3A : memref<!tpu.dma_semaphore, #tpu.memory_space<semaphore_mem>>) src(%dma_wait3A_101 : memref<128x32xf32, #tpu.memory_space<vmem_shared>>) dst(%arg7 : memref<128x32xf32, #tpu.memory_space<vmem>>)
        tpu.yield
      }) : () -> ()
      %mul3A_91 = arith.constant 640 : i32
      %mul3A_92 = arith.muli %arg1, %mul3A_91 : i32
      %add3A_93 = arith.addi %mul3A_92, %add3A_87 : i32
      "tpu.region"() ({
        %run_scoped3A = tpu.sem_alloc : memref<!tpu.dma_semaphore, #tpu.memory_space<semaphore_mem>>
        %dma_start3A_94 = arith.constant 0 : i32
        %dma_start3A_95 = tpu.memref_slice %arg4[%arg0, %add3A_93, %dma_start3A_94] : memref<2x10240x32xf32, #tpu.memory_space<hbm>> -> memref<1x128x32xf32, #tpu.memory_space<hbm>>
        %dma_start3A_96 = tpu.memref_squeeze %dma_start3A_95 : memref<1x128x32xf32, #tpu.memory_space<hbm>> -> memref<128x32xf32, #tpu.memory_space<hbm>>
        %dma_start3A_97 = arith.constant 0 : i32
        %dma_start3A_98 = tpu.memref_slice %arg4[%arg0, %add3A_93, %dma_start3A_97] : memref<2x10240x32xf32, #tpu.memory_space<hbm>> -> memref<1x128x32xf32, #tpu.memory_space<hbm>>
        %dma_start3A_99 = tpu.memref_squeeze %dma_start3A_98 : memref<1x128x32xf32, #tpu.memory_space<hbm>> -> memref<128x32xf32, #tpu.memory_space<hbm>>
        tpu.enqueue_dma source(%arg7 : memref<128x32xf32, #tpu.memory_space<vmem>>) target(%dma_start3A_99 : memref<128x32xf32, #tpu.memory_space<hbm>>) target_semaphore(%run_scoped3A : memref<!tpu.dma_semaphore, #tpu.memory_space<semaphore_mem>>)
        %dma_wait3A_100 = arith.constant 0 : i32
        %dma_wait3A_101 = tpu.memref_slice %arg4[%arg0, %add3A_93, %dma_wait3A_100] : memref<2x10240x32xf32, #tpu.memory_space<hbm>> -> memref<1x128x32xf32, #tpu.memory_space<hbm>>
        %dma_wait3A_102 = tpu.memref_squeeze %dma_wait3A_101 : memref<1x128x32xf32, #tpu.memory_space<hbm>> -> memref<128x32xf32, #tpu.memory_space<hbm>>
        %dma_wait3A_103 = arith.constant 0 : i32
        %dma_wait3A_104 = tpu.memref_slice %arg4[%arg0, %add3A_93, %dma_wait3A_103] : memref<2x10240x32xf32, #tpu.memory_space<hbm>> -> memref<1x128x32xf32, #tpu.memory_space<hbm>>
        %dma_wait3A_105 = tpu.memref_squeeze %dma_wait3A_104 : memref<1x128x32xf32, #tpu.memory_space<hbm>> -> memref<128x32xf32, #tpu.memory_space<hbm>>
        tpu.wait_dma2 semaphore(%run_scoped3A : memref<!tpu.dma_semaphore, #tpu.memory_space<semaphore_mem>>) src(%arg7 : memref<128x32xf32, #tpu.memory_space<vmem>>) dst(%dma_wait3A_105 : memref<128x32xf32, #tpu.memory_space<hbm>>)
        tpu.yield
      }) : () -> ()
    }
    %scan3A_82 = arith.constant 5 : i32
    return
  }
}

#map = affine_map<(d0, d1) -> (0, 0, 0)>
#map1 = affine_map<(d0, d1) -> (0, 0)>
module attributes {stable_mosaic.version = 14 : i64} {
  func.func @_msg(%arg0: i32, %arg1: i32, %arg2: memref<2x2500x128xi32, #tpu.memory_space<hbm>>, %arg3: memref<10240x32xf32, #tpu.memory_space<hbm>>, %arg4: memref<2x10240x32xf32, #tpu.memory_space<hbm>>, %arg5: memref<79x128xi32, #tpu.memory_space<vmem>>, %arg6: memref<79x128xi32, #tpu.memory_space<vmem>>, %arg7: memref<128x32xf32, #tpu.memory_space<vmem>>, %arg8: memref<128x32xf32, #tpu.memory_space<vmem>>, %arg9: memref<128x32xf32, #tpu.memory_space<vmem>>, %arg10: memref<128x32xf32, #tpu.memory_space<vmem>>, %arg11: memref<128x32xf32, #tpu.memory_space<vmem>>, %arg12: memref<128x32xf32, #tpu.memory_space<vmem>>, %arg13: memref<128x32xf32, #tpu.memory_space<vmem>>, %arg14: memref<128x32xf32, #tpu.memory_space<vmem>>, %arg15: memref<128x32xf32, #tpu.memory_space<vmem>>, %arg16: memref<128x32xf32, #tpu.memory_space<vmem>>, %arg17: memref<128x32xf32, #tpu.memory_space<vmem>>, %arg18: memref<128x32xf32, #tpu.memory_space<vmem>>, %arg19: memref<128x32xf32, #tpu.memory_space<vmem>>, %arg20: memref<!tpu.dma_semaphore, #tpu.memory_space<semaphore_mem>>, %arg21: memref<!tpu.dma_semaphore, #tpu.memory_space<semaphore_mem>>, %arg22: memref<!tpu.dma_semaphore, #tpu.memory_space<semaphore_mem>>, %arg23: memref<!tpu.dma_semaphore, #tpu.memory_space<semaphore_mem>>, %arg24: memref<!tpu.dma_semaphore, #tpu.memory_space<semaphore_mem>>, %arg25: memref<!tpu.dma_semaphore, #tpu.memory_space<semaphore_mem>>, %arg26: memref<!tpu.dma_semaphore, #tpu.memory_space<semaphore_mem>>, %arg27: memref<!tpu.dma_semaphore, #tpu.memory_space<semaphore_mem>>, %arg28: memref<!tpu.dma_semaphore, #tpu.memory_space<semaphore_mem>>, %arg29: memref<!tpu.dma_semaphore, #tpu.memory_space<semaphore_mem>>, %arg30: memref<!tpu.dma_semaphore, #tpu.memory_space<semaphore_mem>>, %arg31: memref<!tpu.dma_semaphore, #tpu.memory_space<semaphore_mem>>, %arg32: memref<!tpu.dma_semaphore, #tpu.memory_space<semaphore_mem>>, %arg33: memref<!tpu.dma_semaphore, #tpu.memory_space<semaphore_mem>>, %arg34: memref<!tpu.dma_semaphore, #tpu.memory_space<semaphore_mem>>, %arg35: memref<!tpu.dma_semaphore, #tpu.memory_space<semaphore_mem>>, %arg36: memref<!tpu.dma_semaphore, #tpu.memory_space<semaphore_mem>>, %arg37: memref<!tpu.dma_semaphore, #tpu.memory_space<semaphore_mem>>, %arg38: memref<!tpu.dma_semaphore, #tpu.memory_space<semaphore_mem>>, %arg39: memref<!tpu.dma_semaphore, #tpu.memory_space<semaphore_mem>>, %arg40: memref<!tpu.dma_semaphore, #tpu.memory_space<semaphore_mem>>, %arg41: memref<!tpu.dma_semaphore, #tpu.memory_space<semaphore_mem>>, %arg42: memref<!tpu.dma_semaphore, #tpu.memory_space<semaphore_mem>>, %arg43: memref<!tpu.dma_semaphore, #tpu.memory_space<semaphore_mem>>, %arg44: memref<!tpu.dma_semaphore, #tpu.memory_space<semaphore_mem>>, %arg45: memref<!tpu.dma_semaphore, #tpu.memory_space<semaphore_mem>>, %arg46: memref<10240x32xf32, #tpu.memory_space<vmem_shared>>) attributes {dimension_semantics = [#tpu.dimension_semantics<core_parallel>, #tpu.dimension_semantics<subcore_parallel>], iteration_bounds = array<i64: 2, 16>, scalar_prefetch = 0 : i64, scratch_operands = 42 : i64, tpu.core_type = #tpu.core_type<sc_vector_subcore>, window_params = [{transform_indices = #map}, {transform_indices = #map1}, {transform_indices = #map}]} {
    %mul3A = arith.constant 2 : i32
    %mul3A_0 = arith.muli %arg1, %mul3A : i32
    %add3A = arith.addi %mul3A_0, %arg0 : i32
    %mul3A_1 = arith.constant 78 : i32
    %mul3A_2 = arith.muli %add3A, %mul3A_1 : i32
    %dma_start3A = arith.constant 0 : i32
    %dma_start3A_3 = arith.constant 0 : i32
    %dma_start3A_4 = arith.constant 0 : i32
    %dma_start3A_5 = tpu.memref_slice %arg5[%dma_start3A_3, %dma_start3A_4] : memref<79x128xi32, #tpu.memory_space<vmem>> -> memref<78x128xi32, #tpu.memory_space<vmem>>
    %dma_start3A_6 = arith.constant 0 : i32
    %dma_start3A_7 = tpu.memref_slice %arg2[%dma_start3A, %mul3A_2, %dma_start3A_6] : memref<2x2500x128xi32, #tpu.memory_space<hbm>> -> memref<1x78x128xi32, #tpu.memory_space<hbm>>
    %dma_start3A_8 = tpu.memref_squeeze %dma_start3A_7 : memref<1x78x128xi32, #tpu.memory_space<hbm>> -> memref<78x128xi32, #tpu.memory_space<hbm>>
    %dma_start3A_9 = arith.constant 0 : i32
    %dma_start3A_10 = arith.constant 0 : i32
    %dma_start3A_11 = tpu.memref_slice %arg5[%dma_start3A_9, %dma_start3A_10] : memref<79x128xi32, #tpu.memory_space<vmem>> -> memref<78x128xi32, #tpu.memory_space<vmem>>
    %dma_start3A_12 = arith.constant 0 : i32
    %dma_start3A_13 = tpu.memref_slice %arg2[%dma_start3A, %mul3A_2, %dma_start3A_12] : memref<2x2500x128xi32, #tpu.memory_space<hbm>> -> memref<1x78x128xi32, #tpu.memory_space<hbm>>
    %dma_start3A_14 = tpu.memref_squeeze %dma_start3A_13 : memref<1x78x128xi32, #tpu.memory_space<hbm>> -> memref<78x128xi32, #tpu.memory_space<hbm>>
    tpu.enqueue_dma source(%dma_start3A_14 : memref<78x128xi32, #tpu.memory_space<hbm>>) target(%dma_start3A_11 : memref<78x128xi32, #tpu.memory_space<vmem>>) target_semaphore(%arg20 : memref<!tpu.dma_semaphore, #tpu.memory_space<semaphore_mem>>)
    %mul3A_15 = arith.constant 78 : i32
    %mul3A_16 = arith.muli %add3A, %mul3A_15 : i32
    %dma_start3A_17 = arith.constant 1 : i32
    %dma_start3A_18 = arith.constant 0 : i32
    %dma_start3A_19 = arith.constant 0 : i32
    %dma_start3A_20 = tpu.memref_slice %arg6[%dma_start3A_18, %dma_start3A_19] : memref<79x128xi32, #tpu.memory_space<vmem>> -> memref<78x128xi32, #tpu.memory_space<vmem>>
    %dma_start3A_21 = arith.constant 0 : i32
    %dma_start3A_22 = tpu.memref_slice %arg2[%dma_start3A_17, %mul3A_16, %dma_start3A_21] : memref<2x2500x128xi32, #tpu.memory_space<hbm>> -> memref<1x78x128xi32, #tpu.memory_space<hbm>>
    %dma_start3A_23 = tpu.memref_squeeze %dma_start3A_22 : memref<1x78x128xi32, #tpu.memory_space<hbm>> -> memref<78x128xi32, #tpu.memory_space<hbm>>
    %dma_start3A_24 = arith.constant 0 : i32
    %dma_start3A_25 = arith.constant 0 : i32
    %dma_start3A_26 = tpu.memref_slice %arg6[%dma_start3A_24, %dma_start3A_25] : memref<79x128xi32, #tpu.memory_space<vmem>> -> memref<78x128xi32, #tpu.memory_space<vmem>>
    %dma_start3A_27 = arith.constant 0 : i32
    %dma_start3A_28 = tpu.memref_slice %arg2[%dma_start3A_17, %mul3A_16, %dma_start3A_27] : memref<2x2500x128xi32, #tpu.memory_space<hbm>> -> memref<1x78x128xi32, #tpu.memory_space<hbm>>
    %dma_start3A_29 = tpu.memref_squeeze %dma_start3A_28 : memref<1x78x128xi32, #tpu.memory_space<hbm>> -> memref<78x128xi32, #tpu.memory_space<hbm>>
    tpu.enqueue_dma source(%dma_start3A_29 : memref<78x128xi32, #tpu.memory_space<hbm>>) target(%dma_start3A_26 : memref<78x128xi32, #tpu.memory_space<vmem>>) target_semaphore(%arg21 : memref<!tpu.dma_semaphore, #tpu.memory_space<semaphore_mem>>)
    %broadcast_in_dim3A = arith.constant 0.000000e+00 : f32
    %broadcast_in_dim3A_30 = vector.broadcast %broadcast_in_dim3A : f32 to vector<16xf32>
    %scan3A = arith.constant 0 : i32
    %scan3A_31 = arith.constant 128 : i32
    %scan3A_32 = arith.addi %scan3A, %scan3A_31 : i32
    %scan3A_33 = arith.constant 1 : i32
    scf.for %scan3A_83 = %scan3A to %scan3A_32 step %scan3A_33  : i32 {
      %mul3A_84 = arith.constant 1 : i32
      %mul3A_85 = arith.muli %scan3A_83, %mul3A_84 : i32
      %add3A_86 = arith.constant 0 : i32
      %add3A_87 = arith.addi %add3A_86, %mul3A_85 : i32
      %swap3A = arith.index_cast %add3A_87 : i32 to index
      %swap3A_88 = arith.constant 0 : index
      %swap3A_89 = tpu.vector_load %arg7[%swap3A, %swap3A_88] {strides = array<i32>} : memref<128x32xf32, #tpu.memory_space<vmem>>, vector<1x16xf32>,
      %swap3A_90 = vector.shape_cast %swap3A_89 : vector<1x16xf32> to vector<16xf32>
      %swap3A_91 = vector.shape_cast %broadcast_in_dim3A_30 : vector<16xf32> to vector<1x16xf32>
      tpu.vector_store %arg7[%swap3A, %swap3A_88], %swap3A_91 {strides = array<i32>} : memref<128x32xf32, #tpu.memory_space<vmem>>, vector<1x16xf32>,
      %swap3A_92 = arith.index_cast %add3A_87 : i32 to index
      %swap3A_93 = arith.constant 16 : index
      %swap3A_94 = tpu.vector_load %arg7[%swap3A_92, %swap3A_93] {strides = array<i32>} : memref<128x32xf32, #tpu.memory_space<vmem>>, vector<1x16xf32>,
      %swap3A_95 = vector.shape_cast %swap3A_94 : vector<1x16xf32> to vector<16xf32>
      %swap3A_96 = vector.shape_cast %broadcast_in_dim3A_30 : vector<16xf32> to vector<1x16xf32>
      tpu.vector_store %arg7[%swap3A_92, %swap3A_93], %swap3A_96 {strides = array<i32>} : memref<128x32xf32, #tpu.memory_space<vmem>>, vector<1x16xf32>,
    }
    %scan3A_34 = arith.constant 128 : i32
    %scan3A_35 = arith.constant 0 : i32
    %scan3A_36 = arith.constant 5 : i32
    %scan3A_37 = arith.addi %scan3A_35, %scan3A_36 : i32
    %scan3A_38 = arith.constant 1 : i32
    scf.for %scan3A_83 = %scan3A_35 to %scan3A_37 step %scan3A_38  : i32 {
      %mul3A_84 = arith.constant 128 : i32
      %mul3A_85 = arith.muli %scan3A_83, %mul3A_84 : i32
      %add3A_86 = arith.constant 0 : i32
      %add3A_87 = arith.addi %add3A_86, %mul3A_85 : i32
      %mul3A_88 = arith.constant 640 : i32
      %mul3A_89 = arith.muli %arg1, %mul3A_88 : i32
      %add3A_90 = arith.addi %mul3A_89, %add3A_87 : i32
      "tpu.region"() ({
        %run_scoped3A = tpu.sem_alloc : memref<!tpu.dma_semaphore, #tpu.memory_space<semaphore_mem>>
        %dma_start3A_91 = arith.constant 0 : i32
        %dma_start3A_92 = tpu.memref_slice %arg46[%add3A_90, %dma_start3A_91] : memref<10240x32xf32, #tpu.memory_space<vmem_shared>> -> memref<128x32xf32, #tpu.memory_space<vmem_shared>>
        %dma_start3A_93 = arith.constant 0 : i32
        %dma_start3A_94 = tpu.memref_slice %arg46[%add3A_90, %dma_start3A_93] : memref<10240x32xf32, #tpu.memory_space<vmem_shared>> -> memref<128x32xf32, #tpu.memory_space<vmem_shared>>
        tpu.enqueue_dma source(%arg7 : memref<128x32xf32, #tpu.memory_space<vmem>>) target(%dma_start3A_94 : memref<128x32xf32, #tpu.memory_space<vmem_shared>>) target_semaphore(%run_scoped3A : memref<!tpu.dma_semaphore, #tpu.memory_space<semaphore_mem>>)
        %dma_wait3A_95 = arith.constant 0 : i32
        %dma_wait3A_96 = tpu.memref_slice %arg46[%add3A_90, %dma_wait3A_95] : memref<10240x32xf32, #tpu.memory_space<vmem_shared>> -> memref<128x32xf32, #tpu.memory_space<vmem_shared>>
        %dma_wait3A_97 = arith.constant 0 : i32
        %dma_wait3A_98 = tpu.memref_slice %arg46[%add3A_90, %dma_wait3A_97] : memref<10240x32xf32, #tpu.memory_space<vmem_shared>> -> memref<128x32xf32, #tpu.memory_space<vmem_shared>>
        tpu.wait_dma2 semaphore(%run_scoped3A : memref<!tpu.dma_semaphore, #tpu.memory_space<semaphore_mem>>) src(%arg7 : memref<128x32xf32, #tpu.memory_space<vmem>>) dst(%dma_wait3A_98 : memref<128x32xf32, #tpu.memory_space<vmem_shared>>)
        tpu.yield
      }) : () -> ()
    }
    %scan3A_39 = arith.constant 5 : i32
    %dma_wait3A = arith.constant 0 : i32
    %dma_wait3A_40 = arith.constant 0 : i32
    %dma_wait3A_41 = arith.constant 0 : i32
    %dma_wait3A_42 = tpu.memref_slice %arg5[%dma_wait3A_40, %dma_wait3A_41] : memref<79x128xi32, #tpu.memory_space<vmem>> -> memref<78x128xi32, #tpu.memory_space<vmem>>
    %dma_wait3A_43 = arith.constant 0 : i32
    %dma_wait3A_44 = tpu.memref_slice %arg2[%dma_wait3A, %mul3A_2, %dma_wait3A_43] : memref<2x2500x128xi32, #tpu.memory_space<hbm>> -> memref<1x78x128xi32, #tpu.memory_space<hbm>>
    %dma_wait3A_45 = tpu.memref_squeeze %dma_wait3A_44 : memref<1x78x128xi32, #tpu.memory_space<hbm>> -> memref<78x128xi32, #tpu.memory_space<hbm>>
    %dma_wait3A_46 = arith.constant 0 : i32
    %dma_wait3A_47 = arith.constant 0 : i32
    %dma_wait3A_48 = tpu.memref_slice %arg5[%dma_wait3A_46, %dma_wait3A_47] : memref<79x128xi32, #tpu.memory_space<vmem>> -> memref<78x128xi32, #tpu.memory_space<vmem>>
    %dma_wait3A_49 = arith.constant 0 : i32
    %dma_wait3A_50 = tpu.memref_slice %arg2[%dma_wait3A, %mul3A_2, %dma_wait3A_49] : memref<2x2500x128xi32, #tpu.memory_space<hbm>> -> memref<1x78x128xi32, #tpu.memory_space<hbm>>
    %dma_wait3A_51 = tpu.memref_squeeze %dma_wait3A_50 : memref<1x78x128xi32, #tpu.memory_space<hbm>> -> memref<78x128xi32, #tpu.memory_space<hbm>>
    tpu.wait_dma2 semaphore(%arg20 : memref<!tpu.dma_semaphore, #tpu.memory_space<semaphore_mem>>) src(%dma_wait3A_51 : memref<78x128xi32, #tpu.memory_space<hbm>>) dst(%dma_wait3A_48 : memref<78x128xi32, #tpu.memory_space<vmem>>)
    %dma_wait3A_52 = arith.constant 1 : i32
    %dma_wait3A_53 = arith.constant 0 : i32
    %dma_wait3A_54 = arith.constant 0 : i32
    %dma_wait3A_55 = tpu.memref_slice %arg6[%dma_wait3A_53, %dma_wait3A_54] : memref<79x128xi32, #tpu.memory_space<vmem>> -> memref<78x128xi32, #tpu.memory_space<vmem>>
    %dma_wait3A_56 = arith.constant 0 : i32
    %dma_wait3A_57 = tpu.memref_slice %arg2[%dma_wait3A_52, %mul3A_16, %dma_wait3A_56] : memref<2x2500x128xi32, #tpu.memory_space<hbm>> -> memref<1x78x128xi32, #tpu.memory_space<hbm>>
    %dma_wait3A_58 = tpu.memref_squeeze %dma_wait3A_57 : memref<1x78x128xi32, #tpu.memory_space<hbm>> -> memref<78x128xi32, #tpu.memory_space<hbm>>
    %dma_wait3A_59 = arith.constant 0 : i32
    %dma_wait3A_60 = arith.constant 0 : i32
    %dma_wait3A_61 = tpu.memref_slice %arg6[%dma_wait3A_59, %dma_wait3A_60] : memref<79x128xi32, #tpu.memory_space<vmem>> -> memref<78x128xi32, #tpu.memory_space<vmem>>
    %dma_wait3A_62 = arith.constant 0 : i32
    %dma_wait3A_63 = tpu.memref_slice %arg2[%dma_wait3A_52, %mul3A_16, %dma_wait3A_62] : memref<2x2500x128xi32, #tpu.memory_space<hbm>> -> memref<1x78x128xi32, #tpu.memory_space<hbm>>
    %dma_wait3A_64 = tpu.memref_squeeze %dma_wait3A_63 : memref<1x78x128xi32, #tpu.memory_space<hbm>> -> memref<78x128xi32, #tpu.memory_space<hbm>>
    tpu.wait_dma2 semaphore(%arg21 : memref<!tpu.dma_semaphore, #tpu.memory_space<semaphore_mem>>) src(%dma_wait3A_64 : memref<78x128xi32, #tpu.memory_space<hbm>>) dst(%dma_wait3A_61 : memref<78x128xi32, #tpu.memory_space<vmem>>)
    %lt3A = arith.constant 4 : i32
    %lt3A_65 = arith.cmpi slt, %add3A, %lt3A : i32
    %convert_element_type3A = arith.extui %lt3A_65 : i1 to i32
    %cond3A = arith.constant 0 : i32
    %cond3A_66 = arith.cmpi ne, %convert_element_type3A, %cond3A : i32
    scf.if %cond3A_66 {
      %add3A_83 = arith.constant 2496 : i32
      %add3A_84 = arith.addi %add3A_83, %add3A : i32
      %run_scoped3A = arith.constant 0 : i32
      "tpu.region"() ({
        %run_scoped3A_88 = tpu.sem_alloc : memref<!tpu.dma_semaphore, #tpu.memory_space<semaphore_mem>>
        %dma_start3A_89 = arith.constant 78 : i32
        %dma_start3A_90 = arith.constant 0 : i32
        %dma_start3A_91 = tpu.memref_slice %arg5[%dma_start3A_89, %dma_start3A_90] : memref<79x128xi32, #tpu.memory_space<vmem>> -> memref<1x128xi32, #tpu.memory_space<vmem>>
        %dma_start3A_92 = arith.constant 0 : i32
        %dma_start3A_93 = tpu.memref_slice %arg2[%run_scoped3A, %add3A_84, %dma_start3A_92] : memref<2x2500x128xi32, #tpu.memory_space<hbm>> -> memref<1x1x128xi32, #tpu.memory_space<hbm>>
        %dma_start3A_94 = tpu.memref_squeeze %dma_start3A_93 : memref<1x1x128xi32, #tpu.memory_space<hbm>> -> memref<1x128xi32, #tpu.memory_space<hbm>>
        %dma_start3A_95 = arith.constant 78 : i32
        %dma_start3A_96 = arith.constant 0 : i32
        %dma_start3A_97 = tpu.memref_slice %arg5[%dma_start3A_95, %dma_start3A_96] : memref<79x128xi32, #tpu.memory_space<vmem>> -> memref<1x128xi32, #tpu.memory_space<vmem>>
        %dma_start3A_98 = arith.constant 0 : i32
        %dma_start3A_99 = tpu.memref_slice %arg2[%run_scoped3A, %add3A_84, %dma_start3A_98] : memref<2x2500x128xi32, #tpu.memory_space<hbm>> -> memref<1x1x128xi32, #tpu.memory_space<hbm>>
        %dma_start3A_100 = tpu.memref_squeeze %dma_start3A_99 : memref<1x1x128xi32, #tpu.memory_space<hbm>> -> memref<1x128xi32, #tpu.memory_space<hbm>>
        tpu.enqueue_dma source(%dma_start3A_100 : memref<1x128xi32, #tpu.memory_space<hbm>>) target(%dma_start3A_97 : memref<1x128xi32, #tpu.memory_space<vmem>>) target_semaphore(%run_scoped3A_88 : memref<!tpu.dma_semaphore, #tpu.memory_space<semaphore_mem>>)
        %dma_wait3A_101 = arith.constant 78 : i32
        %dma_wait3A_102 = arith.constant 0 : i32
        %dma_wait3A_103 = tpu.memref_slice %arg5[%dma_wait3A_101, %dma_wait3A_102] : memref<79x128xi32, #tpu.memory_space<vmem>> -> memref<1x128xi32, #tpu.memory_space<vmem>>
        %dma_wait3A_104 = arith.constant 0 : i32
        %dma_wait3A_105 = tpu.memref_slice %arg2[%run_scoped3A, %add3A_84, %dma_wait3A_104] : memref<2x2500x128xi32, #tpu.memory_space<hbm>> -> memref<1x1x128xi32, #tpu.memory_space<hbm>>
        %dma_wait3A_106 = tpu.memref_squeeze %dma_wait3A_105 : memref<1x1x128xi32, #tpu.memory_space<hbm>> -> memref<1x128xi32, #tpu.memory_space<hbm>>
        %dma_wait3A_107 = arith.constant 78 : i32
        %dma_wait3A_108 = arith.constant 0 : i32
        %dma_wait3A_109 = tpu.memref_slice %arg5[%dma_wait3A_107, %dma_wait3A_108] : memref<79x128xi32, #tpu.memory_space<vmem>> -> memref<1x128xi32, #tpu.memory_space<vmem>>
        %dma_wait3A_110 = arith.constant 0 : i32
        %dma_wait3A_111 = tpu.memref_slice %arg2[%run_scoped3A, %add3A_84, %dma_wait3A_110] : memref<2x2500x128xi32, #tpu.memory_space<hbm>> -> memref<1x1x128xi32, #tpu.memory_space<hbm>>
        %dma_wait3A_112 = tpu.memref_squeeze %dma_wait3A_111 : memref<1x1x128xi32, #tpu.memory_space<hbm>> -> memref<1x128xi32, #tpu.memory_space<hbm>>
        tpu.wait_dma2 semaphore(%run_scoped3A_88 : memref<!tpu.dma_semaphore, #tpu.memory_space<semaphore_mem>>) src(%dma_wait3A_112 : memref<1x128xi32, #tpu.memory_space<hbm>>) dst(%dma_wait3A_109 : memref<1x128xi32, #tpu.memory_space<vmem>>)
        tpu.yield
      }) : () -> ()
      %add3A_85 = arith.constant 2496 : i32
      %add3A_86 = arith.addi %add3A_85, %add3A : i32
      %run_scoped3A_87 = arith.constant 1 : i32
      "tpu.region"() ({
        %run_scoped3A_88 = tpu.sem_alloc : memref<!tpu.dma_semaphore, #tpu.memory_space<semaphore_mem>>
        %dma_start3A_89 = arith.constant 78 : i32
        %dma_start3A_90 = arith.constant 0 : i32
        %dma_start3A_91 = tpu.memref_slice %arg6[%dma_start3A_89, %dma_start3A_90] : memref<79x128xi32, #tpu.memory_space<vmem>> -> memref<1x128xi32, #tpu.memory_space<vmem>>
        %dma_start3A_92 = arith.constant 0 : i32
        %dma_start3A_93 = tpu.memref_slice %arg2[%run_scoped3A_87, %add3A_86, %dma_start3A_92] : memref<2x2500x128xi32, #tpu.memory_space<hbm>> -> memref<1x1x128xi32, #tpu.memory_space<hbm>>
        %dma_start3A_94 = tpu.memref_squeeze %dma_start3A_93 : memref<1x1x128xi32, #tpu.memory_space<hbm>> -> memref<1x128xi32, #tpu.memory_space<hbm>>
        %dma_start3A_95 = arith.constant 78 : i32
        %dma_start3A_96 = arith.constant 0 : i32
        %dma_start3A_97 = tpu.memref_slice %arg6[%dma_start3A_95, %dma_start3A_96] : memref<79x128xi32, #tpu.memory_space<vmem>> -> memref<1x128xi32, #tpu.memory_space<vmem>>
        %dma_start3A_98 = arith.constant 0 : i32
        %dma_start3A_99 = tpu.memref_slice %arg2[%run_scoped3A_87, %add3A_86, %dma_start3A_98] : memref<2x2500x128xi32, #tpu.memory_space<hbm>> -> memref<1x1x128xi32, #tpu.memory_space<hbm>>
        %dma_start3A_100 = tpu.memref_squeeze %dma_start3A_99 : memref<1x1x128xi32, #tpu.memory_space<hbm>> -> memref<1x128xi32, #tpu.memory_space<hbm>>
        tpu.enqueue_dma source(%dma_start3A_100 : memref<1x128xi32, #tpu.memory_space<hbm>>) target(%dma_start3A_97 : memref<1x128xi32, #tpu.memory_space<vmem>>) target_semaphore(%run_scoped3A_88 : memref<!tpu.dma_semaphore, #tpu.memory_space<semaphore_mem>>)
        %dma_wait3A_101 = arith.constant 78 : i32
        %dma_wait3A_102 = arith.constant 0 : i32
        %dma_wait3A_103 = tpu.memref_slice %arg6[%dma_wait3A_101, %dma_wait3A_102] : memref<79x128xi32, #tpu.memory_space<vmem>> -> memref<1x128xi32, #tpu.memory_space<vmem>>
        %dma_wait3A_104 = arith.constant 0 : i32
        %dma_wait3A_105 = tpu.memref_slice %arg2[%run_scoped3A_87, %add3A_86, %dma_wait3A_104] : memref<2x2500x128xi32, #tpu.memory_space<hbm>> -> memref<1x1x128xi32, #tpu.memory_space<hbm>>
        %dma_wait3A_106 = tpu.memref_squeeze %dma_wait3A_105 : memref<1x1x128xi32, #tpu.memory_space<hbm>> -> memref<1x128xi32, #tpu.memory_space<hbm>>
        %dma_wait3A_107 = arith.constant 78 : i32
        %dma_wait3A_108 = arith.constant 0 : i32
        %dma_wait3A_109 = tpu.memref_slice %arg6[%dma_wait3A_107, %dma_wait3A_108] : memref<79x128xi32, #tpu.memory_space<vmem>> -> memref<1x128xi32, #tpu.memory_space<vmem>>
        %dma_wait3A_110 = arith.constant 0 : i32
        %dma_wait3A_111 = tpu.memref_slice %arg2[%run_scoped3A_87, %add3A_86, %dma_wait3A_110] : memref<2x2500x128xi32, #tpu.memory_space<hbm>> -> memref<1x1x128xi32, #tpu.memory_space<hbm>>
        %dma_wait3A_112 = tpu.memref_squeeze %dma_wait3A_111 : memref<1x1x128xi32, #tpu.memory_space<hbm>> -> memref<1x128xi32, #tpu.memory_space<hbm>>
        tpu.wait_dma2 semaphore(%run_scoped3A_88 : memref<!tpu.dma_semaphore, #tpu.memory_space<semaphore_mem>>) src(%dma_wait3A_112 : memref<1x128xi32, #tpu.memory_space<hbm>>) dst(%dma_wait3A_109 : memref<1x128xi32, #tpu.memory_space<vmem>>)
        tpu.yield
      }) : () -> ()
    } else {
    }
    %barrier3A = arith.constant 0 : index
    tpu.barrier barrier_id(%barrier3A)
    %scan3A_67 = arith.constant 0 : i32
    %scan3A_68 = arith.constant 6 : i32
    %scan3A_69 = arith.addi %scan3A_67, %scan3A_68 : i32
    %scan3A_70 = arith.constant 1 : i32
    scf.for %scan3A_83 = %scan3A_67 to %scan3A_69 step %scan3A_70  : i32 {
      %mul3A_84 = arith.constant 13 : i32
      %mul3A_85 = arith.muli %scan3A_83, %mul3A_84 : i32
      %add3A_86 = arith.constant 0 : i32
      %add3A_87 = arith.addi %add3A_86, %mul3A_85 : i32
      %add3A_88 = arith.constant 0 : i32
      %add3A_89 = arith.addi %add3A_87, %add3A_88 : i32
      %dma_start3A_90 = arith.constant 0 : i32
      %dma_start3A_91 = tpu.memref_slice %arg5[%add3A_89, %dma_start3A_90] : memref<79x128xi32, #tpu.memory_space<vmem>> -> memref<1x128xi32, #tpu.memory_space<vmem>>
      %dma_start3A_92 = tpu.memref_squeeze %dma_start3A_91 : memref<1x128xi32, #tpu.memory_space<vmem>> -> memref<128xi32, #tpu.memory_space<vmem>>
      %dma_start3A_93 = arith.constant 0 : i32
      %dma_start3A_94 = arith.constant 0 : i32
      %dma_start3A_95 = tpu.memref_slice %arg3[%dma_start3A_93, %dma_start3A_94] : memref<10240x32xf32, #tpu.memory_space<hbm>> -> memref<10240x32xf32, #tpu.memory_space<hbm>>
      tpu.enqueue_indirect_dma source(%dma_start3A_95 : memref<10240x32xf32, #tpu.memory_space<hbm>>) target(%arg7 : memref<128x32xf32, #tpu.memory_space<vmem>>) offsets(%dma_start3A_92 : memref<128xi32, #tpu.memory_space<vmem>>) semaphore(%arg20 : memref<!tpu.dma_semaphore, #tpu.memory_space<semaphore_mem>>)
      %add3A_96 = arith.constant 1 : i32
      %add3A_97 = arith.addi %add3A_87, %add3A_96 : i32
      %dma_start3A_98 = arith.constant 0 : i32
      %dma_start3A_99 = tpu.memref_slice %arg5[%add3A_97, %dma_start3A_98] : memref<79x128xi32, #tpu.memory_space<vmem>> -> memref<1x128xi32, #tpu.memory_space<vmem>>
      %dma_start3A_100 = tpu.memref_squeeze %dma_start3A_99 : memref<1x128xi32, #tpu.memory_space<vmem>> -> memref<128xi32, #tpu.memory_space<vmem>>
      %dma_start3A_101 = arith.constant 0 : i32
      %dma_start3A_102 = arith.constant 0 : i32
      %dma_start3A_103 = tpu.memref_slice %arg3[%dma_start3A_101, %dma_start3A_102] : memref<10240x32xf32, #tpu.memory_space<hbm>> -> memref<10240x32xf32, #tpu.memory_space<hbm>>
      tpu.enqueue_indirect_dma source(%dma_start3A_103 : memref<10240x32xf32, #tpu.memory_space<hbm>>) target(%arg8 : memref<128x32xf32, #tpu.memory_space<vmem>>) offsets(%dma_start3A_100 : memref<128xi32, #tpu.memory_space<vmem>>) semaphore(%arg21 : memref<!tpu.dma_semaphore, #tpu.memory_space<semaphore_mem>>)
      %add3A_104 = arith.constant 2 : i32
      %add3A_105 = arith.addi %add3A_87, %add3A_104 : i32
      %dma_start3A_106 = arith.constant 0 : i32
      %dma_start3A_107 = tpu.memref_slice %arg5[%add3A_105, %dma_start3A_106] : memref<79x128xi32, #tpu.memory_space<vmem>> -> memref<1x128xi32, #tpu.memory_space<vmem>>
      %dma_start3A_108 = tpu.memref_squeeze %dma_start3A_107 : memref<1x128xi32, #tpu.memory_space<vmem>> -> memref<128xi32, #tpu.memory_space<vmem>>
      %dma_start3A_109 = arith.constant 0 : i32
      %dma_start3A_110 = arith.constant 0 : i32
      %dma_start3A_111 = tpu.memref_slice %arg3[%dma_start3A_109, %dma_start3A_110] : memref<10240x32xf32, #tpu.memory_space<hbm>> -> memref<10240x32xf32, #tpu.memory_space<hbm>>
      tpu.enqueue_indirect_dma source(%dma_start3A_111 : memref<10240x32xf32, #tpu.memory_space<hbm>>) target(%arg9 : memref<128x32xf32, #tpu.memory_space<vmem>>) offsets(%dma_start3A_108 : memref<128xi32, #tpu.memory_space<vmem>>) semaphore(%arg22 : memref<!tpu.dma_semaphore, #tpu.memory_space<semaphore_mem>>)
      %add3A_112 = arith.constant 3 : i32
      %add3A_113 = arith.addi %add3A_87, %add3A_112 : i32
      %dma_start3A_114 = arith.constant 0 : i32
      %dma_start3A_115 = tpu.memref_slice %arg5[%add3A_113, %dma_start3A_114] : memref<79x128xi32, #tpu.memory_space<vmem>> -> memref<1x128xi32, #tpu.memory_space<vmem>>
      %dma_start3A_116 = tpu.memref_squeeze %dma_start3A_115 : memref<1x128xi32, #tpu.memory_space<vmem>> -> memref<128xi32, #tpu.memory_space<vmem>>
      %dma_start3A_117 = arith.constant 0 : i32
      %dma_start3A_118 = arith.constant 0 : i32
      %dma_start3A_119 = tpu.memref_slice %arg3[%dma_start3A_117, %dma_start3A_118] : memref<10240x32xf32, #tpu.memory_space<hbm>> -> memref<10240x32xf32, #tpu.memory_space<hbm>>
      tpu.enqueue_indirect_dma source(%dma_start3A_119 : memref<10240x32xf32, #tpu.memory_space<hbm>>) target(%arg10 : memref<128x32xf32, #tpu.memory_space<vmem>>) offsets(%dma_start3A_116 : memref<128xi32, #tpu.memory_space<vmem>>) semaphore(%arg23 : memref<!tpu.dma_semaphore, #tpu.memory_space<semaphore_mem>>)
      %add3A_120 = arith.constant 4 : i32
      %add3A_121 = arith.addi %add3A_87, %add3A_120 : i32
      %dma_start3A_122 = arith.constant 0 : i32
      %dma_start3A_123 = tpu.memref_slice %arg5[%add3A_121, %dma_start3A_122] : memref<79x128xi32, #tpu.memory_space<vmem>> -> memref<1x128xi32, #tpu.memory_space<vmem>>
      %dma_start3A_124 = tpu.memref_squeeze %dma_start3A_123 : memref<1x128xi32, #tpu.memory_space<vmem>> -> memref<128xi32, #tpu.memory_space<vmem>>
      %dma_start3A_125 = arith.constant 0 : i32
      %dma_start3A_126 = arith.constant 0 : i32
      %dma_start3A_127 = tpu.memref_slice %arg3[%dma_start3A_125, %dma_start3A_126] : memref<10240x32xf32, #tpu.memory_space<hbm>> -> memref<10240x32xf32, #tpu.memory_space<hbm>>
      tpu.enqueue_indirect_dma source(%dma_start3A_127 : memref<10240x32xf32, #tpu.memory_space<hbm>>) target(%arg11 : memref<128x32xf32, #tpu.memory_space<vmem>>) offsets(%dma_start3A_124 : memref<128xi32, #tpu.memory_space<vmem>>) semaphore(%arg24 : memref<!tpu.dma_semaphore, #tpu.memory_space<semaphore_mem>>)
      %add3A_128 = arith.constant 5 : i32
      %add3A_129 = arith.addi %add3A_87, %add3A_128 : i32
      %dma_start3A_130 = arith.constant 0 : i32
      %dma_start3A_131 = tpu.memref_slice %arg5[%add3A_129, %dma_start3A_130] : memref<79x128xi32, #tpu.memory_space<vmem>> -> memref<1x128xi32, #tpu.memory_space<vmem>>
      %dma_start3A_132 = tpu.memref_squeeze %dma_start3A_131 : memref<1x128xi32, #tpu.memory_space<vmem>> -> memref<128xi32, #tpu.memory_space<vmem>>
      %dma_start3A_133 = arith.constant 0 : i32
      %dma_start3A_134 = arith.constant 0 : i32
      %dma_start3A_135 = tpu.memref_slice %arg3[%dma_start3A_133, %dma_start3A_134] : memref<10240x32xf32, #tpu.memory_space<hbm>> -> memref<10240x32xf32, #tpu.memory_space<hbm>>
      tpu.enqueue_indirect_dma source(%dma_start3A_135 : memref<10240x32xf32, #tpu.memory_space<hbm>>) target(%arg12 : memref<128x32xf32, #tpu.memory_space<vmem>>) offsets(%dma_start3A_132 : memref<128xi32, #tpu.memory_space<vmem>>) semaphore(%arg25 : memref<!tpu.dma_semaphore, #tpu.memory_space<semaphore_mem>>)
      %add3A_136 = arith.constant 6 : i32
      %add3A_137 = arith.addi %add3A_87, %add3A_136 : i32
      %dma_start3A_138 = arith.constant 0 : i32
      %dma_start3A_139 = tpu.memref_slice %arg5[%add3A_137, %dma_start3A_138] : memref<79x128xi32, #tpu.memory_space<vmem>> -> memref<1x128xi32, #tpu.memory_space<vmem>>
      %dma_start3A_140 = tpu.memref_squeeze %dma_start3A_139 : memref<1x128xi32, #tpu.memory_space<vmem>> -> memref<128xi32, #tpu.memory_space<vmem>>
      %dma_start3A_141 = arith.constant 0 : i32
      %dma_start3A_142 = arith.constant 0 : i32
      %dma_start3A_143 = tpu.memref_slice %arg3[%dma_start3A_141, %dma_start3A_142] : memref<10240x32xf32, #tpu.memory_space<hbm>> -> memref<10240x32xf32, #tpu.memory_space<hbm>>
      tpu.enqueue_indirect_dma source(%dma_start3A_143 : memref<10240x32xf32, #tpu.memory_space<hbm>>) target(%arg13 : memref<128x32xf32, #tpu.memory_space<vmem>>) offsets(%dma_start3A_140 : memref<128xi32, #tpu.memory_space<vmem>>) semaphore(%arg26 : memref<!tpu.dma_semaphore, #tpu.memory_space<semaphore_mem>>)
      %add3A_144 = arith.constant 7 : i32
      %add3A_145 = arith.addi %add3A_87, %add3A_144 : i32
      %dma_start3A_146 = arith.constant 0 : i32
      %dma_start3A_147 = tpu.memref_slice %arg5[%add3A_145, %dma_start3A_146] : memref<79x128xi32, #tpu.memory_space<vmem>> -> memref<1x128xi32, #tpu.memory_space<vmem>>
      %dma_start3A_148 = tpu.memref_squeeze %dma_start3A_147 : memref<1x128xi32, #tpu.memory_space<vmem>> -> memref<128xi32, #tpu.memory_space<vmem>>
      %dma_start3A_149 = arith.constant 0 : i32
      %dma_start3A_150 = arith.constant 0 : i32
      %dma_start3A_151 = tpu.memref_slice %arg3[%dma_start3A_149, %dma_start3A_150] : memref<10240x32xf32, #tpu.memory_space<hbm>> -> memref<10240x32xf32, #tpu.memory_space<hbm>>
      tpu.enqueue_indirect_dma source(%dma_start3A_151 : memref<10240x32xf32, #tpu.memory_space<hbm>>) target(%arg14 : memref<128x32xf32, #tpu.memory_space<vmem>>) offsets(%dma_start3A_148 : memref<128xi32, #tpu.memory_space<vmem>>) semaphore(%arg27 : memref<!tpu.dma_semaphore, #tpu.memory_space<semaphore_mem>>)
      %add3A_152 = arith.constant 8 : i32
      %add3A_153 = arith.addi %add3A_87, %add3A_152 : i32
      %dma_start3A_154 = arith.constant 0 : i32
      %dma_start3A_155 = tpu.memref_slice %arg5[%add3A_153, %dma_start3A_154] : memref<79x128xi32, #tpu.memory_space<vmem>> -> memref<1x128xi32, #tpu.memory_space<vmem>>
      %dma_start3A_156 = tpu.memref_squeeze %dma_start3A_155 : memref<1x128xi32, #tpu.memory_space<vmem>> -> memref<128xi32, #tpu.memory_space<vmem>>
      %dma_start3A_157 = arith.constant 0 : i32
      %dma_start3A_158 = arith.constant 0 : i32
      %dma_start3A_159 = tpu.memref_slice %arg3[%dma_start3A_157, %dma_start3A_158] : memref<10240x32xf32, #tpu.memory_space<hbm>> -> memref<10240x32xf32, #tpu.memory_space<hbm>>
      tpu.enqueue_indirect_dma source(%dma_start3A_159 : memref<10240x32xf32, #tpu.memory_space<hbm>>) target(%arg15 : memref<128x32xf32, #tpu.memory_space<vmem>>) offsets(%dma_start3A_156 : memref<128xi32, #tpu.memory_space<vmem>>) semaphore(%arg28 : memref<!tpu.dma_semaphore, #tpu.memory_space<semaphore_mem>>)
      %add3A_160 = arith.constant 9 : i32
      %add3A_161 = arith.addi %add3A_87, %add3A_160 : i32
      %dma_start3A_162 = arith.constant 0 : i32
      %dma_start3A_163 = tpu.memref_slice %arg5[%add3A_161, %dma_start3A_162] : memref<79x128xi32, #tpu.memory_space<vmem>> -> memref<1x128xi32, #tpu.memory_space<vmem>>
      %dma_start3A_164 = tpu.memref_squeeze %dma_start3A_163 : memref<1x128xi32, #tpu.memory_space<vmem>> -> memref<128xi32, #tpu.memory_space<vmem>>
      %dma_start3A_165 = arith.constant 0 : i32
      %dma_start3A_166 = arith.constant 0 : i32
      %dma_start3A_167 = tpu.memref_slice %arg3[%dma_start3A_165, %dma_start3A_166] : memref<10240x32xf32, #tpu.memory_space<hbm>> -> memref<10240x32xf32, #tpu.memory_space<hbm>>
      tpu.enqueue_indirect_dma source(%dma_start3A_167 : memref<10240x32xf32, #tpu.memory_space<hbm>>) target(%arg16 : memref<128x32xf32, #tpu.memory_space<vmem>>) offsets(%dma_start3A_164 : memref<128xi32, #tpu.memory_space<vmem>>) semaphore(%arg29 : memref<!tpu.dma_semaphore, #tpu.memory_space<semaphore_mem>>)
      %add3A_168 = arith.constant 10 : i32
      %add3A_169 = arith.addi %add3A_87, %add3A_168 : i32
      %dma_start3A_170 = arith.constant 0 : i32
      %dma_start3A_171 = tpu.memref_slice %arg5[%add3A_169, %dma_start3A_170] : memref<79x128xi32, #tpu.memory_space<vmem>> -> memref<1x128xi32, #tpu.memory_space<vmem>>
      %dma_start3A_172 = tpu.memref_squeeze %dma_start3A_171 : memref<1x128xi32, #tpu.memory_space<vmem>> -> memref<128xi32, #tpu.memory_space<vmem>>
      %dma_start3A_173 = arith.constant 0 : i32
      %dma_start3A_174 = arith.constant 0 : i32
      %dma_start3A_175 = tpu.memref_slice %arg3[%dma_start3A_173, %dma_start3A_174] : memref<10240x32xf32, #tpu.memory_space<hbm>> -> memref<10240x32xf32, #tpu.memory_space<hbm>>
      tpu.enqueue_indirect_dma source(%dma_start3A_175 : memref<10240x32xf32, #tpu.memory_space<hbm>>) target(%arg17 : memref<128x32xf32, #tpu.memory_space<vmem>>) offsets(%dma_start3A_172 : memref<128xi32, #tpu.memory_space<vmem>>) semaphore(%arg30 : memref<!tpu.dma_semaphore, #tpu.memory_space<semaphore_mem>>)
      %add3A_176 = arith.constant 11 : i32
      %add3A_177 = arith.addi %add3A_87, %add3A_176 : i32
      %dma_start3A_178 = arith.constant 0 : i32
      %dma_start3A_179 = tpu.memref_slice %arg5[%add3A_177, %dma_start3A_178] : memref<79x128xi32, #tpu.memory_space<vmem>> -> memref<1x128xi32, #tpu.memory_space<vmem>>
      %dma_start3A_180 = tpu.memref_squeeze %dma_start3A_179 : memref<1x128xi32, #tpu.memory_space<vmem>> -> memref<128xi32, #tpu.memory_space<vmem>>
      %dma_start3A_181 = arith.constant 0 : i32
      %dma_start3A_182 = arith.constant 0 : i32
      %dma_start3A_183 = tpu.memref_slice %arg3[%dma_start3A_181, %dma_start3A_182] : memref<10240x32xf32, #tpu.memory_space<hbm>> -> memref<10240x32xf32, #tpu.memory_space<hbm>>
      tpu.enqueue_indirect_dma source(%dma_start3A_183 : memref<10240x32xf32, #tpu.memory_space<hbm>>) target(%arg18 : memref<128x32xf32, #tpu.memory_space<vmem>>) offsets(%dma_start3A_180 : memref<128xi32, #tpu.memory_space<vmem>>) semaphore(%arg31 : memref<!tpu.dma_semaphore, #tpu.memory_space<semaphore_mem>>)
      %add3A_184 = arith.constant 12 : i32
      %add3A_185 = arith.addi %add3A_87, %add3A_184 : i32
      %dma_start3A_186 = arith.constant 0 : i32
      %dma_start3A_187 = tpu.memref_slice %arg5[%add3A_185, %dma_start3A_186] : memref<79x128xi32, #tpu.memory_space<vmem>> -> memref<1x128xi32, #tpu.memory_space<vmem>>
      %dma_start3A_188 = tpu.memref_squeeze %dma_start3A_187 : memref<1x128xi32, #tpu.memory_space<vmem>> -> memref<128xi32, #tpu.memory_space<vmem>>
      %dma_start3A_189 = arith.constant 0 : i32
      %dma_start3A_190 = arith.constant 0 : i32
      %dma_start3A_191 = tpu.memref_slice %arg3[%dma_start3A_189, %dma_start3A_190] : memref<10240x32xf32, #tpu.memory_space<hbm>> -> memref<10240x32xf32, #tpu.memory_space<hbm>>
      tpu.enqueue_indirect_dma source(%dma_start3A_191 : memref<10240x32xf32, #tpu.memory_space<hbm>>) target(%arg19 : memref<128x32xf32, #tpu.memory_space<vmem>>) offsets(%dma_start3A_188 : memref<128xi32, #tpu.memory_space<vmem>>) semaphore(%arg32 : memref<!tpu.dma_semaphore, #tpu.memory_space<semaphore_mem>>)
      %dma_wait3A_192 = arith.constant 0 : i32
      %dma_wait3A_193 = tpu.memref_slice %arg5[%add3A_89, %dma_wait3A_192] : memref<79x128xi32, #tpu.memory_space<vmem>> -> memref<1x128xi32, #tpu.memory_space<vmem>>
      %dma_wait3A_194 = tpu.memref_squeeze %dma_wait3A_193 : memref<1x128xi32, #tpu.memory_space<vmem>> -> memref<128xi32, #tpu.memory_space<vmem>>
      %dma_wait3A_195 = arith.constant 0 : i32
      %dma_wait3A_196 = arith.constant 0 : i32
      %dma_wait3A_197 = tpu.memref_slice %arg3[%dma_wait3A_195, %dma_wait3A_196] : memref<10240x32xf32, #tpu.memory_space<hbm>> -> memref<10240x32xf32, #tpu.memory_space<hbm>>
      tpu.wait_indirect_dma semaphore(%arg20 : memref<!tpu.dma_semaphore, #tpu.memory_space<semaphore_mem>>) src(%dma_wait3A_197 : memref<10240x32xf32, #tpu.memory_space<hbm>>) dst(%arg7 : memref<128x32xf32, #tpu.memory_space<vmem>>)
      %add3A_198 = arith.constant 0 : i32
      %add3A_199 = arith.addi %add3A_87, %add3A_198 : i32
      %dma_start3A_200 = arith.constant 0 : i32
      %dma_start3A_201 = tpu.memref_slice %arg6[%add3A_199, %dma_start3A_200] : memref<79x128xi32, #tpu.memory_space<vmem>> -> memref<1x128xi32, #tpu.memory_space<vmem>>
      %dma_start3A_202 = tpu.memref_squeeze %dma_start3A_201 : memref<1x128xi32, #tpu.memory_space<vmem>> -> memref<128xi32, #tpu.memory_space<vmem>>
      %dma_start3A_203 = arith.constant 0 : i32
      %dma_start3A_204 = arith.constant 0 : i32
      %dma_start3A_205 = tpu.memref_slice %arg46[%dma_start3A_203, %dma_start3A_204] : memref<10240x32xf32, #tpu.memory_space<vmem_shared>> -> memref<10240x32xf32, #tpu.memory_space<vmem_shared>>
      tpu.enqueue_indirect_dma source(%arg7 : memref<128x32xf32, #tpu.memory_space<vmem>>) target(%dma_start3A_205 : memref<10240x32xf32, #tpu.memory_space<vmem_shared>>) offsets(%dma_start3A_202 : memref<128xi32, #tpu.memory_space<vmem>>) semaphore(%arg33 : memref<!tpu.dma_semaphore, #tpu.memory_space<semaphore_mem>>) {add = true}
      %dma_wait3A_206 = arith.constant 0 : i32
      %dma_wait3A_207 = tpu.memref_slice %arg5[%add3A_97, %dma_wait3A_206] : memref<79x128xi32, #tpu.memory_space<vmem>> -> memref<1x128xi32, #tpu.memory_space<vmem>>
      %dma_wait3A_208 = tpu.memref_squeeze %dma_wait3A_207 : memref<1x128xi32, #tpu.memory_space<vmem>> -> memref<128xi32, #tpu.memory_space<vmem>>
      %dma_wait3A_209 = arith.constant 0 : i32
      %dma_wait3A_210 = arith.constant 0 : i32
      %dma_wait3A_211 = tpu.memref_slice %arg3[%dma_wait3A_209, %dma_wait3A_210] : memref<10240x32xf32, #tpu.memory_space<hbm>> -> memref<10240x32xf32, #tpu.memory_space<hbm>>
      tpu.wait_indirect_dma semaphore(%arg21 : memref<!tpu.dma_semaphore, #tpu.memory_space<semaphore_mem>>) src(%dma_wait3A_211 : memref<10240x32xf32, #tpu.memory_space<hbm>>) dst(%arg8 : memref<128x32xf32, #tpu.memory_space<vmem>>)
      %add3A_212 = arith.constant 1 : i32
      %add3A_213 = arith.addi %add3A_87, %add3A_212 : i32
      %dma_start3A_214 = arith.constant 0 : i32
      %dma_start3A_215 = tpu.memref_slice %arg6[%add3A_213, %dma_start3A_214] : memref<79x128xi32, #tpu.memory_space<vmem>> -> memref<1x128xi32, #tpu.memory_space<vmem>>
      %dma_start3A_216 = tpu.memref_squeeze %dma_start3A_215 : memref<1x128xi32, #tpu.memory_space<vmem>> -> memref<128xi32, #tpu.memory_space<vmem>>
      %dma_start3A_217 = arith.constant 0 : i32
      %dma_start3A_218 = arith.constant 0 : i32
      %dma_start3A_219 = tpu.memref_slice %arg46[%dma_start3A_217, %dma_start3A_218] : memref<10240x32xf32, #tpu.memory_space<vmem_shared>> -> memref<10240x32xf32, #tpu.memory_space<vmem_shared>>
      tpu.enqueue_indirect_dma source(%arg8 : memref<128x32xf32, #tpu.memory_space<vmem>>) target(%dma_start3A_219 : memref<10240x32xf32, #tpu.memory_space<vmem_shared>>) offsets(%dma_start3A_216 : memref<128xi32, #tpu.memory_space<vmem>>) semaphore(%arg34 : memref<!tpu.dma_semaphore, #tpu.memory_space<semaphore_mem>>) {add = true}
      %dma_wait3A_220 = arith.constant 0 : i32
      %dma_wait3A_221 = tpu.memref_slice %arg5[%add3A_105, %dma_wait3A_220] : memref<79x128xi32, #tpu.memory_space<vmem>> -> memref<1x128xi32, #tpu.memory_space<vmem>>
      %dma_wait3A_222 = tpu.memref_squeeze %dma_wait3A_221 : memref<1x128xi32, #tpu.memory_space<vmem>> -> memref<128xi32, #tpu.memory_space<vmem>>
      %dma_wait3A_223 = arith.constant 0 : i32
      %dma_wait3A_224 = arith.constant 0 : i32
      %dma_wait3A_225 = tpu.memref_slice %arg3[%dma_wait3A_223, %dma_wait3A_224] : memref<10240x32xf32, #tpu.memory_space<hbm>> -> memref<10240x32xf32, #tpu.memory_space<hbm>>
      tpu.wait_indirect_dma semaphore(%arg22 : memref<!tpu.dma_semaphore, #tpu.memory_space<semaphore_mem>>) src(%dma_wait3A_225 : memref<10240x32xf32, #tpu.memory_space<hbm>>) dst(%arg9 : memref<128x32xf32, #tpu.memory_space<vmem>>)
      %add3A_226 = arith.constant 2 : i32
      %add3A_227 = arith.addi %add3A_87, %add3A_226 : i32
      %dma_start3A_228 = arith.constant 0 : i32
      %dma_start3A_229 = tpu.memref_slice %arg6[%add3A_227, %dma_start3A_228] : memref<79x128xi32, #tpu.memory_space<vmem>> -> memref<1x128xi32, #tpu.memory_space<vmem>>
      %dma_start3A_230 = tpu.memref_squeeze %dma_start3A_229 : memref<1x128xi32, #tpu.memory_space<vmem>> -> memref<128xi32, #tpu.memory_space<vmem>>
      %dma_start3A_231 = arith.constant 0 : i32
      %dma_start3A_232 = arith.constant 0 : i32
      %dma_start3A_233 = tpu.memref_slice %arg46[%dma_start3A_231, %dma_start3A_232] : memref<10240x32xf32, #tpu.memory_space<vmem_shared>> -> memref<10240x32xf32, #tpu.memory_space<vmem_shared>>
      tpu.enqueue_indirect_dma source(%arg9 : memref<128x32xf32, #tpu.memory_space<vmem>>) target(%dma_start3A_233 : memref<10240x32xf32, #tpu.memory_space<vmem_shared>>) offsets(%dma_start3A_230 : memref<128xi32, #tpu.memory_space<vmem>>) semaphore(%arg35 : memref<!tpu.dma_semaphore, #tpu.memory_space<semaphore_mem>>) {add = true}
      %dma_wait3A_234 = arith.constant 0 : i32
      %dma_wait3A_235 = tpu.memref_slice %arg5[%add3A_113, %dma_wait3A_234] : memref<79x128xi32, #tpu.memory_space<vmem>> -> memref<1x128xi32, #tpu.memory_space<vmem>>
      %dma_wait3A_236 = tpu.memref_squeeze %dma_wait3A_235 : memref<1x128xi32, #tpu.memory_space<vmem>> -> memref<128xi32, #tpu.memory_space<vmem>>
      %dma_wait3A_237 = arith.constant 0 : i32
      %dma_wait3A_238 = arith.constant 0 : i32
      %dma_wait3A_239 = tpu.memref_slice %arg3[%dma_wait3A_237, %dma_wait3A_238] : memref<10240x32xf32, #tpu.memory_space<hbm>> -> memref<10240x32xf32, #tpu.memory_space<hbm>>
      tpu.wait_indirect_dma semaphore(%arg23 : memref<!tpu.dma_semaphore, #tpu.memory_space<semaphore_mem>>) src(%dma_wait3A_239 : memref<10240x32xf32, #tpu.memory_space<hbm>>) dst(%arg10 : memref<128x32xf32, #tpu.memory_space<vmem>>)
      %add3A_240 = arith.constant 3 : i32
      %add3A_241 = arith.addi %add3A_87, %add3A_240 : i32
      %dma_start3A_242 = arith.constant 0 : i32
      %dma_start3A_243 = tpu.memref_slice %arg6[%add3A_241, %dma_start3A_242] : memref<79x128xi32, #tpu.memory_space<vmem>> -> memref<1x128xi32, #tpu.memory_space<vmem>>
      %dma_start3A_244 = tpu.memref_squeeze %dma_start3A_243 : memref<1x128xi32, #tpu.memory_space<vmem>> -> memref<128xi32, #tpu.memory_space<vmem>>
      %dma_start3A_245 = arith.constant 0 : i32
      %dma_start3A_246 = arith.constant 0 : i32
      %dma_start3A_247 = tpu.memref_slice %arg46[%dma_start3A_245, %dma_start3A_246] : memref<10240x32xf32, #tpu.memory_space<vmem_shared>> -> memref<10240x32xf32, #tpu.memory_space<vmem_shared>>
      tpu.enqueue_indirect_dma source(%arg10 : memref<128x32xf32, #tpu.memory_space<vmem>>) target(%dma_start3A_247 : memref<10240x32xf32, #tpu.memory_space<vmem_shared>>) offsets(%dma_start3A_244 : memref<128xi32, #tpu.memory_space<vmem>>) semaphore(%arg36 : memref<!tpu.dma_semaphore, #tpu.memory_space<semaphore_mem>>) {add = true}
      %dma_wait3A_248 = arith.constant 0 : i32
      %dma_wait3A_249 = tpu.memref_slice %arg5[%add3A_121, %dma_wait3A_248] : memref<79x128xi32, #tpu.memory_space<vmem>> -> memref<1x128xi32, #tpu.memory_space<vmem>>
      %dma_wait3A_250 = tpu.memref_squeeze %dma_wait3A_249 : memref<1x128xi32, #tpu.memory_space<vmem>> -> memref<128xi32, #tpu.memory_space<vmem>>
      %dma_wait3A_251 = arith.constant 0 : i32
      %dma_wait3A_252 = arith.constant 0 : i32
      %dma_wait3A_253 = tpu.memref_slice %arg3[%dma_wait3A_251, %dma_wait3A_252] : memref<10240x32xf32, #tpu.memory_space<hbm>> -> memref<10240x32xf32, #tpu.memory_space<hbm>>
      tpu.wait_indirect_dma semaphore(%arg24 : memref<!tpu.dma_semaphore, #tpu.memory_space<semaphore_mem>>) src(%dma_wait3A_253 : memref<10240x32xf32, #tpu.memory_space<hbm>>) dst(%arg11 : memref<128x32xf32, #tpu.memory_space<vmem>>)
      %add3A_254 = arith.constant 4 : i32
      %add3A_255 = arith.addi %add3A_87, %add3A_254 : i32
      %dma_start3A_256 = arith.constant 0 : i32
      %dma_start3A_257 = tpu.memref_slice %arg6[%add3A_255, %dma_start3A_256] : memref<79x128xi32, #tpu.memory_space<vmem>> -> memref<1x128xi32, #tpu.memory_space<vmem>>
      %dma_start3A_258 = tpu.memref_squeeze %dma_start3A_257 : memref<1x128xi32, #tpu.memory_space<vmem>> -> memref<128xi32, #tpu.memory_space<vmem>>
      %dma_start3A_259 = arith.constant 0 : i32
      %dma_start3A_260 = arith.constant 0 : i32
      %dma_start3A_261 = tpu.memref_slice %arg46[%dma_start3A_259, %dma_start3A_260] : memref<10240x32xf32, #tpu.memory_space<vmem_shared>> -> memref<10240x32xf32, #tpu.memory_space<vmem_shared>>
      tpu.enqueue_indirect_dma source(%arg11 : memref<128x32xf32, #tpu.memory_space<vmem>>) target(%dma_start3A_261 : memref<10240x32xf32, #tpu.memory_space<vmem_shared>>) offsets(%dma_start3A_258 : memref<128xi32, #tpu.memory_space<vmem>>) semaphore(%arg37 : memref<!tpu.dma_semaphore, #tpu.memory_space<semaphore_mem>>) {add = true}
      %dma_wait3A_262 = arith.constant 0 : i32
      %dma_wait3A_263 = tpu.memref_slice %arg5[%add3A_129, %dma_wait3A_262] : memref<79x128xi32, #tpu.memory_space<vmem>> -> memref<1x128xi32, #tpu.memory_space<vmem>>
      %dma_wait3A_264 = tpu.memref_squeeze %dma_wait3A_263 : memref<1x128xi32, #tpu.memory_space<vmem>> -> memref<128xi32, #tpu.memory_space<vmem>>
      %dma_wait3A_265 = arith.constant 0 : i32
      %dma_wait3A_266 = arith.constant 0 : i32
      %dma_wait3A_267 = tpu.memref_slice %arg3[%dma_wait3A_265, %dma_wait3A_266] : memref<10240x32xf32, #tpu.memory_space<hbm>> -> memref<10240x32xf32, #tpu.memory_space<hbm>>
      tpu.wait_indirect_dma semaphore(%arg25 : memref<!tpu.dma_semaphore, #tpu.memory_space<semaphore_mem>>) src(%dma_wait3A_267 : memref<10240x32xf32, #tpu.memory_space<hbm>>) dst(%arg12 : memref<128x32xf32, #tpu.memory_space<vmem>>)
      %add3A_268 = arith.constant 5 : i32
      %add3A_269 = arith.addi %add3A_87, %add3A_268 : i32
      %dma_start3A_270 = arith.constant 0 : i32
      %dma_start3A_271 = tpu.memref_slice %arg6[%add3A_269, %dma_start3A_270] : memref<79x128xi32, #tpu.memory_space<vmem>> -> memref<1x128xi32, #tpu.memory_space<vmem>>
      %dma_start3A_272 = tpu.memref_squeeze %dma_start3A_271 : memref<1x128xi32, #tpu.memory_space<vmem>> -> memref<128xi32, #tpu.memory_space<vmem>>
      %dma_start3A_273 = arith.constant 0 : i32
      %dma_start3A_274 = arith.constant 0 : i32
      %dma_start3A_275 = tpu.memref_slice %arg46[%dma_start3A_273, %dma_start3A_274] : memref<10240x32xf32, #tpu.memory_space<vmem_shared>> -> memref<10240x32xf32, #tpu.memory_space<vmem_shared>>
      tpu.enqueue_indirect_dma source(%arg12 : memref<128x32xf32, #tpu.memory_space<vmem>>) target(%dma_start3A_275 : memref<10240x32xf32, #tpu.memory_space<vmem_shared>>) offsets(%dma_start3A_272 : memref<128xi32, #tpu.memory_space<vmem>>) semaphore(%arg38 : memref<!tpu.dma_semaphore, #tpu.memory_space<semaphore_mem>>) {add = true}
      %dma_wait3A_276 = arith.constant 0 : i32
      %dma_wait3A_277 = tpu.memref_slice %arg5[%add3A_137, %dma_wait3A_276] : memref<79x128xi32, #tpu.memory_space<vmem>> -> memref<1x128xi32, #tpu.memory_space<vmem>>
      %dma_wait3A_278 = tpu.memref_squeeze %dma_wait3A_277 : memref<1x128xi32, #tpu.memory_space<vmem>> -> memref<128xi32, #tpu.memory_space<vmem>>
      %dma_wait3A_279 = arith.constant 0 : i32
      %dma_wait3A_280 = arith.constant 0 : i32
      %dma_wait3A_281 = tpu.memref_slice %arg3[%dma_wait3A_279, %dma_wait3A_280] : memref<10240x32xf32, #tpu.memory_space<hbm>> -> memref<10240x32xf32, #tpu.memory_space<hbm>>
      tpu.wait_indirect_dma semaphore(%arg26 : memref<!tpu.dma_semaphore, #tpu.memory_space<semaphore_mem>>) src(%dma_wait3A_281 : memref<10240x32xf32, #tpu.memory_space<hbm>>) dst(%arg13 : memref<128x32xf32, #tpu.memory_space<vmem>>)
      %add3A_282 = arith.constant 6 : i32
      %add3A_283 = arith.addi %add3A_87, %add3A_282 : i32
      %dma_start3A_284 = arith.constant 0 : i32
      %dma_start3A_285 = tpu.memref_slice %arg6[%add3A_283, %dma_start3A_284] : memref<79x128xi32, #tpu.memory_space<vmem>> -> memref<1x128xi32, #tpu.memory_space<vmem>>
      %dma_start3A_286 = tpu.memref_squeeze %dma_start3A_285 : memref<1x128xi32, #tpu.memory_space<vmem>> -> memref<128xi32, #tpu.memory_space<vmem>>
      %dma_start3A_287 = arith.constant 0 : i32
      %dma_start3A_288 = arith.constant 0 : i32
      %dma_start3A_289 = tpu.memref_slice %arg46[%dma_start3A_287, %dma_start3A_288] : memref<10240x32xf32, #tpu.memory_space<vmem_shared>> -> memref<10240x32xf32, #tpu.memory_space<vmem_shared>>
      tpu.enqueue_indirect_dma source(%arg13 : memref<128x32xf32, #tpu.memory_space<vmem>>) target(%dma_start3A_289 : memref<10240x32xf32, #tpu.memory_space<vmem_shared>>) offsets(%dma_start3A_286 : memref<128xi32, #tpu.memory_space<vmem>>) semaphore(%arg39 : memref<!tpu.dma_semaphore, #tpu.memory_space<semaphore_mem>>) {add = true}
      %dma_wait3A_290 = arith.constant 0 : i32
      %dma_wait3A_291 = tpu.memref_slice %arg5[%add3A_145, %dma_wait3A_290] : memref<79x128xi32, #tpu.memory_space<vmem>> -> memref<1x128xi32, #tpu.memory_space<vmem>>
      %dma_wait3A_292 = tpu.memref_squeeze %dma_wait3A_291 : memref<1x128xi32, #tpu.memory_space<vmem>> -> memref<128xi32, #tpu.memory_space<vmem>>
      %dma_wait3A_293 = arith.constant 0 : i32
      %dma_wait3A_294 = arith.constant 0 : i32
      %dma_wait3A_295 = tpu.memref_slice %arg3[%dma_wait3A_293, %dma_wait3A_294] : memref<10240x32xf32, #tpu.memory_space<hbm>> -> memref<10240x32xf32, #tpu.memory_space<hbm>>
      tpu.wait_indirect_dma semaphore(%arg27 : memref<!tpu.dma_semaphore, #tpu.memory_space<semaphore_mem>>) src(%dma_wait3A_295 : memref<10240x32xf32, #tpu.memory_space<hbm>>) dst(%arg14 : memref<128x32xf32, #tpu.memory_space<vmem>>)
      %add3A_296 = arith.constant 7 : i32
      %add3A_297 = arith.addi %add3A_87, %add3A_296 : i32
      %dma_start3A_298 = arith.constant 0 : i32
      %dma_start3A_299 = tpu.memref_slice %arg6[%add3A_297, %dma_start3A_298] : memref<79x128xi32, #tpu.memory_space<vmem>> -> memref<1x128xi32, #tpu.memory_space<vmem>>
      %dma_start3A_300 = tpu.memref_squeeze %dma_start3A_299 : memref<1x128xi32, #tpu.memory_space<vmem>> -> memref<128xi32, #tpu.memory_space<vmem>>
      %dma_start3A_301 = arith.constant 0 : i32
      %dma_start3A_302 = arith.constant 0 : i32
      %dma_start3A_303 = tpu.memref_slice %arg46[%dma_start3A_301, %dma_start3A_302] : memref<10240x32xf32, #tpu.memory_space<vmem_shared>> -> memref<10240x32xf32, #tpu.memory_space<vmem_shared>>
      tpu.enqueue_indirect_dma source(%arg14 : memref<128x32xf32, #tpu.memory_space<vmem>>) target(%dma_start3A_303 : memref<10240x32xf32, #tpu.memory_space<vmem_shared>>) offsets(%dma_start3A_300 : memref<128xi32, #tpu.memory_space<vmem>>) semaphore(%arg40 : memref<!tpu.dma_semaphore, #tpu.memory_space<semaphore_mem>>) {add = true}
      %dma_wait3A_304 = arith.constant 0 : i32
      %dma_wait3A_305 = tpu.memref_slice %arg5[%add3A_153, %dma_wait3A_304] : memref<79x128xi32, #tpu.memory_space<vmem>> -> memref<1x128xi32, #tpu.memory_space<vmem>>
      %dma_wait3A_306 = tpu.memref_squeeze %dma_wait3A_305 : memref<1x128xi32, #tpu.memory_space<vmem>> -> memref<128xi32, #tpu.memory_space<vmem>>
      %dma_wait3A_307 = arith.constant 0 : i32
      %dma_wait3A_308 = arith.constant 0 : i32
      %dma_wait3A_309 = tpu.memref_slice %arg3[%dma_wait3A_307, %dma_wait3A_308] : memref<10240x32xf32, #tpu.memory_space<hbm>> -> memref<10240x32xf32, #tpu.memory_space<hbm>>
      tpu.wait_indirect_dma semaphore(%arg28 : memref<!tpu.dma_semaphore, #tpu.memory_space<semaphore_mem>>) src(%dma_wait3A_309 : memref<10240x32xf32, #tpu.memory_space<hbm>>) dst(%arg15 : memref<128x32xf32, #tpu.memory_space<vmem>>)
      %add3A_310 = arith.constant 8 : i32
      %add3A_311 = arith.addi %add3A_87, %add3A_310 : i32
      %dma_start3A_312 = arith.constant 0 : i32
      %dma_start3A_313 = tpu.memref_slice %arg6[%add3A_311, %dma_start3A_312] : memref<79x128xi32, #tpu.memory_space<vmem>> -> memref<1x128xi32, #tpu.memory_space<vmem>>
      %dma_start3A_314 = tpu.memref_squeeze %dma_start3A_313 : memref<1x128xi32, #tpu.memory_space<vmem>> -> memref<128xi32, #tpu.memory_space<vmem>>
      %dma_start3A_315 = arith.constant 0 : i32
      %dma_start3A_316 = arith.constant 0 : i32
      %dma_start3A_317 = tpu.memref_slice %arg46[%dma_start3A_315, %dma_start3A_316] : memref<10240x32xf32, #tpu.memory_space<vmem_shared>> -> memref<10240x32xf32, #tpu.memory_space<vmem_shared>>
      tpu.enqueue_indirect_dma source(%arg15 : memref<128x32xf32, #tpu.memory_space<vmem>>) target(%dma_start3A_317 : memref<10240x32xf32, #tpu.memory_space<vmem_shared>>) offsets(%dma_start3A_314 : memref<128xi32, #tpu.memory_space<vmem>>) semaphore(%arg41 : memref<!tpu.dma_semaphore, #tpu.memory_space<semaphore_mem>>) {add = true}
      %dma_wait3A_318 = arith.constant 0 : i32
      %dma_wait3A_319 = tpu.memref_slice %arg5[%add3A_161, %dma_wait3A_318] : memref<79x128xi32, #tpu.memory_space<vmem>> -> memref<1x128xi32, #tpu.memory_space<vmem>>
      %dma_wait3A_320 = tpu.memref_squeeze %dma_wait3A_319 : memref<1x128xi32, #tpu.memory_space<vmem>> -> memref<128xi32, #tpu.memory_space<vmem>>
      %dma_wait3A_321 = arith.constant 0 : i32
      %dma_wait3A_322 = arith.constant 0 : i32
      %dma_wait3A_323 = tpu.memref_slice %arg3[%dma_wait3A_321, %dma_wait3A_322] : memref<10240x32xf32, #tpu.memory_space<hbm>> -> memref<10240x32xf32, #tpu.memory_space<hbm>>
      tpu.wait_indirect_dma semaphore(%arg29 : memref<!tpu.dma_semaphore, #tpu.memory_space<semaphore_mem>>) src(%dma_wait3A_323 : memref<10240x32xf32, #tpu.memory_space<hbm>>) dst(%arg16 : memref<128x32xf32, #tpu.memory_space<vmem>>)
      %add3A_324 = arith.constant 9 : i32
      %add3A_325 = arith.addi %add3A_87, %add3A_324 : i32
      %dma_start3A_326 = arith.constant 0 : i32
      %dma_start3A_327 = tpu.memref_slice %arg6[%add3A_325, %dma_start3A_326] : memref<79x128xi32, #tpu.memory_space<vmem>> -> memref<1x128xi32, #tpu.memory_space<vmem>>
      %dma_start3A_328 = tpu.memref_squeeze %dma_start3A_327 : memref<1x128xi32, #tpu.memory_space<vmem>> -> memref<128xi32, #tpu.memory_space<vmem>>
      %dma_start3A_329 = arith.constant 0 : i32
      %dma_start3A_330 = arith.constant 0 : i32
      %dma_start3A_331 = tpu.memref_slice %arg46[%dma_start3A_329, %dma_start3A_330] : memref<10240x32xf32, #tpu.memory_space<vmem_shared>> -> memref<10240x32xf32, #tpu.memory_space<vmem_shared>>
      tpu.enqueue_indirect_dma source(%arg16 : memref<128x32xf32, #tpu.memory_space<vmem>>) target(%dma_start3A_331 : memref<10240x32xf32, #tpu.memory_space<vmem_shared>>) offsets(%dma_start3A_328 : memref<128xi32, #tpu.memory_space<vmem>>) semaphore(%arg42 : memref<!tpu.dma_semaphore, #tpu.memory_space<semaphore_mem>>) {add = true}
      %dma_wait3A_332 = arith.constant 0 : i32
      %dma_wait3A_333 = tpu.memref_slice %arg5[%add3A_169, %dma_wait3A_332] : memref<79x128xi32, #tpu.memory_space<vmem>> -> memref<1x128xi32, #tpu.memory_space<vmem>>
      %dma_wait3A_334 = tpu.memref_squeeze %dma_wait3A_333 : memref<1x128xi32, #tpu.memory_space<vmem>> -> memref<128xi32, #tpu.memory_space<vmem>>
      %dma_wait3A_335 = arith.constant 0 : i32
      %dma_wait3A_336 = arith.constant 0 : i32
      %dma_wait3A_337 = tpu.memref_slice %arg3[%dma_wait3A_335, %dma_wait3A_336] : memref<10240x32xf32, #tpu.memory_space<hbm>> -> memref<10240x32xf32, #tpu.memory_space<hbm>>
      tpu.wait_indirect_dma semaphore(%arg30 : memref<!tpu.dma_semaphore, #tpu.memory_space<semaphore_mem>>) src(%dma_wait3A_337 : memref<10240x32xf32, #tpu.memory_space<hbm>>) dst(%arg17 : memref<128x32xf32, #tpu.memory_space<vmem>>)
      %add3A_338 = arith.constant 10 : i32
      %add3A_339 = arith.addi %add3A_87, %add3A_338 : i32
      %dma_start3A_340 = arith.constant 0 : i32
      %dma_start3A_341 = tpu.memref_slice %arg6[%add3A_339, %dma_start3A_340] : memref<79x128xi32, #tpu.memory_space<vmem>> -> memref<1x128xi32, #tpu.memory_space<vmem>>
      %dma_start3A_342 = tpu.memref_squeeze %dma_start3A_341 : memref<1x128xi32, #tpu.memory_space<vmem>> -> memref<128xi32, #tpu.memory_space<vmem>>
      %dma_start3A_343 = arith.constant 0 : i32
      %dma_start3A_344 = arith.constant 0 : i32
      %dma_start3A_345 = tpu.memref_slice %arg46[%dma_start3A_343, %dma_start3A_344] : memref<10240x32xf32, #tpu.memory_space<vmem_shared>> -> memref<10240x32xf32, #tpu.memory_space<vmem_shared>>
      tpu.enqueue_indirect_dma source(%arg17 : memref<128x32xf32, #tpu.memory_space<vmem>>) target(%dma_start3A_345 : memref<10240x32xf32, #tpu.memory_space<vmem_shared>>) offsets(%dma_start3A_342 : memref<128xi32, #tpu.memory_space<vmem>>) semaphore(%arg43 : memref<!tpu.dma_semaphore, #tpu.memory_space<semaphore_mem>>) {add = true}
      %dma_wait3A_346 = arith.constant 0 : i32
      %dma_wait3A_347 = tpu.memref_slice %arg5[%add3A_177, %dma_wait3A_346] : memref<79x128xi32, #tpu.memory_space<vmem>> -> memref<1x128xi32, #tpu.memory_space<vmem>>
      %dma_wait3A_348 = tpu.memref_squeeze %dma_wait3A_347 : memref<1x128xi32, #tpu.memory_space<vmem>> -> memref<128xi32, #tpu.memory_space<vmem>>
      %dma_wait3A_349 = arith.constant 0 : i32
      %dma_wait3A_350 = arith.constant 0 : i32
      %dma_wait3A_351 = tpu.memref_slice %arg3[%dma_wait3A_349, %dma_wait3A_350] : memref<10240x32xf32, #tpu.memory_space<hbm>> -> memref<10240x32xf32, #tpu.memory_space<hbm>>
      tpu.wait_indirect_dma semaphore(%arg31 : memref<!tpu.dma_semaphore, #tpu.memory_space<semaphore_mem>>) src(%dma_wait3A_351 : memref<10240x32xf32, #tpu.memory_space<hbm>>) dst(%arg18 : memref<128x32xf32, #tpu.memory_space<vmem>>)
      %add3A_352 = arith.constant 11 : i32
      %add3A_353 = arith.addi %add3A_87, %add3A_352 : i32
      %dma_start3A_354 = arith.constant 0 : i32
      %dma_start3A_355 = tpu.memref_slice %arg6[%add3A_353, %dma_start3A_354] : memref<79x128xi32, #tpu.memory_space<vmem>> -> memref<1x128xi32, #tpu.memory_space<vmem>>
      %dma_start3A_356 = tpu.memref_squeeze %dma_start3A_355 : memref<1x128xi32, #tpu.memory_space<vmem>> -> memref<128xi32, #tpu.memory_space<vmem>>
      %dma_start3A_357 = arith.constant 0 : i32
      %dma_start3A_358 = arith.constant 0 : i32
      %dma_start3A_359 = tpu.memref_slice %arg46[%dma_start3A_357, %dma_start3A_358] : memref<10240x32xf32, #tpu.memory_space<vmem_shared>> -> memref<10240x32xf32, #tpu.memory_space<vmem_shared>>
      tpu.enqueue_indirect_dma source(%arg18 : memref<128x32xf32, #tpu.memory_space<vmem>>) target(%dma_start3A_359 : memref<10240x32xf32, #tpu.memory_space<vmem_shared>>) offsets(%dma_start3A_356 : memref<128xi32, #tpu.memory_space<vmem>>) semaphore(%arg44 : memref<!tpu.dma_semaphore, #tpu.memory_space<semaphore_mem>>) {add = true}
      %dma_wait3A_360 = arith.constant 0 : i32
      %dma_wait3A_361 = tpu.memref_slice %arg5[%add3A_185, %dma_wait3A_360] : memref<79x128xi32, #tpu.memory_space<vmem>> -> memref<1x128xi32, #tpu.memory_space<vmem>>
      %dma_wait3A_362 = tpu.memref_squeeze %dma_wait3A_361 : memref<1x128xi32, #tpu.memory_space<vmem>> -> memref<128xi32, #tpu.memory_space<vmem>>
      %dma_wait3A_363 = arith.constant 0 : i32
      %dma_wait3A_364 = arith.constant 0 : i32
      %dma_wait3A_365 = tpu.memref_slice %arg3[%dma_wait3A_363, %dma_wait3A_364] : memref<10240x32xf32, #tpu.memory_space<hbm>> -> memref<10240x32xf32, #tpu.memory_space<hbm>>
      tpu.wait_indirect_dma semaphore(%arg32 : memref<!tpu.dma_semaphore, #tpu.memory_space<semaphore_mem>>) src(%dma_wait3A_365 : memref<10240x32xf32, #tpu.memory_space<hbm>>) dst(%arg19 : memref<128x32xf32, #tpu.memory_space<vmem>>)
      %add3A_366 = arith.constant 12 : i32
      %add3A_367 = arith.addi %add3A_87, %add3A_366 : i32
      %dma_start3A_368 = arith.constant 0 : i32
      %dma_start3A_369 = tpu.memref_slice %arg6[%add3A_367, %dma_start3A_368] : memref<79x128xi32, #tpu.memory_space<vmem>> -> memref<1x128xi32, #tpu.memory_space<vmem>>
      %dma_start3A_370 = tpu.memref_squeeze %dma_start3A_369 : memref<1x128xi32, #tpu.memory_space<vmem>> -> memref<128xi32, #tpu.memory_space<vmem>>
      %dma_start3A_371 = arith.constant 0 : i32
      %dma_start3A_372 = arith.constant 0 : i32
      %dma_start3A_373 = tpu.memref_slice %arg46[%dma_start3A_371, %dma_start3A_372] : memref<10240x32xf32, #tpu.memory_space<vmem_shared>> -> memref<10240x32xf32, #tpu.memory_space<vmem_shared>>
      tpu.enqueue_indirect_dma source(%arg19 : memref<128x32xf32, #tpu.memory_space<vmem>>) target(%dma_start3A_373 : memref<10240x32xf32, #tpu.memory_space<vmem_shared>>) offsets(%dma_start3A_370 : memref<128xi32, #tpu.memory_space<vmem>>) semaphore(%arg45 : memref<!tpu.dma_semaphore, #tpu.memory_space<semaphore_mem>>) {add = true}
      %dma_wait3A_374 = arith.constant 0 : i32
      %dma_wait3A_375 = tpu.memref_slice %arg6[%add3A_199, %dma_wait3A_374] : memref<79x128xi32, #tpu.memory_space<vmem>> -> memref<1x128xi32, #tpu.memory_space<vmem>>
      %dma_wait3A_376 = tpu.memref_squeeze %dma_wait3A_375 : memref<1x128xi32, #tpu.memory_space<vmem>> -> memref<128xi32, #tpu.memory_space<vmem>>
      %dma_wait3A_377 = arith.constant 0 : i32
      %dma_wait3A_378 = arith.constant 0 : i32
      %dma_wait3A_379 = tpu.memref_slice %arg46[%dma_wait3A_377, %dma_wait3A_378] : memref<10240x32xf32, #tpu.memory_space<vmem_shared>> -> memref<10240x32xf32, #tpu.memory_space<vmem_shared>>
      tpu.wait_indirect_dma semaphore(%arg33 : memref<!tpu.dma_semaphore, #tpu.memory_space<semaphore_mem>>) src(%arg7 : memref<128x32xf32, #tpu.memory_space<vmem>>) dst(%dma_wait3A_379 : memref<10240x32xf32, #tpu.memory_space<vmem_shared>>)
      %dma_wait3A_380 = arith.constant 0 : i32
      %dma_wait3A_381 = tpu.memref_slice %arg6[%add3A_213, %dma_wait3A_380] : memref<79x128xi32, #tpu.memory_space<vmem>> -> memref<1x128xi32, #tpu.memory_space<vmem>>
      %dma_wait3A_382 = tpu.memref_squeeze %dma_wait3A_381 : memref<1x128xi32, #tpu.memory_space<vmem>> -> memref<128xi32, #tpu.memory_space<vmem>>
      %dma_wait3A_383 = arith.constant 0 : i32
      %dma_wait3A_384 = arith.constant 0 : i32
      %dma_wait3A_385 = tpu.memref_slice %arg46[%dma_wait3A_383, %dma_wait3A_384] : memref<10240x32xf32, #tpu.memory_space<vmem_shared>> -> memref<10240x32xf32, #tpu.memory_space<vmem_shared>>
      tpu.wait_indirect_dma semaphore(%arg34 : memref<!tpu.dma_semaphore, #tpu.memory_space<semaphore_mem>>) src(%arg8 : memref<128x32xf32, #tpu.memory_space<vmem>>) dst(%dma_wait3A_385 : memref<10240x32xf32, #tpu.memory_space<vmem_shared>>)
      %dma_wait3A_386 = arith.constant 0 : i32
      %dma_wait3A_387 = tpu.memref_slice %arg6[%add3A_227, %dma_wait3A_386] : memref<79x128xi32, #tpu.memory_space<vmem>> -> memref<1x128xi32, #tpu.memory_space<vmem>>
      %dma_wait3A_388 = tpu.memref_squeeze %dma_wait3A_387 : memref<1x128xi32, #tpu.memory_space<vmem>> -> memref<128xi32, #tpu.memory_space<vmem>>
      %dma_wait3A_389 = arith.constant 0 : i32
      %dma_wait3A_390 = arith.constant 0 : i32
      %dma_wait3A_391 = tpu.memref_slice %arg46[%dma_wait3A_389, %dma_wait3A_390] : memref<10240x32xf32, #tpu.memory_space<vmem_shared>> -> memref<10240x32xf32, #tpu.memory_space<vmem_shared>>
      tpu.wait_indirect_dma semaphore(%arg35 : memref<!tpu.dma_semaphore, #tpu.memory_space<semaphore_mem>>) src(%arg9 : memref<128x32xf32, #tpu.memory_space<vmem>>) dst(%dma_wait3A_391 : memref<10240x32xf32, #tpu.memory_space<vmem_shared>>)
      %dma_wait3A_392 = arith.constant 0 : i32
      %dma_wait3A_393 = tpu.memref_slice %arg6[%add3A_241, %dma_wait3A_392] : memref<79x128xi32, #tpu.memory_space<vmem>> -> memref<1x128xi32, #tpu.memory_space<vmem>>
      %dma_wait3A_394 = tpu.memref_squeeze %dma_wait3A_393 : memref<1x128xi32, #tpu.memory_space<vmem>> -> memref<128xi32, #tpu.memory_space<vmem>>
      %dma_wait3A_395 = arith.constant 0 : i32
      %dma_wait3A_396 = arith.constant 0 : i32
      %dma_wait3A_397 = tpu.memref_slice %arg46[%dma_wait3A_395, %dma_wait3A_396] : memref<10240x32xf32, #tpu.memory_space<vmem_shared>> -> memref<10240x32xf32, #tpu.memory_space<vmem_shared>>
      tpu.wait_indirect_dma semaphore(%arg36 : memref<!tpu.dma_semaphore, #tpu.memory_space<semaphore_mem>>) src(%arg10 : memref<128x32xf32, #tpu.memory_space<vmem>>) dst(%dma_wait3A_397 : memref<10240x32xf32, #tpu.memory_space<vmem_shared>>)
      %dma_wait3A_398 = arith.constant 0 : i32
      %dma_wait3A_399 = tpu.memref_slice %arg6[%add3A_255, %dma_wait3A_398] : memref<79x128xi32, #tpu.memory_space<vmem>> -> memref<1x128xi32, #tpu.memory_space<vmem>>
      %dma_wait3A_400 = tpu.memref_squeeze %dma_wait3A_399 : memref<1x128xi32, #tpu.memory_space<vmem>> -> memref<128xi32, #tpu.memory_space<vmem>>
      %dma_wait3A_401 = arith.constant 0 : i32
      %dma_wait3A_402 = arith.constant 0 : i32
      %dma_wait3A_403 = tpu.memref_slice %arg46[%dma_wait3A_401, %dma_wait3A_402] : memref<10240x32xf32, #tpu.memory_space<vmem_shared>> -> memref<10240x32xf32, #tpu.memory_space<vmem_shared>>
      tpu.wait_indirect_dma semaphore(%arg37 : memref<!tpu.dma_semaphore, #tpu.memory_space<semaphore_mem>>) src(%arg11 : memref<128x32xf32, #tpu.memory_space<vmem>>) dst(%dma_wait3A_403 : memref<10240x32xf32, #tpu.memory_space<vmem_shared>>)
      %dma_wait3A_404 = arith.constant 0 : i32
      %dma_wait3A_405 = tpu.memref_slice %arg6[%add3A_269, %dma_wait3A_404] : memref<79x128xi32, #tpu.memory_space<vmem>> -> memref<1x128xi32, #tpu.memory_space<vmem>>
      %dma_wait3A_406 = tpu.memref_squeeze %dma_wait3A_405 : memref<1x128xi32, #tpu.memory_space<vmem>> -> memref<128xi32, #tpu.memory_space<vmem>>
      %dma_wait3A_407 = arith.constant 0 : i32
      %dma_wait3A_408 = arith.constant 0 : i32
      %dma_wait3A_409 = tpu.memref_slice %arg46[%dma_wait3A_407, %dma_wait3A_408] : memref<10240x32xf32, #tpu.memory_space<vmem_shared>> -> memref<10240x32xf32, #tpu.memory_space<vmem_shared>>
      tpu.wait_indirect_dma semaphore(%arg38 : memref<!tpu.dma_semaphore, #tpu.memory_space<semaphore_mem>>) src(%arg12 : memref<128x32xf32, #tpu.memory_space<vmem>>) dst(%dma_wait3A_409 : memref<10240x32xf32, #tpu.memory_space<vmem_shared>>)
      %dma_wait3A_410 = arith.constant 0 : i32
      %dma_wait3A_411 = tpu.memref_slice %arg6[%add3A_283, %dma_wait3A_410] : memref<79x128xi32, #tpu.memory_space<vmem>> -> memref<1x128xi32, #tpu.memory_space<vmem>>
      %dma_wait3A_412 = tpu.memref_squeeze %dma_wait3A_411 : memref<1x128xi32, #tpu.memory_space<vmem>> -> memref<128xi32, #tpu.memory_space<vmem>>
      %dma_wait3A_413 = arith.constant 0 : i32
      %dma_wait3A_414 = arith.constant 0 : i32
      %dma_wait3A_415 = tpu.memref_slice %arg46[%dma_wait3A_413, %dma_wait3A_414] : memref<10240x32xf32, #tpu.memory_space<vmem_shared>> -> memref<10240x32xf32, #tpu.memory_space<vmem_shared>>
      tpu.wait_indirect_dma semaphore(%arg39 : memref<!tpu.dma_semaphore, #tpu.memory_space<semaphore_mem>>) src(%arg13 : memref<128x32xf32, #tpu.memory_space<vmem>>) dst(%dma_wait3A_415 : memref<10240x32xf32, #tpu.memory_space<vmem_shared>>)
      %dma_wait3A_416 = arith.constant 0 : i32
      %dma_wait3A_417 = tpu.memref_slice %arg6[%add3A_297, %dma_wait3A_416] : memref<79x128xi32, #tpu.memory_space<vmem>> -> memref<1x128xi32, #tpu.memory_space<vmem>>
      %dma_wait3A_418 = tpu.memref_squeeze %dma_wait3A_417 : memref<1x128xi32, #tpu.memory_space<vmem>> -> memref<128xi32, #tpu.memory_space<vmem>>
      %dma_wait3A_419 = arith.constant 0 : i32
      %dma_wait3A_420 = arith.constant 0 : i32
      %dma_wait3A_421 = tpu.memref_slice %arg46[%dma_wait3A_419, %dma_wait3A_420] : memref<10240x32xf32, #tpu.memory_space<vmem_shared>> -> memref<10240x32xf32, #tpu.memory_space<vmem_shared>>
      tpu.wait_indirect_dma semaphore(%arg40 : memref<!tpu.dma_semaphore, #tpu.memory_space<semaphore_mem>>) src(%arg14 : memref<128x32xf32, #tpu.memory_space<vmem>>) dst(%dma_wait3A_421 : memref<10240x32xf32, #tpu.memory_space<vmem_shared>>)
      %dma_wait3A_422 = arith.constant 0 : i32
      %dma_wait3A_423 = tpu.memref_slice %arg6[%add3A_311, %dma_wait3A_422] : memref<79x128xi32, #tpu.memory_space<vmem>> -> memref<1x128xi32, #tpu.memory_space<vmem>>
      %dma_wait3A_424 = tpu.memref_squeeze %dma_wait3A_423 : memref<1x128xi32, #tpu.memory_space<vmem>> -> memref<128xi32, #tpu.memory_space<vmem>>
      %dma_wait3A_425 = arith.constant 0 : i32
      %dma_wait3A_426 = arith.constant 0 : i32
      %dma_wait3A_427 = tpu.memref_slice %arg46[%dma_wait3A_425, %dma_wait3A_426] : memref<10240x32xf32, #tpu.memory_space<vmem_shared>> -> memref<10240x32xf32, #tpu.memory_space<vmem_shared>>
      tpu.wait_indirect_dma semaphore(%arg41 : memref<!tpu.dma_semaphore, #tpu.memory_space<semaphore_mem>>) src(%arg15 : memref<128x32xf32, #tpu.memory_space<vmem>>) dst(%dma_wait3A_427 : memref<10240x32xf32, #tpu.memory_space<vmem_shared>>)
      %dma_wait3A_428 = arith.constant 0 : i32
      %dma_wait3A_429 = tpu.memref_slice %arg6[%add3A_325, %dma_wait3A_428] : memref<79x128xi32, #tpu.memory_space<vmem>> -> memref<1x128xi32, #tpu.memory_space<vmem>>
      %dma_wait3A_430 = tpu.memref_squeeze %dma_wait3A_429 : memref<1x128xi32, #tpu.memory_space<vmem>> -> memref<128xi32, #tpu.memory_space<vmem>>
      %dma_wait3A_431 = arith.constant 0 : i32
      %dma_wait3A_432 = arith.constant 0 : i32
      %dma_wait3A_433 = tpu.memref_slice %arg46[%dma_wait3A_431, %dma_wait3A_432] : memref<10240x32xf32, #tpu.memory_space<vmem_shared>> -> memref<10240x32xf32, #tpu.memory_space<vmem_shared>>
      tpu.wait_indirect_dma semaphore(%arg42 : memref<!tpu.dma_semaphore, #tpu.memory_space<semaphore_mem>>) src(%arg16 : memref<128x32xf32, #tpu.memory_space<vmem>>) dst(%dma_wait3A_433 : memref<10240x32xf32, #tpu.memory_space<vmem_shared>>)
      %dma_wait3A_434 = arith.constant 0 : i32
      %dma_wait3A_435 = tpu.memref_slice %arg6[%add3A_339, %dma_wait3A_434] : memref<79x128xi32, #tpu.memory_space<vmem>> -> memref<1x128xi32, #tpu.memory_space<vmem>>
      %dma_wait3A_436 = tpu.memref_squeeze %dma_wait3A_435 : memref<1x128xi32, #tpu.memory_space<vmem>> -> memref<128xi32, #tpu.memory_space<vmem>>
      %dma_wait3A_437 = arith.constant 0 : i32
      %dma_wait3A_438 = arith.constant 0 : i32
      %dma_wait3A_439 = tpu.memref_slice %arg46[%dma_wait3A_437, %dma_wait3A_438] : memref<10240x32xf32, #tpu.memory_space<vmem_shared>> -> memref<10240x32xf32, #tpu.memory_space<vmem_shared>>
      tpu.wait_indirect_dma semaphore(%arg43 : memref<!tpu.dma_semaphore, #tpu.memory_space<semaphore_mem>>) src(%arg17 : memref<128x32xf32, #tpu.memory_space<vmem>>) dst(%dma_wait3A_439 : memref<10240x32xf32, #tpu.memory_space<vmem_shared>>)
      %dma_wait3A_440 = arith.constant 0 : i32
      %dma_wait3A_441 = tpu.memref_slice %arg6[%add3A_353, %dma_wait3A_440] : memref<79x128xi32, #tpu.memory_space<vmem>> -> memref<1x128xi32, #tpu.memory_space<vmem>>
      %dma_wait3A_442 = tpu.memref_squeeze %dma_wait3A_441 : memref<1x128xi32, #tpu.memory_space<vmem>> -> memref<128xi32, #tpu.memory_space<vmem>>
      %dma_wait3A_443 = arith.constant 0 : i32
      %dma_wait3A_444 = arith.constant 0 : i32
      %dma_wait3A_445 = tpu.memref_slice %arg46[%dma_wait3A_443, %dma_wait3A_444] : memref<10240x32xf32, #tpu.memory_space<vmem_shared>> -> memref<10240x32xf32, #tpu.memory_space<vmem_shared>>
      tpu.wait_indirect_dma semaphore(%arg44 : memref<!tpu.dma_semaphore, #tpu.memory_space<semaphore_mem>>) src(%arg18 : memref<128x32xf32, #tpu.memory_space<vmem>>) dst(%dma_wait3A_445 : memref<10240x32xf32, #tpu.memory_space<vmem_shared>>)
      %dma_wait3A_446 = arith.constant 0 : i32
      %dma_wait3A_447 = tpu.memref_slice %arg6[%add3A_367, %dma_wait3A_446] : memref<79x128xi32, #tpu.memory_space<vmem>> -> memref<1x128xi32, #tpu.memory_space<vmem>>
      %dma_wait3A_448 = tpu.memref_squeeze %dma_wait3A_447 : memref<1x128xi32, #tpu.memory_space<vmem>> -> memref<128xi32, #tpu.memory_space<vmem>>
      %dma_wait3A_449 = arith.constant 0 : i32
      %dma_wait3A_450 = arith.constant 0 : i32
      %dma_wait3A_451 = tpu.memref_slice %arg46[%dma_wait3A_449, %dma_wait3A_450] : memref<10240x32xf32, #tpu.memory_space<vmem_shared>> -> memref<10240x32xf32, #tpu.memory_space<vmem_shared>>
      tpu.wait_indirect_dma semaphore(%arg45 : memref<!tpu.dma_semaphore, #tpu.memory_space<semaphore_mem>>) src(%arg19 : memref<128x32xf32, #tpu.memory_space<vmem>>) dst(%dma_wait3A_451 : memref<10240x32xf32, #tpu.memory_space<vmem_shared>>)
    }
    %scan3A_71 = arith.constant 6 : i32
    %lt3A_72 = arith.constant 4 : i32
    %lt3A_73 = arith.cmpi slt, %add3A, %lt3A_72 : i32
    %convert_element_type3A_74 = arith.extui %lt3A_73 : i1 to i32
    %cond3A_75 = arith.constant 0 : i32
    %cond3A_76 = arith.cmpi ne, %convert_element_type3A_74, %cond3A_75 : i32
    scf.if %cond3A_76 {
      %run_scoped3A = arith.constant 78 : i32
      "tpu.region"() ({
        %run_scoped3A_84 = tpu.sem_alloc : memref<!tpu.dma_semaphore, #tpu.memory_space<semaphore_mem>>
        %dma_start3A_85 = arith.constant 0 : i32
        %dma_start3A_86 = tpu.memref_slice %arg5[%run_scoped3A, %dma_start3A_85] : memref<79x128xi32, #tpu.memory_space<vmem>> -> memref<1x128xi32, #tpu.memory_space<vmem>>
        %dma_start3A_87 = tpu.memref_squeeze %dma_start3A_86 : memref<1x128xi32, #tpu.memory_space<vmem>> -> memref<128xi32, #tpu.memory_space<vmem>>
        %dma_start3A_88 = arith.constant 0 : i32
        %dma_start3A_89 = arith.constant 0 : i32
        %dma_start3A_90 = tpu.memref_slice %arg3[%dma_start3A_88, %dma_start3A_89] : memref<10240x32xf32, #tpu.memory_space<hbm>> -> memref<10240x32xf32, #tpu.memory_space<hbm>>
        tpu.enqueue_indirect_dma source(%dma_start3A_90 : memref<10240x32xf32, #tpu.memory_space<hbm>>) target(%arg7 : memref<128x32xf32, #tpu.memory_space<vmem>>) offsets(%dma_start3A_87 : memref<128xi32, #tpu.memory_space<vmem>>) semaphore(%run_scoped3A_84 : memref<!tpu.dma_semaphore, #tpu.memory_space<semaphore_mem>>)
        %dma_wait3A_91 = arith.constant 0 : i32
        %dma_wait3A_92 = tpu.memref_slice %arg5[%run_scoped3A, %dma_wait3A_91] : memref<79x128xi32, #tpu.memory_space<vmem>> -> memref<1x128xi32, #tpu.memory_space<vmem>>
        %dma_wait3A_93 = tpu.memref_squeeze %dma_wait3A_92 : memref<1x128xi32, #tpu.memory_space<vmem>> -> memref<128xi32, #tpu.memory_space<vmem>>
        %dma_wait3A_94 = arith.constant 0 : i32
        %dma_wait3A_95 = arith.constant 0 : i32
        %dma_wait3A_96 = tpu.memref_slice %arg3[%dma_wait3A_94, %dma_wait3A_95] : memref<10240x32xf32, #tpu.memory_space<hbm>> -> memref<10240x32xf32, #tpu.memory_space<hbm>>
        tpu.wait_indirect_dma semaphore(%run_scoped3A_84 : memref<!tpu.dma_semaphore, #tpu.memory_space<semaphore_mem>>) src(%dma_wait3A_96 : memref<10240x32xf32, #tpu.memory_space<hbm>>) dst(%arg7 : memref<128x32xf32, #tpu.memory_space<vmem>>)
        tpu.yield
      }) : () -> ()
      %run_scoped3A_83 = arith.constant 78 : i32
      "tpu.region"() ({
        %run_scoped3A_84 = tpu.sem_alloc : memref<!tpu.dma_semaphore, #tpu.memory_space<semaphore_mem>>
        %dma_start3A_85 = arith.constant 0 : i32
        %dma_start3A_86 = tpu.memref_slice %arg6[%run_scoped3A_83, %dma_start3A_85] : memref<79x128xi32, #tpu.memory_space<vmem>> -> memref<1x128xi32, #tpu.memory_space<vmem>>
        %dma_start3A_87 = tpu.memref_squeeze %dma_start3A_86 : memref<1x128xi32, #tpu.memory_space<vmem>> -> memref<128xi32, #tpu.memory_space<vmem>>
        %dma_start3A_88 = arith.constant 0 : i32
        %dma_start3A_89 = arith.constant 0 : i32
        %dma_start3A_90 = tpu.memref_slice %arg46[%dma_start3A_88, %dma_start3A_89] : memref<10240x32xf32, #tpu.memory_space<vmem_shared>> -> memref<10240x32xf32, #tpu.memory_space<vmem_shared>>
        tpu.enqueue_indirect_dma source(%arg7 : memref<128x32xf32, #tpu.memory_space<vmem>>) target(%dma_start3A_90 : memref<10240x32xf32, #tpu.memory_space<vmem_shared>>) offsets(%dma_start3A_87 : memref<128xi32, #tpu.memory_space<vmem>>) semaphore(%run_scoped3A_84 : memref<!tpu.dma_semaphore, #tpu.memory_space<semaphore_mem>>) {add = true}
        %dma_wait3A_91 = arith.constant 0 : i32
        %dma_wait3A_92 = tpu.memref_slice %arg6[%run_scoped3A_83, %dma_wait3A_91] : memref<79x128xi32, #tpu.memory_space<vmem>> -> memref<1x128xi32, #tpu.memory_space<vmem>>
        %dma_wait3A_93 = tpu.memref_squeeze %dma_wait3A_92 : memref<1x128xi32, #tpu.memory_space<vmem>> -> memref<128xi32, #tpu.memory_space<vmem>>
        %dma_wait3A_94 = arith.constant 0 : i32
        %dma_wait3A_95 = arith.constant 0 : i32
        %dma_wait3A_96 = tpu.memref_slice %arg46[%dma_wait3A_94, %dma_wait3A_95] : memref<10240x32xf32, #tpu.memory_space<vmem_shared>> -> memref<10240x32xf32, #tpu.memory_space<vmem_shared>>
        tpu.wait_indirect_dma semaphore(%run_scoped3A_84 : memref<!tpu.dma_semaphore, #tpu.memory_space<semaphore_mem>>) src(%arg7 : memref<128x32xf32, #tpu.memory_space<vmem>>) dst(%dma_wait3A_96 : memref<10240x32xf32, #tpu.memory_space<vmem_shared>>)
        tpu.yield
      }) : () -> ()
    } else {
    }
    %barrier3A_77 = arith.constant 0 : index
    tpu.barrier barrier_id(%barrier3A_77)
    %scan3A_78 = arith.constant 0 : i32
    %scan3A_79 = arith.constant 5 : i32
    %scan3A_80 = arith.addi %scan3A_78, %scan3A_79 : i32
    %scan3A_81 = arith.constant 1 : i32
    scf.for %scan3A_83 = %scan3A_78 to %scan3A_80 step %scan3A_81  : i32 {
      %mul3A_84 = arith.constant 128 : i32
      %mul3A_85 = arith.muli %scan3A_83, %mul3A_84 : i32
      %add3A_86 = arith.constant 0 : i32
      %add3A_87 = arith.addi %add3A_86, %mul3A_85 : i32
      %mul3A_88 = arith.constant 640 : i32
      %mul3A_89 = arith.muli %arg1, %mul3A_88 : i32
      %add3A_90 = arith.addi %mul3A_89, %add3A_87 : i32
      "tpu.region"() ({
        %run_scoped3A = tpu.sem_alloc : memref<!tpu.dma_semaphore, #tpu.memory_space<semaphore_mem>>
        %dma_start3A_94 = arith.constant 0 : i32
        %dma_start3A_95 = tpu.memref_slice %arg46[%add3A_90, %dma_start3A_94] : memref<10240x32xf32, #tpu.memory_space<vmem_shared>> -> memref<128x32xf32, #tpu.memory_space<vmem_shared>>
        %dma_start3A_96 = arith.constant 0 : i32
        %dma_start3A_97 = tpu.memref_slice %arg46[%add3A_90, %dma_start3A_96] : memref<10240x32xf32, #tpu.memory_space<vmem_shared>> -> memref<128x32xf32, #tpu.memory_space<vmem_shared>>
        tpu.enqueue_dma source(%dma_start3A_97 : memref<128x32xf32, #tpu.memory_space<vmem_shared>>) target(%arg7 : memref<128x32xf32, #tpu.memory_space<vmem>>) target_semaphore(%run_scoped3A : memref<!tpu.dma_semaphore, #tpu.memory_space<semaphore_mem>>)
        %dma_wait3A_98 = arith.constant 0 : i32
        %dma_wait3A_99 = tpu.memref_slice %arg46[%add3A_90, %dma_wait3A_98] : memref<10240x32xf32, #tpu.memory_space<vmem_shared>> -> memref<128x32xf32, #tpu.memory_space<vmem_shared>>
        %dma_wait3A_100 = arith.constant 0 : i32
        %dma_wait3A_101 = tpu.memref_slice %arg46[%add3A_90, %dma_wait3A_100] : memref<10240x32xf32, #tpu.memory_space<vmem_shared>> -> memref<128x32xf32, #tpu.memory_space<vmem_shared>>
        tpu.wait_dma2 semaphore(%run_scoped3A : memref<!tpu.dma_semaphore, #tpu.memory_space<semaphore_mem>>) src(%dma_wait3A_101 : memref<128x32xf32, #tpu.memory_space<vmem_shared>>) dst(%arg7 : memref<128x32xf32, #tpu.memory_space<vmem>>)
        tpu.yield
      }) : () -> ()
      %mul3A_91 = arith.constant 640 : i32
      %mul3A_92 = arith.muli %arg1, %mul3A_91 : i32
      %add3A_93 = arith.addi %mul3A_92, %add3A_87 : i32
      "tpu.region"() ({
        %run_scoped3A = tpu.sem_alloc : memref<!tpu.dma_semaphore, #tpu.memory_space<semaphore_mem>>
        %dma_start3A_94 = arith.constant 0 : i32
        %dma_start3A_95 = tpu.memref_slice %arg4[%arg0, %add3A_93, %dma_start3A_94] : memref<2x10240x32xf32, #tpu.memory_space<hbm>> -> memref<1x128x32xf32, #tpu.memory_space<hbm>>
        %dma_start3A_96 = tpu.memref_squeeze %dma_start3A_95 : memref<1x128x32xf32, #tpu.memory_space<hbm>> -> memref<128x32xf32, #tpu.memory_space<hbm>>
        %dma_start3A_97 = arith.constant 0 : i32
        %dma_start3A_98 = tpu.memref_slice %arg4[%arg0, %add3A_93, %dma_start3A_97] : memref<2x10240x32xf32, #tpu.memory_space<hbm>> -> memref<1x128x32xf32, #tpu.memory_space<hbm>>
        %dma_start3A_99 = tpu.memref_squeeze %dma_start3A_98 : memref<1x128x32xf32, #tpu.memory_space<hbm>> -> memref<128x32xf32, #tpu.memory_space<hbm>>
        tpu.enqueue_dma source(%arg7 : memref<128x32xf32, #tpu.memory_space<vmem>>) target(%dma_start3A_99 : memref<128x32xf32, #tpu.memory_space<hbm>>) target_semaphore(%run_scoped3A : memref<!tpu.dma_semaphore, #tpu.memory_space<semaphore_mem>>)
        %dma_wait3A_100 = arith.constant 0 : i32
        %dma_wait3A_101 = tpu.memref_slice %arg4[%arg0, %add3A_93, %dma_wait3A_100] : memref<2x10240x32xf32, #tpu.memory_space<hbm>> -> memref<1x128x32xf32, #tpu.memory_space<hbm>>
        %dma_wait3A_102 = tpu.memref_squeeze %dma_wait3A_101 : memref<1x128x32xf32, #tpu.memory_space<hbm>> -> memref<128x32xf32, #tpu.memory_space<hbm>>
        %dma_wait3A_103 = arith.constant 0 : i32
        %dma_wait3A_104 = tpu.memref_slice %arg4[%arg0, %add3A_93, %dma_wait3A_103] : memref<2x10240x32xf32, #tpu.memory_space<hbm>> -> memref<1x128x32xf32, #tpu.memory_space<hbm>>
        %dma_wait3A_105 = tpu.memref_squeeze %dma_wait3A_104 : memref<1x128x32xf32, #tpu.memory_space<hbm>> -> memref<128x32xf32, #tpu.memory_space<hbm>>
        tpu.wait_dma2 semaphore(%run_scoped3A : memref<!tpu.dma_semaphore, #tpu.memory_space<semaphore_mem>>) src(%arg7 : memref<128x32xf32, #tpu.memory_space<vmem>>) dst(%dma_wait3A_105 : memref<128x32xf32, #tpu.memory_space<hbm>>)
        tpu.yield
      }) : () -> ()
    }
    %scan3A_82 = arith.constant 5 : i32
    return
  }
}

module attributes {stable_mosaic.version = 14 : i64} {
  func.func @_tc1_body(%arg0: i32, %arg1: memref<5120x128xf32, #tpu.memory_space<vmem>>, %arg2: memref<128x32xf32, #tpu.memory_space<vmem>>, %arg3: memref<2x5120xf32, #tpu.memory_space<vmem>>, %arg4: memref<5120x32xf32, #tpu.memory_space<vmem>>) attributes {dimension_semantics = [#tpu.dimension_semantics<arbitrary>], iteration_bounds = array<i64: 2>, scalar_prefetch = 0 : i64, scratch_operands = 0 : i64, tpu.core_type = #tpu.core_type<tc>, window_params = [{transform_indices = @transform_0, window_bounds = array<i64: 5120, 128>}, {pipeline_mode = #tpu.pipeline_mode<synchronous>, transform_indices = @transform_1, window_bounds = array<i64: 128, 32>}, {transform_indices = @transform_2, window_bounds = array<i64: 2, 5120>}, {transform_indices = @transform_3, window_bounds = array<i64: 5120, 32>}]} {
    %get3A = arith.constant 0 : index
    %get3A_0 = arith.constant 0 : index
    %get3A_1 = vector.load %arg3[%get3A, %get3A_0] : memref<2x5120xf32, #tpu.memory_space<vmem>>, vector<1x5120xf32>
    %get3A_2 = arith.constant 1 : index
    %get3A_3 = arith.constant 0 : index
    %get3A_4 = vector.load %arg3[%get3A_2, %get3A_3] : memref<2x5120xf32, #tpu.memory_space<vmem>>, vector<1x5120xf32>
    %add3A = arith.addf %get3A_1, %get3A_4 : vector<1x5120xf32>
    %add3A_5 = arith.constant 1.000000e+00 : f32
    %add3A_6 = vector.broadcast %add3A_5 : f32 to vector<1x5120xf32>
    %add3A_7 = arith.addf %add3A, %add3A_6 : vector<1x5120xf32>
    %max3A = arith.constant 9.99999996E-13 : f32
    %max3A_8 = vector.broadcast %max3A : f32 to vector<1x5120xf32>
    %max3A_9 = arith.maximumf %add3A_7, %max3A_8 : vector<1x5120xf32>
    %rsqrt3A = math.rsqrt %max3A_9 : vector<1x5120xf32>
    %transpose3A = tpu.transpose %rsqrt3A, [1, 0] : vector<1x5120xf32> -> vector<5120x1xf32>
    %get3A_10 = arith.constant 0 : index
    %get3A_11 = arith.constant 0 : index
    %get3A_12 = vector.load %arg1[%get3A_10, %get3A_11] : memref<5120x128xf32, #tpu.memory_space<vmem>>, vector<5120x128xf32>
    %get3A_13 = arith.constant 0 : index
    %get3A_14 = arith.constant 0 : index
    %get3A_15 = vector.load %arg2[%get3A_13, %get3A_14] : memref<128x32xf32, #tpu.memory_space<vmem>>, vector<128x32xf32>
    %convert_element_type3A = arith.truncf %get3A_12 : vector<5120x128xf32> to vector<5120x128xbf16>
    %convert_element_type3A_16 = arith.truncf %get3A_15 : vector<128x32xf32> to vector<128x32xbf16>
    %dot_general3A = arith.constant dense<0.000000e+00> : vector<5120x32xf32>
    %dot_general3A_17 = tpu.matmul %convert_element_type3A, %convert_element_type3A_16, %dot_general3A {dimension_numbers = #tpu.dot_dimension_numbers<[1], [0], [0], [1], [0, 0, 1, 1], [], []>, transpose_lhs_hint = false} : vector<5120x128xbf16>, vector<128x32xbf16>, vector<5120x32xf32> -> vector<5120x32xf32>
    %mul3A = vector.broadcast %transpose3A : vector<5120x1xf32> to vector<5120x32xf32>
    %mul3A_18 = arith.mulf %dot_general3A_17, %mul3A : vector<5120x32xf32>
    %swap3A = arith.constant 0 : index
    %swap3A_19 = arith.constant 0 : index
    %swap3A_20 = vector.load %arg4[%swap3A, %swap3A_19] : memref<5120x32xf32, #tpu.memory_space<vmem>>, vector<5120x32xf32>
    tpu.vector_store %arg4[%swap3A, %swap3A_19], %mul3A_18 {strides = array<i32>} : memref<5120x32xf32, #tpu.memory_space<vmem>>, vector<5120x32xf32>,
    return
  }
  func.func @transform_0(%arg0: i32) -> (i32, i32) {
    %c0_i32 = arith.constant 0 : i32
    %c0_i32_0 = arith.constant 0 : i32
    return %arg0, %c0_i32 : i32, i32
  }
  func.func @transform_1(%arg0: i32) -> (i32, i32) {
    %c0_i32 = arith.constant 0 : i32
    %c0_i32_0 = arith.constant 0 : i32
    %c0_i32_1 = arith.constant 0 : i32
    return %c0_i32, %c0_i32_0 : i32, i32
  }
  func.func @transform_2(%arg0: i32) -> (i32, i32) {
    %c0_i32 = arith.constant 0 : i32
    %c0_i32_0 = arith.constant 0 : i32
    return %c0_i32, %arg0 : i32, i32
  }
  func.func @transform_3(%arg0: i32) -> (i32, i32) {
    %c0_i32 = arith.constant 0 : i32
    %c0_i32_0 = arith.constant 0 : i32
    return %arg0, %c0_i32 : i32, i32
  }
}

module attributes {stable_mosaic.version = 14 : i64} {
  func.func @_tc2_body(%arg0: i32, %arg1: memref<1x5120x32xf32, #tpu.memory_space<vmem>>, %arg2: memref<1x5120x32xf32, #tpu.memory_space<vmem>>, %arg3: memref<5120x32xf32, #tpu.memory_space<vmem>>, %arg4: memref<2x5120xf32, #tpu.memory_space<vmem>>, %arg5: memref<1x32xf32, #tpu.memory_space<vmem>>, %arg6: memref<1x32xf32, #tpu.memory_space<vmem>>, %arg7: memref<1x32xf32, #tpu.memory_space<vmem>>, %arg8: memref<5120x32xf32, #tpu.memory_space<vmem>>) attributes {dimension_semantics = [#tpu.dimension_semantics<arbitrary>], iteration_bounds = array<i64: 2>, scalar_prefetch = 0 : i64, scratch_operands = 0 : i64, tpu.core_type = #tpu.core_type<tc>, window_params = [{transform_indices = @transform_0, window_bounds = array<i64: 1, 5120, 32>}, {transform_indices = @transform_1, window_bounds = array<i64: 1, 5120, 32>}, {transform_indices = @transform_2, window_bounds = array<i64: 5120, 32>}, {transform_indices = @transform_3, window_bounds = array<i64: 2, 5120>}, {pipeline_mode = #tpu.pipeline_mode<synchronous>, transform_indices = @transform_4, window_bounds = array<i64: 1, 32>}, {pipeline_mode = #tpu.pipeline_mode<synchronous>, transform_indices = @transform_5, window_bounds = array<i64: 1, 32>}, {pipeline_mode = #tpu.pipeline_mode<synchronous>, transform_indices = @transform_6, window_bounds = array<i64: 1, 32>}, {transform_indices = @transform_7, window_bounds = array<i64: 5120, 32>}]} {
    %get3A = arith.constant 0 : index
    %get3A_0 = arith.constant 0 : index
    %get3A_1 = vector.load %arg4[%get3A, %get3A_0] : memref<2x5120xf32, #tpu.memory_space<vmem>>, vector<1x5120xf32>
    %get3A_2 = arith.constant 1 : index
    %get3A_3 = arith.constant 0 : index
    %get3A_4 = vector.load %arg4[%get3A_2, %get3A_3] : memref<2x5120xf32, #tpu.memory_space<vmem>>, vector<1x5120xf32>
    %add3A = arith.addf %get3A_1, %get3A_4 : vector<1x5120xf32>
    %add3A_5 = arith.constant 1.000000e+00 : f32
    %add3A_6 = vector.broadcast %add3A_5 : f32 to vector<1x5120xf32>
    %add3A_7 = arith.addf %add3A, %add3A_6 : vector<1x5120xf32>
    %max3A = arith.constant 9.99999996E-13 : f32
    %max3A_8 = vector.broadcast %max3A : f32 to vector<1x5120xf32>
    %max3A_9 = arith.maximumf %add3A_7, %max3A_8 : vector<1x5120xf32>
    %rsqrt3A = math.rsqrt %max3A_9 : vector<1x5120xf32>
    %transpose3A = tpu.transpose %rsqrt3A, [1, 0] : vector<1x5120xf32> -> vector<5120x1xf32>
    %get3A_10 = arith.constant 0 : index
    %get3A_11 = arith.constant 0 : index
    %get3A_12 = arith.constant 0 : index
    %get3A_13 = vector.load %arg1[%get3A_10, %get3A_11, %get3A_12] : memref<1x5120x32xf32, #tpu.memory_space<vmem>>, vector<1x5120x32xf32>
    %get3A_14 = vector.shape_cast %get3A_13 : vector<1x5120x32xf32> to vector<5120x32xf32>
    %get3A_15 = arith.constant 0 : index
    %get3A_16 = arith.constant 0 : index
    %get3A_17 = arith.constant 0 : index
    %get3A_18 = vector.load %arg2[%get3A_15, %get3A_16, %get3A_17] : memref<1x5120x32xf32, #tpu.memory_space<vmem>>, vector<1x5120x32xf32>
    %get3A_19 = vector.shape_cast %get3A_18 : vector<1x5120x32xf32> to vector<5120x32xf32>
    %add3A_20 = arith.addf %get3A_14, %get3A_19 : vector<5120x32xf32>
    %get3A_21 = arith.constant 0 : index
    %get3A_22 = arith.constant 0 : index
    %get3A_23 = vector.load %arg3[%get3A_21, %get3A_22] : memref<5120x32xf32, #tpu.memory_space<vmem>>, vector<5120x32xf32>
    %add3A_24 = arith.addf %add3A_20, %get3A_23 : vector<5120x32xf32>
    %mul3A = vector.broadcast %transpose3A : vector<5120x1xf32> to vector<5120x32xf32>
    %mul3A_25 = arith.mulf %add3A_24, %mul3A : vector<5120x32xf32>
    %get3A_26 = arith.constant 0 : index
    %get3A_27 = arith.constant 0 : index
    %get3A_28 = vector.load %arg7[%get3A_26, %get3A_27] : memref<1x32xf32, #tpu.memory_space<vmem>>, vector<1x32xf32>
    %add3A_29 = vector.broadcast %get3A_28 : vector<1x32xf32> to vector<5120x32xf32>
    %add3A_30 = arith.addf %mul3A_25, %add3A_29 : vector<5120x32xf32>
    %reduce_sum3A = arith.constant dense<0.000000e+00> : vector<5120xf32>
    %reduce_sum3A_31 = vector.multi_reduction <add>, %add3A_30, %reduce_sum3A [1] : vector<5120x32xf32> to vector<5120xf32>
    %broadcast_in_dim3A = vector.shape_cast %reduce_sum3A_31 : vector<5120xf32> to vector<5120x1xf32>
    %div3A = arith.constant 3.200000e+01 : f32
    %div3A_32 = vector.broadcast %div3A : f32 to vector<5120x1xf32>
    %div3A_33 = arith.divf %broadcast_in_dim3A, %div3A_32 : vector<5120x1xf32>
    %sub3A = vector.broadcast %div3A_33 : vector<5120x1xf32> to vector<5120x32xf32>
    %sub3A_34 = arith.subf %add3A_30, %sub3A : vector<5120x32xf32>
    %integer_pow3A = arith.mulf %sub3A_34, %sub3A_34 : vector<5120x32xf32>
    %reduce_sum3A_35 = arith.constant dense<0.000000e+00> : vector<5120xf32>
    %reduce_sum3A_36 = vector.multi_reduction <add>, %integer_pow3A, %reduce_sum3A_35 [1] : vector<5120x32xf32> to vector<5120xf32>
    %broadcast_in_dim3A_37 = vector.shape_cast %reduce_sum3A_36 : vector<5120xf32> to vector<5120x1xf32>
    %div3A_38 = arith.constant 3.200000e+01 : f32
    %div3A_39 = vector.broadcast %div3A_38 : f32 to vector<5120x1xf32>
    %div3A_40 = arith.divf %broadcast_in_dim3A_37, %div3A_39 : vector<5120x1xf32>
    %sub3A_41 = vector.broadcast %div3A_33 : vector<5120x1xf32> to vector<5120x32xf32>
    %sub3A_42 = arith.subf %add3A_30, %sub3A_41 : vector<5120x32xf32>
    %add3A_43 = arith.constant 9.99999974E-6 : f32
    %add3A_44 = vector.broadcast %add3A_43 : f32 to vector<5120x1xf32>
    %add3A_45 = arith.addf %div3A_40, %add3A_44 : vector<5120x1xf32>
    %rsqrt3A_46 = math.rsqrt %add3A_45 : vector<5120x1xf32>
    %mul3A_47 = vector.broadcast %rsqrt3A_46 : vector<5120x1xf32> to vector<5120x32xf32>
    %mul3A_48 = arith.mulf %sub3A_42, %mul3A_47 : vector<5120x32xf32>
    %get3A_49 = arith.constant 0 : index
    %get3A_50 = arith.constant 0 : index
    %get3A_51 = vector.load %arg5[%get3A_49, %get3A_50] : memref<1x32xf32, #tpu.memory_space<vmem>>, vector<1x32xf32>
    %mul3A_52 = vector.broadcast %get3A_51 : vector<1x32xf32> to vector<5120x32xf32>
    %mul3A_53 = arith.mulf %mul3A_48, %mul3A_52 : vector<5120x32xf32>
    %get3A_54 = arith.constant 0 : index
    %get3A_55 = arith.constant 0 : index
    %get3A_56 = vector.load %arg6[%get3A_54, %get3A_55] : memref<1x32xf32, #tpu.memory_space<vmem>>, vector<1x32xf32>
    %add3A_57 = vector.broadcast %get3A_56 : vector<1x32xf32> to vector<5120x32xf32>
    %add3A_58 = arith.addf %mul3A_53, %add3A_57 : vector<5120x32xf32>
    %max3A_59 = arith.constant 0.000000e+00 : f32
    %max3A_60 = vector.broadcast %max3A_59 : f32 to vector<5120x32xf32>
    %max3A_61 = arith.maximumf %add3A_58, %max3A_60 : vector<5120x32xf32>
    %convert_element_type3A = arith.truncf %max3A_61 : vector<5120x32xf32> to vector<5120x32xbf16>
    %convert_element_type3A_62 = arith.extf %convert_element_type3A : vector<5120x32xbf16> to vector<5120x32xf32>
    %mul3A_63 = vector.broadcast %transpose3A : vector<5120x1xf32> to vector<5120x32xf32>
    %mul3A_64 = arith.mulf %convert_element_type3A_62, %mul3A_63 : vector<5120x32xf32>
    %swap3A = arith.constant 0 : index
    %swap3A_65 = arith.constant 0 : index
    %swap3A_66 = vector.load %arg8[%swap3A, %swap3A_65] : memref<5120x32xf32, #tpu.memory_space<vmem>>, vector<5120x32xf32>
    tpu.vector_store %arg8[%swap3A, %swap3A_65], %mul3A_64 {strides = array<i32>} : memref<5120x32xf32, #tpu.memory_space<vmem>>, vector<5120x32xf32>,
    return
  }
  func.func @transform_0(%arg0: i32) -> (i32, i32, i32) {
    %c0_i32 = arith.constant 0 : i32
    %c0_i32_0 = arith.constant 0 : i32
    %c0_i32_1 = arith.constant 0 : i32
    return %c0_i32, %arg0, %c0_i32_0 : i32, i32, i32
  }
  func.func @transform_1(%arg0: i32) -> (i32, i32, i32) {
    %c1_i32 = arith.constant 1 : i32
    %c0_i32 = arith.constant 0 : i32
    %c0_i32_0 = arith.constant 0 : i32
    return %c1_i32, %arg0, %c0_i32 : i32, i32, i32
  }
  func.func @transform_2(%arg0: i32) -> (i32, i32) {
    %c0_i32 = arith.constant 0 : i32
    %c0_i32_0 = arith.constant 0 : i32
    return %arg0, %c0_i32 : i32, i32
  }
  func.func @transform_3(%arg0: i32) -> (i32, i32) {
    %c0_i32 = arith.constant 0 : i32
    %c0_i32_0 = arith.constant 0 : i32
    return %c0_i32, %arg0 : i32, i32
  }
  func.func @transform_4(%arg0: i32) -> (i32, i32) {
    %c0_i32 = arith.constant 0 : i32
    %c0_i32_0 = arith.constant 0 : i32
    %c0_i32_1 = arith.constant 0 : i32
    return %c0_i32, %c0_i32_0 : i32, i32
  }
  func.func @transform_5(%arg0: i32) -> (i32, i32) {
    %c0_i32 = arith.constant 0 : i32
    %c0_i32_0 = arith.constant 0 : i32
    %c0_i32_1 = arith.constant 0 : i32
    return %c0_i32, %c0_i32_0 : i32, i32
  }
  func.func @transform_6(%arg0: i32) -> (i32, i32) {
    %c0_i32 = arith.constant 0 : i32
    %c0_i32_0 = arith.constant 0 : i32
    %c0_i32_1 = arith.constant 0 : i32
    return %c0_i32, %c0_i32_0 : i32, i32
  }
  func.func @transform_7(%arg0: i32) -> (i32, i32) {
    %c0_i32 = arith.constant 0 : i32
    %c0_i32_0 = arith.constant 0 : i32
    return %arg0, %c0_i32 : i32, i32
  }
}

module attributes {stable_mosaic.version = 14 : i64} {
  func.func @_tc3_body(%arg0: i32, %arg1: memref<1x5120x32xf32, #tpu.memory_space<vmem>>, %arg2: memref<1x5120x32xf32, #tpu.memory_space<vmem>>, %arg3: memref<5120x32xf32, #tpu.memory_space<vmem>>, %arg4: memref<2x5120xf32, #tpu.memory_space<vmem>>, %arg5: memref<32x64xf32, #tpu.memory_space<vmem>>, %arg6: memref<1x64xf32, #tpu.memory_space<vmem>>, %arg7: memref<1x64xf32, #tpu.memory_space<vmem>>, %arg8: memref<1x64xf32, #tpu.memory_space<vmem>>, %arg9: memref<1x1x5120xi32, #tpu.memory_space<vmem>>, %arg10: memref<64x32xf32, #tpu.memory_space<vmem>>, %arg11: memref<1x32xf32, #tpu.memory_space<vmem>>, %arg12: memref<1x32xf32, #tpu.memory_space<vmem>>, %arg13: memref<1x1xf32, #tpu.memory_space<vmem>>, %arg14: memref<64x1xf32, #tpu.memory_space<vmem>>, %arg15: memref<64x64xf32, #tpu.memory_space<vmem>>, %arg16: memref<64x1xf32, #tpu.memory_space<vmem>>) attributes {dimension_semantics = [#tpu.dimension_semantics<arbitrary>], iteration_bounds = array<i64: 2>, scalar_prefetch = 0 : i64, scratch_operands = 2 : i64, tpu.core_type = #tpu.core_type<tc>, window_params = [{transform_indices = @transform_0, window_bounds = array<i64: 1, 5120, 32>}, {transform_indices = @transform_1, window_bounds = array<i64: 1, 5120, 32>}, {transform_indices = @transform_2, window_bounds = array<i64: 5120, 32>}, {transform_indices = @transform_3, window_bounds = array<i64: 2, 5120>}, {pipeline_mode = #tpu.pipeline_mode<synchronous>, transform_indices = @transform_4, window_bounds = array<i64: 32, 64>}, {pipeline_mode = #tpu.pipeline_mode<synchronous>, transform_indices = @transform_5, window_bounds = array<i64: 1, 64>}, {pipeline_mode = #tpu.pipeline_mode<synchronous>, transform_indices = @transform_6, window_bounds = array<i64: 1, 64>}, {pipeline_mode = #tpu.pipeline_mode<synchronous>, transform_indices = @transform_7, window_bounds = array<i64: 1, 64>}, {transform_indices = @transform_8, window_bounds = array<i64: 1, 1, 5120>}, {pipeline_mode = #tpu.pipeline_mode<synchronous>, transform_indices = @transform_9, window_bounds = array<i64: 64, 32>}, {pipeline_mode = #tpu.pipeline_mode<synchronous>, transform_indices = @transform_10, window_bounds = array<i64: 1, 32>}, {pipeline_mode = #tpu.pipeline_mode<synchronous>, transform_indices = @transform_11, window_bounds = array<i64: 1, 32>}, {pipeline_mode = #tpu.pipeline_mode<synchronous>, transform_indices = @transform_12, window_bounds = array<i64: 1, 1>}, {pipeline_mode = #tpu.pipeline_mode<synchronous>, transform_indices = @transform_13, window_bounds = array<i64: 64, 1>}]} {
    %get3A = arith.constant 0 : index
    %get3A_0 = arith.constant 0 : index
    %get3A_1 = vector.load %arg4[%get3A, %get3A_0] : memref<2x5120xf32, #tpu.memory_space<vmem>>, vector<1x5120xf32>
    %get3A_2 = arith.constant 1 : index
    %get3A_3 = arith.constant 0 : index
    %get3A_4 = vector.load %arg4[%get3A_2, %get3A_3] : memref<2x5120xf32, #tpu.memory_space<vmem>>, vector<1x5120xf32>
    %add3A = arith.addf %get3A_1, %get3A_4 : vector<1x5120xf32>
    %add3A_5 = arith.constant 1.000000e+00 : f32
    %add3A_6 = vector.broadcast %add3A_5 : f32 to vector<1x5120xf32>
    %add3A_7 = arith.addf %add3A, %add3A_6 : vector<1x5120xf32>
    %max3A = arith.constant 9.99999996E-13 : f32
    %max3A_8 = vector.broadcast %max3A : f32 to vector<1x5120xf32>
    %max3A_9 = arith.maximumf %add3A_7, %max3A_8 : vector<1x5120xf32>
    %rsqrt3A = math.rsqrt %max3A_9 : vector<1x5120xf32>
    %transpose3A = tpu.transpose %rsqrt3A, [1, 0] : vector<1x5120xf32> -> vector<5120x1xf32>
    %get3A_10 = arith.constant 0 : index
    %get3A_11 = arith.constant 0 : index
    %get3A_12 = arith.constant 0 : index
    %get3A_13 = vector.load %arg1[%get3A_10, %get3A_11, %get3A_12] : memref<1x5120x32xf32, #tpu.memory_space<vmem>>, vector<1x5120x32xf32>
    %get3A_14 = vector.shape_cast %get3A_13 : vector<1x5120x32xf32> to vector<5120x32xf32>
    %get3A_15 = arith.constant 0 : index
    %get3A_16 = arith.constant 0 : index
    %get3A_17 = arith.constant 0 : index
    %get3A_18 = vector.load %arg2[%get3A_15, %get3A_16, %get3A_17] : memref<1x5120x32xf32, #tpu.memory_space<vmem>>, vector<1x5120x32xf32>
    %get3A_19 = vector.shape_cast %get3A_18 : vector<1x5120x32xf32> to vector<5120x32xf32>
    %add3A_20 = arith.addf %get3A_14, %get3A_19 : vector<5120x32xf32>
    %get3A_21 = arith.constant 0 : index
    %get3A_22 = arith.constant 0 : index
    %get3A_23 = vector.load %arg3[%get3A_21, %get3A_22] : memref<5120x32xf32, #tpu.memory_space<vmem>>, vector<5120x32xf32>
    %add3A_24 = arith.addf %add3A_20, %get3A_23 : vector<5120x32xf32>
    %mul3A = vector.broadcast %transpose3A : vector<5120x1xf32> to vector<5120x32xf32>
    %mul3A_25 = arith.mulf %add3A_24, %mul3A : vector<5120x32xf32>
    %get3A_26 = arith.constant 0 : index
    %get3A_27 = arith.constant 0 : index
    %get3A_28 = vector.load %arg5[%get3A_26, %get3A_27] : memref<32x64xf32, #tpu.memory_space<vmem>>, vector<32x64xf32>
    %convert_element_type3A = arith.truncf %get3A_28 : vector<32x64xf32> to vector<32x64xbf16>
    %convert_element_type3A_29 = arith.extf %convert_element_type3A : vector<32x64xbf16> to vector<32x64xf32>
    %dot_general3A = arith.constant dense<0.000000e+00> : vector<5120x64xf32>
    %dot_general3A_30 = tpu.matmul %mul3A_25, %convert_element_type3A_29, %dot_general3A {dimension_numbers = #tpu.dot_dimension_numbers<[1], [0], [0], [1], [0, 0, 1, 1], [], []>, precision = #tpu.contract_precision<fp32>, transpose_lhs_hint = false} : vector<5120x32xf32>, vector<32x64xf32>, vector<5120x64xf32> -> vector<5120x64xf32>
    %get3A_31 = arith.constant 0 : index
    %get3A_32 = arith.constant 0 : index
    %get3A_33 = vector.load %arg8[%get3A_31, %get3A_32] : memref<1x64xf32, #tpu.memory_space<vmem>>, vector<1x64xf32>
    %add3A_34 = vector.broadcast %get3A_33 : vector<1x64xf32> to vector<5120x64xf32>
    %add3A_35 = arith.addf %dot_general3A_30, %add3A_34 : vector<5120x64xf32>
    %reduce_sum3A = arith.constant dense<0.000000e+00> : vector<5120xf32>
    %reduce_sum3A_36 = vector.multi_reduction <add>, %add3A_35, %reduce_sum3A [1] : vector<5120x64xf32> to vector<5120xf32>
    %broadcast_in_dim3A = vector.shape_cast %reduce_sum3A_36 : vector<5120xf32> to vector<5120x1xf32>
    %div3A = arith.constant 6.400000e+01 : f32
    %div3A_37 = vector.broadcast %div3A : f32 to vector<5120x1xf32>
    %div3A_38 = arith.divf %broadcast_in_dim3A, %div3A_37 : vector<5120x1xf32>
    %sub3A = vector.broadcast %div3A_38 : vector<5120x1xf32> to vector<5120x64xf32>
    %sub3A_39 = arith.subf %add3A_35, %sub3A : vector<5120x64xf32>
    %integer_pow3A = arith.mulf %sub3A_39, %sub3A_39 : vector<5120x64xf32>
    %reduce_sum3A_40 = arith.constant dense<0.000000e+00> : vector<5120xf32>
    %reduce_sum3A_41 = vector.multi_reduction <add>, %integer_pow3A, %reduce_sum3A_40 [1] : vector<5120x64xf32> to vector<5120xf32>
    %broadcast_in_dim3A_42 = vector.shape_cast %reduce_sum3A_41 : vector<5120xf32> to vector<5120x1xf32>
    %div3A_43 = arith.constant 6.400000e+01 : f32
    %div3A_44 = vector.broadcast %div3A_43 : f32 to vector<5120x1xf32>
    %div3A_45 = arith.divf %broadcast_in_dim3A_42, %div3A_44 : vector<5120x1xf32>
    %sub3A_46 = vector.broadcast %div3A_38 : vector<5120x1xf32> to vector<5120x64xf32>
    %sub3A_47 = arith.subf %add3A_35, %sub3A_46 : vector<5120x64xf32>
    %add3A_48 = arith.constant 9.99999974E-6 : f32
    %add3A_49 = vector.broadcast %add3A_48 : f32 to vector<5120x1xf32>
    %add3A_50 = arith.addf %div3A_45, %add3A_49 : vector<5120x1xf32>
    %rsqrt3A_51 = math.rsqrt %add3A_50 : vector<5120x1xf32>
    %mul3A_52 = vector.broadcast %rsqrt3A_51 : vector<5120x1xf32> to vector<5120x64xf32>
    %mul3A_53 = arith.mulf %sub3A_47, %mul3A_52 : vector<5120x64xf32>
    %get3A_54 = arith.constant 0 : index
    %get3A_55 = arith.constant 0 : index
    %get3A_56 = vector.load %arg6[%get3A_54, %get3A_55] : memref<1x64xf32, #tpu.memory_space<vmem>>, vector<1x64xf32>
    %mul3A_57 = vector.broadcast %get3A_56 : vector<1x64xf32> to vector<5120x64xf32>
    %mul3A_58 = arith.mulf %mul3A_53, %mul3A_57 : vector<5120x64xf32>
    %get3A_59 = arith.constant 0 : index
    %get3A_60 = arith.constant 0 : index
    %get3A_61 = vector.load %arg7[%get3A_59, %get3A_60] : memref<1x64xf32, #tpu.memory_space<vmem>>, vector<1x64xf32>
    %add3A_62 = vector.broadcast %get3A_61 : vector<1x64xf32> to vector<5120x64xf32>
    %add3A_63 = arith.addf %mul3A_58, %add3A_62 : vector<5120x64xf32>
    %max3A_64 = arith.constant 0.000000e+00 : f32
    %max3A_65 = vector.broadcast %max3A_64 : f32 to vector<5120x64xf32>
    %max3A_66 = arith.maximumf %add3A_63, %max3A_65 : vector<5120x64xf32>
    %get3A_67 = arith.constant 0 : index
    %get3A_68 = arith.constant 0 : index
    %get3A_69 = arith.constant 0 : index
    %get3A_70 = vector.load %arg9[%get3A_67, %get3A_68, %get3A_69] : memref<1x1x5120xi32, #tpu.memory_space<vmem>>, vector<1x1x5120xi32>
    %get3A_71 = vector.shape_cast %get3A_70 : vector<1x1x5120xi32> to vector<1x5120xi32>
    %iota3A = tpu.iota {dimensions = array<i32: 0>} : vector<64x5120xi32>
    %eq3A = vector.broadcast %get3A_71 : vector<1x5120xi32> to vector<64x5120xi32>
    %eq3A_72 = arith.cmpi eq, %iota3A, %eq3A : vector<64x5120xi32>
    %convert_element_type3A_73 = arith.extui %eq3A_72 : vector<64x5120xi1> to vector<64x5120xi32>
    %convert_element_type3A_74 = arith.sitofp %convert_element_type3A_73 : vector<64x5120xi32> to vector<64x5120xf32>
    %dot_general3A_75 = arith.constant dense<0.000000e+00> : vector<64x64xf32>
    %dot_general3A_76 = tpu.matmul %convert_element_type3A_74, %max3A_66, %dot_general3A_75 {dimension_numbers = #tpu.dot_dimension_numbers<[1], [0], [0], [1], [0, 0, 1, 1], [], []>, precision = #tpu.contract_precision<fp32>, transpose_lhs_hint = false} : vector<64x5120xf32>, vector<5120x64xf32>, vector<64x64xf32> -> vector<64x64xf32>
    %reduce_sum3A_77 = arith.constant dense<0.000000e+00> : vector<64xf32>
    %reduce_sum3A_78 = vector.multi_reduction <add>, %convert_element_type3A_74, %reduce_sum3A_77 [1] : vector<64x5120xf32> to vector<64xf32>
    %broadcast_in_dim3A_79 = vector.shape_cast %reduce_sum3A_78 : vector<64xf32> to vector<64x1xf32>
    %eq3A_80 = arith.constant 0 : i32
    %eq3A_81 = arith.cmpi eq, %arg0, %eq3A_80 : i32
    %convert_element_type3A_82 = arith.extui %eq3A_81 : i1 to i32
    %cond3A = arith.constant 0 : i32
    %cond3A_83 = arith.cmpi ne, %convert_element_type3A_82, %cond3A : i32
    scf.if %cond3A_83 {
      %swap3A = arith.constant 0 : index
      %swap3A_93 = arith.constant 0 : index
      %swap3A_94 = vector.load %arg15[%swap3A, %swap3A_93] : memref<64x64xf32, #tpu.memory_space<vmem>>, vector<64x64xf32>
      tpu.vector_store %arg15[%swap3A, %swap3A_93], %dot_general3A_76 {strides = array<i32>} : memref<64x64xf32, #tpu.memory_space<vmem>>, vector<64x64xf32>,
      %swap3A_95 = arith.constant 0 : index
      %swap3A_96 = arith.constant 0 : index
      %swap3A_97 = vector.load %arg16[%swap3A_95, %swap3A_96] : memref<64x1xf32, #tpu.memory_space<vmem>>, vector<64x1xf32>
      tpu.vector_store %arg16[%swap3A_95, %swap3A_96], %broadcast_in_dim3A_79 {strides = array<i32>} : memref<64x1xf32, #tpu.memory_space<vmem>>, vector<64x1xf32>,
    } else {
    }
    %gt3A = arith.constant 0 : i32
    %gt3A_84 = arith.cmpi sgt, %arg0, %gt3A : i32
    %convert_element_type3A_85 = arith.extui %gt3A_84 : i1 to i32
    %cond3A_86 = arith.constant 0 : i32
    %cond3A_87 = arith.cmpi ne, %convert_element_type3A_85, %cond3A_86 : i32
    scf.if %cond3A_87 {
      %get3A_93 = arith.constant 0 : index
      %get3A_94 = arith.constant 0 : index
      %get3A_95 = vector.load %arg15[%get3A_93, %get3A_94] : memref<64x64xf32, #tpu.memory_space<vmem>>, vector<64x64xf32>
      %add3A_96 = arith.addf %get3A_95, %dot_general3A_76 : vector<64x64xf32>
      %swap3A = arith.constant 0 : index
      %swap3A_97 = arith.constant 0 : index
      %swap3A_98 = vector.load %arg15[%swap3A, %swap3A_97] : memref<64x64xf32, #tpu.memory_space<vmem>>, vector<64x64xf32>
      tpu.vector_store %arg15[%swap3A, %swap3A_97], %add3A_96 {strides = array<i32>} : memref<64x64xf32, #tpu.memory_space<vmem>>, vector<64x64xf32>,
      %get3A_99 = arith.constant 0 : index
      %get3A_100 = arith.constant 0 : index
      %get3A_101 = vector.load %arg16[%get3A_99, %get3A_100] : memref<64x1xf32, #tpu.memory_space<vmem>>, vector<64x1xf32>
      %add3A_102 = arith.addf %get3A_101, %broadcast_in_dim3A_79 : vector<64x1xf32>
      %swap3A_103 = arith.constant 0 : index
      %swap3A_104 = arith.constant 0 : index
      %swap3A_105 = vector.load %arg16[%swap3A_103, %swap3A_104] : memref<64x1xf32, #tpu.memory_space<vmem>>, vector<64x1xf32>
      tpu.vector_store %arg16[%swap3A_103, %swap3A_104], %add3A_102 {strides = array<i32>} : memref<64x1xf32, #tpu.memory_space<vmem>>, vector<64x1xf32>,
    } else {
    }
    %eq3A_88 = arith.constant 1 : i32
    %eq3A_89 = arith.cmpi eq, %arg0, %eq3A_88 : i32
    %convert_element_type3A_90 = arith.extui %eq3A_89 : i1 to i32
    %cond3A_91 = arith.constant 0 : i32
    %cond3A_92 = arith.cmpi ne, %convert_element_type3A_90, %cond3A_91 : i32
    scf.if %cond3A_92 {
      %get3A_93 = arith.constant 0 : index
      %get3A_94 = arith.constant 0 : index
      %get3A_95 = vector.load %arg15[%get3A_93, %get3A_94] : memref<64x64xf32, #tpu.memory_space<vmem>>, vector<64x64xf32>
      %get3A_96 = arith.constant 0 : index
      %get3A_97 = arith.constant 0 : index
      %get3A_98 = vector.load %arg16[%get3A_96, %get3A_97] : memref<64x1xf32, #tpu.memory_space<vmem>>, vector<64x1xf32>
      %max3A_99 = arith.constant 1.000000e+00 : f32
      %max3A_100 = vector.broadcast %max3A_99 : f32 to vector<64x1xf32>
      %max3A_101 = arith.maximumf %get3A_98, %max3A_100 : vector<64x1xf32>
      %div3A_102 = vector.broadcast %max3A_101 : vector<64x1xf32> to vector<64x64xf32>
      %div3A_103 = arith.divf %get3A_95, %div3A_102 : vector<64x64xf32>
      %get3A_104 = arith.constant 0 : index
      %get3A_105 = arith.constant 0 : index
      %get3A_106 = vector.load %arg10[%get3A_104, %get3A_105] : memref<64x32xf32, #tpu.memory_space<vmem>>, vector<64x32xf32>
      %convert_element_type3A_107 = arith.truncf %div3A_103 : vector<64x64xf32> to vector<64x64xbf16>
      %convert_element_type3A_108 = arith.truncf %get3A_106 : vector<64x32xf32> to vector<64x32xbf16>
      %dot_general3A_109 = arith.constant dense<0.000000e+00> : vector<64x32xf32>
      %dot_general3A_110 = tpu.matmul %convert_element_type3A_107, %convert_element_type3A_108, %dot_general3A_109 {dimension_numbers = #tpu.dot_dimension_numbers<[1], [0], [0], [1], [0, 0, 1, 1], [], []>, transpose_lhs_hint = false} : vector<64x64xbf16>, vector<64x32xbf16>, vector<64x32xf32> -> vector<64x32xf32>
      %get3A_111 = arith.constant 0 : index
      %get3A_112 = arith.constant 0 : index
      %get3A_113 = vector.load %arg11[%get3A_111, %get3A_112] : memref<1x32xf32, #tpu.memory_space<vmem>>, vector<1x32xf32>
      %add3A_114 = vector.broadcast %get3A_113 : vector<1x32xf32> to vector<64x32xf32>
      %add3A_115 = arith.addf %dot_general3A_110, %add3A_114 : vector<64x32xf32>
      %max3A_116 = arith.constant 0.000000e+00 : f32
      %max3A_117 = vector.broadcast %max3A_116 : f32 to vector<64x32xf32>
      %max3A_118 = arith.maximumf %add3A_115, %max3A_117 : vector<64x32xf32>
      %convert_element_type3A_119 = arith.truncf %max3A_118 : vector<64x32xf32> to vector<64x32xbf16>
      %convert_element_type3A_120 = arith.extf %convert_element_type3A_119 : vector<64x32xbf16> to vector<64x32xf32>
      %get3A_121 = arith.constant 0 : index
      %get3A_122 = arith.constant 0 : index
      %get3A_123 = vector.load %arg12[%get3A_121, %get3A_122] : memref<1x32xf32, #tpu.memory_space<vmem>>, vector<1x32xf32>
      %convert_element_type3A_124 = arith.truncf %get3A_123 : vector<1x32xf32> to vector<1x32xbf16>
      %convert_element_type3A_125 = arith.extf %convert_element_type3A_124 : vector<1x32xbf16> to vector<1x32xf32>
      %mul3A_126 = vector.broadcast %convert_element_type3A_125 : vector<1x32xf32> to vector<64x32xf32>
      %mul3A_127 = arith.mulf %convert_element_type3A_120, %mul3A_126 : vector<64x32xf32>
      %reduce_sum3A_128 = arith.constant dense<0.000000e+00> : vector<64xf32>
      %reduce_sum3A_129 = vector.multi_reduction <add>, %mul3A_127, %reduce_sum3A_128 [1] : vector<64x32xf32> to vector<64xf32>
      %broadcast_in_dim3A_130 = vector.shape_cast %reduce_sum3A_129 : vector<64xf32> to vector<64x1xf32>
      %get3A_131 = arith.constant 0 : index
      %get3A_132 = arith.constant 0 : index
      %get3A_133 = vector.load %arg13[%get3A_131, %get3A_132] : memref<1x1xf32, #tpu.memory_space<vmem>>, vector<1x1xf32>
      %add3A_134 = vector.broadcast %get3A_133 : vector<1x1xf32> to vector<64x1xf32>
      %add3A_135 = arith.addf %broadcast_in_dim3A_130, %add3A_134 : vector<64x1xf32>
      %swap3A = arith.constant 0 : index
      %swap3A_136 = arith.constant 0 : index
      %swap3A_137 = vector.load %arg14[%swap3A, %swap3A_136] : memref<64x1xf32, #tpu.memory_space<vmem>>, vector<64x1xf32>
      tpu.vector_store %arg14[%swap3A, %swap3A_136], %add3A_135 {strides = array<i32>} : memref<64x1xf32, #tpu.memory_space<vmem>>, vector<64x1xf32>,
    } else {
    }
    return
  }
  func.func @transform_0(%arg0: i32) -> (i32, i32, i32) {
    %c0_i32 = arith.constant 0 : i32
    %c0_i32_0 = arith.constant 0 : i32
    %c0_i32_1 = arith.constant 0 : i32
    return %c0_i32, %arg0, %c0_i32_0 : i32, i32, i32
  }
  func.func @transform_1(%arg0: i32) -> (i32, i32, i32) {
    %c1_i32 = arith.constant 1 : i32
    %c0_i32 = arith.constant 0 : i32
    %c0_i32_0 = arith.constant 0 : i32
    return %c1_i32, %arg0, %c0_i32 : i32, i32, i32
  }
  func.func @transform_2(%arg0: i32) -> (i32, i32) {
    %c0_i32 = arith.constant 0 : i32
    %c0_i32_0 = arith.constant 0 : i32
    return %arg0, %c0_i32 : i32, i32
  }
  func.func @transform_3(%arg0: i32) -> (i32, i32) {
    %c0_i32 = arith.constant 0 : i32
    %c0_i32_0 = arith.constant 0 : i32
    return %c0_i32, %arg0 : i32, i32
  }
  func.func @transform_4(%arg0: i32) -> (i32, i32) {
    %c0_i32 = arith.constant 0 : i32
    %c0_i32_0 = arith.constant 0 : i32
    %c0_i32_1 = arith.constant 0 : i32
    return %c0_i32, %c0_i32_0 : i32, i32
  }
  func.func @transform_5(%arg0: i32) -> (i32, i32) {
    %c0_i32 = arith.constant 0 : i32
    %c0_i32_0 = arith.constant 0 : i32
    %c0_i32_1 = arith.constant 0 : i32
    return %c0_i32, %c0_i32_0 : i32, i32
  }
  func.func @transform_6(%arg0: i32) -> (i32, i32) {
    %c0_i32 = arith.constant 0 : i32
    %c0_i32_0 = arith.constant 0 : i32
    %c0_i32_1 = arith.constant 0 : i32
    return %c0_i32, %c0_i32_0 : i32, i32
  }
  func.func @transform_7(%arg0: i32) -> (i32, i32) {
    %c0_i32 = arith.constant 0 : i32
    %c0_i32_0 = arith.constant 0 : i32
    %c0_i32_1 = arith.constant 0 : i32
    return %c0_i32, %c0_i32_0 : i32, i32
  }
  func.func @transform_8(%arg0: i32) -> (i32, i32, i32) {
    %c0_i32 = arith.constant 0 : i32
    %c0_i32_0 = arith.constant 0 : i32
    %c0_i32_1 = arith.constant 0 : i32
    return %arg0, %c0_i32, %c0_i32_0 : i32, i32, i32
  }
  func.func @transform_9(%arg0: i32) -> (i32, i32) {
    %c0_i32 = arith.constant 0 : i32
    %c0_i32_0 = arith.constant 0 : i32
    %c0_i32_1 = arith.constant 0 : i32
    return %c0_i32, %c0_i32_0 : i32, i32
  }
  func.func @transform_10(%arg0: i32) -> (i32, i32) {
    %c0_i32 = arith.constant 0 : i32
    %c0_i32_0 = arith.constant 0 : i32
    %c0_i32_1 = arith.constant 0 : i32
    return %c0_i32, %c0_i32_0 : i32, i32
  }
  func.func @transform_11(%arg0: i32) -> (i32, i32) {
    %c0_i32 = arith.constant 0 : i32
    %c0_i32_0 = arith.constant 0 : i32
    %c0_i32_1 = arith.constant 0 : i32
    return %c0_i32, %c0_i32_0 : i32, i32
  }
  func.func @transform_12(%arg0: i32) -> (i32, i32) {
    %c0_i32 = arith.constant 0 : i32
    %c0_i32_0 = arith.constant 0 : i32
    %c0_i32_1 = arith.constant 0 : i32
    return %c0_i32, %c0_i32_0 : i32, i32
  }
  func.func @transform_13(%arg0: i32) -> (i32, i32) {
    %c0_i32 = arith.constant 0 : i32
    %c0_i32_0 = arith.constant 0 : i32
    %c0_i32_1 = arith.constant 0 : i32
    return %c0_i32, %c0_i32_0 : i32, i32
  }
}

</mosaic_0001>

<sc_bundles>
// kernel: kernel.11.cloned.1.call-start
scs
__scs_entry_jumppad:
0x0: {  	(pc) =	sbr.rel $0x88, $3  }
0x1: {  	(tag) =	ssettag $0x0;
	lr =	simm.s32 $0x1  }
0x2: {  	[smem:$0x3F92] =	sst lr;
	_ =	strace $0xD0000000  }
0x3: {  	_ = 	snop  }
0x4: {  	_ = 	snop  }
0x5: {  	_ = 	snop  }
0x6: {  	_ = 	snop  }
0x7: {  	_ = 	snop  }
__scs_overlays_trampoline_lowered:
0x8: {  	[smem:$0x3FA1] =	sst s0  }
0x9: {  	[smem:$0x3FA2] =	sst s1  }
0xa: {  	[smem:$0x3FA3] =	sst s2  }
0xb: {  	[smem:$0x3FA4] =	sst s3  }
0xc: {  	[smem:$0x3FA5] =	sst s4  }
0xd: {  	[smem:$0x3FA6] =	sst s5  }
0xe: {  	[smem:$0x3FA7] =	sst s6  }
0xf: {  	[smem:$0x3FA8] =	sst s7  }
0x10: {  	[smem:$0x3FA9] =	sst s8  }
0x11: {  	[smem:$0x3FAA] =	sst s9;
	s0 =	simm.s32 @!p0 $0x0  }
0x12: {  	s1 =	sld [smem:$0x3F90];
	s0 =	simm.s32 @p0 $0x1  }
0x13: {  	[smem:$0x3FAB] =	sst s0;
	s0 =	simm.s32 @!p1 $0x0  }
0x14: {  	s2 =	sld [smem:$0x3F8F];
	s0 =	simm.s32 @p1 $0x1  }
0x15: {  	[smem:$0x3FAC] =	sst s0;
	s0 =	simm.s32 @!p2 $0x0  }
0x16: {  	s3 =	sld [smem:$0x3FDB];
	s0 =	simm.s32 @p2 $0x1  }
0x17: {  	s4 =	simm.s32 $0x1BF5;
	[smem:$0x3FAE] =	sst s0  }
0x18: {  	s0 =	sld [smem:$0x3F91];
	_ =	swait.ge [sflag:s4], $0x0  }
0x19: {  	s7 =	sld [smem:$0x3F92]  }
0x1a: {  	s8 =	sadd.s32 $0xFFFFE003, lr  }
0x1b: {  	s9 =	sadd.s32 $0xFFFFFEF7, lr;
	s5 =	simm.s32 $0xFFFFFFFF;
	p2 =	slt.u32 s8, $0xFFFFF086  }
0x1c: {  	p1 =	slt.u32 s9, $0xF7A;
	s5 =	simm.s32 @!p2 $0x0  }
0x1d: {  	s5 =	simm.s32 @p1 $0x1;
	p0 =	seq.s32 s7, s2  }
0x1e: {  	s7 =	smul.u32 @!p0 $0xF7A, s2;
	p2 =	seq.s32 @!p0 s5, $0x0  }
0x1f: {  	s9 =	smul.u32 $0xF7A, s1;
	s8 =	simm.s32 @!p0 $0x1BF5;
	p2 =	por !p2, p0  }
0x20: {  	[sflag:s8] =	ssyncset.s32 @!p0 $0xFFFFF086;
	s6 =	sadd.s32 @!p0 s3, s7;
	s7 =	simm.s32 @!p0 $0x108  }
0x21: {  	s3 =	sadd.s32 s3, s9;
	s6 =	sadd.s32 @!p0 $0x88, s6;
	s7 =	simm.s32 @p2 $0x1082  }
0x22: {  	[simem:s7], [sflag:s8] =	dma.local @!p0 [hbm:s6], $0xF7A  }
0x23: {  	s9 =	sor.u32 $0xD0000000, s2;
	s6 =	simm.s32 $0x108;
	_ =	swait.ge @!p0 [sflag:s8], $0x0  }
0x24: {  	s3 =	sadd.s32 $0x88, s3;
	s6 =	simm.s32 @!p1 $0x1082;
	[sflag:s4] =	ssyncset.s32 $0xFFFFF086  }
0x25: {  	[simem:s6], [sflag:s4] =	dma.local [hbm:s3], $0xF7A  }
0x26: {  	[smem:$0x3F92] =	sst s1;
	(tag) =	ssettag s2;
	_ =	strace s9  }
0x27: {  	s1 =	sld [smem:$0x3FA2]  }
0x28: {  	s2 =	sld [smem:$0x3FA3]  }
0x29: {  	s4 =	sld [smem:$0x3FA5]  }
0x2a: {  	p0 =	seq.s32 s5, $0x0;
	s5 =	sld [smem:$0x3FA6]  }
0x2b: {  	s6 =	sld [smem:$0x3FA7]  }
0x2c: {  	s7 =	sld [smem:$0x3FA8]  }
0x2d: {  	s3 =	simm.s32 $0x108;
	s8 =	sld [smem:$0x3FA9]  }
0x2e: {  	s3 =	simm.s32 @!p0 $0x1082;
	s9 =	sld [smem:$0x3FAA]  }
0x2f: {  	lr =	sadd.s32 s0, s3;
	s0 =	sld [smem:$0x3FA1]  }
0x30: {  	s3 =	sld [smem:$0x3FA4]  }
0x31: {  	[smem:$0x3FAD] =	sst s10  }
0x32: {  	s10 =	sld [smem:$0x3FAB];
	_ =	sdelay $0x3  }
0x33: {  	p0 =	seq.s32 s10, $0x1;
	s10 =	sld [smem:$0x3FAD];
	_ =	sdelay $0x3  }
0x34: {  	[smem:$0x3FAD] =	sst s10  }
0x35: {  	s10 =	sld [smem:$0x3FAC];
	_ =	sdelay $0x3  }
0x36: {  	p1 =	seq.s32 s10, $0x1;
	s10 =	sld [smem:$0x3FAD];
	_ =	sdelay $0x3  }
0x37: {  	[smem:$0x3FAD] =	sst s10  }
0x38: {  	s10 =	sld [smem:$0x3FAE]  }
0x39: {  	_ = 	snop;
	(pc) =	sbr.ind lr, $3  }
0x3a: {  	_ = 	snop  }
0x3b: {  	_ = 	snop  }
0x3c: {  	p2 =	seq.s32 s10, $0x1;
	s10 =	sld [smem:$0x3FAD]  }
0x3d: {  	_ =	shalt  }
0x3e: {  	_ =	shalt  }
0x3f: {  	_ =	shalt  }
0x40: {  	_ =	shalt  }
0x41: {  	_ =	shalt  }
0x42: {  	_ =	shalt  }
0x43: {  	_ =	shalt  }
0x44: {  	_ =	shalt  }
0x45: {  	_ =	shalt  }
0x46: {  	_ =	shalt  }
0x47: {  	_ =	shalt  }
0x48: {  	_ =	shalt  }
0x49: {  	_ =	shalt  }
0x4a: {  	_ =	shalt  }
0x4b: {  	_ =	shalt  }
0x4c: {  	_ =	shalt  }
0x4d: {  	_ =	shalt  }
0x4e: {  	_ =	shalt  }
0x4f: {  	_ =	shalt  }
0x50: {  	_ =	shalt  }
0x51: {  	_ =	shalt  }
0x52: {  	_ =	shalt  }
0x53: {  	_ =	shalt  }
0x54: {  	_ =	shalt  }
0x55: {  	_ =	shalt  }
0x56: {  	_ =	shalt  }
0x57: {  	_ =	shalt  }
0x58: {  	_ =	shalt  }
0x59: {  	_ =	shalt  }
0x5a: {  	_ =	shalt  }
0x5b: {  	_ =	shalt  }
0x5c: {  	_ =	shalt  }
0x5d: {  	_ =	shalt  }
0x5e: {  	_ =	shalt  }
0x5f: {  	_ =	shalt  }
0x60: {  	_ =	shalt  }
0x61: {  	_ =	shalt  }
0x62: {  	_ =	shalt  }
0x63: {  	_ =	shalt  }
0x64: {  	_ =	shalt  }
0x65: {  	_ =	shalt  }
0x66: {  	_ =	shalt  }
0x67: {  	_ =	shalt  }
0x68: {  	_ =	shalt  }
0x69: {  	_ =	shalt  }
0x6a: {  	_ =	shalt  }
0x6b: {  	_ =	shalt  }
0x6c: {  	_ =	shalt  }
0x6d: {  	_ =	shalt  }
0x6e: {  	_ =	shalt  }
0x6f: {  	_ =	shalt  }
0x70: {  	_ =	shalt  }
0x71: {  	_ =	shalt  }
0x72: {  	_ =	shalt  }
0x73: {  	_ =	shalt  }
0x74: {  	_ =	shalt  }
0x75: {  	_ =	shalt  }
0x76: {  	_ =	shalt  }
0x77: {  	_ =	shalt  }
0x78: {  	_ =	shalt  }
0x79: {  	_ =	shalt  }
0x7a: {  	_ =	shalt  }
0x7b: {  	_ =	shalt  }
0x7c: {  	_ =	shalt  }
0x7d: {  	_ =	shalt  }
0x7e: {  	_ =	shalt  }
0x7f: {  	_ =	shalt  }
0x80: {  	_ =	shalt  }
0x81: {  	_ =	shalt  }
0x82: {  	_ =	shalt  }
0x83: {  	_ =	shalt  }
0x84: {  	_ =	shalt  }
0x85: {  	_ =	shalt  }
0x86: {  	_ =	shalt  }
0x87: {  	_ =	shalt  }
.Lfunc_end0:
.L_simem_size_0:
called_computation.1_lowered:
.L_overlay_start_0:
0x88: {  	s2 =	sld [smem:$0x3FD9]  }
0x89: {  	s3 =	sld [smem:$0x3FFE];
	_ =	sdelay $0x1  }
0x8a: {  	s1 =	srdreg.scid  }
0x8b: {  	s0 =	sand.u32 $0x1, s1  }
0x8c: {  	s16 =	sshll.u32 s0, $0xA;
	s2 =	sadd.s32 s3, s2  }
0x8d: {  	s2 =	sadd.s32 s2, s16  }
0x8e: {  	[smem:$0x3FB9] =	sst s2  }
0x8f: {  	_ = 	snop  }
0x90: {  	(tm) =	ssettm $0x1  }
0x91: {  	s17 =	sld [smem:$0x3FFB];
	_ =	sdelay $0x3  }
0x92: {  	_ =	strace s17  }
0x93: {  	s2 =	sld [smem:$0x3FFC];
	_ =	sdelay $0x3  }
0x94: {  	_ =	strace s2  }
0x95: {  	s2 =	sld [smem:$0x3FFD];
	_ =	sdelay $0x3  }
0x96: {  	_ =	strace s2  }
0x97: {  	_ =	strace $0x8FFFFFFF  }
0x98: {  	s18 =	sld [smem:$0x3FDB];
	_ =	sdelay $0x1  }
0x99: {  	s19 =	simm.s32 $_scs_section_size  }
0x9a: {  	s4 =	simm.s32 $_size__tile_overlayer_lowered;
	s5 =	simm.s32 $_tile_overlayer_lowered  }
0x9b: {  	s22 =	simm.s32 $0x1BFF;
	s21 =	sshll.u32 s5, $0x1;
	s2 =	sadd.s32 s19, s18  }
0x9c: {  	s6 =	simm.s32 $0x0;
	s20 =	sshll.u32 s4, $0x1;
	s4 =	sadd.s32 s21, s2  }
0x9d: {  	[timem:s6], [sflag:s22] =	dma.local [hbm:s4], s20  }
0x9e: {  	_ =	swait.ge [sflag:s22], s20  }
0x9f: {  	s3 =	ssub.s32 $0x0, s20;
	[sflag:s22] =	ssyncset.done $0x0  }
0xa0: {  	[sflag:s22] =	ssyncadd.s32 s3;
	_ =	sdelay $0x1  }
0xa1: {  	s23 =	simm.s32 $0x1B8B  }
0xa2: {  	_ =	swait.ge [sflag:s23], $0x1  }
0xa3: {  	[sflag:s23] =	ssyncset.done $0x0  }
0xa4: {  	s25 =	simm.s32 $0x1B8E;
	s24 =	sld [smem:$0x3FFE];
	[sflag:s23] =	ssyncadd.s32 $0xFFFFFFFF  }
0xa5: {  	s26 =	simm.s32 $execute0_lowered;
	[smem:$0x3FD2] =	sst s25  }
0xa6: {  	s4 =	sshll.u32 s26, $0x1;
	_ =	strace $0x80000049;
	[dreg:$0x1] =	wrdreg $0xFFFFFFFF  }
0xa7: {  	s28 =	simm.s32 $_size_execute0_lowered;
	s2 =	sadd.s32 s2, s4;
	[dreg:$0x0] =	wrdreg $0x0  }
0xa8: {  	s4 =	sshll.u32 s28, $0x1;
	[dreg:$0x2] =	wrdreg s2  }
0xa9: {  	[dreg:$0x3] =	wrdreg s4  }
0xaa: {  	[dreg:$0x4] =	wrdreg $0xC0  }
0xab: {  	_ =	task [dreg:s6], $0x5FFFF  }
0xac: {  	[dreg:$0x1] =	wrdreg $0xFFFFFFFF  }
0xad: {  	[dreg:$0x0] =	wrdreg $0x60  }
0xae: {  	[dreg:$0x2] =	wrdreg s24  }
0xaf: {  	[dreg:$0x3] =	wrdreg $0x11F000  }
0xb0: {  	[dreg:$0x4] =	wrdreg $0x9  }
0xb1: {  	_ =	task.clear_ibuf [dreg:s6], $0x5FFFF;
	_ =	strace $0x90000049  }
0xb2: {  	s29 =	simm.s32 $0x9;
	_ =	strace $0x8000004B  }
0xb3: {  	_ =	swait.ge [sflag:s29], $0x1  }
0xb4: {  	[sflag:s29] =	ssyncadd.s32 $0xFFFFFFFF  }
0xb5: {  	_ =	strace $0x9000004B  }
0xb6: {  	_ =	sfence  }
0xb7: {  	s30 =	sld [smem:$0x0];
	_ =	sdelay $0x2  }
0xb8: {  	s31 =	sshll.u32 s1, $0xD;
	s1 =	sshrl.u32 s1, $0x2  }
0xb9: {  	s3 =	sand.u32 $0x4000, s31;
	s1 =	sadd.s32 s1, s30  }
0xba: {  	s0 =	sor.u32 s3, s0;
	s1 =	sshll.u32 s1, $0x11  }
0xbb: {  	s0 =	sor.u32 s1, s0  }
0xbc: {  	s0 =	sadd.s32 $0x8F2B, s0  }
0xbd: {  	[sflag:s0] =	ssyncadd.remote.s32 $0x1  }
0xbe: {  	_ =	sfence.sel $0xFFFF  }
0xbf: {  	[dreg:$0x0] =	wrdreg $0xFFFFFFFF;
	(pc) =	sbr.abs _section_cstart, $3  }
0xc0: {  	[dreg:$0x1] =	wrdreg $0xFFFFFFFF  }
0xc1: {  	_ =	task.clear_ibuf [dreg:s6], $0x2FFFF;
	_ =	strace $0x9FFFFFFF  }
0xc2: {  	(tm) =	ssettm $0x7FFFFFFF  }
0xc3: {  	_ =	shalt  }
tec
execute0_lowered:
.L_overlay_start_1:
0x0: {  	(tag) =	ssettag $0x1  }
0x1: {  	s0 =	rddreg [dreg:$0x0]  }
0x2: {  	s2 =	rddreg [dreg:$0x1]  }
0x3: {  	s1 =	srdreg.scid;
	s10 =	stileid.u32;
	s14 =	simm.s32 $0x0  }
0x4: {  	s30 =	simm.s32 $0x4F00;
	s31 =	simm.s32 $0x80;
	s1 =	sand.u32 $0x1, s1  }
0x5: {  	s3 =	sshll.u32 s10, $0x1;
	[smem:$0x7FF] =	sst s14;
	s9 =	smul.u32 $0x14000, s10  }
0x6: {  	s5 =	sadd.s32 $0x2C00, s0;
	s3 =	sor.u32 s1, s3;
	_ =	strace $0x8000004A  }
0x7: {  	s6 =	smul.u32 $0x2700, s3;
	s3 =	sshll.u32 s3, $0x4;
	s26 =	sshrl.u32 s9, $0x2  }
0x8: {  	s7 =	ssub.s32 $0x2, s1;
	s3 =	sadd.s32 s3, s5;
	s29 =	sadd.s32 s26, s2  }
0x9: {  	s8 =	sshrl.u32 s7, $0x1;
	s9 =	sadd.s32 $0x9C00, s3;
	[dreg:$0x5] =	wrdreg s29  }
0xa: {  	s7 =	ssub.s32 s7, s8;
	s3 =	sadd.s32 $0x13840, s3;
	[dreg:$0x6] =	wrdreg s9  }
0xb: {  	s28 =	simm.s32 $0xC;
	s12 =	smax.u32 s7, $0x1;
	[dreg:$0x7] =	wrdreg s3  }
0xc: {  	s4 =	sadd.s32 $0x16600, s0;
	s13 =	sadd.s32 $0x1000, s29;
	[dreg:$0x9] =	wrdreg s12  }
0xd: {  	s0 =	sadd.s32 $0x20600, s0;
	s15 =	sadd.s32 $0x2000, s29;
	[dreg:$0xa] =	wrdreg s13  }
0xe: {  	p0 =	sgt.u32 s10, $0x1;
	s16 =	sadd.s32 $0x3000, s29;
	[dreg:$0xb] =	wrdreg s15  }
0xf: {  	s6 =	sshrl.u32 s6, $0x3;
	s19 =	sadd.s32 $0x4000, s29;
	[dreg:$0xc] =	wrdreg s16  }
0x10: {  	s25 =	sadd.s32 s5, s6;
	s5 =	smul.u32 $0x5000, s10;
	[dreg:$0xd] =	wrdreg s19  }
0x11: {  	s1 =	smul.u32 $0x50000, s1;
	[dreg:$0x3] =	wrdreg s25;
	s8 =	sadd.s32 $0x9C40, s25  }
0x12: {  	s19 =	simm.s32 $0x7;
	[dreg:$0x4] =	wrdreg s8;
	s11 =	sadd.s32 s5, s2  }
0x13: {  	s17 =	sadd.s32 s1, s5;
	s18 =	sadd.s32 $0x1000, s5;
	s22 =	sadd.s32 $0x2000, s5  }
0x14: {  	s25 =	sadd.s32 $0x3000, s5;
	s5 =	sadd.s32 $0x4000, s5;
	[dreg:$0x8] =	wrdreg s11  }
0x15: {  	s3 =	sshrl.u32 s17, $0x3;
	s20 =	sadd.s32 s1, s18;
	s6 =	sadd.s32 s18, s2  }
0x16: {  	s23 =	sadd.s32 s1, s22;
	s24 =	sadd.s32 s22, s2;
	s26 =	sadd.s32 s1, s25  }
0x17: {  	s1 =	sadd.s32 s1, s5;
	s29 =	sadd.s32 s5, s2;
	[dreg:$0xf] =	wrdreg s6  }
0x18: {  	s22 =	simm.s32 $0x4;
	s18 =	simm.s32 $0x12;
	[dreg:$0x11] =	wrdreg s24  }
0x19: {  	s3 =	sadd.s32 s0, s3;
	s21 =	sshrl.u32 s20, $0x3;
	[dreg:$0x15] =	wrdreg s29  }
0x1a: {  	s6 =	sadd.s32 s25, s2;
	[dreg:$0xe] =	wrdreg s3;
	s3 =	sadd.s32 s0, s21  }
0x1b: {  	s1 =	sshrl.u32 s1, $0x3;
	[dreg:$0x10] =	wrdreg s3;
	s3 =	sshrl.u32 s23, $0x3  }
0x1c: {  	s20 =	simm.s32 $0x5;
	s24 =	simm.s32 $0xA;
	s3 =	sadd.s32 s0, s3  }
0x1d: {  	s25 =	simm.s32 $0x10;
	[dreg:$0x12] =	wrdreg s3;
	s3 =	sshrl.u32 s26, $0x3  }
0x1e: {  	[dreg:$0x13] =	wrdreg s6;
	s21 =	simm.s32 $0x3;
	s3 =	sadd.s32 s0, s3  }
0x1f: {  	s23 =	simm.s32 $0x9;
	s0 =	sadd.s32 s0, s1;
	[dreg:$0x14] =	wrdreg s3  }
0x20: {  	v0 =	vimm.f32 $0.0e+00;
	s26 =	simm.s32 $0x8;
	[dreg:$0x16] =	wrdreg s0;
	s0 =	simm.s32 $0x0  }
.LBB2_1:
0x21: {  	s15 =	rddreg [dreg:$0x3]  }
0x22: {  	[tilespmem:s14], [sflag:$0x1] =	stream.linear.gather [hbm4b:s15+s14], $0x2700, $0x38;
	[tilespmem:$0x16F00] =	vst v63  }
0x23: {  	s17 =	rddreg [dreg:$0x4];
	s29 =	simm.s32 $0x2780  }
0x24: {  	[tilespmem:s29], [sflag:$0x2] =	stream.linear.gather [hbm4b:s17+s14], $0x2700, $0x38;
	[tilespmem:$0x16F00] =	vst v63  }
0x25: {  	[dreg:$0x17] =	wrdreg s0;
	s15 =	simm.s32 $0x0;
	s14 =	simm.s32 $0x80  }
.LBB2_2:
0x26: {  	p1 =	sne.s32 s14, $0x3F80;
	[tilespmem:s15+$0x4F00] =	vst v0;
	s29 =	smov.u32 s14;
	s14 =	sadd.s32 $0x80, s14  }
.Ltmp0:
0x27: {  	[tilespmem:s15+$0x4F10] =	vst v0;
	(pc) =	sbr.rel @p1 .LBB2_2-.Ltmp0, $2  }
0x28: {  	_ =	sdelay $0x2  }
0x29: {  	s15 =	sshra.s32 s29, $0x2  }
0x2a: {  	[tilespmem:s15+$0x4F00] =	vst v0  }
0x2b: {  	[tilespmem:s15+$0x4F10] =	vst v0;
	s14 =	rddreg [dreg:$0x5];
	s16 =	simm.s32 $0x1B  }
0x2c: {  	[spmem:s14] =	stream.linear.scatter [tilespmem:s30], [sflag:$0x1B], $0x1000, $0x38;
	[tilespmem:$0x16F00] =	vst v63  }
0x2d: {  	_ =	swait.ge [sflag:s16], $0x1000  }
0x2e: {  	[sflag:s16] =	ssyncset.done $0x0  }
0x2f: {  	s17 =	rddreg [dreg:$0xa];
	[sflag:s16] =	ssyncadd.s32 $0xFFFFF000  }
0x30: {  	[spmem:s17] =	stream.linear.scatter [tilespmem:s30], [sflag:$0x1B], $0x1000, $0x38;
	[tilespmem:$0x16F00] =	vst v63  }
0x31: {  	_ =	swait.ge [sflag:s16], $0x1000  }
0x32: {  	[sflag:s16] =	ssyncset.done $0x0  }
0x33: {  	s29 =	rddreg [dreg:$0xb];
	[sflag:s16] =	ssyncadd.s32 $0xFFFFF000  }
0x34: {  	[spmem:s29] =	stream.linear.scatter [tilespmem:s30], [sflag:$0x1B], $0x1000, $0x38;
	[tilespmem:$0x16F00] =	vst v63  }
0x35: {  	_ =	swait.ge [sflag:s16], $0x1000  }
0x36: {  	[sflag:s16] =	ssyncset.done $0x0  }
0x37: {  	s0 =	rddreg [dreg:$0xc];
	[sflag:s16] =	ssyncadd.s32 $0xFFFFF000  }
0x38: {  	[spmem:s0] =	stream.linear.scatter [tilespmem:s30], [sflag:$0x1B], $0x1000, $0x38;
	[tilespmem:$0x16F00] =	vst v63  }
0x39: {  	_ =	swait.ge [sflag:s16], $0x1000  }
0x3a: {  	[sflag:s16] =	ssyncset.done $0x0  }
0x3b: {  	s1 =	rddreg [dreg:$0xd];
	[sflag:s16] =	ssyncadd.s32 $0xFFFFF000  }
0x3c: {  	[spmem:s1] =	stream.linear.scatter [tilespmem:s30], [sflag:$0x1B], $0x1000, $0x38;
	[tilespmem:$0x16F00] =	vst v63  }
0x3d: {  	_ =	swait.ge [sflag:s16], $0x1000  }
0x3e: {  	[sflag:s16] =	ssyncset.done $0x0  }
0x3f: {  	s12 =	simm.s32 $0x1;
	[sflag:s16] =	ssyncadd.s32 $0xFFFFF000  }
0x40: {  	_ =	swait.ge [sflag:s12], $0x2700  }
0x41: {  	[sflag:s12] =	ssyncset.done $0x0  }
0x42: {  	s9 =	simm.s32 $0x2;
	[sflag:s12] =	ssyncadd.s32 $0xFFFFD900  }
0x43: {  	_ =	swait.ge [sflag:s9], $0x2700  }
0x44: {  	s15 =	simm.s32 @!p0 $0x2700;
	[sflag:s9] =	ssyncset.done $0x0  }
0x45: {  	s14 =	simm.s32 @!p0 $0x0;
	s29 =	rddreg [dreg:$0x6];
	[sflag:s9] =	ssyncadd.s32 $0xFFFFD900  }
0x46: {  	[tilespmem:s15], [sflag:$0x1B] =	stream.linear.gather @!p0 [hbm4b:s29+s14], $0x80, $0x38;
	[tilespmem:$0x16F00] =	vst v63  }
0x47: {  	s15 =	simm.s32 @!p0 $0x1B  }
0x48: {  	_ =	swait.ge @!p0 [sflag:s15], $0x80  }
0x49: {  	[sflag:s15] =	ssyncset.done @!p0 $0x0  }
0x4a: {  	s29 =	simm.s32 @!p0 $0x4E80;
	s30 =	rddreg [dreg:$0x7];
	[sflag:s15] =	ssyncadd.s32 @!p0 $0xFFFFFF80  }
0x4b: {  	[tilespmem:s29], [sflag:$0x1B] =	stream.linear.gather @!p0 [hbm4b:s30+s14], $0x80, $0x38;
	[tilespmem:$0x16F00] =	vst v63  }
0x4c: {  	_ =	swait.ge @!p0 [sflag:s15], $0x80  }
0x4d: {  	[sflag:s15] =	ssyncset.done @!p0 $0x0  }
0x4e: {  	[sflag:s15] =	ssyncadd.s32 @!p0 $0xFFFFFF80  }
0x4f: {  	s3 =	simm.s32 $0x0;
	s0 =	simm.s32 $0x4F00;
	[bflag:$0x0] =	sbarrier.arrive $0xFFFF  }
0x50: {  	[tilespmem:s0], [sflag:$0x1] =	stream.indirect.gather [hbm4b:s4+s31], $0x20, s3, s31, $0xb8;
	[tilespmem:$0x16F00] =	vst v63  }
0x51: {  	s5 =	simm.s32 $0x80;
	s17 =	simm.s32 $0x5F00  }
0x52: {  	[tilespmem:s17], [sflag:$0x2] =	stream.indirect.gather [hbm4b:s4+s31], $0x20, s5, s31, $0xb8;
	[tilespmem:$0x16F00] =	vst v63  }
0x53: {  	s6 =	simm.s32 $0x100;
	s16 =	simm.s32 $0x6F00  }
0x54: {  	[tilespmem:s16], [sflag:$0x3] =	stream.indirect.gather [hbm4b:s4+s31], $0x20, s6, s31, $0xb8;
	[tilespmem:$0x16F00] =	vst v63  }
0x55: {  	s7 =	simm.s32 $0x180;
	s15 =	simm.s32 $0x7F00  }
0x56: {  	[tilespmem:s15], [sflag:$0x4] =	stream.indirect.gather [hbm4b:s4+s31], $0x20, s7, s31, $0xb8;
	[tilespmem:$0x16F00] =	vst v63  }
0x57: {  	s8 =	simm.s32 $0x200;
	s13 =	simm.s32 $0x8F00  }
0x58: {  	[tilespmem:s13], [sflag:$0x5] =	stream.indirect.gather [hbm4b:s4+s31], $0x20, s8, s31, $0xb8;
	[tilespmem:$0x16F00] =	vst v63  }
0x59: {  	s10 =	simm.s32 $0x280;
	s11 =	simm.s32 $0x9F00  }
0x5a: {  	[tilespmem:s11], [sflag:$0x6] =	stream.indirect.gather [hbm4b:s4+s31], $0x20, s10, s31, $0xb8;
	[tilespmem:$0x16F00] =	vst v63  }
0x5b: {  	s29 =	simm.s32 $0x300;
	s10 =	simm.s32 $0xAF00  }
0x5c: {  	[tilespmem:s10], [sflag:$0x7] =	stream.indirect.gather [hbm4b:s4+s31], $0x20, s29, s31, $0xb8;
	[tilespmem:$0x16F00] =	vst v63  }
0x5d: {  	s30 =	simm.s32 $0x380;
	s7 =	simm.s32 $0xBF00  }
0x5e: {  	[tilespmem:s7], [sflag:$0x8] =	stream.indirect.gather [hbm4b:s4+s31], $0x20, s30, s31, $0xb8;
	[tilespmem:$0x16F00] =	vst v63  }
0x5f: {  	s1 =	simm.s32 $0x400;
	s8 =	simm.s32 $0xCF00  }
0x60: {  	[tilespmem:s8], [sflag:$0x9] =	stream.indirect.gather [hbm4b:s4+s31], $0x20, s1, s31, $0xb8;
	[tilespmem:$0x16F00] =	vst v63  }
0x61: {  	s3 =	simm.s32 $0x480;
	s6 =	simm.s32 $0xDF00  }
0x62: {  	[tilespmem:s6], [sflag:$0xA] =	stream.indirect.gather [hbm4b:s4+s31], $0x20, s3, s31, $0xb8;
	[tilespmem:$0x16F00] =	vst v63  }
0x63: {  	s5 =	simm.s32 $0x500;
	s3 =	simm.s32 $0xEF00  }
0x64: {  	[tilespmem:s3], [sflag:$0xB] =	stream.indirect.gather [hbm4b:s4+s31], $0x20, s5, s31, $0xb8;
	[tilespmem:$0x16F00] =	vst v63  }
0x65: {  	s29 =	simm.s32 $0x580;
	s5 =	simm.s32 $0xFF00  }
0x66: {  	[tilespmem:s5], [sflag:$0xC] =	stream.indirect.gather [hbm4b:s4+s31], $0x20, s29, s31, $0xb8;
	[tilespmem:$0x16F00] =	vst v63  }
0x67: {  	s30 =	simm.s32 $0x600;
	s1 =	simm.s32 $0x10F00  }
0x68: {  	[tilespmem:s1], [sflag:$0xD] =	stream.indirect.gather [hbm4b:s4+s31], $0x20, s30, s31, $0xb8;
	[tilespmem:$0x16F00] =	vst v63  }
0x69: {  	_ =	swait.ge [sflag:s12], $0x1000  }
0x6a: {  	[sflag:s12] =	ssyncset.done $0x0  }
0x6b: {  	[sflag:s12] =	ssyncadd.s32 $0xFFFFF000;
	s12 =	simm.s32 $0x2780  }
0x6c: {  	[spmem:s2] =	stream.indirect.scatter.add.f32 [tilespmem:s0], [sflag:$0xE], $0x20, s12, s31, $0xb8;
	[tilespmem:$0x16F00] =	vst v63  }
0x6d: {  	_ =	swait.ge [sflag:s9], $0x1000  }
0x6e: {  	[sflag:s9] =	ssyncset.done $0x0  }
0x6f: {  	s29 =	simm.s32 $0x2800;
	[sflag:s9] =	ssyncadd.s32 $0xFFFFF000  }
0x70: {  	[spmem:s2] =	stream.indirect.scatter.add.f32 [tilespmem:s17], [sflag:$0xF], $0x20, s29, s31, $0xb8;
	[tilespmem:$0x16F00] =	vst v63  }
0x71: {  	_ =	swait.ge [sflag:s21], $0x1000  }
0x72: {  	[sflag:s21] =	ssyncset.done $0x0  }
0x73: {  	s30 =	simm.s32 $0x2880;
	[sflag:s21] =	ssyncadd.s32 $0xFFFFF000  }
0x74: {  	[spmem:s2] =	stream.indirect.scatter.add.f32 [tilespmem:s16], [sflag:$0x10], $0x20, s30, s31, $0xb8;
	[tilespmem:$0x16F00] =	vst v63  }
0x75: {  	_ =	swait.ge [sflag:s22], $0x1000  }
0x76: {  	[sflag:s22] =	ssyncset.done $0x0  }
0x77: {  	s0 =	simm.s32 $0x2900;
	[sflag:s22] =	ssyncadd.s32 $0xFFFFF000  }
0x78: {  	[spmem:s2] =	stream.indirect.scatter.add.f32 [tilespmem:s15], [sflag:$0x11], $0x20, s0, s31, $0xb8;
	[tilespmem:$0x16F00] =	vst v63  }
0x79: {  	_ =	swait.ge [sflag:s20], $0x1000  }
0x7a: {  	[sflag:s20] =	ssyncset.done $0x0  }
0x7b: {  	s12 =	simm.s32 $0x6;
	s9 =	simm.s32 $0x2980;
	[sflag:s20] =	ssyncadd.s32 $0xFFFFF000  }
0x7c: {  	[spmem:s2] =	stream.indirect.scatter.add.f32 [tilespmem:s13], [sflag:$0x12], $0x20, s9, s31, $0xb8;
	[tilespmem:$0x16F00] =	vst v63  }
0x7d: {  	_ =	swait.ge [sflag:s12], $0x1000  }
0x7e: {  	[sflag:s12] =	ssyncset.done $0x0  }
0x7f: {  	s13 =	simm.s32 $0x2A00;
	[sflag:s12] =	ssyncadd.s32 $0xFFFFF000  }
0x80: {  	[spmem:s2] =	stream.indirect.scatter.add.f32 [tilespmem:s11], [sflag:$0x13], $0x20, s13, s31, $0xb8;
	[tilespmem:$0x16F00] =	vst v63  }
0x81: {  	_ =	swait.ge [sflag:s19], $0x1000  }
0x82: {  	[sflag:s19] =	ssyncset.done $0x0  }
0x83: {  	s15 =	simm.s32 $0x2A80;
	[sflag:s19] =	ssyncadd.s32 $0xFFFFF000  }
0x84: {  	[spmem:s2] =	stream.indirect.scatter.add.f32 [tilespmem:s10], [sflag:$0x14], $0x20, s15, s31, $0xb8;
	[tilespmem:$0x16F00] =	vst v63  }
0x85: {  	_ =	swait.ge [sflag:s26], $0x1000  }
0x86: {  	[sflag:s26] =	ssyncset.done $0x0  }
0x87: {  	s16 =	simm.s32 $0x2B00;
	[sflag:s26] =	ssyncadd.s32 $0xFFFFF000  }
0x88: {  	[spmem:s2] =	stream.indirect.scatter.add.f32 [tilespmem:s7], [sflag:$0x15], $0x20, s16, s31, $0xb8;
	[tilespmem:$0x16F00] =	vst v63  }
0x89: {  	_ =	swait.ge [sflag:s23], $0x1000  }
0x8a: {  	[sflag:s23] =	ssyncset.done $0x0  }
0x8b: {  	s17 =	simm.s32 $0x2B80;
	[sflag:s23] =	ssyncadd.s32 $0xFFFFF000  }
0x8c: {  	[spmem:s2] =	stream.indirect.scatter.add.f32 [tilespmem:s8], [sflag:$0x16], $0x20, s17, s31, $0xb8;
	[tilespmem:$0x16F00] =	vst v63  }
0x8d: {  	_ =	swait.ge [sflag:s24], $0x1000  }
0x8e: {  	[sflag:s24] =	ssyncset.done $0x0  }
0x8f: {  	s29 =	simm.s32 $0x2C00;
	s30 =	simm.s32 $0xB;
	[sflag:s24] =	ssyncadd.s32 $0xFFFFF000  }
0x90: {  	[spmem:s2] =	stream.indirect.scatter.add.f32 [tilespmem:s6], [sflag:$0x17], $0x20, s29, s31, $0xb8;
	[tilespmem:$0x16F00] =	vst v63  }
0x91: {  	_ =	swait.ge [sflag:s30], $0x1000  }
0x92: {  	[sflag:s30] =	ssyncset.done $0x0  }
0x93: {  	s0 =	simm.s32 $0x2C80;
	[sflag:s30] =	ssyncadd.s32 $0xFFFFF000  }
0x94: {  	[spmem:s2] =	stream.indirect.scatter.add.f32 [tilespmem:s3], [sflag:$0x18], $0x20, s0, s31, $0xb8;
	[tilespmem:$0x16F00] =	vst v63  }
0x95: {  	_ =	swait.ge [sflag:s28], $0x1000  }
0x96: {  	[sflag:s28] =	ssyncset.done $0x0  }
0x97: {  	s7 =	simm.s32 $0xD;
	s6 =	simm.s32 $0x2D00;
	[sflag:s28] =	ssyncadd.s32 $0xFFFFF000  }
0x98: {  	[spmem:s2] =	stream.indirect.scatter.add.f32 [tilespmem:s5], [sflag:$0x19], $0x20, s6, s31, $0xb8;
	[tilespmem:$0x16F00] =	vst v63  }
0x99: {  	_ =	swait.ge [sflag:s7], $0x1000  }
0x9a: {  	[sflag:s7] =	ssyncset.done $0x0  }
0x9b: {  	s9 =	simm.s32 $0xE;
	s8 =	simm.s32 $0x2D80;
	[sflag:s7] =	ssyncadd.s32 $0xFFFFF000  }
0x9c: {  	[spmem:s2] =	stream.indirect.scatter.add.f32 [tilespmem:s1], [sflag:$0x1A], $0x20, s8, s31, $0xb8;
	[tilespmem:$0x16F00] =	vst v63  }
0x9d: {  	_ =	swait.ge [sflag:s9], $0x1000  }
0x9e: {  	[sflag:s9] =	ssyncset.done $0x0  }
0x9f: {  	s10 =	simm.s32 $0xF;
	[sflag:s9] =	ssyncadd.s32 $0xFFFFF000  }
0xa0: {  	_ =	swait.ge [sflag:s10], $0x1000  }
0xa1: {  	[sflag:s10] =	ssyncset.done $0x0  }
0xa2: {  	[sflag:s10] =	ssyncadd.s32 $0xFFFFF000  }
0xa3: {  	_ =	swait.ge [sflag:s25], $0x1000  }
0xa4: {  	[sflag:s25] =	ssyncset.done $0x0  }
0xa5: {  	s11 =	simm.s32 $0x11;
	[sflag:s25] =	ssyncadd.s32 $0xFFFFF000  }
0xa6: {  	_ =	swait.ge [sflag:s11], $0x1000  }
0xa7: {  	[sflag:s11] =	ssyncset.done $0x0  }
0xa8: {  	[sflag:s11] =	ssyncadd.s32 $0xFFFFF000  }
0xa9: {  	_ =	swait.ge [sflag:s18], $0x1000  }
0xaa: {  	[sflag:s18] =	ssyncset.done $0x0  }
0xab: {  	s12 =	simm.s32 $0x13;
	[sflag:s18] =	ssyncadd.s32 $0xFFFFF000  }
0xac: {  	_ =	swait.ge [sflag:s12], $0x1000  }
0xad: {  	[sflag:s12] =	ssyncset.done $0x0  }
0xae: {  	s13 =	simm.s32 $0x14;
	[sflag:s12] =	ssyncadd.s32 $0xFFFFF000  }
0xaf: {  	_ =	swait.ge [sflag:s13], $0x1000  }
0xb0: {  	[sflag:s13] =	ssyncset.done $0x0  }
0xb1: {  	s14 =	simm.s32 $0x15;
	[sflag:s13] =	ssyncadd.s32 $0xFFFFF000  }
0xb2: {  	_ =	swait.ge [sflag:s14], $0x1000  }
0xb3: {  	[sflag:s14] =	ssyncset.done $0x0  }
0xb4: {  	s15 =	simm.s32 $0x16;
	[sflag:s14] =	ssyncadd.s32 $0xFFFFF000  }
0xb5: {  	_ =	swait.ge [sflag:s15], $0x1000  }
0xb6: {  	[sflag:s15] =	ssyncset.done $0x0  }
0xb7: {  	s16 =	simm.s32 $0x17;
	[sflag:s15] =	ssyncadd.s32 $0xFFFFF000  }
0xb8: {  	_ =	swait.ge [sflag:s16], $0x1000  }
0xb9: {  	[sflag:s16] =	ssyncset.done $0x0  }
0xba: {  	s17 =	simm.s32 $0x18;
	[sflag:s16] =	ssyncadd.s32 $0xFFFFF000  }
0xbb: {  	_ =	swait.ge [sflag:s17], $0x1000  }
0xbc: {  	[sflag:s17] =	ssyncset.done $0x0  }
0xbd: {  	s29 =	simm.s32 $0x19;
	[sflag:s17] =	ssyncadd.s32 $0xFFFFF000  }
0xbe: {  	_ =	swait.ge [sflag:s29], $0x1000  }
0xbf: {  	[sflag:s29] =	ssyncset.done $0x0  }
0xc0: {  	s30 =	simm.s32 $0x1A;
	[sflag:s29] =	ssyncadd.s32 $0xFFFFF000  }
0xc1: {  	_ =	swait.ge [sflag:s30], $0x1000  }
0xc2: {  	s14 =	simm.s32 $0x1A00;
	s15 =	simm.s32 $0x3400;
	[sflag:s30] =	ssyncset.done $0x0  }
.LBB2_4:
0xc3: {  	s29 =	sshra.s32 s14, $0x2;
	s17 =	simm.s32 $0x1A;
	s14 =	smov.u32 s15  }
0xc4: {  	s30 =	sadd.s32 $0x1A00, s15;
	s16 =	simm.s32 $0x4F00;
	[sflag:s17] =	ssyncadd.s32 $0xFFFFF000  }
0xc5: {  	[tilespmem:s16], [sflag:$0x1] =	stream.indirect.gather [hbm4b:s4+s31], $0x20, s29, s31, $0xb8;
	[tilespmem:$0x16F00] =	vst v63  }
0xc6: {  	p1 =	sne.s32 s15, $0x8200;
	s13 =	simm.s32 $0x5F00;
	s15 =	sadd.s32 $0x80, s29  }
0xc7: {  	[tilespmem:s13], [sflag:$0x2] =	stream.indirect.gather [hbm4b:s4+s31], $0x20, s15, s31, $0xb8;
	[tilespmem:$0x16F00] =	vst v63  }
0xc8: {  	s12 =	simm.s32 $0x6F00;
	s15 =	sadd.s32 $0x100, s29  }
0xc9: {  	[tilespmem:s12], [sflag:$0x3] =	stream.indirect.gather [hbm4b:s4+s31], $0x20, s15, s31, $0xb8;
	[tilespmem:$0x16F00] =	vst v63  }
0xca: {  	s11 =	simm.s32 $0x7F00;
	s15 =	sadd.s32 $0x180, s29  }
0xcb: {  	[tilespmem:s11], [sflag:$0x4] =	stream.indirect.gather [hbm4b:s4+s31], $0x20, s15, s31, $0xb8;
	[tilespmem:$0x16F00] =	vst v63  }
0xcc: {  	s10 =	simm.s32 $0x8F00;
	s15 =	sadd.s32 $0x200, s29  }
0xcd: {  	[tilespmem:s10], [sflag:$0x5] =	stream.indirect.gather [hbm4b:s4+s31], $0x20, s15, s31, $0xb8;
	[tilespmem:$0x16F00] =	vst v63  }
0xce: {  	s9 =	simm.s32 $0x9F00;
	s15 =	sadd.s32 $0x280, s29  }
0xcf: {  	[tilespmem:s9], [sflag:$0x6] =	stream.indirect.gather [hbm4b:s4+s31], $0x20, s15, s31, $0xb8;
	[tilespmem:$0x16F00] =	vst v63  }
0xd0: {  	s8 =	simm.s32 $0xAF00;
	s15 =	sadd.s32 $0x300, s29  }
0xd1: {  	[tilespmem:s8], [sflag:$0x7] =	stream.indirect.gather [hbm4b:s4+s31], $0x20, s15, s31, $0xb8;
	[tilespmem:$0x16F00] =	vst v63  }
0xd2: {  	s7 =	simm.s32 $0xBF00;
	s15 =	sadd.s32 $0x380, s29  }
0xd3: {  	[tilespmem:s7], [sflag:$0x8] =	stream.indirect.gather [hbm4b:s4+s31], $0x20, s15, s31, $0xb8;
	[tilespmem:$0x16F00] =	vst v63  }
0xd4: {  	s6 =	simm.s32 $0xCF00;
	s15 =	sadd.s32 $0x400, s29  }
0xd5: {  	[tilespmem:s6], [sflag:$0x9] =	stream.indirect.gather [hbm4b:s4+s31], $0x20, s15, s31, $0xb8;
	[tilespmem:$0x16F00] =	vst v63  }
0xd6: {  	s5 =	simm.s32 $0xDF00;
	s15 =	sadd.s32 $0x480, s29  }
0xd7: {  	[tilespmem:s5], [sflag:$0xA] =	stream.indirect.gather [hbm4b:s4+s31], $0x20, s15, s31, $0xb8;
	[tilespmem:$0x16F00] =	vst v63  }
0xd8: {  	s3 =	simm.s32 $0xEF00;
	s15 =	sadd.s32 $0x500, s29  }
0xd9: {  	[tilespmem:s3], [sflag:$0xB] =	stream.indirect.gather [hbm4b:s4+s31], $0x20, s15, s31, $0xb8;
	[tilespmem:$0x16F00] =	vst v63  }
0xda: {  	s1 =	simm.s32 $0xFF00;
	s15 =	sadd.s32 $0x580, s29  }
0xdb: {  	[tilespmem:s1], [sflag:$0xC] =	stream.indirect.gather [hbm4b:s4+s31], $0x20, s15, s31, $0xb8;
	[tilespmem:$0x16F00] =	vst v63  }
0xdc: {  	s0 =	simm.s32 $0x10F00;
	s15 =	sadd.s32 $0x600, s29  }
0xdd: {  	[tilespmem:s0], [sflag:$0xD] =	stream.indirect.gather [hbm4b:s4+s31], $0x20, s15, s31, $0xb8;
	[tilespmem:$0x16F00] =	vst v63  }
0xde: {  	s15 =	simm.s32 $0x1  }
0xdf: {  	_ =	swait.ge [sflag:s15], $0x1000  }
0xe0: {  	[sflag:s15] =	ssyncset.done $0x0  }
0xe1: {  	[sflag:s15] =	ssyncadd.s32 $0xFFFFF000;
	s15 =	sadd.s32 $0x2780, s29  }
0xe2: {  	[spmem:s2] =	stream.indirect.scatter.add.f32 [tilespmem:s16], [sflag:$0xE], $0x20, s15, s31, $0xb8;
	[tilespmem:$0x16F00] =	vst v63  }
0xe3: {  	s15 =	simm.s32 $0x2  }
0xe4: {  	_ =	swait.ge [sflag:s15], $0x1000  }
0xe5: {  	[sflag:s15] =	ssyncset.done $0x0  }
0xe6: {  	[sflag:s15] =	ssyncadd.s32 $0xFFFFF000;
	s15 =	sadd.s32 $0x2800, s29  }
0xe7: {  	[spmem:s2] =	stream.indirect.scatter.add.f32 [tilespmem:s13], [sflag:$0xF], $0x20, s15, s31, $0xb8;
	[tilespmem:$0x16F00] =	vst v63  }
0xe8: {  	_ =	swait.ge [sflag:s21], $0x1000  }
0xe9: {  	[sflag:s21] =	ssyncset.done $0x0  }
0xea: {  	s15 =	sadd.s32 $0x2880, s29;
	[sflag:s21] =	ssyncadd.s32 $0xFFFFF000  }
0xeb: {  	[spmem:s2] =	stream.indirect.scatter.add.f32 [tilespmem:s12], [sflag:$0x10], $0x20, s15, s31, $0xb8;
	[tilespmem:$0x16F00] =	vst v63  }
0xec: {  	_ =	swait.ge [sflag:s22], $0x1000  }
0xed: {  	[sflag:s22] =	ssyncset.done $0x0  }
0xee: {  	s15 =	sadd.s32 $0x2900, s29;
	[sflag:s22] =	ssyncadd.s32 $0xFFFFF000  }
0xef: {  	[spmem:s2] =	stream.indirect.scatter.add.f32 [tilespmem:s11], [sflag:$0x11], $0x20, s15, s31, $0xb8;
	[tilespmem:$0x16F00] =	vst v63  }
0xf0: {  	_ =	swait.ge [sflag:s20], $0x1000  }
0xf1: {  	[sflag:s20] =	ssyncset.done $0x0  }
0xf2: {  	s15 =	sadd.s32 $0x2980, s29;
	[sflag:s20] =	ssyncadd.s32 $0xFFFFF000  }
0xf3: {  	[spmem:s2] =	stream.indirect.scatter.add.f32 [tilespmem:s10], [sflag:$0x12], $0x20, s15, s31, $0xb8;
	[tilespmem:$0x16F00] =	vst v63  }
0xf4: {  	s10 =	simm.s32 $0x6  }
0xf5: {  	_ =	swait.ge [sflag:s10], $0x1000  }
0xf6: {  	[sflag:s10] =	ssyncset.done $0x0  }
0xf7: {  	s15 =	sadd.s32 $0x2A00, s29;
	[sflag:s10] =	ssyncadd.s32 $0xFFFFF000  }
0xf8: {  	[spmem:s2] =	stream.indirect.scatter.add.f32 [tilespmem:s9], [sflag:$0x13], $0x20, s15, s31, $0xb8;
	[tilespmem:$0x16F00] =	vst v63  }
0xf9: {  	_ =	swait.ge [sflag:s19], $0x1000  }
0xfa: {  	[sflag:s19] =	ssyncset.done $0x0  }
0xfb: {  	s15 =	sadd.s32 $0x2A80, s29;
	[sflag:s19] =	ssyncadd.s32 $0xFFFFF000  }
0xfc: {  	[spmem:s2] =	stream.indirect.scatter.add.f32 [tilespmem:s8], [sflag:$0x14], $0x20, s15, s31, $0xb8;
	[tilespmem:$0x16F00] =	vst v63  }
0xfd: {  	_ =	swait.ge [sflag:s26], $0x1000  }
0xfe: {  	[sflag:s26] =	ssyncset.done $0x0  }
0xff: {  	s15 =	sadd.s32 $0x2B00, s29;
	[sflag:s26] =	ssyncadd.s32 $0xFFFFF000  }
0x100: {  	[spmem:s2] =	stream.indirect.scatter.add.f32 [tilespmem:s7], [sflag:$0x15], $0x20, s15, s31, $0xb8;
	[tilespmem:$0x16F00] =	vst v63  }
0x101: {  	_ =	swait.ge [sflag:s23], $0x1000  }
0x102: {  	[sflag:s23] =	ssyncset.done $0x0  }
0x103: {  	s15 =	sadd.s32 $0x2B80, s29;
	[sflag:s23] =	ssyncadd.s32 $0xFFFFF000  }
0x104: {  	[spmem:s2] =	stream.indirect.scatter.add.f32 [tilespmem:s6], [sflag:$0x16], $0x20, s15, s31, $0xb8;
	[tilespmem:$0x16F00] =	vst v63  }
0x105: {  	_ =	swait.ge [sflag:s24], $0x1000  }
0x106: {  	[sflag:s24] =	ssyncset.done $0x0  }
0x107: {  	s15 =	sadd.s32 $0x2C00, s29;
	[sflag:s24] =	ssyncadd.s32 $0xFFFFF000  }
0x108: {  	[spmem:s2] =	stream.indirect.scatter.add.f32 [tilespmem:s5], [sflag:$0x17], $0x20, s15, s31, $0xb8;
	[tilespmem:$0x16F00] =	vst v63  }
0x109: {  	s5 =	simm.s32 $0xB  }
0x10a: {  	_ =	swait.ge [sflag:s5], $0x1000  }
0x10b: {  	[sflag:s5] =	ssyncset.done $0x0  }
0x10c: {  	s15 =	sadd.s32 $0x2C80, s29;
	[sflag:s5] =	ssyncadd.s32 $0xFFFFF000  }
0x10d: {  	[spmem:s2] =	stream.indirect.scatter.add.f32 [tilespmem:s3], [sflag:$0x18], $0x20, s15, s31, $0xb8;
	[tilespmem:$0x16F00] =	vst v63  }
0x10e: {  	_ =	swait.ge [sflag:s28], $0x1000  }
0x10f: {  	[sflag:s28] =	ssyncset.done $0x0  }
0x110: {  	s15 =	sadd.s32 $0x2D00, s29;
	[sflag:s28] =	ssyncadd.s32 $0xFFFFF000  }
0x111: {  	[spmem:s2] =	stream.indirect.scatter.add.f32 [tilespmem:s1], [sflag:$0x19], $0x20, s15, s31, $0xb8;
	[tilespmem:$0x16F00] =	vst v63  }
0x112: {  	s1 =	simm.s32 $0xD  }
0x113: {  	_ =	swait.ge [sflag:s1], $0x1000  }
0x114: {  	[sflag:s1] =	ssyncset.done $0x0  }
0x115: {  	s15 =	sadd.s32 $0x2D80, s29;
	s29 =	simm.s32 $0xE;
	[sflag:s1] =	ssyncadd.s32 $0xFFFFF000  }
0x116: {  	[spmem:s2] =	stream.indirect.scatter.add.f32 [tilespmem:s0], [sflag:$0x1A], $0x20, s15, s31, $0xb8;
	[tilespmem:$0x16F00] =	vst v63  }
0x117: {  	_ =	swait.ge [sflag:s29], $0x1000  }
0x118: {  	[sflag:s29] =	ssyncset.done $0x0  }
0x119: {  	s0 =	simm.s32 $0xF;
	[sflag:s29] =	ssyncadd.s32 $0xFFFFF000  }
0x11a: {  	_ =	swait.ge [sflag:s0], $0x1000  }
0x11b: {  	[sflag:s0] =	ssyncset.done $0x0  }
0x11c: {  	[sflag:s0] =	ssyncadd.s32 $0xFFFFF000  }
0x11d: {  	_ =	swait.ge [sflag:s25], $0x1000  }
0x11e: {  	[sflag:s25] =	ssyncset.done $0x0  }
0x11f: {  	s0 =	simm.s32 $0x11;
	[sflag:s25] =	ssyncadd.s32 $0xFFFFF000  }
0x120: {  	_ =	swait.ge [sflag:s0], $0x1000  }
0x121: {  	[sflag:s0] =	ssyncset.done $0x0  }
0x122: {  	[sflag:s0] =	ssyncadd.s32 $0xFFFFF000  }
0x123: {  	_ =	swait.ge [sflag:s18], $0x1000  }
0x124: {  	[sflag:s18] =	ssyncset.done $0x0  }
0x125: {  	s0 =	simm.s32 $0x13;
	[sflag:s18] =	ssyncadd.s32 $0xFFFFF000  }
0x126: {  	_ =	swait.ge [sflag:s0], $0x1000  }
0x127: {  	[sflag:s0] =	ssyncset.done $0x0  }
0x128: {  	[sflag:s0] =	ssyncadd.s32 $0xFFFFF000;
	s0 =	simm.s32 $0x14  }
0x129: {  	_ =	swait.ge [sflag:s0], $0x1000  }
0x12a: {  	[sflag:s0] =	ssyncset.done $0x0  }
0x12b: {  	[sflag:s0] =	ssyncadd.s32 $0xFFFFF000;
	s0 =	simm.s32 $0x15  }
0x12c: {  	_ =	swait.ge [sflag:s0], $0x1000  }
0x12d: {  	[sflag:s0] =	ssyncset.done $0x0  }
0x12e: {  	[sflag:s0] =	ssyncadd.s32 $0xFFFFF000;
	s0 =	simm.s32 $0x16  }
0x12f: {  	_ =	swait.ge [sflag:s0], $0x1000  }
0x130: {  	[sflag:s0] =	ssyncset.done $0x0  }
0x131: {  	[sflag:s0] =	ssyncadd.s32 $0xFFFFF000;
	s0 =	simm.s32 $0x17  }
0x132: {  	_ =	swait.ge [sflag:s0], $0x1000  }
0x133: {  	[sflag:s0] =	ssyncset.done $0x0  }
0x134: {  	[sflag:s0] =	ssyncadd.s32 $0xFFFFF000;
	s0 =	simm.s32 $0x18  }
0x135: {  	_ =	swait.ge [sflag:s0], $0x1000  }
0x136: {  	[sflag:s0] =	ssyncset.done $0x0  }
0x137: {  	[sflag:s0] =	ssyncadd.s32 $0xFFFFF000;
	s0 =	simm.s32 $0x19  }
.Ltmp1:
0x138: {  	_ =	swait.ge [sflag:s0], $0x1000;
	(pc) =	sbr.rel @p1 .LBB2_4-.Ltmp1, $4  }
0x139: {  	[sflag:s0] =	ssyncset.done $0x0  }
0x13a: {  	[sflag:s0] =	ssyncadd.s32 $0xFFFFF000  }
0x13b: {  	_ =	swait.ge [sflag:s17], $0x1000  }
0x13c: {  	s15 =	smov.u32 s30;
	[sflag:s17] =	ssyncset.done $0x0  }
0x13d: {  	s16 =	simm.s32 $0x1A  }
0x13e: {  	s14 =	sshra.s32 s14, $0x2;
	s17 =	simm.s32 $0x4F00;
	[sflag:s16] =	ssyncadd.s32 $0xFFFFF000  }
0x13f: {  	[tilespmem:s17], [sflag:$0x1] =	stream.indirect.gather [hbm4b:s4+s31], $0x20, s14, s31, $0xb8;
	[tilespmem:$0x16F00] =	vst v63  }
0x140: {  	s13 =	simm.s32 $0x5F00;
	s15 =	sadd.s32 $0x80, s14  }
0x141: {  	[tilespmem:s13], [sflag:$0x2] =	stream.indirect.gather [hbm4b:s4+s31], $0x20, s15, s31, $0xb8;
	[tilespmem:$0x16F00] =	vst v63  }
0x142: {  	s12 =	simm.s32 $0x6F00;
	s7 =	sadd.s32 $0x100, s14  }
0x143: {  	[tilespmem:s12], [sflag:$0x3] =	stream.indirect.gather [hbm4b:s4+s31], $0x20, s7, s31, $0xb8;
	[tilespmem:$0x16F00] =	vst v63  }
0x144: {  	s11 =	simm.s32 $0x7F00;
	s8 =	sadd.s32 $0x180, s14  }
0x145: {  	[tilespmem:s11], [sflag:$0x4] =	stream.indirect.gather [hbm4b:s4+s31], $0x20, s8, s31, $0xb8;
	[tilespmem:$0x16F00] =	vst v63  }
0x146: {  	s10 =	simm.s32 $0x8F00;
	s9 =	sadd.s32 $0x200, s14  }
0x147: {  	[tilespmem:s10], [sflag:$0x5] =	stream.indirect.gather [hbm4b:s4+s31], $0x20, s9, s31, $0xb8;
	[tilespmem:$0x16F00] =	vst v63  }
0x148: {  	s0 =	sadd.s32 $0x280, s14;
	s9 =	simm.s32 $0x9F00  }
0x149: {  	[tilespmem:s9], [sflag:$0x6] =	stream.indirect.gather [hbm4b:s4+s31], $0x20, s0, s31, $0xb8;
	[tilespmem:$0x16F00] =	vst v63  }
0x14a: {  	s1 =	sadd.s32 $0x300, s14;
	s8 =	simm.s32 $0xAF00  }
0x14b: {  	[tilespmem:s8], [sflag:$0x7] =	stream.indirect.gather [hbm4b:s4+s31], $0x20, s1, s31, $0xb8;
	[tilespmem:$0x16F00] =	vst v63  }
0x14c: {  	s3 =	sadd.s32 $0x380, s14;
	s7 =	simm.s32 $0xBF00  }
0x14d: {  	[tilespmem:s7], [sflag:$0x8] =	stream.indirect.gather [hbm4b:s4+s31], $0x20, s3, s31, $0xb8;
	[tilespmem:$0x16F00] =	vst v63  }
0x14e: {  	s6 =	simm.s32 $0xCF00;
	s5 =	sadd.s32 $0x400, s14  }
0x14f: {  	[tilespmem:s6], [sflag:$0x9] =	stream.indirect.gather [hbm4b:s4+s31], $0x20, s5, s31, $0xb8;
	[tilespmem:$0x16F00] =	vst v63  }
0x150: {  	s0 =	sadd.s32 $0x480, s14;
	s5 =	simm.s32 $0xDF00  }
0x151: {  	[tilespmem:s5], [sflag:$0xA] =	stream.indirect.gather [hbm4b:s4+s31], $0x20, s0, s31, $0xb8;
	[tilespmem:$0x16F00] =	vst v63  }
0x152: {  	s1 =	sadd.s32 $0x500, s14;
	s3 =	simm.s32 $0xEF00  }
0x153: {  	[tilespmem:s3], [sflag:$0xB] =	stream.indirect.gather [hbm4b:s4+s31], $0x20, s1, s31, $0xb8;
	[tilespmem:$0x16F00] =	vst v63  }
0x154: {  	s0 =	sadd.s32 $0x580, s14;
	s1 =	simm.s32 $0xFF00  }
0x155: {  	[tilespmem:s1], [sflag:$0xC] =	stream.indirect.gather [hbm4b:s4+s31], $0x20, s0, s31, $0xb8;
	[tilespmem:$0x16F00] =	vst v63  }
0x156: {  	s15 =	sadd.s32 $0x600, s14;
	s0 =	simm.s32 $0x10F00  }
0x157: {  	[tilespmem:s0], [sflag:$0xD] =	stream.indirect.gather [hbm4b:s4+s31], $0x20, s15, s31, $0xb8;
	[tilespmem:$0x16F00] =	vst v63  }
0x158: {  	s15 =	simm.s32 $0x1  }
0x159: {  	_ =	swait.ge [sflag:s15], $0x1000  }
0x15a: {  	[sflag:s15] =	ssyncset.done $0x0  }
0x15b: {  	[sflag:s15] =	ssyncadd.s32 $0xFFFFF000;
	s15 =	sadd.s32 $0x2780, s14  }
0x15c: {  	[spmem:s2] =	stream.indirect.scatter.add.f32 [tilespmem:s17], [sflag:$0xE], $0x20, s15, s31, $0xb8;
	[tilespmem:$0x16F00] =	vst v63  }
0x15d: {  	s15 =	simm.s32 $0x2  }
0x15e: {  	_ =	swait.ge [sflag:s15], $0x1000  }
0x15f: {  	[sflag:s15] =	ssyncset.done $0x0  }
0x160: {  	[sflag:s15] =	ssyncadd.s32 $0xFFFFF000;
	s15 =	sadd.s32 $0x2800, s14  }
0x161: {  	[spmem:s2] =	stream.indirect.scatter.add.f32 [tilespmem:s13], [sflag:$0xF], $0x20, s15, s31, $0xb8;
	[tilespmem:$0x16F00] =	vst v63  }
0x162: {  	_ =	swait.ge [sflag:s21], $0x1000  }
0x163: {  	[sflag:s21] =	ssyncset.done $0x0  }
0x164: {  	s13 =	sadd.s32 $0x2880, s14;
	[sflag:s21] =	ssyncadd.s32 $0xFFFFF000  }
0x165: {  	[spmem:s2] =	stream.indirect.scatter.add.f32 [tilespmem:s12], [sflag:$0x10], $0x20, s13, s31, $0xb8;
	[tilespmem:$0x16F00] =	vst v63  }
0x166: {  	_ =	swait.ge [sflag:s22], $0x1000  }
0x167: {  	[sflag:s22] =	ssyncset.done $0x0  }
0x168: {  	s13 =	sadd.s32 $0x2900, s14;
	[sflag:s22] =	ssyncadd.s32 $0xFFFFF000  }
0x169: {  	[spmem:s2] =	stream.indirect.scatter.add.f32 [tilespmem:s11], [sflag:$0x11], $0x20, s13, s31, $0xb8;
	[tilespmem:$0x16F00] =	vst v63  }
0x16a: {  	_ =	swait.ge [sflag:s20], $0x1000  }
0x16b: {  	[sflag:s20] =	ssyncset.done $0x0  }
0x16c: {  	s12 =	simm.s32 $0x6;
	s11 =	sadd.s32 $0x2980, s14;
	[sflag:s20] =	ssyncadd.s32 $0xFFFFF000  }
0x16d: {  	[spmem:s2] =	stream.indirect.scatter.add.f32 [tilespmem:s10], [sflag:$0x12], $0x20, s11, s31, $0xb8;
	[tilespmem:$0x16F00] =	vst v63  }
0x16e: {  	_ =	swait.ge [sflag:s12], $0x1000  }
0x16f: {  	[sflag:s12] =	ssyncset.done $0x0  }
0x170: {  	s13 =	sadd.s32 $0x2A00, s14;
	[sflag:s12] =	ssyncadd.s32 $0xFFFFF000  }
0x171: {  	[spmem:s2] =	stream.indirect.scatter.add.f32 [tilespmem:s9], [sflag:$0x13], $0x20, s13, s31, $0xb8;
	[tilespmem:$0x16F00] =	vst v63  }
0x172: {  	_ =	swait.ge [sflag:s19], $0x1000  }
0x173: {  	[sflag:s19] =	ssyncset.done $0x0  }
0x174: {  	s10 =	sadd.s32 $0x2A80, s14;
	[sflag:s19] =	ssyncadd.s32 $0xFFFFF000  }
0x175: {  	[spmem:s2] =	stream.indirect.scatter.add.f32 [tilespmem:s8], [sflag:$0x14], $0x20, s10, s31, $0xb8;
	[tilespmem:$0x16F00] =	vst v63  }
0x176: {  	_ =	swait.ge [sflag:s26], $0x1000  }
0x177: {  	[sflag:s26] =	ssyncset.done $0x0  }
0x178: {  	s11 =	sadd.s32 $0x2B00, s14;
	[sflag:s26] =	ssyncadd.s32 $0xFFFFF000  }
0x179: {  	[spmem:s2] =	stream.indirect.scatter.add.f32 [tilespmem:s7], [sflag:$0x15], $0x20, s11, s31, $0xb8;
	[tilespmem:$0x16F00] =	vst v63  }
0x17a: {  	_ =	swait.ge [sflag:s23], $0x1000  }
0x17b: {  	[sflag:s23] =	ssyncset.done $0x0  }
0x17c: {  	s12 =	sadd.s32 $0x2B80, s14;
	[sflag:s23] =	ssyncadd.s32 $0xFFFFF000  }
0x17d: {  	[spmem:s2] =	stream.indirect.scatter.add.f32 [tilespmem:s6], [sflag:$0x16], $0x20, s12, s31, $0xb8;
	[tilespmem:$0x16F00] =	vst v63  }
0x17e: {  	_ =	swait.ge [sflag:s24], $0x1000  }
0x17f: {  	[sflag:s24] =	ssyncset.done $0x0  }
0x180: {  	s15 =	simm.s32 $0xB;
	s13 =	sadd.s32 $0x2C00, s14;
	[sflag:s24] =	ssyncadd.s32 $0xFFFFF000  }
0x181: {  	[spmem:s2] =	stream.indirect.scatter.add.f32 [tilespmem:s5], [sflag:$0x17], $0x20, s13, s31, $0xb8;
	[tilespmem:$0x16F00] =	vst v63  }
0x182: {  	_ =	swait.ge [sflag:s15], $0x1000  }
0x183: {  	[sflag:s15] =	ssyncset.done $0x0  }
0x184: {  	s5 =	sadd.s32 $0x2C80, s14;
	[sflag:s15] =	ssyncadd.s32 $0xFFFFF000  }
0x185: {  	[spmem:s2] =	stream.indirect.scatter.add.f32 [tilespmem:s3], [sflag:$0x18], $0x20, s5, s31, $0xb8;
	[tilespmem:$0x16F00] =	vst v63  }
0x186: {  	_ =	swait.ge [sflag:s28], $0x1000  }
0x187: {  	[sflag:s28] =	ssyncset.done $0x0  }
0x188: {  	s7 =	simm.s32 $0xD;
	s6 =	sadd.s32 $0x2D00, s14;
	[sflag:s28] =	ssyncadd.s32 $0xFFFFF000  }
0x189: {  	[spmem:s2] =	stream.indirect.scatter.add.f32 [tilespmem:s1], [sflag:$0x19], $0x20, s6, s31, $0xb8;
	[tilespmem:$0x16F00] =	vst v63  }
0x18a: {  	_ =	swait.ge [sflag:s7], $0x1000  }
0x18b: {  	[sflag:s7] =	ssyncset.done $0x0  }
0x18c: {  	s14 =	sadd.s32 $0x2D80, s14;
	[sflag:s7] =	ssyncadd.s32 $0xFFFFF000  }
0x18d: {  	[spmem:s2] =	stream.indirect.scatter.add.f32 [tilespmem:s0], [sflag:$0x1A], $0x20, s14, s31, $0xb8;
	[tilespmem:$0x16F00] =	vst v63  }
0x18e: {  	_ =	swait.ge [sflag:s29], $0x1000  }
0x18f: {  	[sflag:s29] =	ssyncset.done $0x0  }
0x190: {  	s8 =	simm.s32 $0xF;
	[sflag:s29] =	ssyncadd.s32 $0xFFFFF000  }
0x191: {  	_ =	swait.ge [sflag:s8], $0x1000  }
0x192: {  	[sflag:s8] =	ssyncset.done $0x0  }
0x193: {  	[sflag:s8] =	ssyncadd.s32 $0xFFFFF000  }
0x194: {  	_ =	swait.ge [sflag:s25], $0x1000  }
0x195: {  	[sflag:s25] =	ssyncset.done $0x0  }
0x196: {  	s9 =	simm.s32 $0x11;
	[sflag:s25] =	ssyncadd.s32 $0xFFFFF000  }
0x197: {  	_ =	swait.ge [sflag:s9], $0x1000  }
0x198: {  	[sflag:s9] =	ssyncset.done $0x0  }
0x199: {  	[sflag:s9] =	ssyncadd.s32 $0xFFFFF000  }
0x19a: {  	_ =	swait.ge [sflag:s18], $0x1000  }
0x19b: {  	[sflag:s18] =	ssyncset.done $0x0  }
0x19c: {  	s10 =	simm.s32 $0x13;
	[sflag:s18] =	ssyncadd.s32 $0xFFFFF000  }
0x19d: {  	_ =	swait.ge [sflag:s10], $0x1000  }
0x19e: {  	[sflag:s10] =	ssyncset.done $0x0  }
0x19f: {  	s11 =	simm.s32 $0x14;
	[sflag:s10] =	ssyncadd.s32 $0xFFFFF000  }
0x1a0: {  	_ =	swait.ge [sflag:s11], $0x1000  }
0x1a1: {  	[sflag:s11] =	ssyncset.done $0x0  }
0x1a2: {  	s12 =	simm.s32 $0x15;
	[sflag:s11] =	ssyncadd.s32 $0xFFFFF000  }
0x1a3: {  	_ =	swait.ge [sflag:s12], $0x1000  }
0x1a4: {  	[sflag:s12] =	ssyncset.done $0x0  }
0x1a5: {  	s13 =	simm.s32 $0x16;
	[sflag:s12] =	ssyncadd.s32 $0xFFFFF000  }
0x1a6: {  	_ =	swait.ge [sflag:s13], $0x1000  }
0x1a7: {  	[sflag:s13] =	ssyncset.done $0x0  }
0x1a8: {  	s14 =	simm.s32 $0x17;
	[sflag:s13] =	ssyncadd.s32 $0xFFFFF000  }
0x1a9: {  	_ =	swait.ge [sflag:s14], $0x1000  }
0x1aa: {  	[sflag:s14] =	ssyncset.done $0x0  }
0x1ab: {  	s15 =	simm.s32 $0x18;
	[sflag:s14] =	ssyncadd.s32 $0xFFFFF000  }
0x1ac: {  	_ =	swait.ge [sflag:s15], $0x1000  }
0x1ad: {  	[sflag:s15] =	ssyncset.done $0x0  }
0x1ae: {  	s29 =	simm.s32 $0x19;
	[sflag:s15] =	ssyncadd.s32 $0xFFFFF000  }
0x1af: {  	_ =	swait.ge [sflag:s29], $0x1000  }
0x1b0: {  	[sflag:s29] =	ssyncset.done $0x0  }
0x1b1: {  	[sflag:s29] =	ssyncadd.s32 $0xFFFFF000  }
0x1b2: {  	_ =	swait.ge [sflag:s16], $0x1000  }
0x1b3: {  	s14 =	simm.s32 @!p0 $0x80;
	[sflag:s16] =	ssyncset.done $0x0  }
0x1b4: {  	s15 =	simm.s32 @!p0 $0x2700;
	s29 =	simm.s32 @!p0 $0x4F00;
	[sflag:s16] =	ssyncadd.s32 $0xFFFFF000  }
0x1b5: {  	[tilespmem:s29], [sflag:$0x1B] =	stream.indirect.gather @!p0 [hbm4b:s4+s14], $0x20, s15, s14, $0xb8;
	[tilespmem:$0x16F00] =	vst v63  }
0x1b6: {  	s15 =	simm.s32 @!p0 $0x1B  }
0x1b7: {  	_ =	swait.ge @!p0 [sflag:s15], $0x1000  }
0x1b8: {  	[sflag:s15] =	ssyncset.done @!p0 $0x0  }
0x1b9: {  	s30 =	simm.s32 @!p0 $0x4E80;
	[sflag:s15] =	ssyncadd.s32 @!p0 $0xFFFFF000  }
0x1ba: {  	[spmem:s2] =	stream.indirect.scatter.add.f32 @!p0 [tilespmem:s29], [sflag:$0x1B], $0x20, s30, s14, $0xb8;
	[tilespmem:$0x16F00] =	vst v63  }
0x1bb: {  	_ =	swait.ge @!p0 [sflag:s15], $0x1000  }
0x1bc: {  	[sflag:s15] =	ssyncset.done @!p0 $0x0  }
0x1bd: {  	[sflag:s15] =	ssyncadd.s32 @!p0 $0xFFFFF000  }
0x1be: {  	[bflag:$0x0] =	sbarrier.arrive $0xFFFF  }
0x1bf: {  	s3 =	simm.s32 $0x1B;
	s1 =	rddreg [dreg:$0x8]  }
0x1c0: {  	[tilespmem:s17], [sflag:$0x1B] =	stream.linear.gather [spmem:s1], $0x1000, $0x38;
	[tilespmem:$0x16F00] =	vst v63  }
0x1c1: {  	_ =	swait.ge [sflag:s3], $0x1000  }
0x1c2: {  	[sflag:s3] =	ssyncset.done $0x0  }
0x1c3: {  	s14 =	simm.s32 $0x0;
	s5 =	rddreg [dreg:$0xe];
	[sflag:s3] =	ssyncadd.s32 $0xFFFFF000  }
0x1c4: {  	[hbm4b:s5+s14] =	stream.linear.scatter [tilespmem:s17], [sflag:$0x1B], $0x1000, $0x38;
	[tilespmem:$0x16F00] =	vst v63  }
0x1c5: {  	_ =	swait.ge [sflag:s3], $0x1000  }
0x1c6: {  	[sflag:s3] =	ssyncset.done $0x0  }
0x1c7: {  	s6 =	rddreg [dreg:$0xf];
	[sflag:s3] =	ssyncadd.s32 $0xFFFFF000  }
0x1c8: {  	[tilespmem:s17], [sflag:$0x1B] =	stream.linear.gather [spmem:s6], $0x1000, $0x38;
	[tilespmem:$0x16F00] =	vst v63  }
0x1c9: {  	_ =	swait.ge [sflag:s3], $0x1000  }
0x1ca: {  	[sflag:s3] =	ssyncset.done $0x0  }
0x1cb: {  	s7 =	rddreg [dreg:$0x10];
	[sflag:s3] =	ssyncadd.s32 $0xFFFFF000  }
0x1cc: {  	[hbm4b:s7+s14] =	stream.linear.scatter [tilespmem:s17], [sflag:$0x1B], $0x1000, $0x38;
	[tilespmem:$0x16F00] =	vst v63  }
0x1cd: {  	_ =	swait.ge [sflag:s3], $0x1000  }
0x1ce: {  	[sflag:s3] =	ssyncset.done $0x0  }
0x1cf: {  	s8 =	rddreg [dreg:$0x11];
	[sflag:s3] =	ssyncadd.s32 $0xFFFFF000  }
0x1d0: {  	[tilespmem:s17], [sflag:$0x1B] =	stream.linear.gather [spmem:s8], $0x1000, $0x38;
	[tilespmem:$0x16F00] =	vst v63  }
0x1d1: {  	_ =	swait.ge [sflag:s3], $0x1000  }
0x1d2: {  	[sflag:s3] =	ssyncset.done $0x0  }
0x1d3: {  	s9 =	rddreg [dreg:$0x12];
	[sflag:s3] =	ssyncadd.s32 $0xFFFFF000  }
0x1d4: {  	[hbm4b:s9+s14] =	stream.linear.scatter [tilespmem:s17], [sflag:$0x1B], $0x1000, $0x38;
	[tilespmem:$0x16F00] =	vst v63  }
0x1d5: {  	_ =	swait.ge [sflag:s3], $0x1000  }
0x1d6: {  	[sflag:s3] =	ssyncset.done $0x0  }
0x1d7: {  	s10 =	rddreg [dreg:$0x13];
	[sflag:s3] =	ssyncadd.s32 $0xFFFFF000  }
0x1d8: {  	[tilespmem:s17], [sflag:$0x1B] =	stream.linear.gather [spmem:s10], $0x1000, $0x38;
	[tilespmem:$0x16F00] =	vst v63  }
0x1d9: {  	_ =	swait.ge [sflag:s3], $0x1000  }
0x1da: {  	[sflag:s3] =	ssyncset.done $0x0  }
0x1db: {  	s11 =	rddreg [dreg:$0x14];
	[sflag:s3] =	ssyncadd.s32 $0xFFFFF000  }
0x1dc: {  	[hbm4b:s11+s14] =	stream.linear.scatter [tilespmem:s17], [sflag:$0x1B], $0x1000, $0x38;
	[tilespmem:$0x16F00] =	vst v63  }
0x1dd: {  	_ =	swait.ge [sflag:s3], $0x1000  }
0x1de: {  	[sflag:s3] =	ssyncset.done $0x0  }
0x1df: {  	s12 =	rddreg [dreg:$0x15];
	[sflag:s3] =	ssyncadd.s32 $0xFFFFF000  }
0x1e0: {  	[tilespmem:s17], [sflag:$0x1B] =	stream.linear.gather [spmem:s12], $0x1000, $0x38;
	[tilespmem:$0x16F00] =	vst v63  }
0x1e1: {  	_ =	swait.ge [sflag:s3], $0x1000  }
0x1e2: {  	[sflag:s3] =	ssyncset.done $0x0  }
0x1e3: {  	s13 =	rddreg [dreg:$0x16];
	[sflag:s3] =	ssyncadd.s32 $0xFFFFF000  }
0x1e4: {  	[hbm4b:s13+s14] =	stream.linear.scatter [tilespmem:s17], [sflag:$0x1B], $0x1000, $0x38;
	[tilespmem:$0x16F00] =	vst v63  }
0x1e5: {  	_ =	swait.ge [sflag:s3], $0x1000  }
0x1e6: {  	s16 =	rddreg [dreg:$0x17]  }
0x1e7: {  	s17 =	rddreg [dreg:$0x9];
	s0 =	sadd.s32 $0x1, s16  }
0x1e8: {  	p1 =	sne.s32 s0, s17  }
.Ltmp2:
0x1e9: {  	_ = 	snop;
	(pc) =	sbr.rel @p1 .LBB2_1-.Ltmp2, $3  }
0x1ea: {  	_ =	sdelay $0x1  }
0x1eb: {  	[sflag:s3] =	ssyncset.done $0x0  }
0x1ec: {  	s30 =	simm.s32 $0x4F00;
	[sflag:s3] =	ssyncadd.s32 $0xFFFFF000  }
0x1ed: {  	_ =	sfence.sel $0x180000  }
0x1ee: {  	[bflag:$0x0] =	sbarrier.arrive $0xFFFF  }
0x1ef: {  	_ =	strace $0x9000004A  }
0x1f0: {  	s0 =	stileid.u32;
	[bflag:$0x2] =	sbarrier.arrive $0xFFFF  }
0x1f1: {  	p0 =	sne.s32 s0, $0x0;
	s0 =	rddreg [dreg:$0x2]  }
0x1f2: {  	s0 =	sadd.s32 @!p0 $0x100000, s0  }
0x1f3: {  	[sflag:s0] =	ssyncadd.tile.s32 @!p0 $0x1;
	_ =	shalt  }
.Lfunc_end2:
_tile_overlayer_lowered:
.L_overlay_start_2:
0x1f4: {  	(tag) =	ssettag $0x2  }
0x1f5: {  	s0 =	rddreg [dreg:$0x0];
	s2 =	stileid.u32  }
0x1f6: {  	s1 =	rddreg [dreg:$0x1];
	p0 =	sne.s32 s2, $0x0  }
0x1f7: {  	s3 =	rddreg [dreg:$0x2];
	[bflag:$0x3] =	sbarrier.arrive $0xFFFF;
	s2 =	simm.s32 @!p0 $0x1C1B  }
0x1f8: {  	[timem:s3], [sflag:s2] =	dma.local @!p0 [hbm:s0], s1  }
0x1f9: {  	s0 =	simm.s32 @!p0 $0x1B  }
0x1fa: {  	_ =	swait.ge @!p0 [sflag:s0], s1  }
0x1fb: {  	s1 =	ssub.s32 @!p0 $0x0, s1;
	[sflag:s0] =	ssyncset.done @!p0 $0x0  }
0x1fc: {  	[sflag:s0] =	ssyncadd.s32 @!p0 s1  }
0x1fd: {  	[bflag:$0x3] =	sbarrier.arrive $0xFFFF  }
0x1fe: {  	_ =	shalt  }

// kernel: kernel.14.cloned.1.call-start
scs
__scs_entry_jumppad:
0x0: {  	(pc) =	sbr.rel $0x88, $3  }
0x1: {  	(tag) =	ssettag $0x0;
	lr =	simm.s32 $0x1  }
0x2: {  	[smem:$0x3F92] =	sst lr;
	_ =	strace $0xD0000000  }
0x3: {  	_ = 	snop  }
0x4: {  	_ = 	snop  }
0x5: {  	_ = 	snop  }
0x6: {  	_ = 	snop  }
0x7: {  	_ = 	snop  }
__scs_overlays_trampoline_lowered:
0x8: {  	[smem:$0x3FA1] =	sst s0  }
0x9: {  	[smem:$0x3FA2] =	sst s1  }
0xa: {  	[smem:$0x3FA3] =	sst s2  }
0xb: {  	[smem:$0x3FA4] =	sst s3  }
0xc: {  	[smem:$0x3FA5] =	sst s4  }
0xd: {  	[smem:$0x3FA6] =	sst s5  }
0xe: {  	[smem:$0x3FA7] =	sst s6  }
0xf: {  	[smem:$0x3FA8] =	sst s7  }
0x10: {  	[smem:$0x3FA9] =	sst s8  }
0x11: {  	[smem:$0x3FAA] =	sst s9;
	s0 =	simm.s32 @!p0 $0x0  }
0x12: {  	s1 =	sld [smem:$0x3F90];
	s0 =	simm.s32 @p0 $0x1  }
0x13: {  	[smem:$0x3FAB] =	sst s0;
	s0 =	simm.s32 @!p1 $0x0  }
0x14: {  	s2 =	sld [smem:$0x3F8F];
	s0 =	simm.s32 @p1 $0x1  }
0x15: {  	[smem:$0x3FAC] =	sst s0;
	s0 =	simm.s32 @!p2 $0x0  }
0x16: {  	s3 =	sld [smem:$0x3FDB];
	s0 =	simm.s32 @p2 $0x1  }
0x17: {  	s4 =	simm.s32 $0x1BF5;
	[smem:$0x3FAE] =	sst s0  }
0x18: {  	s0 =	sld [smem:$0x3F91];
	_ =	swait.ge [sflag:s4], $0x0  }
0x19: {  	s7 =	sld [smem:$0x3F92]  }
0x1a: {  	s8 =	sadd.s32 $0xFFFFE003, lr  }
0x1b: {  	s9 =	sadd.s32 $0xFFFFFEF7, lr;
	s5 =	simm.s32 $0xFFFFFFFF;
	p2 =	slt.u32 s8, $0xFFFFF086  }
0x1c: {  	p1 =	slt.u32 s9, $0xF7A;
	s5 =	simm.s32 @!p2 $0x0  }
0x1d: {  	s5 =	simm.s32 @p1 $0x1;
	p0 =	seq.s32 s7, s2  }
0x1e: {  	s7 =	smul.u32 @!p0 $0xF7A, s2;
	p2 =	seq.s32 @!p0 s5, $0x0  }
0x1f: {  	s9 =	smul.u32 $0xF7A, s1;
	s8 =	simm.s32 @!p0 $0x1BF5;
	p2 =	por !p2, p0  }
0x20: {  	[sflag:s8] =	ssyncset.s32 @!p0 $0xFFFFF086;
	s6 =	sadd.s32 @!p0 s3, s7;
	s7 =	simm.s32 @!p0 $0x108  }
0x21: {  	s3 =	sadd.s32 s3, s9;
	s6 =	sadd.s32 @!p0 $0x88, s6;
	s7 =	simm.s32 @p2 $0x1082  }
0x22: {  	[simem:s7], [sflag:s8] =	dma.local @!p0 [hbm:s6], $0xF7A  }
0x23: {  	s9 =	sor.u32 $0xD0000000, s2;
	s6 =	simm.s32 $0x108;
	_ =	swait.ge @!p0 [sflag:s8], $0x0  }
0x24: {  	s3 =	sadd.s32 $0x88, s3;
	s6 =	simm.s32 @!p1 $0x1082;
	[sflag:s4] =	ssyncset.s32 $0xFFFFF086  }
0x25: {  	[simem:s6], [sflag:s4] =	dma.local [hbm:s3], $0xF7A  }
0x26: {  	[smem:$0x3F92] =	sst s1;
	(tag) =	ssettag s2;
	_ =	strace s9  }
0x27: {  	s1 =	sld [smem:$0x3FA2]  }
0x28: {  	s2 =	sld [smem:$0x3FA3]  }
0x29: {  	s4 =	sld [smem:$0x3FA5]  }
0x2a: {  	p0 =	seq.s32 s5, $0x0;
	s5 =	sld [smem:$0x3FA6]  }
0x2b: {  	s6 =	sld [smem:$0x3FA7]  }
0x2c: {  	s7 =	sld [smem:$0x3FA8]  }
0x2d: {  	s3 =	simm.s32 $0x108;
	s8 =	sld [smem:$0x3FA9]  }
0x2e: {  	s3 =	simm.s32 @!p0 $0x1082;
	s9 =	sld [smem:$0x3FAA]  }
0x2f: {  	lr =	sadd.s32 s0, s3;
	s0 =	sld [smem:$0x3FA1]  }
0x30: {  	s3 =	sld [smem:$0x3FA4]  }
0x31: {  	[smem:$0x3FAD] =	sst s10  }
0x32: {  	s10 =	sld [smem:$0x3FAB];
	_ =	sdelay $0x3  }
0x33: {  	p0 =	seq.s32 s10, $0x1;
	s10 =	sld [smem:$0x3FAD];
	_ =	sdelay $0x3  }
0x34: {  	[smem:$0x3FAD] =	sst s10  }
0x35: {  	s10 =	sld [smem:$0x3FAC];
	_ =	sdelay $0x3  }
0x36: {  	p1 =	seq.s32 s10, $0x1;
	s10 =	sld [smem:$0x3FAD];
	_ =	sdelay $0x3  }
0x37: {  	[smem:$0x3FAD] =	sst s10  }
0x38: {  	s10 =	sld [smem:$0x3FAE]  }
0x39: {  	_ = 	snop;
	(pc) =	sbr.ind lr, $3  }
0x3a: {  	_ = 	snop  }
0x3b: {  	_ = 	snop  }
0x3c: {  	p2 =	seq.s32 s10, $0x1;
	s10 =	sld [smem:$0x3FAD]  }
0x3d: {  	_ =	shalt  }
0x3e: {  	_ =	shalt  }
0x3f: {  	_ =	shalt  }
0x40: {  	_ =	shalt  }
0x41: {  	_ =	shalt  }
0x42: {  	_ =	shalt  }
0x43: {  	_ =	shalt  }
0x44: {  	_ =	shalt  }
0x45: {  	_ =	shalt  }
0x46: {  	_ =	shalt  }
0x47: {  	_ =	shalt  }
0x48: {  	_ =	shalt  }
0x49: {  	_ =	shalt  }
0x4a: {  	_ =	shalt  }
0x4b: {  	_ =	shalt  }
0x4c: {  	_ =	shalt  }
0x4d: {  	_ =	shalt  }
0x4e: {  	_ =	shalt  }
0x4f: {  	_ =	shalt  }
0x50: {  	_ =	shalt  }
0x51: {  	_ =	shalt  }
0x52: {  	_ =	shalt  }
0x53: {  	_ =	shalt  }
0x54: {  	_ =	shalt  }
0x55: {  	_ =	shalt  }
0x56: {  	_ =	shalt  }
0x57: {  	_ =	shalt  }
0x58: {  	_ =	shalt  }
0x59: {  	_ =	shalt  }
0x5a: {  	_ =	shalt  }
0x5b: {  	_ =	shalt  }
0x5c: {  	_ =	shalt  }
0x5d: {  	_ =	shalt  }
0x5e: {  	_ =	shalt  }
0x5f: {  	_ =	shalt  }
0x60: {  	_ =	shalt  }
0x61: {  	_ =	shalt  }
0x62: {  	_ =	shalt  }
0x63: {  	_ =	shalt  }
0x64: {  	_ =	shalt  }
0x65: {  	_ =	shalt  }
0x66: {  	_ =	shalt  }
0x67: {  	_ =	shalt  }
0x68: {  	_ =	shalt  }
0x69: {  	_ =	shalt  }
0x6a: {  	_ =	shalt  }
0x6b: {  	_ =	shalt  }
0x6c: {  	_ =	shalt  }
0x6d: {  	_ =	shalt  }
0x6e: {  	_ =	shalt  }
0x6f: {  	_ =	shalt  }
0x70: {  	_ =	shalt  }
0x71: {  	_ =	shalt  }
0x72: {  	_ =	shalt  }
0x73: {  	_ =	shalt  }
0x74: {  	_ =	shalt  }
0x75: {  	_ =	shalt  }
0x76: {  	_ =	shalt  }
0x77: {  	_ =	shalt  }
0x78: {  	_ =	shalt  }
0x79: {  	_ =	shalt  }
0x7a: {  	_ =	shalt  }
0x7b: {  	_ =	shalt  }
0x7c: {  	_ =	shalt  }
0x7d: {  	_ =	shalt  }
0x7e: {  	_ =	shalt  }
0x7f: {  	_ =	shalt  }
0x80: {  	_ =	shalt  }
0x81: {  	_ =	shalt  }
0x82: {  	_ =	shalt  }
0x83: {  	_ =	shalt  }
0x84: {  	_ =	shalt  }
0x85: {  	_ =	shalt  }
0x86: {  	_ =	shalt  }
0x87: {  	_ =	shalt  }
.Lfunc_end0:
.L_simem_size_0:
called_computation.2_lowered:
.L_overlay_start_0:
0x88: {  	s2 =	sld [smem:$0x3FD9]  }
0x89: {  	s3 =	sld [smem:$0x3FFE];
	_ =	sdelay $0x1  }
0x8a: {  	s1 =	srdreg.scid  }
0x8b: {  	s0 =	sand.u32 $0x1, s1  }
0x8c: {  	s16 =	sshll.u32 s0, $0xA;
	s2 =	sadd.s32 s3, s2  }
0x8d: {  	s2 =	sadd.s32 s2, s16  }
0x8e: {  	[smem:$0x3FB9] =	sst s2  }
0x8f: {  	_ = 	snop  }
0x90: {  	(tm) =	ssettm $0x1  }
0x91: {  	s17 =	sld [smem:$0x3FFB];
	_ =	sdelay $0x3  }
0x92: {  	_ =	strace s17  }
0x93: {  	s2 =	sld [smem:$0x3FFC];
	_ =	sdelay $0x3  }
0x94: {  	_ =	strace s2  }
0x95: {  	s2 =	sld [smem:$0x3FFD];
	_ =	sdelay $0x3  }
0x96: {  	_ =	strace s2  }
0x97: {  	_ =	strace $0x8FFFFFFF  }
0x98: {  	s18 =	sld [smem:$0x3FDB];
	_ =	sdelay $0x1  }
0x99: {  	s19 =	simm.s32 $_scs_section_size  }
0x9a: {  	s4 =	simm.s32 $_size__tile_overlayer_lowered;
	s5 =	simm.s32 $_tile_overlayer_lowered  }
0x9b: {  	s22 =	simm.s32 $0x1BFF;
	s21 =	sshll.u32 s5, $0x1;
	s2 =	sadd.s32 s19, s18  }
0x9c: {  	s6 =	simm.s32 $0x0;
	s20 =	sshll.u32 s4, $0x1;
	s4 =	sadd.s32 s21, s2  }
0x9d: {  	[timem:s6], [sflag:s22] =	dma.local [hbm:s4], s20  }
0x9e: {  	_ =	swait.ge [sflag:s22], s20  }
0x9f: {  	s3 =	ssub.s32 $0x0, s20;
	[sflag:s22] =	ssyncset.done $0x0  }
0xa0: {  	[sflag:s22] =	ssyncadd.s32 s3;
	_ =	sdelay $0x1  }
0xa1: {  	s23 =	simm.s32 $0x1B8B  }
0xa2: {  	_ =	swait.ge [sflag:s23], $0x1  }
0xa3: {  	[sflag:s23] =	ssyncset.done $0x0  }
0xa4: {  	s25 =	simm.s32 $0x1B8E;
	s24 =	sld [smem:$0x3FFE];
	[sflag:s23] =	ssyncadd.s32 $0xFFFFFFFF  }
0xa5: {  	s26 =	simm.s32 $execute0_lowered;
	[smem:$0x3FD2] =	sst s25  }
0xa6: {  	s4 =	sshll.u32 s26, $0x1;
	_ =	strace $0x8000004C;
	[dreg:$0x1] =	wrdreg $0xFFFFFFFF  }
0xa7: {  	s28 =	simm.s32 $_size_execute0_lowered;
	s2 =	sadd.s32 s2, s4;
	[dreg:$0x0] =	wrdreg $0x0  }
0xa8: {  	s4 =	sshll.u32 s28, $0x1;
	[dreg:$0x2] =	wrdreg s2  }
0xa9: {  	[dreg:$0x3] =	wrdreg s4  }
0xaa: {  	[dreg:$0x4] =	wrdreg $0xC0  }
0xab: {  	_ =	task [dreg:s6], $0x5FFFF  }
0xac: {  	[dreg:$0x1] =	wrdreg $0xFFFFFFFF  }
0xad: {  	[dreg:$0x0] =	wrdreg $0x60  }
0xae: {  	[dreg:$0x2] =	wrdreg s24  }
0xaf: {  	[dreg:$0x3] =	wrdreg $0x11F000  }
0xb0: {  	[dreg:$0x4] =	wrdreg $0x9  }
0xb1: {  	_ =	task.clear_ibuf [dreg:s6], $0x5FFFF;
	_ =	strace $0x9000004C  }
0xb2: {  	s29 =	simm.s32 $0x9;
	_ =	strace $0x8000004E  }
0xb3: {  	_ =	swait.ge [sflag:s29], $0x1  }
0xb4: {  	[sflag:s29] =	ssyncadd.s32 $0xFFFFFFFF  }
0xb5: {  	_ =	strace $0x9000004E  }
0xb6: {  	_ =	sfence  }
0xb7: {  	s30 =	sld [smem:$0x0];
	_ =	sdelay $0x2  }
0xb8: {  	s31 =	sshll.u32 s1, $0xD;
	s1 =	sshrl.u32 s1, $0x2  }
0xb9: {  	s3 =	sand.u32 $0x4000, s31;
	s1 =	sadd.s32 s1, s30  }
0xba: {  	s0 =	sor.u32 s3, s0;
	s1 =	sshll.u32 s1, $0x11  }
0xbb: {  	s0 =	sor.u32 s1, s0  }
0xbc: {  	s0 =	sadd.s32 $0x8F2B, s0  }
0xbd: {  	[sflag:s0] =	ssyncadd.remote.s32 $0x1  }
0xbe: {  	_ =	sfence.sel $0xFFFF  }
0xbf: {  	[dreg:$0x0] =	wrdreg $0xFFFFFFFF;
	(pc) =	sbr.abs _section_cstart, $3  }
0xc0: {  	[dreg:$0x1] =	wrdreg $0xFFFFFFFF  }
0xc1: {  	_ =	task.clear_ibuf [dreg:s6], $0x2FFFF;
	_ =	strace $0x9FFFFFFF  }
0xc2: {  	(tm) =	ssettm $0x7FFFFFFF  }
0xc3: {  	_ =	shalt  }
tec
execute0_lowered:
.L_overlay_start_1:
0x0: {  	(tag) =	ssettag $0x1  }
0x1: {  	s0 =	rddreg [dreg:$0x0]  }
0x2: {  	s2 =	rddreg [dreg:$0x1]  }
0x3: {  	s1 =	srdreg.scid;
	s10 =	stileid.u32;
	s14 =	simm.s32 $0x0  }
0x4: {  	s30 =	simm.s32 $0x4F00;
	s31 =	simm.s32 $0x80;
	s1 =	sand.u32 $0x1, s1  }
0x5: {  	s3 =	sshll.u32 s10, $0x1;
	[smem:$0x7FF] =	sst s14;
	s9 =	smul.u32 $0x14000, s10  }
0x6: {  	s5 =	sadd.s32 $0x2C00, s0;
	s3 =	sor.u32 s1, s3;
	_ =	strace $0x8000004D  }
0x7: {  	s6 =	smul.u32 $0x2700, s3;
	s3 =	sshll.u32 s3, $0x4;
	s26 =	sshrl.u32 s9, $0x2  }
0x8: {  	s7 =	ssub.s32 $0x2, s1;
	s3 =	sadd.s32 s3, s5;
	s29 =	sadd.s32 s26, s2  }
0x9: {  	s8 =	sshrl.u32 s7, $0x1;
	s9 =	sadd.s32 $0x9C00, s3;
	[dreg:$0x5] =	wrdreg s29  }
0xa: {  	s7 =	ssub.s32 s7, s8;
	s3 =	sadd.s32 $0x13840, s3;
	[dreg:$0x6] =	wrdreg s9  }
0xb: {  	s28 =	simm.s32 $0xC;
	s12 =	smax.u32 s7, $0x1;
	[dreg:$0x7] =	wrdreg s3  }
0xc: {  	s4 =	sadd.s32 $0x16600, s0;
	s13 =	sadd.s32 $0x1000, s29;
	[dreg:$0x9] =	wrdreg s12  }
0xd: {  	s0 =	sadd.s32 $0x20600, s0;
	s15 =	sadd.s32 $0x2000, s29;
	[dreg:$0xa] =	wrdreg s13  }
0xe: {  	p0 =	sgt.u32 s10, $0x1;
	s16 =	sadd.s32 $0x3000, s29;
	[dreg:$0xb] =	wrdreg s15  }
0xf: {  	s6 =	sshrl.u32 s6, $0x3;
	s19 =	sadd.s32 $0x4000, s29;
	[dreg:$0xc] =	wrdreg s16  }
0x10: {  	s25 =	sadd.s32 s5, s6;
	s5 =	smul.u32 $0x5000, s10;
	[dreg:$0xd] =	wrdreg s19  }
0x11: {  	s1 =	smul.u32 $0x50000, s1;
	[dreg:$0x3] =	wrdreg s25;
	s8 =	sadd.s32 $0x9C40, s25  }
0x12: {  	s19 =	simm.s32 $0x7;
	[dreg:$0x4] =	wrdreg s8;
	s11 =	sadd.s32 s5, s2  }
0x13: {  	s17 =	sadd.s32 s1, s5;
	s18 =	sadd.s32 $0x1000, s5;
	s22 =	sadd.s32 $0x2000, s5  }
0x14: {  	s25 =	sadd.s32 $0x3000, s5;
	s5 =	sadd.s32 $0x4000, s5;
	[dreg:$0x8] =	wrdreg s11  }
0x15: {  	s3 =	sshrl.u32 s17, $0x3;
	s20 =	sadd.s32 s1, s18;
	s6 =	sadd.s32 s18, s2  }
0x16: {  	s23 =	sadd.s32 s1, s22;
	s24 =	sadd.s32 s22, s2;
	s26 =	sadd.s32 s1, s25  }
0x17: {  	s1 =	sadd.s32 s1, s5;
	s29 =	sadd.s32 s5, s2;
	[dreg:$0xf] =	wrdreg s6  }
0x18: {  	s22 =	simm.s32 $0x4;
	s18 =	simm.s32 $0x12;
	[dreg:$0x11] =	wrdreg s24  }
0x19: {  	s3 =	sadd.s32 s0, s3;
	s21 =	sshrl.u32 s20, $0x3;
	[dreg:$0x15] =	wrdreg s29  }
0x1a: {  	s6 =	sadd.s32 s25, s2;
	[dreg:$0xe] =	wrdreg s3;
	s3 =	sadd.s32 s0, s21  }
0x1b: {  	s1 =	sshrl.u32 s1, $0x3;
	[dreg:$0x10] =	wrdreg s3;
	s3 =	sshrl.u32 s23, $0x3  }
0x1c: {  	s20 =	simm.s32 $0x5;
	s24 =	simm.s32 $0xA;
	s3 =	sadd.s32 s0, s3  }
0x1d: {  	s25 =	simm.s32 $0x10;
	[dreg:$0x12] =	wrdreg s3;
	s3 =	sshrl.u32 s26, $0x3  }
0x1e: {  	[dreg:$0x13] =	wrdreg s6;
	s21 =	simm.s32 $0x3;
	s3 =	sadd.s32 s0, s3  }
0x1f: {  	s23 =	simm.s32 $0x9;
	s0 =	sadd.s32 s0, s1;
	[dreg:$0x14] =	wrdreg s3  }
0x20: {  	v0 =	vimm.f32 $0.0e+00;
	s26 =	simm.s32 $0x8;
	[dreg:$0x16] =	wrdreg s0;
	s0 =	simm.s32 $0x0  }
.LBB2_1:
0x21: {  	s15 =	rddreg [dreg:$0x3]  }
0x22: {  	[tilespmem:s14], [sflag:$0x1] =	stream.linear.gather [hbm4b:s15+s14], $0x2700, $0x38;
	[tilespmem:$0x16F00] =	vst v63  }
0x23: {  	s17 =	rddreg [dreg:$0x4];
	s29 =	simm.s32 $0x2780  }
0x24: {  	[tilespmem:s29], [sflag:$0x2] =	stream.linear.gather [hbm4b:s17+s14], $0x2700, $0x38;
	[tilespmem:$0x16F00] =	vst v63  }
0x25: {  	[dreg:$0x17] =	wrdreg s0;
	s15 =	simm.s32 $0x0;
	s14 =	simm.s32 $0x80  }
.LBB2_2:
0x26: {  	p1 =	sne.s32 s14, $0x3F80;
	[tilespmem:s15+$0x4F00] =	vst v0;
	s29 =	smov.u32 s14;
	s14 =	sadd.s32 $0x80, s14  }
.Ltmp0:
0x27: {  	[tilespmem:s15+$0x4F10] =	vst v0;
	(pc) =	sbr.rel @p1 .LBB2_2-.Ltmp0, $2  }
0x28: {  	_ =	sdelay $0x2  }
0x29: {  	s15 =	sshra.s32 s29, $0x2  }
0x2a: {  	[tilespmem:s15+$0x4F00] =	vst v0  }
0x2b: {  	[tilespmem:s15+$0x4F10] =	vst v0;
	s14 =	rddreg [dreg:$0x5];
	s16 =	simm.s32 $0x1B  }
0x2c: {  	[spmem:s14] =	stream.linear.scatter [tilespmem:s30], [sflag:$0x1B], $0x1000, $0x38;
	[tilespmem:$0x16F00] =	vst v63  }
0x2d: {  	_ =	swait.ge [sflag:s16], $0x1000  }
0x2e: {  	[sflag:s16] =	ssyncset.done $0x0  }
0x2f: {  	s17 =	rddreg [dreg:$0xa];
	[sflag:s16] =	ssyncadd.s32 $0xFFFFF000  }
0x30: {  	[spmem:s17] =	stream.linear.scatter [tilespmem:s30], [sflag:$0x1B], $0x1000, $0x38;
	[tilespmem:$0x16F00] =	vst v63  }
0x31: {  	_ =	swait.ge [sflag:s16], $0x1000  }
0x32: {  	[sflag:s16] =	ssyncset.done $0x0  }
0x33: {  	s29 =	rddreg [dreg:$0xb];
	[sflag:s16] =	ssyncadd.s32 $0xFFFFF000  }
0x34: {  	[spmem:s29] =	stream.linear.scatter [tilespmem:s30], [sflag:$0x1B], $0x1000, $0x38;
	[tilespmem:$0x16F00] =	vst v63  }
0x35: {  	_ =	swait.ge [sflag:s16], $0x1000  }
0x36: {  	[sflag:s16] =	ssyncset.done $0x0  }
0x37: {  	s0 =	rddreg [dreg:$0xc];
	[sflag:s16] =	ssyncadd.s32 $0xFFFFF000  }
0x38: {  	[spmem:s0] =	stream.linear.scatter [tilespmem:s30], [sflag:$0x1B], $0x1000, $0x38;
	[tilespmem:$0x16F00] =	vst v63  }
0x39: {  	_ =	swait.ge [sflag:s16], $0x1000  }
0x3a: {  	[sflag:s16] =	ssyncset.done $0x0  }
0x3b: {  	s1 =	rddreg [dreg:$0xd];
	[sflag:s16] =	ssyncadd.s32 $0xFFFFF000  }
0x3c: {  	[spmem:s1] =	stream.linear.scatter [tilespmem:s30], [sflag:$0x1B], $0x1000, $0x38;
	[tilespmem:$0x16F00] =	vst v63  }
0x3d: {  	_ =	swait.ge [sflag:s16], $0x1000  }
0x3e: {  	[sflag:s16] =	ssyncset.done $0x0  }
0x3f: {  	s12 =	simm.s32 $0x1;
	[sflag:s16] =	ssyncadd.s32 $0xFFFFF000  }
0x40: {  	_ =	swait.ge [sflag:s12], $0x2700  }
0x41: {  	[sflag:s12] =	ssyncset.done $0x0  }
0x42: {  	s9 =	simm.s32 $0x2;
	[sflag:s12] =	ssyncadd.s32 $0xFFFFD900  }
0x43: {  	_ =	swait.ge [sflag:s9], $0x2700  }
0x44: {  	s15 =	simm.s32 @!p0 $0x2700;
	[sflag:s9] =	ssyncset.done $0x0  }
0x45: {  	s14 =	simm.s32 @!p0 $0x0;
	s29 =	rddreg [dreg:$0x6];
	[sflag:s9] =	ssyncadd.s32 $0xFFFFD900  }
0x46: {  	[tilespmem:s15], [sflag:$0x1B] =	stream.linear.gather @!p0 [hbm4b:s29+s14], $0x80, $0x38;
	[tilespmem:$0x16F00] =	vst v63  }
0x47: {  	s15 =	simm.s32 @!p0 $0x1B  }
0x48: {  	_ =	swait.ge @!p0 [sflag:s15], $0x80  }
0x49: {  	[sflag:s15] =	ssyncset.done @!p0 $0x0  }
0x4a: {  	s29 =	simm.s32 @!p0 $0x4E80;
	s30 =	rddreg [dreg:$0x7];
	[sflag:s15] =	ssyncadd.s32 @!p0 $0xFFFFFF80  }
0x4b: {  	[tilespmem:s29], [sflag:$0x1B] =	stream.linear.gather @!p0 [hbm4b:s30+s14], $0x80, $0x38;
	[tilespmem:$0x16F00] =	vst v63  }
0x4c: {  	_ =	swait.ge @!p0 [sflag:s15], $0x80  }
0x4d: {  	[sflag:s15] =	ssyncset.done @!p0 $0x0  }
0x4e: {  	[sflag:s15] =	ssyncadd.s32 @!p0 $0xFFFFFF80  }
0x4f: {  	s3 =	simm.s32 $0x0;
	s0 =	simm.s32 $0x4F00;
	[bflag:$0x0] =	sbarrier.arrive $0xFFFF  }
0x50: {  	[tilespmem:s0], [sflag:$0x1] =	stream.indirect.gather [hbm4b:s4+s31], $0x20, s3, s31, $0xb8;
	[tilespmem:$0x16F00] =	vst v63  }
0x51: {  	s5 =	simm.s32 $0x80;
	s17 =	simm.s32 $0x5F00  }
0x52: {  	[tilespmem:s17], [sflag:$0x2] =	stream.indirect.gather [hbm4b:s4+s31], $0x20, s5, s31, $0xb8;
	[tilespmem:$0x16F00] =	vst v63  }
0x53: {  	s6 =	simm.s32 $0x100;
	s16 =	simm.s32 $0x6F00  }
0x54: {  	[tilespmem:s16], [sflag:$0x3] =	stream.indirect.gather [hbm4b:s4+s31], $0x20, s6, s31, $0xb8;
	[tilespmem:$0x16F00] =	vst v63  }
0x55: {  	s7 =	simm.s32 $0x180;
	s15 =	simm.s32 $0x7F00  }
0x56: {  	[tilespmem:s15], [sflag:$0x4] =	stream.indirect.gather [hbm4b:s4+s31], $0x20, s7, s31, $0xb8;
	[tilespmem:$0x16F00] =	vst v63  }
0x57: {  	s8 =	simm.s32 $0x200;
	s13 =	simm.s32 $0x8F00  }
0x58: {  	[tilespmem:s13], [sflag:$0x5] =	stream.indirect.gather [hbm4b:s4+s31], $0x20, s8, s31, $0xb8;
	[tilespmem:$0x16F00] =	vst v63  }
0x59: {  	s10 =	simm.s32 $0x280;
	s11 =	simm.s32 $0x9F00  }
0x5a: {  	[tilespmem:s11], [sflag:$0x6] =	stream.indirect.gather [hbm4b:s4+s31], $0x20, s10, s31, $0xb8;
	[tilespmem:$0x16F00] =	vst v63  }
0x5b: {  	s29 =	simm.s32 $0x300;
	s10 =	simm.s32 $0xAF00  }
0x5c: {  	[tilespmem:s10], [sflag:$0x7] =	stream.indirect.gather [hbm4b:s4+s31], $0x20, s29, s31, $0xb8;
	[tilespmem:$0x16F00] =	vst v63  }
0x5d: {  	s30 =	simm.s32 $0x380;
	s7 =	simm.s32 $0xBF00  }
0x5e: {  	[tilespmem:s7], [sflag:$0x8] =	stream.indirect.gather [hbm4b:s4+s31], $0x20, s30, s31, $0xb8;
	[tilespmem:$0x16F00] =	vst v63  }
0x5f: {  	s1 =	simm.s32 $0x400;
	s8 =	simm.s32 $0xCF00  }
0x60: {  	[tilespmem:s8], [sflag:$0x9] =	stream.indirect.gather [hbm4b:s4+s31], $0x20, s1, s31, $0xb8;
	[tilespmem:$0x16F00] =	vst v63  }
0x61: {  	s3 =	simm.s32 $0x480;
	s6 =	simm.s32 $0xDF00  }
0x62: {  	[tilespmem:s6], [sflag:$0xA] =	stream.indirect.gather [hbm4b:s4+s31], $0x20, s3, s31, $0xb8;
	[tilespmem:$0x16F00] =	vst v63  }
0x63: {  	s5 =	simm.s32 $0x500;
	s3 =	simm.s32 $0xEF00  }
0x64: {  	[tilespmem:s3], [sflag:$0xB] =	stream.indirect.gather [hbm4b:s4+s31], $0x20, s5, s31, $0xb8;
	[tilespmem:$0x16F00] =	vst v63  }
0x65: {  	s29 =	simm.s32 $0x580;
	s5 =	simm.s32 $0xFF00  }
0x66: {  	[tilespmem:s5], [sflag:$0xC] =	stream.indirect.gather [hbm4b:s4+s31], $0x20, s29, s31, $0xb8;
	[tilespmem:$0x16F00] =	vst v63  }
0x67: {  	s30 =	simm.s32 $0x600;
	s1 =	simm.s32 $0x10F00  }
0x68: {  	[tilespmem:s1], [sflag:$0xD] =	stream.indirect.gather [hbm4b:s4+s31], $0x20, s30, s31, $0xb8;
	[tilespmem:$0x16F00] =	vst v63  }
0x69: {  	_ =	swait.ge [sflag:s12], $0x1000  }
0x6a: {  	[sflag:s12] =	ssyncset.done $0x0  }
0x6b: {  	[sflag:s12] =	ssyncadd.s32 $0xFFFFF000;
	s12 =	simm.s32 $0x2780  }
0x6c: {  	[spmem:s2] =	stream.indirect.scatter.add.f32 [tilespmem:s0], [sflag:$0xE], $0x20, s12, s31, $0xb8;
	[tilespmem:$0x16F00] =	vst v63  }
0x6d: {  	_ =	swait.ge [sflag:s9], $0x1000  }
0x6e: {  	[sflag:s9] =	ssyncset.done $0x0  }
0x6f: {  	s29 =	simm.s32 $0x2800;
	[sflag:s9] =	ssyncadd.s32 $0xFFFFF000  }
0x70: {  	[spmem:s2] =	stream.indirect.scatter.add.f32 [tilespmem:s17], [sflag:$0xF], $0x20, s29, s31, $0xb8;
	[tilespmem:$0x16F00] =	vst v63  }
0x71: {  	_ =	swait.ge [sflag:s21], $0x1000  }
0x72: {  	[sflag:s21] =	ssyncset.done $0x0  }
0x73: {  	s30 =	simm.s32 $0x2880;
	[sflag:s21] =	ssyncadd.s32 $0xFFFFF000  }
0x74: {  	[spmem:s2] =	stream.indirect.scatter.add.f32 [tilespmem:s16], [sflag:$0x10], $0x20, s30, s31, $0xb8;
	[tilespmem:$0x16F00] =	vst v63  }
0x75: {  	_ =	swait.ge [sflag:s22], $0x1000  }
0x76: {  	[sflag:s22] =	ssyncset.done $0x0  }
0x77: {  	s0 =	simm.s32 $0x2900;
	[sflag:s22] =	ssyncadd.s32 $0xFFFFF000  }
0x78: {  	[spmem:s2] =	stream.indirect.scatter.add.f32 [tilespmem:s15], [sflag:$0x11], $0x20, s0, s31, $0xb8;
	[tilespmem:$0x16F00] =	vst v63  }
0x79: {  	_ =	swait.ge [sflag:s20], $0x1000  }
0x7a: {  	[sflag:s20] =	ssyncset.done $0x0  }
0x7b: {  	s12 =	simm.s32 $0x6;
	s9 =	simm.s32 $0x2980;
	[sflag:s20] =	ssyncadd.s32 $0xFFFFF000  }
0x7c: {  	[spmem:s2] =	stream.indirect.scatter.add.f32 [tilespmem:s13], [sflag:$0x12], $0x20, s9, s31, $0xb8;
	[tilespmem:$0x16F00] =	vst v63  }
0x7d: {  	_ =	swait.ge [sflag:s12], $0x1000  }
0x7e: {  	[sflag:s12] =	ssyncset.done $0x0  }
0x7f: {  	s13 =	simm.s32 $0x2A00;
	[sflag:s12] =	ssyncadd.s32 $0xFFFFF000  }
0x80: {  	[spmem:s2] =	stream.indirect.scatter.add.f32 [tilespmem:s11], [sflag:$0x13], $0x20, s13, s31, $0xb8;
	[tilespmem:$0x16F00] =	vst v63  }
0x81: {  	_ =	swait.ge [sflag:s19], $0x1000  }
0x82: {  	[sflag:s19] =	ssyncset.done $0x0  }
0x83: {  	s15 =	simm.s32 $0x2A80;
	[sflag:s19] =	ssyncadd.s32 $0xFFFFF000  }
0x84: {  	[spmem:s2] =	stream.indirect.scatter.add.f32 [tilespmem:s10], [sflag:$0x14], $0x20, s15, s31, $0xb8;
	[tilespmem:$0x16F00] =	vst v63  }
0x85: {  	_ =	swait.ge [sflag:s26], $0x1000  }
0x86: {  	[sflag:s26] =	ssyncset.done $0x0  }
0x87: {  	s16 =	simm.s32 $0x2B00;
	[sflag:s26] =	ssyncadd.s32 $0xFFFFF000  }
0x88: {  	[spmem:s2] =	stream.indirect.scatter.add.f32 [tilespmem:s7], [sflag:$0x15], $0x20, s16, s31, $0xb8;
	[tilespmem:$0x16F00] =	vst v63  }
0x89: {  	_ =	swait.ge [sflag:s23], $0x1000  }
0x8a: {  	[sflag:s23] =	ssyncset.done $0x0  }
0x8b: {  	s17 =	simm.s32 $0x2B80;
	[sflag:s23] =	ssyncadd.s32 $0xFFFFF000  }
0x8c: {  	[spmem:s2] =	stream.indirect.scatter.add.f32 [tilespmem:s8], [sflag:$0x16], $0x20, s17, s31, $0xb8;
	[tilespmem:$0x16F00] =	vst v63  }
0x8d: {  	_ =	swait.ge [sflag:s24], $0x1000  }
0x8e: {  	[sflag:s24] =	ssyncset.done $0x0  }
0x8f: {  	s29 =	simm.s32 $0x2C00;
	s30 =	simm.s32 $0xB;
	[sflag:s24] =	ssyncadd.s32 $0xFFFFF000  }
0x90: {  	[spmem:s2] =	stream.indirect.scatter.add.f32 [tilespmem:s6], [sflag:$0x17], $0x20, s29, s31, $0xb8;
	[tilespmem:$0x16F00] =	vst v63  }
0x91: {  	_ =	swait.ge [sflag:s30], $0x1000  }
0x92: {  	[sflag:s30] =	ssyncset.done $0x0  }
0x93: {  	s0 =	simm.s32 $0x2C80;
	[sflag:s30] =	ssyncadd.s32 $0xFFFFF000  }
0x94: {  	[spmem:s2] =	stream.indirect.scatter.add.f32 [tilespmem:s3], [sflag:$0x18], $0x20, s0, s31, $0xb8;
	[tilespmem:$0x16F00] =	vst v63  }
0x95: {  	_ =	swait.ge [sflag:s28], $0x1000  }
0x96: {  	[sflag:s28] =	ssyncset.done $0x0  }
0x97: {  	s7 =	simm.s32 $0xD;
	s6 =	simm.s32 $0x2D00;
	[sflag:s28] =	ssyncadd.s32 $0xFFFFF000  }
0x98: {  	[spmem:s2] =	stream.indirect.scatter.add.f32 [tilespmem:s5], [sflag:$0x19], $0x20, s6, s31, $0xb8;
	[tilespmem:$0x16F00] =	vst v63  }
0x99: {  	_ =	swait.ge [sflag:s7], $0x1000  }
0x9a: {  	[sflag:s7] =	ssyncset.done $0x0  }
0x9b: {  	s9 =	simm.s32 $0xE;
	s8 =	simm.s32 $0x2D80;
	[sflag:s7] =	ssyncadd.s32 $0xFFFFF000  }
0x9c: {  	[spmem:s2] =	stream.indirect.scatter.add.f32 [tilespmem:s1], [sflag:$0x1A], $0x20, s8, s31, $0xb8;
	[tilespmem:$0x16F00] =	vst v63  }
0x9d: {  	_ =	swait.ge [sflag:s9], $0x1000  }
0x9e: {  	[sflag:s9] =	ssyncset.done $0x0  }
0x9f: {  	s10 =	simm.s32 $0xF;
	[sflag:s9] =	ssyncadd.s32 $0xFFFFF000  }
0xa0: {  	_ =	swait.ge [sflag:s10], $0x1000  }
0xa1: {  	[sflag:s10] =	ssyncset.done $0x0  }
0xa2: {  	[sflag:s10] =	ssyncadd.s32 $0xFFFFF000  }
0xa3: {  	_ =	swait.ge [sflag:s25], $0x1000  }
0xa4: {  	[sflag:s25] =	ssyncset.done $0x0  }
0xa5: {  	s11 =	simm.s32 $0x11;
	[sflag:s25] =	ssyncadd.s32 $0xFFFFF000  }
0xa6: {  	_ =	swait.ge [sflag:s11], $0x1000  }
0xa7: {  	[sflag:s11] =	ssyncset.done $0x0  }
0xa8: {  	[sflag:s11] =	ssyncadd.s32 $0xFFFFF000  }
0xa9: {  	_ =	swait.ge [sflag:s18], $0x1000  }
0xaa: {  	[sflag:s18] =	ssyncset.done $0x0  }
0xab: {  	s12 =	simm.s32 $0x13;
	[sflag:s18] =	ssyncadd.s32 $0xFFFFF000  }
0xac: {  	_ =	swait.ge [sflag:s12], $0x1000  }
0xad: {  	[sflag:s12] =	ssyncset.done $0x0  }
0xae: {  	s13 =	simm.s32 $0x14;
	[sflag:s12] =	ssyncadd.s32 $0xFFFFF000  }
0xaf: {  	_ =	swait.ge [sflag:s13], $0x1000  }
0xb0: {  	[sflag:s13] =	ssyncset.done $0x0  }
0xb1: {  	s14 =	simm.s32 $0x15;
	[sflag:s13] =	ssyncadd.s32 $0xFFFFF000  }
0xb2: {  	_ =	swait.ge [sflag:s14], $0x1000  }
0xb3: {  	[sflag:s14] =	ssyncset.done $0x0  }
0xb4: {  	s15 =	simm.s32 $0x16;
	[sflag:s14] =	ssyncadd.s32 $0xFFFFF000  }
0xb5: {  	_ =	swait.ge [sflag:s15], $0x1000  }
0xb6: {  	[sflag:s15] =	ssyncset.done $0x0  }
0xb7: {  	s16 =	simm.s32 $0x17;
	[sflag:s15] =	ssyncadd.s32 $0xFFFFF000  }
0xb8: {  	_ =	swait.ge [sflag:s16], $0x1000  }
0xb9: {  	[sflag:s16] =	ssyncset.done $0x0  }
0xba: {  	s17 =	simm.s32 $0x18;
	[sflag:s16] =	ssyncadd.s32 $0xFFFFF000  }
0xbb: {  	_ =	swait.ge [sflag:s17], $0x1000  }
0xbc: {  	[sflag:s17] =	ssyncset.done $0x0  }
0xbd: {  	s29 =	simm.s32 $0x19;
	[sflag:s17] =	ssyncadd.s32 $0xFFFFF000  }
0xbe: {  	_ =	swait.ge [sflag:s29], $0x1000  }
0xbf: {  	[sflag:s29] =	ssyncset.done $0x0  }
0xc0: {  	s30 =	simm.s32 $0x1A;
	[sflag:s29] =	ssyncadd.s32 $0xFFFFF000  }
0xc1: {  	_ =	swait.ge [sflag:s30], $0x1000  }
0xc2: {  	s14 =	simm.s32 $0x1A00;
	s15 =	simm.s32 $0x3400;
	[sflag:s30] =	ssyncset.done $0x0  }
.LBB2_4:
0xc3: {  	s29 =	sshra.s32 s14, $0x2;
	s17 =	simm.s32 $0x1A;
	s14 =	smov.u32 s15  }
0xc4: {  	s30 =	sadd.s32 $0x1A00, s15;
	s16 =	simm.s32 $0x4F00;
	[sflag:s17] =	ssyncadd.s32 $0xFFFFF000  }
0xc5: {  	[tilespmem:s16], [sflag:$0x1] =	stream.indirect.gather [hbm4b:s4+s31], $0x20, s29, s31, $0xb8;
	[tilespmem:$0x16F00] =	vst v63  }
0xc6: {  	p1 =	sne.s32 s15, $0x8200;
	s13 =	simm.s32 $0x5F00;
	s15 =	sadd.s32 $0x80, s29  }
0xc7: {  	[tilespmem:s13], [sflag:$0x2] =	stream.indirect.gather [hbm4b:s4+s31], $0x20, s15, s31, $0xb8;
	[tilespmem:$0x16F00] =	vst v63  }
0xc8: {  	s12 =	simm.s32 $0x6F00;
	s15 =	sadd.s32 $0x100, s29  }
0xc9: {  	[tilespmem:s12], [sflag:$0x3] =	stream.indirect.gather [hbm4b:s4+s31], $0x20, s15, s31, $0xb8;
	[tilespmem:$0x16F00] =	vst v63  }
0xca: {  	s11 =	simm.s32 $0x7F00;
	s15 =	sadd.s32 $0x180, s29  }
0xcb: {  	[tilespmem:s11], [sflag:$0x4] =	stream.indirect.gather [hbm4b:s4+s31], $0x20, s15, s31, $0xb8;
	[tilespmem:$0x16F00] =	vst v63  }
0xcc: {  	s10 =	simm.s32 $0x8F00;
	s15 =	sadd.s32 $0x200, s29  }
0xcd: {  	[tilespmem:s10], [sflag:$0x5] =	stream.indirect.gather [hbm4b:s4+s31], $0x20, s15, s31, $0xb8;
	[tilespmem:$0x16F00] =	vst v63  }
0xce: {  	s9 =	simm.s32 $0x9F00;
	s15 =	sadd.s32 $0x280, s29  }
0xcf: {  	[tilespmem:s9], [sflag:$0x6] =	stream.indirect.gather [hbm4b:s4+s31], $0x20, s15, s31, $0xb8;
	[tilespmem:$0x16F00] =	vst v63  }
0xd0: {  	s8 =	simm.s32 $0xAF00;
	s15 =	sadd.s32 $0x300, s29  }
0xd1: {  	[tilespmem:s8], [sflag:$0x7] =	stream.indirect.gather [hbm4b:s4+s31], $0x20, s15, s31, $0xb8;
	[tilespmem:$0x16F00] =	vst v63  }
0xd2: {  	s7 =	simm.s32 $0xBF00;
	s15 =	sadd.s32 $0x380, s29  }
0xd3: {  	[tilespmem:s7], [sflag:$0x8] =	stream.indirect.gather [hbm4b:s4+s31], $0x20, s15, s31, $0xb8;
	[tilespmem:$0x16F00] =	vst v63  }
0xd4: {  	s6 =	simm.s32 $0xCF00;
	s15 =	sadd.s32 $0x400, s29  }
0xd5: {  	[tilespmem:s6], [sflag:$0x9] =	stream.indirect.gather [hbm4b:s4+s31], $0x20, s15, s31, $0xb8;
	[tilespmem:$0x16F00] =	vst v63  }
0xd6: {  	s5 =	simm.s32 $0xDF00;
	s15 =	sadd.s32 $0x480, s29  }
0xd7: {  	[tilespmem:s5], [sflag:$0xA] =	stream.indirect.gather [hbm4b:s4+s31], $0x20, s15, s31, $0xb8;
	[tilespmem:$0x16F00] =	vst v63  }
0xd8: {  	s3 =	simm.s32 $0xEF00;
	s15 =	sadd.s32 $0x500, s29  }
0xd9: {  	[tilespmem:s3], [sflag:$0xB] =	stream.indirect.gather [hbm4b:s4+s31], $0x20, s15, s31, $0xb8;
	[tilespmem:$0x16F00] =	vst v63  }
0xda: {  	s1 =	simm.s32 $0xFF00;
	s15 =	sadd.s32 $0x580, s29  }
0xdb: {  	[tilespmem:s1], [sflag:$0xC] =	stream.indirect.gather [hbm4b:s4+s31], $0x20, s15, s31, $0xb8;
	[tilespmem:$0x16F00] =	vst v63  }
0xdc: {  	s0 =	simm.s32 $0x10F00;
	s15 =	sadd.s32 $0x600, s29  }
0xdd: {  	[tilespmem:s0], [sflag:$0xD] =	stream.indirect.gather [hbm4b:s4+s31], $0x20, s15, s31, $0xb8;
	[tilespmem:$0x16F00] =	vst v63  }
0xde: {  	s15 =	simm.s32 $0x1  }
0xdf: {  	_ =	swait.ge [sflag:s15], $0x1000  }
0xe0: {  	[sflag:s15] =	ssyncset.done $0x0  }
0xe1: {  	[sflag:s15] =	ssyncadd.s32 $0xFFFFF000;
	s15 =	sadd.s32 $0x2780, s29  }
0xe2: {  	[spmem:s2] =	stream.indirect.scatter.add.f32 [tilespmem:s16], [sflag:$0xE], $0x20, s15, s31, $0xb8;
	[tilespmem:$0x16F00] =	vst v63  }
0xe3: {  	s15 =	simm.s32 $0x2  }
0xe4: {  	_ =	swait.ge [sflag:s15], $0x1000  }
0xe5: {  	[sflag:s15] =	ssyncset.done $0x0  }
0xe6: {  	[sflag:s15] =	ssyncadd.s32 $0xFFFFF000;
	s15 =	sadd.s32 $0x2800, s29  }
0xe7: {  	[spmem:s2] =	stream.indirect.scatter.add.f32 [tilespmem:s13], [sflag:$0xF], $0x20, s15, s31, $0xb8;
	[tilespmem:$0x16F00] =	vst v63  }
0xe8: {  	_ =	swait.ge [sflag:s21], $0x1000  }
0xe9: {  	[sflag:s21] =	ssyncset.done $0x0  }
0xea: {  	s15 =	sadd.s32 $0x2880, s29;
	[sflag:s21] =	ssyncadd.s32 $0xFFFFF000  }
0xeb: {  	[spmem:s2] =	stream.indirect.scatter.add.f32 [tilespmem:s12], [sflag:$0x10], $0x20, s15, s31, $0xb8;
	[tilespmem:$0x16F00] =	vst v63  }
0xec: {  	_ =	swait.ge [sflag:s22], $0x1000  }
0xed: {  	[sflag:s22] =	ssyncset.done $0x0  }
0xee: {  	s15 =	sadd.s32 $0x2900, s29;
	[sflag:s22] =	ssyncadd.s32 $0xFFFFF000  }
0xef: {  	[spmem:s2] =	stream.indirect.scatter.add.f32 [tilespmem:s11], [sflag:$0x11], $0x20, s15, s31, $0xb8;
	[tilespmem:$0x16F00] =	vst v63  }
0xf0: {  	_ =	swait.ge [sflag:s20], $0x1000  }
0xf1: {  	[sflag:s20] =	ssyncset.done $0x0  }
0xf2: {  	s15 =	sadd.s32 $0x2980, s29;
	[sflag:s20] =	ssyncadd.s32 $0xFFFFF000  }
0xf3: {  	[spmem:s2] =	stream.indirect.scatter.add.f32 [tilespmem:s10], [sflag:$0x12], $0x20, s15, s31, $0xb8;
	[tilespmem:$0x16F00] =	vst v63  }
0xf4: {  	s10 =	simm.s32 $0x6  }
0xf5: {  	_ =	swait.ge [sflag:s10], $0x1000  }
0xf6: {  	[sflag:s10] =	ssyncset.done $0x0  }
0xf7: {  	s15 =	sadd.s32 $0x2A00, s29;
	[sflag:s10] =	ssyncadd.s32 $0xFFFFF000  }
0xf8: {  	[spmem:s2] =	stream.indirect.scatter.add.f32 [tilespmem:s9], [sflag:$0x13], $0x20, s15, s31, $0xb8;
	[tilespmem:$0x16F00] =	vst v63  }
0xf9: {  	_ =	swait.ge [sflag:s19], $0x1000  }
0xfa: {  	[sflag:s19] =	ssyncset.done $0x0  }
0xfb: {  	s15 =	sadd.s32 $0x2A80, s29;
	[sflag:s19] =	ssyncadd.s32 $0xFFFFF000  }
0xfc: {  	[spmem:s2] =	stream.indirect.scatter.add.f32 [tilespmem:s8], [sflag:$0x14], $0x20, s15, s31, $0xb8;
	[tilespmem:$0x16F00] =	vst v63  }
0xfd: {  	_ =	swait.ge [sflag:s26], $0x1000  }
0xfe: {  	[sflag:s26] =	ssyncset.done $0x0  }
0xff: {  	s15 =	sadd.s32 $0x2B00, s29;
	[sflag:s26] =	ssyncadd.s32 $0xFFFFF000  }
0x100: {  	[spmem:s2] =	stream.indirect.scatter.add.f32 [tilespmem:s7], [sflag:$0x15], $0x20, s15, s31, $0xb8;
	[tilespmem:$0x16F00] =	vst v63  }
0x101: {  	_ =	swait.ge [sflag:s23], $0x1000  }
0x102: {  	[sflag:s23] =	ssyncset.done $0x0  }
0x103: {  	s15 =	sadd.s32 $0x2B80, s29;
	[sflag:s23] =	ssyncadd.s32 $0xFFFFF000  }
0x104: {  	[spmem:s2] =	stream.indirect.scatter.add.f32 [tilespmem:s6], [sflag:$0x16], $0x20, s15, s31, $0xb8;
	[tilespmem:$0x16F00] =	vst v63  }
0x105: {  	_ =	swait.ge [sflag:s24], $0x1000  }
0x106: {  	[sflag:s24] =	ssyncset.done $0x0  }
0x107: {  	s15 =	sadd.s32 $0x2C00, s29;
	[sflag:s24] =	ssyncadd.s32 $0xFFFFF000  }
0x108: {  	[spmem:s2] =	stream.indirect.scatter.add.f32 [tilespmem:s5], [sflag:$0x17], $0x20, s15, s31, $0xb8;
	[tilespmem:$0x16F00] =	vst v63  }
0x109: {  	s5 =	simm.s32 $0xB  }
0x10a: {  	_ =	swait.ge [sflag:s5], $0x1000  }
0x10b: {  	[sflag:s5] =	ssyncset.done $0x0  }
0x10c: {  	s15 =	sadd.s32 $0x2C80, s29;
	[sflag:s5] =	ssyncadd.s32 $0xFFFFF000  }
0x10d: {  	[spmem:s2] =	stream.indirect.scatter.add.f32 [tilespmem:s3], [sflag:$0x18], $0x20, s15, s31, $0xb8;
	[tilespmem:$0x16F00] =	vst v63  }
0x10e: {  	_ =	swait.ge [sflag:s28], $0x1000  }
0x10f: {  	[sflag:s28] =	ssyncset.done $0x0  }
0x110: {  	s15 =	sadd.s32 $0x2D00, s29;
	[sflag:s28] =	ssyncadd.s32 $0xFFFFF000  }
0x111: {  	[spmem:s2] =	stream.indirect.scatter.add.f32 [tilespmem:s1], [sflag:$0x19], $0x20, s15, s31, $0xb8;
	[tilespmem:$0x16F00] =	vst v63  }
0x112: {  	s1 =	simm.s32 $0xD  }
0x113: {  	_ =	swait.ge [sflag:s1], $0x1000  }
0x114: {  	[sflag:s1] =	ssyncset.done $0x0  }
0x115: {  	s15 =	sadd.s32 $0x2D80, s29;
	s29 =	simm.s32 $0xE;
	[sflag:s1] =	ssyncadd.s32 $0xFFFFF000  }
0x116: {  	[spmem:s2] =	stream.indirect.scatter.add.f32 [tilespmem:s0], [sflag:$0x1A], $0x20, s15, s31, $0xb8;
	[tilespmem:$0x16F00] =	vst v63  }
0x117: {  	_ =	swait.ge [sflag:s29], $0x1000  }
0x118: {  	[sflag:s29] =	ssyncset.done $0x0  }
0x119: {  	s0 =	simm.s32 $0xF;
	[sflag:s29] =	ssyncadd.s32 $0xFFFFF000  }
0x11a: {  	_ =	swait.ge [sflag:s0], $0x1000  }
0x11b: {  	[sflag:s0] =	ssyncset.done $0x0  }
0x11c: {  	[sflag:s0] =	ssyncadd.s32 $0xFFFFF000  }
0x11d: {  	_ =	swait.ge [sflag:s25], $0x1000  }
0x11e: {  	[sflag:s25] =	ssyncset.done $0x0  }
0x11f: {  	s0 =	simm.s32 $0x11;
	[sflag:s25] =	ssyncadd.s32 $0xFFFFF000  }
0x120: {  	_ =	swait.ge [sflag:s0], $0x1000  }
0x121: {  	[sflag:s0] =	ssyncset.done $0x0  }
0x122: {  	[sflag:s0] =	ssyncadd.s32 $0xFFFFF000  }
0x123: {  	_ =	swait.ge [sflag:s18], $0x1000  }
0x124: {  	[sflag:s18] =	ssyncset.done $0x0  }
0x125: {  	s0 =	simm.s32 $0x13;
	[sflag:s18] =	ssyncadd.s32 $0xFFFFF000  }
0x126: {  	_ =	swait.ge [sflag:s0], $0x1000  }
0x127: {  	[sflag:s0] =	ssyncset.done $0x0  }
0x128: {  	[sflag:s0] =	ssyncadd.s32 $0xFFFFF000;
	s0 =	simm.s32 $0x14  }
0x129: {  	_ =	swait.ge [sflag:s0], $0x1000  }
0x12a: {  	[sflag:s0] =	ssyncset.done $0x0  }
0x12b: {  	[sflag:s0] =	ssyncadd.s32 $0xFFFFF000;
	s0 =	simm.s32 $0x15  }
0x12c: {  	_ =	swait.ge [sflag:s0], $0x1000  }
0x12d: {  	[sflag:s0] =	ssyncset.done $0x0  }
0x12e: {  	[sflag:s0] =	ssyncadd.s32 $0xFFFFF000;
	s0 =	simm.s32 $0x16  }
0x12f: {  	_ =	swait.ge [sflag:s0], $0x1000  }
0x130: {  	[sflag:s0] =	ssyncset.done $0x0  }
0x131: {  	[sflag:s0] =	ssyncadd.s32 $0xFFFFF000;
	s0 =	simm.s32 $0x17  }
0x132: {  	_ =	swait.ge [sflag:s0], $0x1000  }
0x133: {  	[sflag:s0] =	ssyncset.done $0x0  }
0x134: {  	[sflag:s0] =	ssyncadd.s32 $0xFFFFF000;
	s0 =	simm.s32 $0x18  }
0x135: {  	_ =	swait.ge [sflag:s0], $0x1000  }
0x136: {  	[sflag:s0] =	ssyncset.done $0x0  }
0x137: {  	[sflag:s0] =	ssyncadd.s32 $0xFFFFF000;
	s0 =	simm.s32 $0x19  }
.Ltmp1:
0x138: {  	_ =	swait.ge [sflag:s0], $0x1000;
	(pc) =	sbr.rel @p1 .LBB2_4-.Ltmp1, $4  }
0x139: {  	[sflag:s0] =	ssyncset.done $0x0  }
0x13a: {  	[sflag:s0] =	ssyncadd.s32 $0xFFFFF000  }
0x13b: {  	_ =	swait.ge [sflag:s17], $0x1000  }
0x13c: {  	s15 =	smov.u32 s30;
	[sflag:s17] =	ssyncset.done $0x0  }
0x13d: {  	s16 =	simm.s32 $0x1A  }
0x13e: {  	s14 =	sshra.s32 s14, $0x2;
	s17 =	simm.s32 $0x4F00;
	[sflag:s16] =	ssyncadd.s32 $0xFFFFF000  }
0x13f: {  	[tilespmem:s17], [sflag:$0x1] =	stream.indirect.gather [hbm4b:s4+s31], $0x20, s14, s31, $0xb8;
	[tilespmem:$0x16F00] =	vst v63  }
0x140: {  	s13 =	simm.s32 $0x5F00;
	s15 =	sadd.s32 $0x80, s14  }
0x141: {  	[tilespmem:s13], [sflag:$0x2] =	stream.indirect.gather [hbm4b:s4+s31], $0x20, s15, s31, $0xb8;
	[tilespmem:$0x16F00] =	vst v63  }
0x142: {  	s12 =	simm.s32 $0x6F00;
	s7 =	sadd.s32 $0x100, s14  }
0x143: {  	[tilespmem:s12], [sflag:$0x3] =	stream.indirect.gather [hbm4b:s4+s31], $0x20, s7, s31, $0xb8;
	[tilespmem:$0x16F00] =	vst v63  }
0x144: {  	s11 =	simm.s32 $0x7F00;
	s8 =	sadd.s32 $0x180, s14  }
0x145: {  	[tilespmem:s11], [sflag:$0x4] =	stream.indirect.gather [hbm4b:s4+s31], $0x20, s8, s31, $0xb8;
	[tilespmem:$0x16F00] =	vst v63  }
0x146: {  	s10 =	simm.s32 $0x8F00;
	s9 =	sadd.s32 $0x200, s14  }
0x147: {  	[tilespmem:s10], [sflag:$0x5] =	stream.indirect.gather [hbm4b:s4+s31], $0x20, s9, s31, $0xb8;
	[tilespmem:$0x16F00] =	vst v63  }
0x148: {  	s0 =	sadd.s32 $0x280, s14;
	s9 =	simm.s32 $0x9F00  }
0x149: {  	[tilespmem:s9], [sflag:$0x6] =	stream.indirect.gather [hbm4b:s4+s31], $0x20, s0, s31, $0xb8;
	[tilespmem:$0x16F00] =	vst v63  }
0x14a: {  	s1 =	sadd.s32 $0x300, s14;
	s8 =	simm.s32 $0xAF00  }
0x14b: {  	[tilespmem:s8], [sflag:$0x7] =	stream.indirect.gather [hbm4b:s4+s31], $0x20, s1, s31, $0xb8;
	[tilespmem:$0x16F00] =	vst v63  }
0x14c: {  	s3 =	sadd.s32 $0x380, s14;
	s7 =	simm.s32 $0xBF00  }
0x14d: {  	[tilespmem:s7], [sflag:$0x8] =	stream.indirect.gather [hbm4b:s4+s31], $0x20, s3, s31, $0xb8;
	[tilespmem:$0x16F00] =	vst v63  }
0x14e: {  	s6 =	simm.s32 $0xCF00;
	s5 =	sadd.s32 $0x400, s14  }
0x14f: {  	[tilespmem:s6], [sflag:$0x9] =	stream.indirect.gather [hbm4b:s4+s31], $0x20, s5, s31, $0xb8;
	[tilespmem:$0x16F00] =	vst v63  }
0x150: {  	s0 =	sadd.s32 $0x480, s14;
	s5 =	simm.s32 $0xDF00  }
0x151: {  	[tilespmem:s5], [sflag:$0xA] =	stream.indirect.gather [hbm4b:s4+s31], $0x20, s0, s31, $0xb8;
	[tilespmem:$0x16F00] =	vst v63  }
0x152: {  	s1 =	sadd.s32 $0x500, s14;
	s3 =	simm.s32 $0xEF00  }
0x153: {  	[tilespmem:s3], [sflag:$0xB] =	stream.indirect.gather [hbm4b:s4+s31], $0x20, s1, s31, $0xb8;
	[tilespmem:$0x16F00] =	vst v63  }
0x154: {  	s0 =	sadd.s32 $0x580, s14;
	s1 =	simm.s32 $0xFF00  }
0x155: {  	[tilespmem:s1], [sflag:$0xC] =	stream.indirect.gather [hbm4b:s4+s31], $0x20, s0, s31, $0xb8;
	[tilespmem:$0x16F00] =	vst v63  }
0x156: {  	s15 =	sadd.s32 $0x600, s14;
	s0 =	simm.s32 $0x10F00  }
0x157: {  	[tilespmem:s0], [sflag:$0xD] =	stream.indirect.gather [hbm4b:s4+s31], $0x20, s15, s31, $0xb8;
	[tilespmem:$0x16F00] =	vst v63  }
0x158: {  	s15 =	simm.s32 $0x1  }
0x159: {  	_ =	swait.ge [sflag:s15], $0x1000  }
0x15a: {  	[sflag:s15] =	ssyncset.done $0x0  }
0x15b: {  	[sflag:s15] =	ssyncadd.s32 $0xFFFFF000;
	s15 =	sadd.s32 $0x2780, s14  }
0x15c: {  	[spmem:s2] =	stream.indirect.scatter.add.f32 [tilespmem:s17], [sflag:$0xE], $0x20, s15, s31, $0xb8;
	[tilespmem:$0x16F00] =	vst v63  }
0x15d: {  	s15 =	simm.s32 $0x2  }
0x15e: {  	_ =	swait.ge [sflag:s15], $0x1000  }
0x15f: {  	[sflag:s15] =	ssyncset.done $0x0  }
0x160: {  	[sflag:s15] =	ssyncadd.s32 $0xFFFFF000;
	s15 =	sadd.s32 $0x2800, s14  }
0x161: {  	[spmem:s2] =	stream.indirect.scatter.add.f32 [tilespmem:s13], [sflag:$0xF], $0x20, s15, s31, $0xb8;
	[tilespmem:$0x16F00] =	vst v63  }
0x162: {  	_ =	swait.ge [sflag:s21], $0x1000  }
0x163: {  	[sflag:s21] =	ssyncset.done $0x0  }
0x164: {  	s13 =	sadd.s32 $0x2880, s14;
	[sflag:s21] =	ssyncadd.s32 $0xFFFFF000  }
0x165: {  	[spmem:s2] =	stream.indirect.scatter.add.f32 [tilespmem:s12], [sflag:$0x10], $0x20, s13, s31, $0xb8;
	[tilespmem:$0x16F00] =	vst v63  }
0x166: {  	_ =	swait.ge [sflag:s22], $0x1000  }
0x167: {  	[sflag:s22] =	ssyncset.done $0x0  }
0x168: {  	s13 =	sadd.s32 $0x2900, s14;
	[sflag:s22] =	ssyncadd.s32 $0xFFFFF000  }
0x169: {  	[spmem:s2] =	stream.indirect.scatter.add.f32 [tilespmem:s11], [sflag:$0x11], $0x20, s13, s31, $0xb8;
	[tilespmem:$0x16F00] =	vst v63  }
0x16a: {  	_ =	swait.ge [sflag:s20], $0x1000  }
0x16b: {  	[sflag:s20] =	ssyncset.done $0x0  }
0x16c: {  	s12 =	simm.s32 $0x6;
	s11 =	sadd.s32 $0x2980, s14;
	[sflag:s20] =	ssyncadd.s32 $0xFFFFF000  }
0x16d: {  	[spmem:s2] =	stream.indirect.scatter.add.f32 [tilespmem:s10], [sflag:$0x12], $0x20, s11, s31, $0xb8;
	[tilespmem:$0x16F00] =	vst v63  }
0x16e: {  	_ =	swait.ge [sflag:s12], $0x1000  }
0x16f: {  	[sflag:s12] =	ssyncset.done $0x0  }
0x170: {  	s13 =	sadd.s32 $0x2A00, s14;
	[sflag:s12] =	ssyncadd.s32 $0xFFFFF000  }
0x171: {  	[spmem:s2] =	stream.indirect.scatter.add.f32 [tilespmem:s9], [sflag:$0x13], $0x20, s13, s31, $0xb8;
	[tilespmem:$0x16F00] =	vst v63  }
0x172: {  	_ =	swait.ge [sflag:s19], $0x1000  }
0x173: {  	[sflag:s19] =	ssyncset.done $0x0  }
0x174: {  	s10 =	sadd.s32 $0x2A80, s14;
	[sflag:s19] =	ssyncadd.s32 $0xFFFFF000  }
0x175: {  	[spmem:s2] =	stream.indirect.scatter.add.f32 [tilespmem:s8], [sflag:$0x14], $0x20, s10, s31, $0xb8;
	[tilespmem:$0x16F00] =	vst v63  }
0x176: {  	_ =	swait.ge [sflag:s26], $0x1000  }
0x177: {  	[sflag:s26] =	ssyncset.done $0x0  }
0x178: {  	s11 =	sadd.s32 $0x2B00, s14;
	[sflag:s26] =	ssyncadd.s32 $0xFFFFF000  }
0x179: {  	[spmem:s2] =	stream.indirect.scatter.add.f32 [tilespmem:s7], [sflag:$0x15], $0x20, s11, s31, $0xb8;
	[tilespmem:$0x16F00] =	vst v63  }
0x17a: {  	_ =	swait.ge [sflag:s23], $0x1000  }
0x17b: {  	[sflag:s23] =	ssyncset.done $0x0  }
0x17c: {  	s12 =	sadd.s32 $0x2B80, s14;
	[sflag:s23] =	ssyncadd.s32 $0xFFFFF000  }
0x17d: {  	[spmem:s2] =	stream.indirect.scatter.add.f32 [tilespmem:s6], [sflag:$0x16], $0x20, s12, s31, $0xb8;
	[tilespmem:$0x16F00] =	vst v63  }
0x17e: {  	_ =	swait.ge [sflag:s24], $0x1000  }
0x17f: {  	[sflag:s24] =	ssyncset.done $0x0  }
0x180: {  	s15 =	simm.s32 $0xB;
	s13 =	sadd.s32 $0x2C00, s14;
	[sflag:s24] =	ssyncadd.s32 $0xFFFFF000  }
0x181: {  	[spmem:s2] =	stream.indirect.scatter.add.f32 [tilespmem:s5], [sflag:$0x17], $0x20, s13, s31, $0xb8;
	[tilespmem:$0x16F00] =	vst v63  }
0x182: {  	_ =	swait.ge [sflag:s15], $0x1000  }
0x183: {  	[sflag:s15] =	ssyncset.done $0x0  }
0x184: {  	s5 =	sadd.s32 $0x2C80, s14;
	[sflag:s15] =	ssyncadd.s32 $0xFFFFF000  }
0x185: {  	[spmem:s2] =	stream.indirect.scatter.add.f32 [tilespmem:s3], [sflag:$0x18], $0x20, s5, s31, $0xb8;
	[tilespmem:$0x16F00] =	vst v63  }
0x186: {  	_ =	swait.ge [sflag:s28], $0x1000  }
0x187: {  	[sflag:s28] =	ssyncset.done $0x0  }
0x188: {  	s7 =	simm.s32 $0xD;
	s6 =	sadd.s32 $0x2D00, s14;
	[sflag:s28] =	ssyncadd.s32 $0xFFFFF000  }
0x189: {  	[spmem:s2] =	stream.indirect.scatter.add.f32 [tilespmem:s1], [sflag:$0x19], $0x20, s6, s31, $0xb8;
	[tilespmem:$0x16F00] =	vst v63  }
0x18a: {  	_ =	swait.ge [sflag:s7], $0x1000  }
0x18b: {  	[sflag:s7] =	ssyncset.done $0x0  }
0x18c: {  	s14 =	sadd.s32 $0x2D80, s14;
	[sflag:s7] =	ssyncadd.s32 $0xFFFFF000  }
0x18d: {  	[spmem:s2] =	stream.indirect.scatter.add.f32 [tilespmem:s0], [sflag:$0x1A], $0x20, s14, s31, $0xb8;
	[tilespmem:$0x16F00] =	vst v63  }
0x18e: {  	_ =	swait.ge [sflag:s29], $0x1000  }
0x18f: {  	[sflag:s29] =	ssyncset.done $0x0  }
0x190: {  	s8 =	simm.s32 $0xF;
	[sflag:s29] =	ssyncadd.s32 $0xFFFFF000  }
0x191: {  	_ =	swait.ge [sflag:s8], $0x1000  }
0x192: {  	[sflag:s8] =	ssyncset.done $0x0  }
0x193: {  	[sflag:s8] =	ssyncadd.s32 $0xFFFFF000  }
0x194: {  	_ =	swait.ge [sflag:s25], $0x1000  }
0x195: {  	[sflag:s25] =	ssyncset.done $0x0  }
0x196: {  	s9 =	simm.s32 $0x11;
	[sflag:s25] =	ssyncadd.s32 $0xFFFFF000  }
0x197: {  	_ =	swait.ge [sflag:s9], $0x1000  }
0x198: {  	[sflag:s9] =	ssyncset.done $0x0  }
0x199: {  	[sflag:s9] =	ssyncadd.s32 $0xFFFFF000  }
0x19a: {  	_ =	swait.ge [sflag:s18], $0x1000  }
0x19b: {  	[sflag:s18] =	ssyncset.done $0x0  }
0x19c: {  	s10 =	simm.s32 $0x13;
	[sflag:s18] =	ssyncadd.s32 $0xFFFFF000  }
0x19d: {  	_ =	swait.ge [sflag:s10], $0x1000  }
0x19e: {  	[sflag:s10] =	ssyncset.done $0x0  }
0x19f: {  	s11 =	simm.s32 $0x14;
	[sflag:s10] =	ssyncadd.s32 $0xFFFFF000  }
0x1a0: {  	_ =	swait.ge [sflag:s11], $0x1000  }
0x1a1: {  	[sflag:s11] =	ssyncset.done $0x0  }
0x1a2: {  	s12 =	simm.s32 $0x15;
	[sflag:s11] =	ssyncadd.s32 $0xFFFFF000  }
0x1a3: {  	_ =	swait.ge [sflag:s12], $0x1000  }
0x1a4: {  	[sflag:s12] =	ssyncset.done $0x0  }
0x1a5: {  	s13 =	simm.s32 $0x16;
	[sflag:s12] =	ssyncadd.s32 $0xFFFFF000  }
0x1a6: {  	_ =	swait.ge [sflag:s13], $0x1000  }
0x1a7: {  	[sflag:s13] =	ssyncset.done $0x0  }
0x1a8: {  	s14 =	simm.s32 $0x17;
	[sflag:s13] =	ssyncadd.s32 $0xFFFFF000  }
0x1a9: {  	_ =	swait.ge [sflag:s14], $0x1000  }
0x1aa: {  	[sflag:s14] =	ssyncset.done $0x0  }
0x1ab: {  	s15 =	simm.s32 $0x18;
	[sflag:s14] =	ssyncadd.s32 $0xFFFFF000  }
0x1ac: {  	_ =	swait.ge [sflag:s15], $0x1000  }
0x1ad: {  	[sflag:s15] =	ssyncset.done $0x0  }
0x1ae: {  	s29 =	simm.s32 $0x19;
	[sflag:s15] =	ssyncadd.s32 $0xFFFFF000  }
0x1af: {  	_ =	swait.ge [sflag:s29], $0x1000  }
0x1b0: {  	[sflag:s29] =	ssyncset.done $0x0  }
0x1b1: {  	[sflag:s29] =	ssyncadd.s32 $0xFFFFF000  }
0x1b2: {  	_ =	swait.ge [sflag:s16], $0x1000  }
0x1b3: {  	s14 =	simm.s32 @!p0 $0x80;
	[sflag:s16] =	ssyncset.done $0x0  }
0x1b4: {  	s15 =	simm.s32 @!p0 $0x2700;
	s29 =	simm.s32 @!p0 $0x4F00;
	[sflag:s16] =	ssyncadd.s32 $0xFFFFF000  }
0x1b5: {  	[tilespmem:s29], [sflag:$0x1B] =	stream.indirect.gather @!p0 [hbm4b:s4+s14], $0x20, s15, s14, $0xb8;
	[tilespmem:$0x16F00] =	vst v63  }
0x1b6: {  	s15 =	simm.s32 @!p0 $0x1B  }
0x1b7: {  	_ =	swait.ge @!p0 [sflag:s15], $0x1000  }
0x1b8: {  	[sflag:s15] =	ssyncset.done @!p0 $0x0  }
0x1b9: {  	s30 =	simm.s32 @!p0 $0x4E80;
	[sflag:s15] =	ssyncadd.s32 @!p0 $0xFFFFF000  }
0x1ba: {  	[spmem:s2] =	stream.indirect.scatter.add.f32 @!p0 [tilespmem:s29], [sflag:$0x1B], $0x20, s30, s14, $0xb8;
	[tilespmem:$0x16F00] =	vst v63  }
0x1bb: {  	_ =	swait.ge @!p0 [sflag:s15], $0x1000  }
0x1bc: {  	[sflag:s15] =	ssyncset.done @!p0 $0x0  }
0x1bd: {  	[sflag:s15] =	ssyncadd.s32 @!p0 $0xFFFFF000  }
0x1be: {  	[bflag:$0x0] =	sbarrier.arrive $0xFFFF  }
0x1bf: {  	s3 =	simm.s32 $0x1B;
	s1 =	rddreg [dreg:$0x8]  }
0x1c0: {  	[tilespmem:s17], [sflag:$0x1B] =	stream.linear.gather [spmem:s1], $0x1000, $0x38;
	[tilespmem:$0x16F00] =	vst v63  }
0x1c1: {  	_ =	swait.ge [sflag:s3], $0x1000  }
0x1c2: {  	[sflag:s3] =	ssyncset.done $0x0  }
0x1c3: {  	s14 =	simm.s32 $0x0;
	s5 =	rddreg [dreg:$0xe];
	[sflag:s3] =	ssyncadd.s32 $0xFFFFF000  }
0x1c4: {  	[hbm4b:s5+s14] =	stream.linear.scatter [tilespmem:s17], [sflag:$0x1B], $0x1000, $0x38;
	[tilespmem:$0x16F00] =	vst v63  }
0x1c5: {  	_ =	swait.ge [sflag:s3], $0x1000  }
0x1c6: {  	[sflag:s3] =	ssyncset.done $0x0  }
0x1c7: {  	s6 =	rddreg [dreg:$0xf];
	[sflag:s3] =	ssyncadd.s32 $0xFFFFF000  }
0x1c8: {  	[tilespmem:s17], [sflag:$0x1B] =	stream.linear.gather [spmem:s6], $0x1000, $0x38;
	[tilespmem:$0x16F00] =	vst v63  }
0x1c9: {  	_ =	swait.ge [sflag:s3], $0x1000  }
0x1ca: {  	[sflag:s3] =	ssyncset.done $0x0  }
0x1cb: {  	s7 =	rddreg [dreg:$0x10];
	[sflag:s3] =	ssyncadd.s32 $0xFFFFF000  }
0x1cc: {  	[hbm4b:s7+s14] =	stream.linear.scatter [tilespmem:s17], [sflag:$0x1B], $0x1000, $0x38;
	[tilespmem:$0x16F00] =	vst v63  }
0x1cd: {  	_ =	swait.ge [sflag:s3], $0x1000  }
0x1ce: {  	[sflag:s3] =	ssyncset.done $0x0  }
0x1cf: {  	s8 =	rddreg [dreg:$0x11];
	[sflag:s3] =	ssyncadd.s32 $0xFFFFF000  }
0x1d0: {  	[tilespmem:s17], [sflag:$0x1B] =	stream.linear.gather [spmem:s8], $0x1000, $0x38;
	[tilespmem:$0x16F00] =	vst v63  }
0x1d1: {  	_ =	swait.ge [sflag:s3], $0x1000  }
0x1d2: {  	[sflag:s3] =	ssyncset.done $0x0  }
0x1d3: {  	s9 =	rddreg [dreg:$0x12];
	[sflag:s3] =	ssyncadd.s32 $0xFFFFF000  }
0x1d4: {  	[hbm4b:s9+s14] =	stream.linear.scatter [tilespmem:s17], [sflag:$0x1B], $0x1000, $0x38;
	[tilespmem:$0x16F00] =	vst v63  }
0x1d5: {  	_ =	swait.ge [sflag:s3], $0x1000  }
0x1d6: {  	[sflag:s3] =	ssyncset.done $0x0  }
0x1d7: {  	s10 =	rddreg [dreg:$0x13];
	[sflag:s3] =	ssyncadd.s32 $0xFFFFF000  }
0x1d8: {  	[tilespmem:s17], [sflag:$0x1B] =	stream.linear.gather [spmem:s10], $0x1000, $0x38;
	[tilespmem:$0x16F00] =	vst v63  }
0x1d9: {  	_ =	swait.ge [sflag:s3], $0x1000  }
0x1da: {  	[sflag:s3] =	ssyncset.done $0x0  }
0x1db: {  	s11 =	rddreg [dreg:$0x14];
	[sflag:s3] =	ssyncadd.s32 $0xFFFFF000  }
0x1dc: {  	[hbm4b:s11+s14] =	stream.linear.scatter [tilespmem:s17], [sflag:$0x1B], $0x1000, $0x38;
	[tilespmem:$0x16F00] =	vst v63  }
0x1dd: {  	_ =	swait.ge [sflag:s3], $0x1000  }
0x1de: {  	[sflag:s3] =	ssyncset.done $0x0  }
0x1df: {  	s12 =	rddreg [dreg:$0x15];
	[sflag:s3] =	ssyncadd.s32 $0xFFFFF000  }
0x1e0: {  	[tilespmem:s17], [sflag:$0x1B] =	stream.linear.gather [spmem:s12], $0x1000, $0x38;
	[tilespmem:$0x16F00] =	vst v63  }
0x1e1: {  	_ =	swait.ge [sflag:s3], $0x1000  }
0x1e2: {  	[sflag:s3] =	ssyncset.done $0x0  }
0x1e3: {  	s13 =	rddreg [dreg:$0x16];
	[sflag:s3] =	ssyncadd.s32 $0xFFFFF000  }
0x1e4: {  	[hbm4b:s13+s14] =	stream.linear.scatter [tilespmem:s17], [sflag:$0x1B], $0x1000, $0x38;
	[tilespmem:$0x16F00] =	vst v63  }
0x1e5: {  	_ =	swait.ge [sflag:s3], $0x1000  }
0x1e6: {  	s16 =	rddreg [dreg:$0x17]  }
0x1e7: {  	s17 =	rddreg [dreg:$0x9];
	s0 =	sadd.s32 $0x1, s16  }
0x1e8: {  	p1 =	sne.s32 s0, s17  }
.Ltmp2:
0x1e9: {  	_ = 	snop;
	(pc) =	sbr.rel @p1 .LBB2_1-.Ltmp2, $3  }
0x1ea: {  	_ =	sdelay $0x1  }
0x1eb: {  	[sflag:s3] =	ssyncset.done $0x0  }
0x1ec: {  	s30 =	simm.s32 $0x4F00;
	[sflag:s3] =	ssyncadd.s32 $0xFFFFF000  }
0x1ed: {  	_ =	sfence.sel $0x180000  }
0x1ee: {  	[bflag:$0x0] =	sbarrier.arrive $0xFFFF  }
0x1ef: {  	_ =	strace $0x9000004D  }
0x1f0: {  	s0 =	stileid.u32;
	[bflag:$0x2] =	sbarrier.arrive $0xFFFF  }
0x1f1: {  	p0 =	sne.s32 s0, $0x0;
	s0 =	rddreg [dreg:$0x2]  }
0x1f2: {  	s0 =	sadd.s32 @!p0 $0x100000, s0  }
0x1f3: {  	[sflag:s0] =	ssyncadd.tile.s32 @!p0 $0x1;
	_ =	shalt  }
.Lfunc_end2:
_tile_overlayer_lowered:
.L_overlay_start_2:
0x1f4: {  	(tag) =	ssettag $0x2  }
0x1f5: {  	s0 =	rddreg [dreg:$0x0];
	s2 =	stileid.u32  }
0x1f6: {  	s1 =	rddreg [dreg:$0x1];
	p0 =	sne.s32 s2, $0x0  }
0x1f7: {  	s3 =	rddreg [dreg:$0x2];
	[bflag:$0x3] =	sbarrier.arrive $0xFFFF;
	s2 =	simm.s32 @!p0 $0x1C1B  }
0x1f8: {  	[timem:s3], [sflag:s2] =	dma.local @!p0 [hbm:s0], s1  }
0x1f9: {  	s0 =	simm.s32 @!p0 $0x1B  }
0x1fa: {  	_ =	swait.ge @!p0 [sflag:s0], s1  }
0x1fb: {  	s1 =	ssub.s32 @!p0 $0x0, s1;
	[sflag:s0] =	ssyncset.done @!p0 $0x0  }
0x1fc: {  	[sflag:s0] =	ssyncadd.s32 @!p0 s1  }
0x1fd: {  	[bflag:$0x3] =	sbarrier.arrive $0xFFFF  }
0x1fe: {  	_ =	shalt  }

// kernel: kernel.8.cloned.1.call-start
scs
__scs_entry_jumppad:
0x0: {  	(pc) =	sbr.rel $0x88, $3  }
0x1: {  	(tag) =	ssettag $0x0;
	lr =	simm.s32 $0x1  }
0x2: {  	[smem:$0x3F92] =	sst lr;
	_ =	strace $0xD0000000  }
0x3: {  	_ = 	snop  }
0x4: {  	_ = 	snop  }
0x5: {  	_ = 	snop  }
0x6: {  	_ = 	snop  }
0x7: {  	_ = 	snop  }
__scs_overlays_trampoline_lowered:
0x8: {  	[smem:$0x3FA1] =	sst s0  }
0x9: {  	[smem:$0x3FA2] =	sst s1  }
0xa: {  	[smem:$0x3FA3] =	sst s2  }
0xb: {  	[smem:$0x3FA4] =	sst s3  }
0xc: {  	[smem:$0x3FA5] =	sst s4  }
0xd: {  	[smem:$0x3FA6] =	sst s5  }
0xe: {  	[smem:$0x3FA7] =	sst s6  }
0xf: {  	[smem:$0x3FA8] =	sst s7  }
0x10: {  	[smem:$0x3FA9] =	sst s8  }
0x11: {  	[smem:$0x3FAA] =	sst s9;
	s0 =	simm.s32 @!p0 $0x0  }
0x12: {  	s1 =	sld [smem:$0x3F90];
	s0 =	simm.s32 @p0 $0x1  }
0x13: {  	[smem:$0x3FAB] =	sst s0;
	s0 =	simm.s32 @!p1 $0x0  }
0x14: {  	s2 =	sld [smem:$0x3F8F];
	s0 =	simm.s32 @p1 $0x1  }
0x15: {  	[smem:$0x3FAC] =	sst s0;
	s0 =	simm.s32 @!p2 $0x0  }
0x16: {  	s3 =	sld [smem:$0x3FDB];
	s0 =	simm.s32 @p2 $0x1  }
0x17: {  	s4 =	simm.s32 $0x1BF5;
	[smem:$0x3FAE] =	sst s0  }
0x18: {  	s0 =	sld [smem:$0x3F91];
	_ =	swait.ge [sflag:s4], $0x0  }
0x19: {  	s7 =	sld [smem:$0x3F92]  }
0x1a: {  	s8 =	sadd.s32 $0xFFFFE003, lr  }
0x1b: {  	s9 =	sadd.s32 $0xFFFFFEF7, lr;
	s5 =	simm.s32 $0xFFFFFFFF;
	p2 =	slt.u32 s8, $0xFFFFF086  }
0x1c: {  	p1 =	slt.u32 s9, $0xF7A;
	s5 =	simm.s32 @!p2 $0x0  }
0x1d: {  	s5 =	simm.s32 @p1 $0x1;
	p0 =	seq.s32 s7, s2  }
0x1e: {  	s7 =	smul.u32 @!p0 $0xF7A, s2;
	p2 =	seq.s32 @!p0 s5, $0x0  }
0x1f: {  	s9 =	smul.u32 $0xF7A, s1;
	s8 =	simm.s32 @!p0 $0x1BF5;
	p2 =	por !p2, p0  }
0x20: {  	[sflag:s8] =	ssyncset.s32 @!p0 $0xFFFFF086;
	s6 =	sadd.s32 @!p0 s3, s7;
	s7 =	simm.s32 @!p0 $0x108  }
0x21: {  	s3 =	sadd.s32 s3, s9;
	s6 =	sadd.s32 @!p0 $0x88, s6;
	s7 =	simm.s32 @p2 $0x1082  }
0x22: {  	[simem:s7], [sflag:s8] =	dma.local @!p0 [hbm:s6], $0xF7A  }
0x23: {  	s9 =	sor.u32 $0xD0000000, s2;
	s6 =	simm.s32 $0x108;
	_ =	swait.ge @!p0 [sflag:s8], $0x0  }
0x24: {  	s3 =	sadd.s32 $0x88, s3;
	s6 =	simm.s32 @!p1 $0x1082;
	[sflag:s4] =	ssyncset.s32 $0xFFFFF086  }
0x25: {  	[simem:s6], [sflag:s4] =	dma.local [hbm:s3], $0xF7A  }
0x26: {  	[smem:$0x3F92] =	sst s1;
	(tag) =	ssettag s2;
	_ =	strace s9  }
0x27: {  	s1 =	sld [smem:$0x3FA2]  }
0x28: {  	s2 =	sld [smem:$0x3FA3]  }
0x29: {  	s4 =	sld [smem:$0x3FA5]  }
0x2a: {  	p0 =	seq.s32 s5, $0x0;
	s5 =	sld [smem:$0x3FA6]  }
0x2b: {  	s6 =	sld [smem:$0x3FA7]  }
0x2c: {  	s7 =	sld [smem:$0x3FA8]  }
0x2d: {  	s3 =	simm.s32 $0x108;
	s8 =	sld [smem:$0x3FA9]  }
0x2e: {  	s3 =	simm.s32 @!p0 $0x1082;
	s9 =	sld [smem:$0x3FAA]  }
0x2f: {  	lr =	sadd.s32 s0, s3;
	s0 =	sld [smem:$0x3FA1]  }
0x30: {  	s3 =	sld [smem:$0x3FA4]  }
0x31: {  	[smem:$0x3FAD] =	sst s10  }
0x32: {  	s10 =	sld [smem:$0x3FAB];
	_ =	sdelay $0x3  }
0x33: {  	p0 =	seq.s32 s10, $0x1;
	s10 =	sld [smem:$0x3FAD];
	_ =	sdelay $0x3  }
0x34: {  	[smem:$0x3FAD] =	sst s10  }
0x35: {  	s10 =	sld [smem:$0x3FAC];
	_ =	sdelay $0x3  }
0x36: {  	p1 =	seq.s32 s10, $0x1;
	s10 =	sld [smem:$0x3FAD];
	_ =	sdelay $0x3  }
0x37: {  	[smem:$0x3FAD] =	sst s10  }
0x38: {  	s10 =	sld [smem:$0x3FAE]  }
0x39: {  	_ = 	snop;
	(pc) =	sbr.ind lr, $3  }
0x3a: {  	_ = 	snop  }
0x3b: {  	_ = 	snop  }
0x3c: {  	p2 =	seq.s32 s10, $0x1;
	s10 =	sld [smem:$0x3FAD]  }
0x3d: {  	_ =	shalt  }
0x3e: {  	_ =	shalt  }
0x3f: {  	_ =	shalt  }
0x40: {  	_ =	shalt  }
0x41: {  	_ =	shalt  }
0x42: {  	_ =	shalt  }
0x43: {  	_ =	shalt  }
0x44: {  	_ =	shalt  }
0x45: {  	_ =	shalt  }
0x46: {  	_ =	shalt  }
0x47: {  	_ =	shalt  }
0x48: {  	_ =	shalt  }
0x49: {  	_ =	shalt  }
0x4a: {  	_ =	shalt  }
0x4b: {  	_ =	shalt  }
0x4c: {  	_ =	shalt  }
0x4d: {  	_ =	shalt  }
0x4e: {  	_ =	shalt  }
0x4f: {  	_ =	shalt  }
0x50: {  	_ =	shalt  }
0x51: {  	_ =	shalt  }
0x52: {  	_ =	shalt  }
0x53: {  	_ =	shalt  }
0x54: {  	_ =	shalt  }
0x55: {  	_ =	shalt  }
0x56: {  	_ =	shalt  }
0x57: {  	_ =	shalt  }
0x58: {  	_ =	shalt  }
0x59: {  	_ =	shalt  }
0x5a: {  	_ =	shalt  }
0x5b: {  	_ =	shalt  }
0x5c: {  	_ =	shalt  }
0x5d: {  	_ =	shalt  }
0x5e: {  	_ =	shalt  }
0x5f: {  	_ =	shalt  }
0x60: {  	_ =	shalt  }
0x61: {  	_ =	shalt  }
0x62: {  	_ =	shalt  }
0x63: {  	_ =	shalt  }
0x64: {  	_ =	shalt  }
0x65: {  	_ =	shalt  }
0x66: {  	_ =	shalt  }
0x67: {  	_ =	shalt  }
0x68: {  	_ =	shalt  }
0x69: {  	_ =	shalt  }
0x6a: {  	_ =	shalt  }
0x6b: {  	_ =	shalt  }
0x6c: {  	_ =	shalt  }
0x6d: {  	_ =	shalt  }
0x6e: {  	_ =	shalt  }
0x6f: {  	_ =	shalt  }
0x70: {  	_ =	shalt  }
0x71: {  	_ =	shalt  }
0x72: {  	_ =	shalt  }
0x73: {  	_ =	shalt  }
0x74: {  	_ =	shalt  }
0x75: {  	_ =	shalt  }
0x76: {  	_ =	shalt  }
0x77: {  	_ =	shalt  }
0x78: {  	_ =	shalt  }
0x79: {  	_ =	shalt  }
0x7a: {  	_ =	shalt  }
0x7b: {  	_ =	shalt  }
0x7c: {  	_ =	shalt  }
0x7d: {  	_ =	shalt  }
0x7e: {  	_ =	shalt  }
0x7f: {  	_ =	shalt  }
0x80: {  	_ =	shalt  }
0x81: {  	_ =	shalt  }
0x82: {  	_ =	shalt  }
0x83: {  	_ =	shalt  }
0x84: {  	_ =	shalt  }
0x85: {  	_ =	shalt  }
0x86: {  	_ =	shalt  }
0x87: {  	_ =	shalt  }
.Lfunc_end0:
.L_simem_size_0:
called_computation_lowered:
.L_overlay_start_0:
0x88: {  	s2 =	sld [smem:$0x3FD9]  }
0x89: {  	s3 =	sld [smem:$0x3FFE];
	_ =	sdelay $0x1  }
0x8a: {  	s1 =	srdreg.scid  }
0x8b: {  	s0 =	sand.u32 $0x1, s1  }
0x8c: {  	s16 =	sshll.u32 s0, $0xA;
	s2 =	sadd.s32 s3, s2  }
0x8d: {  	s2 =	sadd.s32 s2, s16  }
0x8e: {  	[smem:$0x3FB9] =	sst s2  }
0x8f: {  	_ = 	snop  }
0x90: {  	(tm) =	ssettm $0x1  }
0x91: {  	s17 =	sld [smem:$0x3FFB];
	_ =	sdelay $0x3  }
0x92: {  	_ =	strace s17  }
0x93: {  	s2 =	sld [smem:$0x3FFC];
	_ =	sdelay $0x3  }
0x94: {  	_ =	strace s2  }
0x95: {  	s2 =	sld [smem:$0x3FFD];
	_ =	sdelay $0x3  }
0x96: {  	_ =	strace s2  }
0x97: {  	_ =	strace $0x8FFFFFFF  }
0x98: {  	s18 =	sld [smem:$0x3FDB];
	_ =	sdelay $0x1  }
0x99: {  	s19 =	simm.s32 $_scs_section_size  }
0x9a: {  	s4 =	simm.s32 $_size__tile_overlayer_lowered;
	s5 =	simm.s32 $_tile_overlayer_lowered  }
0x9b: {  	s22 =	simm.s32 $0x1BFF;
	s21 =	sshll.u32 s5, $0x1;
	s2 =	sadd.s32 s19, s18  }
0x9c: {  	s6 =	simm.s32 $0x0;
	s20 =	sshll.u32 s4, $0x1;
	s4 =	sadd.s32 s21, s2  }
0x9d: {  	[timem:s6], [sflag:s22] =	dma.local [hbm:s4], s20  }
0x9e: {  	_ =	swait.ge [sflag:s22], s20  }
0x9f: {  	s3 =	ssub.s32 $0x0, s20;
	[sflag:s22] =	ssyncset.done $0x0  }
0xa0: {  	[sflag:s22] =	ssyncadd.s32 s3;
	_ =	sdelay $0x1  }
0xa1: {  	s23 =	simm.s32 $0x1B8B  }
0xa2: {  	_ =	swait.ge [sflag:s23], $0x1  }
0xa3: {  	[sflag:s23] =	ssyncset.done $0x0  }
0xa4: {  	s25 =	simm.s32 $0x1B8E;
	s24 =	sld [smem:$0x3FFE];
	[sflag:s23] =	ssyncadd.s32 $0xFFFFFFFF  }
0xa5: {  	s26 =	simm.s32 $execute0_lowered;
	[smem:$0x3FD2] =	sst s25  }
0xa6: {  	s4 =	sshll.u32 s26, $0x1;
	_ =	strace $0x80000046;
	[dreg:$0x1] =	wrdreg $0xFFFFFFFF  }
0xa7: {  	s28 =	simm.s32 $_size_execute0_lowered;
	s2 =	sadd.s32 s2, s4;
	[dreg:$0x0] =	wrdreg $0x0  }
0xa8: {  	s4 =	sshll.u32 s28, $0x1;
	[dreg:$0x2] =	wrdreg s2  }
0xa9: {  	[dreg:$0x3] =	wrdreg s4  }
0xaa: {  	[dreg:$0x4] =	wrdreg $0xC0  }
0xab: {  	_ =	task [dreg:s6], $0x5FFFF  }
0xac: {  	[dreg:$0x1] =	wrdreg $0xFFFFFFFF  }
0xad: {  	[dreg:$0x0] =	wrdreg $0x60  }
0xae: {  	[dreg:$0x2] =	wrdreg s24  }
0xaf: {  	[dreg:$0x3] =	wrdreg $0x2A800  }
0xb0: {  	[dreg:$0x4] =	wrdreg $0x9  }
0xb1: {  	_ =	task.clear_ibuf [dreg:s6], $0x5FFFF;
	_ =	strace $0x90000046  }
0xb2: {  	s29 =	simm.s32 $0x9;
	_ =	strace $0x80000048  }
0xb3: {  	_ =	swait.ge [sflag:s29], $0x1  }
0xb4: {  	[sflag:s29] =	ssyncadd.s32 $0xFFFFFFFF  }
0xb5: {  	_ =	strace $0x90000048  }
0xb6: {  	_ =	sfence  }
0xb7: {  	s30 =	sld [smem:$0x0];
	_ =	sdelay $0x2  }
0xb8: {  	s31 =	sshll.u32 s1, $0xD;
	s1 =	sshrl.u32 s1, $0x2  }
0xb9: {  	s3 =	sand.u32 $0x4000, s31;
	s1 =	sadd.s32 s1, s30  }
0xba: {  	s0 =	sor.u32 s3, s0;
	s1 =	sshll.u32 s1, $0x11  }
0xbb: {  	s0 =	sor.u32 s1, s0  }
0xbc: {  	s0 =	sadd.s32 $0x8F2B, s0  }
0xbd: {  	[sflag:s0] =	ssyncadd.remote.s32 $0x1  }
0xbe: {  	_ =	sfence.sel $0xFFFF  }
0xbf: {  	[dreg:$0x0] =	wrdreg $0xFFFFFFFF;
	(pc) =	sbr.abs _section_cstart, $3  }
0xc0: {  	[dreg:$0x1] =	wrdreg $0xFFFFFFFF  }
0xc1: {  	_ =	task.clear_ibuf [dreg:s6], $0x2FFFF;
	_ =	strace $0x9FFFFFFF  }
0xc2: {  	(tm) =	ssettm $0x7FFFFFFF  }
0xc3: {  	_ =	shalt  }
tec
execute0_lowered:
.L_overlay_start_1:
0x0: {  	(tag) =	ssettag $0x1  }
0x1: {  	s1 =	srdreg.scid;
	s4 =	rddreg [dreg:$0x0]  }
0x2: {  	s0 =	stileid.u32;
	s2 =	rddreg [dreg:$0x1]  }
0x3: {  	s3 =	simm.s32 $0x0;
	s12 =	simm.s32 $0x80;
	s13 =	simm.s32 $0x2A00  }
0x4: {  	s14 =	simm.s32 $0x0;
	s5 =	sand.u32 $0x1, s1;
	s1 =	rddreg [dreg:$0x2]  }
0x5: {  	s6 =	smul.u32 $0x280, s0;
	s8 =	sshll.u32 s0, $0x1;
	[smem:$0x7FF] =	sst s3  }
0x6: {  	s10 =	sadd.s32 $0x2C00, s4;
	p0 =	sgt.u32 s0, $0x1;
	s7 =	smul.u32 $0x2800, s5  }
0x7: {  	s8 =	sor.u32 s5, s8;
	_ =	strace $0x80000047;
	s30 =	ssub.s32 $0x2, s5  }
0x8: {  	s9 =	smul.u32 $0x2700, s8;
	s5 =	sshrl.u32 s30, $0x1;
	s8 =	sshll.u32 s8, $0x4  }
0x9: {  	s7 =	sadd.s32 s6, s7;
	s11 =	ssub.s32 s30, s5;
	s8 =	sadd.s32 s8, s10  }
0xa: {  	s5 =	sadd.s32 s6, s2;
	s7 =	sshrl.u32 s7, $0x3;
	s9 =	sshrl.u32 s9, $0x3  }
0xb: {  	s6 =	sadd.s32 $0x13840, s8;
	s8 =	smax.u32 s11, $0x1;
	s11 =	simm.s32 $0x1  }
0xc: {  	s7 =	sadd.s32 s7, s4;
	s31 =	sadd.s32 s10, s9;
	s9 =	simm.s32 $0x2780  }
0xd: {  	v0 =	vimm.f32 $0.0e+00;
	v1 =	vimm.f32 $1.000000000e+00;
	s10 =	simm.s32 $0x2;
	s4 =	sadd.s32 $0x9C40, s31;
	s7 =	sadd.s32 $0x16600, s7  }
.LBB2_1:
0xe: {  	[tilespmem:s3], [sflag:$0x1] =	stream.linear.gather [hbm4b:s4+s3], $0x2700, $0x38;
	[tilespmem:$0x2D00] =	vst v63  }
0xf: {  	[tilespmem:$0x2780] =	vst v0  }
0x10: {  	[tilespmem:$0x2790] =	vst v0  }
0x11: {  	[tilespmem:$0x27A0] =	vst v0  }
0x12: {  	[tilespmem:$0x27B0] =	vst v0  }
0x13: {  	[tilespmem:$0x27C0] =	vst v0  }
0x14: {  	[tilespmem:$0x27D0] =	vst v0  }
0x15: {  	[tilespmem:$0x27E0] =	vst v0  }
0x16: {  	[tilespmem:$0x27F0] =	vst v0  }
0x17: {  	[tilespmem:$0x2800] =	vst v0  }
0x18: {  	[tilespmem:$0x2810] =	vst v0  }
0x19: {  	[tilespmem:$0x2820] =	vst v0  }
0x1a: {  	[tilespmem:$0x2830] =	vst v0  }
0x1b: {  	[tilespmem:$0x2840] =	vst v0  }
0x1c: {  	[tilespmem:$0x2850] =	vst v0  }
0x1d: {  	[tilespmem:$0x2860] =	vst v0  }
0x1e: {  	[tilespmem:$0x2870] =	vst v0  }
0x1f: {  	[tilespmem:$0x2880] =	vst v0  }
0x20: {  	[tilespmem:$0x2890] =	vst v0  }
0x21: {  	[tilespmem:$0x28A0] =	vst v0  }
0x22: {  	[tilespmem:$0x28B0] =	vst v0  }
0x23: {  	[tilespmem:$0x28C0] =	vst v0  }
0x24: {  	[tilespmem:$0x28D0] =	vst v0  }
0x25: {  	[tilespmem:$0x28E0] =	vst v0  }
0x26: {  	[tilespmem:$0x28F0] =	vst v0  }
0x27: {  	[tilespmem:$0x2900] =	vst v0  }
0x28: {  	[tilespmem:$0x2910] =	vst v0  }
0x29: {  	[tilespmem:$0x2920] =	vst v0  }
0x2a: {  	[tilespmem:$0x2930] =	vst v0  }
0x2b: {  	[tilespmem:$0x2940] =	vst v0  }
0x2c: {  	[tilespmem:$0x2950] =	vst v0  }
0x2d: {  	[tilespmem:$0x2960] =	vst v0  }
0x2e: {  	[tilespmem:$0x2970] =	vst v0  }
0x2f: {  	[tilespmem:$0x2980] =	vst v0  }
0x30: {  	[tilespmem:$0x2990] =	vst v0  }
0x31: {  	[tilespmem:$0x29A0] =	vst v0  }
0x32: {  	[tilespmem:$0x29B0] =	vst v0  }
0x33: {  	[tilespmem:$0x29C0] =	vst v0  }
0x34: {  	[tilespmem:$0x29D0] =	vst v0  }
0x35: {  	[tilespmem:$0x29E0] =	vst v0  }
0x36: {  	[tilespmem:$0x29F0] =	vst v0  }
0x37: {  	[tilespmem:$0x2A00] =	vst v1  }
0x38: {  	[tilespmem:$0x2A10] =	vst v1  }
0x39: {  	[tilespmem:$0x2A20] =	vst v1  }
0x3a: {  	[tilespmem:$0x2A30] =	vst v1  }
0x3b: {  	[tilespmem:$0x2A40] =	vst v1  }
0x3c: {  	[tilespmem:$0x2A50] =	vst v1  }
0x3d: {  	[tilespmem:$0x2A60] =	vst v1  }
0x3e: {  	[tilespmem:$0x2A70] =	vst v1  }
0x3f: {  	[spmem:s5] =	stream.linear.scatter [tilespmem:s9], [sflag:$0x2], $0x280, $0x38;
	[tilespmem:$0x2D00] =	vst v63  }
0x40: {  	_ =	swait.ge [sflag:s10], $0x280  }
0x41: {  	[sflag:s10] =	ssyncset.done $0x0  }
0x42: {  	[sflag:s10] =	ssyncadd.s32 $0xFFFFFD80  }
0x43: {  	_ =	swait.ge [sflag:s11], $0x2700  }
0x44: {  	[sflag:s11] =	ssyncset.done $0x0  }
0x45: {  	s15 =	simm.s32 @!p0 $0x0;
	s16 =	simm.s32 @!p0 $0x2700;
	[sflag:s11] =	ssyncadd.s32 $0xFFFFD900  }
0x46: {  	[tilespmem:s16], [sflag:$0x2] =	stream.linear.gather @!p0 [hbm4b:s6+s15], $0x80, $0x38;
	[tilespmem:$0x2D00] =	vst v63  }
0x47: {  	s15 =	simm.s32 @!p0 $0x2  }
0x48: {  	_ =	swait.ge @!p0 [sflag:s15], $0x80  }
0x49: {  	[sflag:s15] =	ssyncset.done @!p0 $0x0  }
0x4a: {  	[sflag:s15] =	ssyncadd.s32 @!p0 $0xFFFFFF80  }
0x4b: {  	s31 =	simm.s32 $0x0;
	[bflag:$0x0] =	sbarrier.arrive $0xFFFF  }
0x4c: {  	[spmem:s2] =	stream.indirect.scatter.add.f32 [tilespmem:s13], [sflag:$0x2], $0x1, s31, s12, $0xb8;
	[tilespmem:$0x2D00] =	vst v63  }
0x4d: {  	_ =	swait.ge [sflag:s10], $0x80  }
0x4e: {  	s15 =	simm.s32 $0x200;
	[sflag:s10] =	ssyncset.done $0x0  }
.LBB2_2:
0x4f: {  	s16 =	sshra.s32 s15, $0x2;
	[sflag:s10] =	ssyncadd.s32 $0xFFFFFF80;
	p1 =	sne.s32 s15, $0x9A00  }
0x50: {  	[spmem:s2] =	stream.indirect.scatter.add.f32 [tilespmem:s13], [sflag:$0x2], $0x1, s16, s12, $0xb8;
	[tilespmem:$0x2D00] =	vst v63  }
.Ltmp0:
0x51: {  	_ = 	snop;
	(pc) =	sbr.rel @p1 .LBB2_2-.Ltmp0, $4  }
0x52: {  	_ = 	snop  }
0x53: {  	s15 =	sadd.s32 $0x200, s15  }
0x54: {  	_ =	swait.ge [sflag:s10], $0x80  }
0x55: {  	[sflag:s10] =	ssyncset.done $0x0  }
0x56: {  	[sflag:s10] =	ssyncadd.s32 $0xFFFFFF80  }
0x57: {  	s15 =	simm.s32 @!p0 $0x80;
	s16 =	simm.s32 @!p0 $0x2700;
	s17 =	simm.s32 @!p0 $0x2A00  }
0x58: {  	[spmem:s2] =	stream.indirect.scatter.add.f32 @!p0 [tilespmem:s17], [sflag:$0x2], $0x1, s16, s15, $0xb8;
	[tilespmem:$0x2D00] =	vst v63  }
0x59: {  	s15 =	simm.s32 @!p0 $0x2  }
0x5a: {  	_ =	swait.ge @!p0 [sflag:s15], $0x80  }
0x5b: {  	[sflag:s15] =	ssyncset.done @!p0 $0x0  }
0x5c: {  	[sflag:s15] =	ssyncadd.s32 @!p0 $0xFFFFFF80  }
0x5d: {  	[bflag:$0x0] =	sbarrier.arrive $0xFFFF  }
0x5e: {  	[tilespmem:s9], [sflag:$0x2] =	stream.linear.gather [spmem:s5], $0x280, $0x38;
	[tilespmem:$0x2D00] =	vst v63  }
0x5f: {  	s14 =	sadd.s32 $0x1, s14;
	_ =	swait.ge [sflag:s10], $0x280  }
0x60: {  	p1 =	sne.s32 s14, s8;
	[sflag:s10] =	ssyncset.done $0x0  }
.Ltmp1:
0x61: {  	[sflag:s10] =	ssyncadd.s32 $0xFFFFFD80;
	(pc) =	sbr.rel @p1 .LBB2_1-.Ltmp1, $4  }
0x62: {  	[hbm4b:s7+s3] =	stream.linear.scatter [tilespmem:s9], [sflag:$0x2], $0x280, $0x38;
	[tilespmem:$0x2D00] =	vst v63  }
0x63: {  	_ =	swait.ge [sflag:s10], $0x280  }
0x64: {  	[sflag:s10] =	ssyncset.done $0x0  }
0x65: {  	[sflag:s10] =	ssyncadd.s32 $0xFFFFFD80  }
0x66: {  	_ =	sfence.sel $0x180000  }
0x67: {  	[bflag:$0x0] =	sbarrier.arrive $0xFFFF  }
0x68: {  	p0 =	sne.s32 s0, $0x0;
	_ =	strace $0x90000047  }
0x69: {  	s0 =	sadd.s32 @!p0 $0x100000, s1;
	[bflag:$0x2] =	sbarrier.arrive $0xFFFF  }
0x6a: {  	[sflag:s0] =	ssyncadd.tile.s32 @!p0 $0x1;
	_ =	shalt  }
.Lfunc_end2:
_tile_overlayer_lowered:
.L_overlay_start_2:
0x6b: {  	(tag) =	ssettag $0x2  }
0x6c: {  	s0 =	rddreg [dreg:$0x0];
	s2 =	stileid.u32  }
0x6d: {  	s1 =	rddreg [dreg:$0x1];
	p0 =	sne.s32 s2, $0x0  }
0x6e: {  	s3 =	rddreg [dreg:$0x2];
	[bflag:$0x3] =	sbarrier.arrive $0xFFFF;
	s2 =	simm.s32 @!p0 $0x1C02  }
0x6f: {  	[timem:s3], [sflag:s2] =	dma.local @!p0 [hbm:s0], s1  }
0x70: {  	s0 =	simm.s32 @!p0 $0x2  }
0x71: {  	_ =	swait.ge @!p0 [sflag:s0], s1  }
0x72: {  	s1 =	ssub.s32 @!p0 $0x0, s1;
	[sflag:s0] =	ssyncset.done @!p0 $0x0  }
0x73: {  	[sflag:s0] =	ssyncadd.s32 @!p0 s1  }
0x74: {  	[bflag:$0x3] =	sbarrier.arrive $0xFFFF  }
0x75: {  	_ =	shalt  }

</sc_bundles>
